<compile_context>
chip_gen: v7x
topology: tpu7x:2x2x1
jax: 0.10.2.dev20260603
libtpu: 0.0.44.dev20260713+nightly
codegen_flags: <defaults>
</compile_context>

<pallas_src>
import functools
import math

import jax
import jax.numpy as jnp
from jax import lax
from jax.experimental import pallas as pl
from jax.experimental.pallas import tpu as pltpu
from jax.experimental.pallas import tpu_sc as plsc

F = 128
G = 64
RATIO = 0.5
CH = 256
NEG = float("-inf")
HI = lax.Precision.HIGHEST
DEF = lax.Precision.DEFAULT


def _pad_rows(a, np_, fill=0):
    pad = np_ - a.shape[0]
    return jnp.pad(a, ((0, pad),) + ((0, 0),) * (a.ndim - 1), constant_values=fill)


def _agg_call(x_p, src, dst, zeros128, np_, interpret=False):
    E = src.shape[0]
    NSC, NSUB = 2, 16
    NW = NSC * NSUB
    epc = E // NW
    assert E % NW == 0 and np_ % NSUB == 0
    rpw = np_ // NSUB
    nfull = epc // 128
    rem = epc - nfull * 128
    assert rem % 8 == 0

    def body(x_hbm, src_hbm, dst_hbm, z_hbm, out_hbm,
             sidx, didx, rows, sidx_t, didx_t, rows_t, zbuf, shared, sem):
        cid = lax.axis_index("c")
        sid = lax.axis_index("s")
        wid = cid * NSUB + sid
        row0 = sid * rpw
        pltpu.sync_copy(z_hbm, zbuf)
        nz = rpw // 128
        for t in range(nz):
            pltpu.sync_copy(zbuf, shared.at[pl.ds(row0 + t * 128, 128)])
        rz = rpw - nz * 128
        if rz:
            pltpu.sync_copy(zbuf.at[pl.ds(0, rz)],
                            shared.at[pl.ds(row0 + nz * 128, rz)])
        plsc.subcore_barrier()

        base = wid * epc

        def step(t, carry):
            off = pl.multiple_of(base + t * 128, 8)
            pltpu.sync_copy(src_hbm.at[pl.ds(off, 128)], sidx.at[0])
            pltpu.sync_copy(dst_hbm.at[pl.ds(off, 128)], didx.at[0])
            pltpu.async_copy(x_hbm.at[sidx.at[0]], rows, sem).wait()
            pltpu.sync_copy(rows, shared.at[didx.at[0]], add=True)
            return carry

        lax.fori_loop(0, nfull, step, 0)
        if rem:
            off = pl.multiple_of(base + nfull * 128, 8)
            pltpu.sync_copy(src_hbm.at[pl.ds(off, rem)], sidx_t.at[0])
            pltpu.sync_copy(dst_hbm.at[pl.ds(off, rem)], didx_t.at[0])
            pltpu.async_copy(x_hbm.at[sidx_t.at[0]], rows_t, sem).wait()
            pltpu.sync_copy(rows_t, shared.at[didx_t.at[0]], add=True)
        plsc.subcore_barrier()

        ob = cid * np_ + row0
        for t in range(nz):
            pltpu.sync_copy(shared.at[pl.ds(row0 + t * 128, 128)], zbuf)
            pltpu.sync_copy(zbuf, out_hbm.at[pl.ds(ob + t * 128, 128)])
        if rz:
            pltpu.sync_copy(shared.at[pl.ds(row0 + nz * 128, rz)],
                            zbuf.at[pl.ds(0, rz)])
            pltpu.sync_copy(zbuf.at[pl.ds(0, rz)],
                            out_hbm.at[pl.ds(ob + nz * 128, rz)])

    fn = pl.kernel(
        body,
        out_type=jax.ShapeDtypeStruct((2 * np_, F), jnp.float32),
        mesh=plsc.VectorSubcoreMesh(core_axis_name="c", subcore_axis_name="s",
                                    num_cores=NSC, num_subcores=NSUB),
        scratch_types=[
            pltpu.VMEM((1, 128), jnp.int32),
            pltpu.VMEM((1, 128), jnp.int32),
            pltpu.VMEM((128, F), jnp.float32),
            pltpu.VMEM((1, max(rem, 8)), jnp.int32),
            pltpu.VMEM((1, max(rem, 8)), jnp.int32),
            pltpu.VMEM((max(rem, 8), F), jnp.float32),
            pltpu.VMEM((128, F), jnp.float32),
            pltpu.VMEM_SHARED((np_, F), jnp.float32),
            pltpu.SemaphoreType.DMA,
        ],
        interpret=interpret,
    )
    return fn(x_p, src, dst, zeros128)


def _starts_call(batch_row, np_, interpret=False):
    def body(b_ref, starts_ref, counts_ref):
        br = b_ref[...]
        gcol = lax.broadcasted_iota(jnp.int32, (G, np_), 0)
        onehot = (gcol == br).astype(jnp.float32)
        counts = jnp.sum(onehot, axis=1, keepdims=True)
        lt = (lax.broadcasted_iota(jnp.int32, (G, G), 1)
              < lax.broadcasted_iota(jnp.int32, (G, G), 0)).astype(jnp.float32)
        starts = lax.dot_general(lt, counts, (((1,), (0,)), ((), ())),
                                 precision=HI)
        starts_ref[...] = starts.astype(jnp.int32)
        counts_ref[...] = counts.astype(jnp.int32)

    starts, counts = pl.pallas_call(
        body,
        out_shape=[jax.ShapeDtypeStruct((G, 1), jnp.int32),
                   jax.ShapeDtypeStruct((G, 1), jnp.int32)],
        interpret=interpret,
    )(batch_row)
    return starts.reshape(G), counts.reshape(G)


def _dense_call(x_p, agg0, agg1, nm_col, W1, b1, W2, b2, P1, pb1, P2, pb2,
                w_col, np_, interpret=False):
    BR = 1312
    assert np_ % BR == 0
    grid = np_ // BR

    def body(x_ref, a0_ref, a1_ref, nm_ref, w1_ref, b1_ref, w2_ref, b2_ref,
             p1_ref, q1_ref, p2_ref, q2_ref, w_ref, h_ref, lp_ref, sm_ref):
        xa = x_ref[...] + a0_ref[...] + a1_ref[...]
        t = jnp.maximum(
            lax.dot_general(xa, w1_ref[...], (((1,), (0,)), ((), ())),
                            precision=DEF) + b1_ref[...], 0.0)
        h = jnp.maximum(
            lax.dot_general(t, w2_ref[...], (((1,), (0,)), ((), ())),
                            precision=DEF) + b2_ref[...], 0.0)
        u = jnp.maximum(
            lax.dot_general(h, p1_ref[...], (((1,), (0,)), ((), ())),
                            precision=DEF) + q1_ref[...], 0.0)
        lp = lax.dot_general(u, p2_ref[...], (((1,), (0,)), ((), ())),
                             precision=DEF) + q2_ref[...]
        w = w_ref[...]
        s = lax.dot_general(h, w, (((1,), (0,)), ((), ())),
                            precision=DEF) / jnp.sqrt(jnp.sum(w * w))
        h_ref[...] = h
        lp_ref[...] = lp
        sm_ref[...] = jnp.where(nm_ref[...] > 0, s, NEG)

    row_spec = pl.BlockSpec((BR, F), lambda i: (i, 0))
    col_spec = pl.BlockSpec((BR, 1), lambda i: (i, 0))
    full = lambda shp: pl.BlockSpec(shp, lambda i: (0, 0))
    return pl.pallas_call(
        body,
        grid=(grid,),
        in_specs=[row_spec, row_spec, row_spec, col_spec,
                  full((F, F)), full((1, F)), full((F, F)), full((1, F)),
                  full((F, F)), full((1, F)), full((F, F)), full((1, F)),
                  full((F, 1))],
        out_specs=[row_spec, row_spec, col_spec],
        out_shape=[jax.ShapeDtypeStruct((np_, F), jnp.float32),
                   jax.ShapeDtypeStruct((np_, F), jnp.float32),
                   jax.ShapeDtypeStruct((np_, 1), jnp.float32)],
        interpret=interpret,
    )(x_p, agg0, agg1, nm_col, W1, b1, W2, b2, P1, pb1, P2, pb2, w_col)


def _level_call(starts, counts, h, lp, smask, nm_col, np_, g1=None, g2=None,
                interpret=False):
    last = g1 is not None
    nchunks = np_ // CH

    def body(*refs):
        if last:
            (st_ref, ct_ref, h_ref, lp_ref, sm_ref, nm_ref, g1_ref, g2_ref,
             xn_ref, sel_ref, gout_ref, proj_ref, fin_ref) = refs
        else:
            (st_ref, ct_ref, h_ref, lp_ref, sm_ref, nm_ref,
             xn_ref, sel_ref, gout_ref, proj_ref) = refs

        eye = (lax.broadcasted_iota(jnp.int32, (CH, CH), 0)
               == lax.broadcasted_iota(jnp.int32, (CH, CH), 1)
               ).astype(jnp.float32)
        zf = jnp.zeros((CH, F), jnp.float32)
        zc = jnp.zeros((CH, 1), jnp.float32)
        for c in range(nchunks):
            xn_ref[c * CH:(c + 1) * CH, :] = zf
            sel_ref[c * CH:(c + 1) * CH, :] = zc

        def graph_body(g, _):
            start = st_ref[g]
            cnt = ct_ref[g]
            abase = (start // 8) * 8
            nc = (start - abase + cnt + CH - 1) // CH
            end = start + cnt

            def p1(ci, carry):
                pmax, psum, vcnt = carry
                cb = pl.multiple_of(abase + ci * CH, 8)
                rows = lp_ref[pl.ds(cb, CH), :]
                nmk = nm_ref[pl.ds(cb, CH), :]
                ri = lax.broadcasted_iota(jnp.int32, (CH, 1), 0) + cb
                m = (ri >= start) & (ri < end) & (nmk > 0)
                pmax = jnp.maximum(
                    pmax, jnp.max(jnp.where(m, rows, NEG), axis=0,
                                  keepdims=True))
                psum = psum + jnp.sum(jnp.where(m, rows, 0.0), axis=0,
                                      keepdims=True)
                vcnt = vcnt + jnp.sum(m.astype(jnp.float32), axis=0,
                                      keepdims=True).sum(axis=1, keepdims=True)
                return pmax, psum, vcnt

            pmax, psum, vcnt = lax.fori_loop(
                0, nc, p1,
                (jnp.full((1, F), NEG, jnp.float32),
                 jnp.zeros((1, F), jnp.float32),
                 jnp.zeros((1, 1), jnp.float32)))
            prow = jnp.concatenate(
                [pmax, psum / jnp.maximum(vcnt, 1.0)], axis=1)
            proj_ref[pl.ds(g, 1)] = prow.reshape(1, 1, 2 * F)
            k = jnp.ceil(RATIO * vcnt)

            def p2(ci, carry):
                gmax, gsum, scnt = carry
                cb = pl.multiple_of(abase + ci * CH, 8)
                si = sm_ref[pl.ds(cb, CH), :]
                ri = lax.broadcasted_iota(jnp.int32, (CH, 1), 0) + cb
                inr_i = (ri >= start) & (ri < end)
                nmi = nm_ref[pl.ds(cb, CH), :] > 0

                def pj(cj, rank):
                    jb = pl.multiple_of(abase + cj * CH, 8)
                    sjc = sm_ref[pl.ds(jb, CH), :]
                    vj_col = (nm_ref[pl.ds(jb, CH), :] > 0)
                    sj_fin = jnp.where(vj_col, sjc, 0.0)
                    sjr = lax.dot_general(sj_fin, eye, (((0,), (0,)), ((), ())),
                                          precision=HI)
                    vjr = lax.dot_general(vj_col.astype(jnp.float32), eye,
                                          (((0,), (0,)), ((), ())),
                                          precision=HI)
                    jidx = lax.broadcasted_iota(jnp.int32, (CH, CH), 1) + jb
                    iidx = lax.broadcasted_iota(jnp.int32, (CH, CH), 0) + cb
                    beats = (sjr > si) | ((sjr == si) & (jidx < iidx))
                    cmask = beats & (vjr > 0) & (jidx >= start) & (jidx < end)
                    return rank + jnp.sum(cmask.astype(jnp.float32), axis=1,
                                          keepdims=True)

                rank = lax.fori_loop(0, nc, pj, jnp.zeros((CH, 1), jnp.float32))
                selc = (rank < k) & nmi & inr_i
                hk = h_ref[pl.ds(cb, CH), :]
                xn = jnp.where(selc, hk * jnp.tanh(si), 0.0)
                old = xn_ref[pl.ds(cb, CH), :]
                xn_ref[pl.ds(cb, CH), :] = jnp.where(inr_i, xn, old)
                olds = sel_ref[pl.ds(cb, CH), :]
                sel_ref[pl.ds(cb, CH), :] = jnp.where(
                    inr_i, selc.astype(jnp.float32), olds)
                gmax = jnp.maximum(
                    gmax, jnp.max(jnp.where(selc, xn, NEG), axis=0,
                                  keepdims=True))
                gsum = gsum + jnp.sum(xn, axis=0, keepdims=True)
                scnt = scnt + jnp.sum(selc.astype(jnp.float32), axis=0,
                                      keepdims=True).sum(axis=1, keepdims=True)
                return gmax, gsum, scnt

            gmax, gsum, scnt = lax.fori_loop(
                0, nc, p2,
                (jnp.full((1, F), NEG, jnp.float32),
                 jnp.zeros((1, F), jnp.float32),
                 jnp.zeros((1, 1), jnp.float32)))
            grow = jnp.concatenate(
                [gmax, gsum / jnp.maximum(scnt, 1.0)], axis=1)
            gout_ref[pl.ds(g, 1)] = grow.reshape(1, 1, 2 * F)
            return 0

        lax.fori_loop(0, G, graph_body, 0)
        if last:
            fin_ref[...] = (jnp.maximum(g1_ref[...], 0.0)
                            + jnp.maximum(g2_ref[...], 0.0)
                            + jnp.maximum(gout_ref[...], 0.0))

    smem_spec = pl.BlockSpec(memory_space=pltpu.SMEM)
    in_specs = [smem_spec, smem_spec] + [pl.BlockSpec()] * (4 + 2 * last)
    out_shape = [jax.ShapeDtypeStruct((np_, F), jnp.float32),
                 jax.ShapeDtypeStruct((np_, 1), jnp.float32),
                 jax.ShapeDtypeStruct((G, 1, 2 * F), jnp.float32),
                 jax.ShapeDtypeStruct((G, 1, 2 * F), jnp.float32)]
    if last:
        out_shape.append(jax.ShapeDtypeStruct((G, 1, 2 * F), jnp.float32))
    args = [starts, counts, h, lp, smask, nm_col]
    if last:
        args += [g1.reshape(G, 1, 2 * F), g2.reshape(G, 1, 2 * F)]
    res = pl.pallas_call(
        body, in_specs=in_specs, out_shape=out_shape, interpret=interpret,
    )(*args)
    res = list(res)
    for i in range(2, len(res)):
        res[i] = res[i].reshape(G, 2 * F)
    return tuple(res)


def _run(x, edge_index, batch, params, interpret=False):
    N = x.shape[0]
    np_ = ((N + CH - 1) // CH + 1) * CH
    np_ = ((np_ + 1312 - 1) // 1312) * 1312
    x_p = _pad_rows(x.astype(jnp.float32), np_)
    batch_row = _pad_rows(batch.reshape(N, 1), np_, fill=G).reshape(1, np_)
    nm_col = (jnp.arange(np_, dtype=jnp.int32) < N).astype(
        jnp.float32).reshape(np_, 1)
    src = edge_index[0]
    dst = edge_index[1]
    zeros128 = jnp.zeros((128, F), jnp.float32)

    starts, counts = _starts_call(batch_row, np_, interpret)

    gs, projs = [], []
    x_cur, nm_cur = x_p, nm_col
    final = None
    for lvl, (conv, proj, pw) in enumerate(
            [("conv1", "proj1", "pool1_w"), ("conv2", "proj2", "pool2_w"),
             ("conv3", "proj3", "pool3_w")]):
        aggbuf = _agg_call(x_cur, src, dst, zeros128, np_, interpret)
        agg0, agg1 = aggbuf[:np_], aggbuf[np_:]
        h, lp, smask = _dense_call(
            x_cur, agg0, agg1, nm_cur,
            params[conv + "_W1"], params[conv + "_b1"].reshape(1, F),
            params[conv + "_W2"], params[conv + "_b2"].reshape(1, F),
            params[proj + "_W1"], params[proj + "_b1"].reshape(1, F),
            params[proj + "_W2"], params[proj + "_b2"].reshape(1, F),
            params[pw].reshape(F, 1), np_, interpret)
        if lvl < 2:
            xn, sel, g_l, proj_l = _level_call(
                starts, counts, h, lp, smask, nm_cur, np_, interpret=interpret)
        else:
            xn, sel, g_l, proj_l, final = _level_call(
                starts, counts, h, lp, smask, nm_cur, np_,
                g1=gs[0], g2=gs[1], interpret=interpret)
        gs.append(g_l)
        projs.append(proj_l)
        x_cur, nm_cur = xn, sel

    return (final, gs[0], gs[1], gs[2], projs[0], projs[1], projs[2])


def kernel(x, edge_index, batch, params):
    return _run(x, edge_index, batch, params)

# --- scband reference (transcript-rebuilt; emitter-appended) ---
"""Pipeline reference for scband-hnet-49117245997549 (READ-ONLY COPY).

The authoritative reference and input builder live on the scoring server;
editing this copy changes nothing except your own understanding.
"""

import jax, jax.numpy as jnp
import numpy as np

G = 64
RATIO = 0.5
HID = 128
NFEAT = 128

def _lin_init(key, fan_in, shape):
    return (jax.random.uniform(key, shape, minval=-1.0, maxval=1.0) / np.sqrt(fan_in)).astype(jnp.float32)

def setup_inputs(seed: int = 0):
    N, E = 10000, 320000
    key = jax.random.key(seed)
    ks = jax.random.split(key, 20)
    x = jax.random.normal(ks[0], (N, NFEAT), dtype=jnp.float32)
    edge_index = jax.random.randint(ks[1], (2, E), 0, N, dtype=jnp.int32)
    batch = jnp.sort(jax.random.randint(ks[2], (N,), 0, G, dtype=jnp.int32))
    params = {}
    i = 3
    for name, din, dh, dout in [("conv1", NFEAT, HID, HID), ("conv2", HID, HID, HID), ("conv3", HID, HID, HID), ("proj1", HID, HID, 128), ("proj2", HID, HID, 128), ("proj3", HID, HID, 128)]:
        params[name + "_W1"] = _lin_init(ks[i], din, (din, dh)); i += 1
        params[name + "_b1"] = jnp.zeros((dh,), jnp.float32)
        params[name + "_W2"] = _lin_init(ks[i], dh, (dh, dout)); i += 1
        params[name + "_b2"] = jnp.zeros((dout,), jnp.float32)
    for name in ["pool1_w", "pool2_w", "pool3_w"]:
        params[name] = jax.random.normal(ks[i], (HID,), dtype=jnp.float32) * 0.1; i += 1
    return {"x": x, "edge_index": edge_index, "batch": batch, "params": params}

def _gin(x, src, dst, em, n, W1, b1, W2, b2):
    agg = jax.ops.segment_sum(jnp.where(em[:, None], x[src], 0.0), dst, num_segments=n)
    h = x + agg
    h = jnp.maximum(h @ W1 + b1, 0.0)
    return h @ W2 + b2

def _mlp(x, W1, b1, W2, b2):
    return jnp.maximum(x @ W1 + b1, 0.0) @ W2 + b2

def _gmp(x, b, m):
    return jax.ops.segment_max(jnp.where(m[:, None], x, -jnp.inf), b, num_segments=G)

def _gap(x, b, m):
    s = jax.ops.segment_sum(jnp.where(m[:, None], x, 0.0), b, num_segments=G)
    c = jax.ops.segment_sum(m.astype(jnp.float32), b, num_segments=G)
    return s / jnp.maximum(c, 1.0)[:, None]

def _readout(x, b, m):
    return jnp.concatenate([_gmp(x, b, m), _gap(x, b, m)], axis=1)

def _topk_select(score, b, m):
    n = score.shape[0]
    s = jnp.where(m, score, -jnp.inf)
    idx = jnp.arange(n, dtype=jnp.int32)
    order = jnp.lexsort((idx, -s, b))
    total = jax.ops.segment_sum(jnp.ones((n,), jnp.int32), b, num_segments=G)
    starts = jnp.cumsum(total) - total
    valid = jax.ops.segment_sum(m.astype(jnp.int32), b, num_segments=G)
    k = jnp.ceil(RATIO * valid.astype(jnp.float32)).astype(jnp.int32)
    sb = b[order]
    rank = idx - starts[sb]
    sel_sorted = rank < k[sb]
    sel = jnp.zeros((n,), jnp.bool_).at[order].set(sel_sorted)
    return sel & m

def _level(x, ei, b, nm, em, n, p, conv, proj, pw):
    src, dst = ei[0], ei[1]
    h = jnp.maximum(_gin(x, src, dst, em, n, p[conv + "_W1"], p[conv + "_b1"], p[conv + "_W2"], p[conv + "_b2"]), 0.0)
    lp = _mlp(h, p[proj + "_W1"], p[proj + "_b1"], p[proj + "_W2"], p[proj + "_b2"])
    proj_out = _readout(lp, b, nm)
    w = p[pw]
    score = (h @ w) / jnp.linalg.norm(w)
    sel = _topk_select(score, b, nm)
    x_new = jnp.where(sel[:, None], h * jnp.tanh(score)[:, None], 0.0)
    em_new = em & sel[src] & sel[dst]
    g = _readout(x_new, b, sel)
    return x_new, ei, b, sel, em_new, g, proj_out

def reference(x, edge_index, batch, params):
    p = params
    n = x.shape[0]
    nm0 = jnp.ones((n,), jnp.bool_)
    em0 = jnp.ones((edge_index.shape[1],), jnp.bool_)
    x1, ei1, b1, nm1, em1, g1, proj_1 = _level(x, edge_index, batch, nm0, em0, n, p, "conv1", "proj1", "pool1_w")
    x2, ei2, b2, nm2, em2, g2, proj_2 = _level(x1, ei1, b1, nm1, em1, n, p, "conv2", "proj2", "pool2_w")
    x3, ei3, b3, nm3, em3, g3, proj_3 = _level(x2, ei2, b2, nm2, em2, n, p, "conv3", "proj3", "pool3_w")
    out = jnp.maximum(g1, 0.0) + jnp.maximum(g2, 0.0) + jnp.maximum(g3, 0.0)
    return (out, g1, g2, g3, proj_1, proj_2, proj_3)

if __name__ == "__main__":
    import jax
    _d = setup_inputs()
    print(jax.jit(kernel)(*tuple(_d.values())))

</pallas_src>

<mosaic_0001>
#map = affine_map<(d0, d1) -> (0, 0)>
#map1 = affine_map<(d0, d1) -> (0)>
module attributes {stable_mosaic.version = 14 : i64} {
  func.func @body(%arg0: i32, %arg1: i32, %arg2: memref<10496x128xf32, #tpu.memory_space<hbm>>, %arg3: memref<320000xi32, #tpu.memory_space<hbm>>, %arg4: memref<320000xi32, #tpu.memory_space<hbm>>, %arg5: memref<128x128xf32, #tpu.memory_space<hbm>>, %arg6: memref<20992x128xf32, #tpu.memory_space<hbm>>, %arg7: memref<1x128xi32, #tpu.memory_space<vmem>>, %arg8: memref<1x128xi32, #tpu.memory_space<vmem>>, %arg9: memref<128x128xf32, #tpu.memory_space<vmem>>, %arg10: memref<1x16xi32, #tpu.memory_space<vmem>>, %arg11: memref<1x16xi32, #tpu.memory_space<vmem>>, %arg12: memref<16x128xf32, #tpu.memory_space<vmem>>, %arg13: memref<128x128xf32, #tpu.memory_space<vmem>>, %arg14: memref<10496x128xf32, #tpu.memory_space<vmem_shared>>, %arg15: memref<!tpu.dma_semaphore, #tpu.memory_space<semaphore_mem>>) attributes {dimension_semantics = [#tpu.dimension_semantics<core_parallel>, #tpu.dimension_semantics<subcore_parallel>], iteration_bounds = array<i64: 2, 16>, scalar_prefetch = 0 : i64, scratch_operands = 9 : i64, tpu.core_type = #tpu.core_type<sc_vector_subcore>, window_params = [{transform_indices = #map}, {transform_indices = #map1}, {transform_indices = #map1}, {transform_indices = #map}, {transform_indices = #map}]} {
    %mul3A = arith.constant 16 : i32
    %mul3A_0 = arith.muli %arg0, %mul3A : i32
    %add3A = arith.addi %mul3A_0, %arg1 : i32
    %mul3A_1 = arith.constant 656 : i32
    %mul3A_2 = arith.muli %arg1, %mul3A_1 : i32
    "tpu.region"() ({
      %run_scoped3A_66 = tpu.sem_alloc : memref<!tpu.dma_semaphore, #tpu.memory_space<semaphore_mem>>
      tpu.enqueue_dma source(%arg5 : memref<128x128xf32, #tpu.memory_space<hbm>>) target(%arg13 : memref<128x128xf32, #tpu.memory_space<vmem>>) target_semaphore(%run_scoped3A_66 : memref<!tpu.dma_semaphore, #tpu.memory_space<semaphore_mem>>)
      tpu.wait_dma2 semaphore(%run_scoped3A_66 : memref<!tpu.dma_semaphore, #tpu.memory_space<semaphore_mem>>) src(%arg5 : memref<128x128xf32, #tpu.memory_space<hbm>>) dst(%arg13 : memref<128x128xf32, #tpu.memory_space<vmem>>)
      tpu.yield
    }) : () -> ()
    %add3A_3 = arith.constant 0 : i32
    %add3A_4 = arith.addi %mul3A_2, %add3A_3 : i32
    "tpu.region"() ({
      %run_scoped3A_66 = tpu.sem_alloc : memref<!tpu.dma_semaphore, #tpu.memory_space<semaphore_mem>>
      %dma_start3A_67 = arith.constant 0 : i32
      %dma_start3A_68 = tpu.memref_slice %arg14[%add3A_4, %dma_start3A_67] : memref<10496x128xf32, #tpu.memory_space<vmem_shared>> -> memref<128x128xf32, #tpu.memory_space<vmem_shared>>
      %dma_start3A_69 = arith.constant 0 : i32
      %dma_start3A_70 = tpu.memref_slice %arg14[%add3A_4, %dma_start3A_69] : memref<10496x128xf32, #tpu.memory_space<vmem_shared>> -> memref<128x128xf32, #tpu.memory_space<vmem_shared>>
      tpu.enqueue_dma source(%arg13 : memref<128x128xf32, #tpu.memory_space<vmem>>) target(%dma_start3A_70 : memref<128x128xf32, #tpu.memory_space<vmem_shared>>) target_semaphore(%run_scoped3A_66 : memref<!tpu.dma_semaphore, #tpu.memory_space<semaphore_mem>>)
      %dma_wait3A_71 = arith.constant 0 : i32
      %dma_wait3A_72 = tpu.memref_slice %arg14[%add3A_4, %dma_wait3A_71] : memref<10496x128xf32, #tpu.memory_space<vmem_shared>> -> memref<128x128xf32, #tpu.memory_space<vmem_shared>>
      %dma_wait3A_73 = arith.constant 0 : i32
      %dma_wait3A_74 = tpu.memref_slice %arg14[%add3A_4, %dma_wait3A_73] : memref<10496x128xf32, #tpu.memory_space<vmem_shared>> -> memref<128x128xf32, #tpu.memory_space<vmem_shared>>
      tpu.wait_dma2 semaphore(%run_scoped3A_66 : memref<!tpu.dma_semaphore, #tpu.memory_space<semaphore_mem>>) src(%arg13 : memref<128x128xf32, #tpu.memory_space<vmem>>) dst(%dma_wait3A_74 : memref<128x128xf32, #tpu.memory_space<vmem_shared>>)
      tpu.yield
    }) : () -> ()
    %add3A_5 = arith.constant 128 : i32
    %add3A_6 = arith.addi %mul3A_2, %add3A_5 : i32
    "tpu.region"() ({
      %run_scoped3A_66 = tpu.sem_alloc : memref<!tpu.dma_semaphore, #tpu.memory_space<semaphore_mem>>
      %dma_start3A_67 = arith.constant 0 : i32
      %dma_start3A_68 = tpu.memref_slice %arg14[%add3A_6, %dma_start3A_67] : memref<10496x128xf32, #tpu.memory_space<vmem_shared>> -> memref<128x128xf32, #tpu.memory_space<vmem_shared>>
      %dma_start3A_69 = arith.constant 0 : i32
      %dma_start3A_70 = tpu.memref_slice %arg14[%add3A_6, %dma_start3A_69] : memref<10496x128xf32, #tpu.memory_space<vmem_shared>> -> memref<128x128xf32, #tpu.memory_space<vmem_shared>>
      tpu.enqueue_dma source(%arg13 : memref<128x128xf32, #tpu.memory_space<vmem>>) target(%dma_start3A_70 : memref<128x128xf32, #tpu.memory_space<vmem_shared>>) target_semaphore(%run_scoped3A_66 : memref<!tpu.dma_semaphore, #tpu.memory_space<semaphore_mem>>)
      %dma_wait3A_71 = arith.constant 0 : i32
      %dma_wait3A_72 = tpu.memref_slice %arg14[%add3A_6, %dma_wait3A_71] : memref<10496x128xf32, #tpu.memory_space<vmem_shared>> -> memref<128x128xf32, #tpu.memory_space<vmem_shared>>
      %dma_wait3A_73 = arith.constant 0 : i32
      %dma_wait3A_74 = tpu.memref_slice %arg14[%add3A_6, %dma_wait3A_73] : memref<10496x128xf32, #tpu.memory_space<vmem_shared>> -> memref<128x128xf32, #tpu.memory_space<vmem_shared>>
      tpu.wait_dma2 semaphore(%run_scoped3A_66 : memref<!tpu.dma_semaphore, #tpu.memory_space<semaphore_mem>>) src(%arg13 : memref<128x128xf32, #tpu.memory_space<vmem>>) dst(%dma_wait3A_74 : memref<128x128xf32, #tpu.memory_space<vmem_shared>>)
      tpu.yield
    }) : () -> ()
    %add3A_7 = arith.constant 256 : i32
    %add3A_8 = arith.addi %mul3A_2, %add3A_7 : i32
    "tpu.region"() ({
      %run_scoped3A_66 = tpu.sem_alloc : memref<!tpu.dma_semaphore, #tpu.memory_space<semaphore_mem>>
      %dma_start3A_67 = arith.constant 0 : i32
      %dma_start3A_68 = tpu.memref_slice %arg14[%add3A_8, %dma_start3A_67] : memref<10496x128xf32, #tpu.memory_space<vmem_shared>> -> memref<128x128xf32, #tpu.memory_space<vmem_shared>>
      %dma_start3A_69 = arith.constant 0 : i32
      %dma_start3A_70 = tpu.memref_slice %arg14[%add3A_8, %dma_start3A_69] : memref<10496x128xf32, #tpu.memory_space<vmem_shared>> -> memref<128x128xf32, #tpu.memory_space<vmem_shared>>
      tpu.enqueue_dma source(%arg13 : memref<128x128xf32, #tpu.memory_space<vmem>>) target(%dma_start3A_70 : memref<128x128xf32, #tpu.memory_space<vmem_shared>>) target_semaphore(%run_scoped3A_66 : memref<!tpu.dma_semaphore, #tpu.memory_space<semaphore_mem>>)
      %dma_wait3A_71 = arith.constant 0 : i32
      %dma_wait3A_72 = tpu.memref_slice %arg14[%add3A_8, %dma_wait3A_71] : memref<10496x128xf32, #tpu.memory_space<vmem_shared>> -> memref<128x128xf32, #tpu.memory_space<vmem_shared>>
      %dma_wait3A_73 = arith.constant 0 : i32
      %dma_wait3A_74 = tpu.memref_slice %arg14[%add3A_8, %dma_wait3A_73] : memref<10496x128xf32, #tpu.memory_space<vmem_shared>> -> memref<128x128xf32, #tpu.memory_space<vmem_shared>>
      tpu.wait_dma2 semaphore(%run_scoped3A_66 : memref<!tpu.dma_semaphore, #tpu.memory_space<semaphore_mem>>) src(%arg13 : memref<128x128xf32, #tpu.memory_space<vmem>>) dst(%dma_wait3A_74 : memref<128x128xf32, #tpu.memory_space<vmem_shared>>)
      tpu.yield
    }) : () -> ()
    %add3A_9 = arith.constant 384 : i32
    %add3A_10 = arith.addi %mul3A_2, %add3A_9 : i32
    "tpu.region"() ({
      %run_scoped3A_66 = tpu.sem_alloc : memref<!tpu.dma_semaphore, #tpu.memory_space<semaphore_mem>>
      %dma_start3A_67 = arith.constant 0 : i32
      %dma_start3A_68 = tpu.memref_slice %arg14[%add3A_10, %dma_start3A_67] : memref<10496x128xf32, #tpu.memory_space<vmem_shared>> -> memref<128x128xf32, #tpu.memory_space<vmem_shared>>
      %dma_start3A_69 = arith.constant 0 : i32
      %dma_start3A_70 = tpu.memref_slice %arg14[%add3A_10, %dma_start3A_69] : memref<10496x128xf32, #tpu.memory_space<vmem_shared>> -> memref<128x128xf32, #tpu.memory_space<vmem_shared>>
      tpu.enqueue_dma source(%arg13 : memref<128x128xf32, #tpu.memory_space<vmem>>) target(%dma_start3A_70 : memref<128x128xf32, #tpu.memory_space<vmem_shared>>) target_semaphore(%run_scoped3A_66 : memref<!tpu.dma_semaphore, #tpu.memory_space<semaphore_mem>>)
      %dma_wait3A_71 = arith.constant 0 : i32
      %dma_wait3A_72 = tpu.memref_slice %arg14[%add3A_10, %dma_wait3A_71] : memref<10496x128xf32, #tpu.memory_space<vmem_shared>> -> memref<128x128xf32, #tpu.memory_space<vmem_shared>>
      %dma_wait3A_73 = arith.constant 0 : i32
      %dma_wait3A_74 = tpu.memref_slice %arg14[%add3A_10, %dma_wait3A_73] : memref<10496x128xf32, #tpu.memory_space<vmem_shared>> -> memref<128x128xf32, #tpu.memory_space<vmem_shared>>
      tpu.wait_dma2 semaphore(%run_scoped3A_66 : memref<!tpu.dma_semaphore, #tpu.memory_space<semaphore_mem>>) src(%arg13 : memref<128x128xf32, #tpu.memory_space<vmem>>) dst(%dma_wait3A_74 : memref<128x128xf32, #tpu.memory_space<vmem_shared>>)
      tpu.yield
    }) : () -> ()
    %add3A_11 = arith.constant 512 : i32
    %add3A_12 = arith.addi %mul3A_2, %add3A_11 : i32
    "tpu.region"() ({
      %run_scoped3A_66 = tpu.sem_alloc : memref<!tpu.dma_semaphore, #tpu.memory_space<semaphore_mem>>
      %dma_start3A_67 = arith.constant 0 : i32
      %dma_start3A_68 = tpu.memref_slice %arg14[%add3A_12, %dma_start3A_67] : memref<10496x128xf32, #tpu.memory_space<vmem_shared>> -> memref<128x128xf32, #tpu.memory_space<vmem_shared>>
      %dma_start3A_69 = arith.constant 0 : i32
      %dma_start3A_70 = tpu.memref_slice %arg14[%add3A_12, %dma_start3A_69] : memref<10496x128xf32, #tpu.memory_space<vmem_shared>> -> memref<128x128xf32, #tpu.memory_space<vmem_shared>>
      tpu.enqueue_dma source(%arg13 : memref<128x128xf32, #tpu.memory_space<vmem>>) target(%dma_start3A_70 : memref<128x128xf32, #tpu.memory_space<vmem_shared>>) target_semaphore(%run_scoped3A_66 : memref<!tpu.dma_semaphore, #tpu.memory_space<semaphore_mem>>)
      %dma_wait3A_71 = arith.constant 0 : i32
      %dma_wait3A_72 = tpu.memref_slice %arg14[%add3A_12, %dma_wait3A_71] : memref<10496x128xf32, #tpu.memory_space<vmem_shared>> -> memref<128x128xf32, #tpu.memory_space<vmem_shared>>
      %dma_wait3A_73 = arith.constant 0 : i32
      %dma_wait3A_74 = tpu.memref_slice %arg14[%add3A_12, %dma_wait3A_73] : memref<10496x128xf32, #tpu.memory_space<vmem_shared>> -> memref<128x128xf32, #tpu.memory_space<vmem_shared>>
      tpu.wait_dma2 semaphore(%run_scoped3A_66 : memref<!tpu.dma_semaphore, #tpu.memory_space<semaphore_mem>>) src(%arg13 : memref<128x128xf32, #tpu.memory_space<vmem>>) dst(%dma_wait3A_74 : memref<128x128xf32, #tpu.memory_space<vmem_shared>>)
      tpu.yield
    }) : () -> ()
    %add3A_13 = arith.constant 640 : i32
    %add3A_14 = arith.addi %mul3A_2, %add3A_13 : i32
    "tpu.region"() ({
      %run_scoped3A_66 = tpu.sem_alloc : memref<!tpu.dma_semaphore, #tpu.memory_space<semaphore_mem>>
      %dma_start3A_67 = arith.constant 0 : i32
      %dma_start3A_68 = arith.constant 0 : i32
      %dma_start3A_69 = tpu.memref_slice %arg13[%dma_start3A_67, %dma_start3A_68] : memref<128x128xf32, #tpu.memory_space<vmem>> -> memref<16x128xf32, #tpu.memory_space<vmem>>
      %dma_start3A_70 = arith.constant 0 : i32
      %dma_start3A_71 = tpu.memref_slice %arg14[%add3A_14, %dma_start3A_70] : memref<10496x128xf32, #tpu.memory_space<vmem_shared>> -> memref<16x128xf32, #tpu.memory_space<vmem_shared>>
      %dma_start3A_72 = arith.constant 0 : i32
      %dma_start3A_73 = tpu.memref_slice %arg14[%add3A_14, %dma_start3A_72] : memref<10496x128xf32, #tpu.memory_space<vmem_shared>> -> memref<16x128xf32, #tpu.memory_space<vmem_shared>>
      %dma_start3A_74 = arith.constant 0 : i32
      %dma_start3A_75 = arith.constant 0 : i32
      %dma_start3A_76 = tpu.memref_slice %arg13[%dma_start3A_74, %dma_start3A_75] : memref<128x128xf32, #tpu.memory_space<vmem>> -> memref<16x128xf32, #tpu.memory_space<vmem>>
      tpu.enqueue_dma source(%dma_start3A_76 : memref<16x128xf32, #tpu.memory_space<vmem>>) target(%dma_start3A_73 : memref<16x128xf32, #tpu.memory_space<vmem_shared>>) target_semaphore(%run_scoped3A_66 : memref<!tpu.dma_semaphore, #tpu.memory_space<semaphore_mem>>)
      %dma_wait3A_77 = arith.constant 0 : i32
      %dma_wait3A_78 = arith.constant 0 : i32
      %dma_wait3A_79 = tpu.memref_slice %arg13[%dma_wait3A_77, %dma_wait3A_78] : memref<128x128xf32, #tpu.memory_space<vmem>> -> memref<16x128xf32, #tpu.memory_space<vmem>>
      %dma_wait3A_80 = arith.constant 0 : i32
      %dma_wait3A_81 = tpu.memref_slice %arg14[%add3A_14, %dma_wait3A_80] : memref<10496x128xf32, #tpu.memory_space<vmem_shared>> -> memref<16x128xf32, #tpu.memory_space<vmem_shared>>
      %dma_wait3A_82 = arith.constant 0 : i32
      %dma_wait3A_83 = tpu.memref_slice %arg14[%add3A_14, %dma_wait3A_82] : memref<10496x128xf32, #tpu.memory_space<vmem_shared>> -> memref<16x128xf32, #tpu.memory_space<vmem_shared>>
      %dma_wait3A_84 = arith.constant 0 : i32
      %dma_wait3A_85 = arith.constant 0 : i32
      %dma_wait3A_86 = tpu.memref_slice %arg13[%dma_wait3A_84, %dma_wait3A_85] : memref<128x128xf32, #tpu.memory_space<vmem>> -> memref<16x128xf32, #tpu.memory_space<vmem>>
      tpu.wait_dma2 semaphore(%run_scoped3A_66 : memref<!tpu.dma_semaphore, #tpu.memory_space<semaphore_mem>>) src(%dma_wait3A_86 : memref<16x128xf32, #tpu.memory_space<vmem>>) dst(%dma_wait3A_83 : memref<16x128xf32, #tpu.memory_space<vmem_shared>>)
      tpu.yield
    }) : () -> ()
    %barrier3A = arith.constant 0 : index
    tpu.barrier barrier_id(%barrier3A)
    %mul3A_15 = arith.constant 10000 : i32
    %mul3A_16 = arith.muli %add3A, %mul3A_15 : i32
    %scan3A = arith.constant 0 : i32
    %scan3A_17 = arith.constant 0 : i32
    %scan3A_18 = arith.constant 78 : i32
    %scan3A_19 = arith.addi %scan3A_17, %scan3A_18 : i32
    %scan3A_20 = arith.constant 1 : i32
    scf.for %scan3A_66 = %scan3A_17 to %scan3A_19 step %scan3A_20  : i32 {
      %mul3A_67 = arith.constant 128 : i32
      %mul3A_68 = arith.muli %scan3A_66, %mul3A_67 : i32
      %add3A_69 = arith.addi %mul3A_16, %mul3A_68 : i32
      %multiple_of3A_70 = tpu.assume_multiple %add3A_69, 8 : i32
      %run_scoped3A_71 = arith.constant 0 : i32
      "tpu.region"() ({
        %run_scoped3A_88 = tpu.sem_alloc : memref<!tpu.dma_semaphore, #tpu.memory_space<semaphore_mem>>
        %dma_start3A_89 = arith.constant 0 : i32
        %dma_start3A_90 = tpu.memref_slice %arg7[%run_scoped3A_71, %dma_start3A_89] : memref<1x128xi32, #tpu.memory_space<vmem>> -> memref<1x128xi32, #tpu.memory_space<vmem>>
        %dma_start3A_91 = tpu.memref_squeeze %dma_start3A_90 : memref<1x128xi32, #tpu.memory_space<vmem>> -> memref<128xi32, #tpu.memory_space<vmem>>
        %dma_start3A_92 = tpu.memref_slice %arg3[%multiple_of3A_70] : memref<320000xi32, #tpu.memory_space<hbm>> -> memref<128xi32, #tpu.memory_space<hbm>>
        %dma_start3A_93 = arith.constant 0 : i32
        %dma_start3A_94 = tpu.memref_slice %arg7[%run_scoped3A_71, %dma_start3A_93] : memref<1x128xi32, #tpu.memory_space<vmem>> -> memref<1x128xi32, #tpu.memory_space<vmem>>
        %dma_start3A_95 = tpu.memref_squeeze %dma_start3A_94 : memref<1x128xi32, #tpu.memory_space<vmem>> -> memref<128xi32, #tpu.memory_space<vmem>>
        %dma_start3A_96 = tpu.memref_slice %arg3[%multiple_of3A_70] : memref<320000xi32, #tpu.memory_space<hbm>> -> memref<128xi32, #tpu.memory_space<hbm>>
        tpu.enqueue_dma source(%dma_start3A_96 : memref<128xi32, #tpu.memory_space<hbm>>) target(%dma_start3A_95 : memref<128xi32, #tpu.memory_space<vmem>>) target_semaphore(%run_scoped3A_88 : memref<!tpu.dma_semaphore, #tpu.memory_space<semaphore_mem>>)
        %dma_wait3A_97 = arith.constant 0 : i32
        %dma_wait3A_98 = tpu.memref_slice %arg7[%run_scoped3A_71, %dma_wait3A_97] : memref<1x128xi32, #tpu.memory_space<vmem>> -> memref<1x128xi32, #tpu.memory_space<vmem>>
        %dma_wait3A_99 = tpu.memref_squeeze %dma_wait3A_98 : memref<1x128xi32, #tpu.memory_space<vmem>> -> memref<128xi32, #tpu.memory_space<vmem>>
        %dma_wait3A_100 = tpu.memref_slice %arg3[%multiple_of3A_70] : memref<320000xi32, #tpu.memory_space<hbm>> -> memref<128xi32, #tpu.memory_space<hbm>>
        %dma_wait3A_101 = arith.constant 0 : i32
        %dma_wait3A_102 = tpu.memref_slice %arg7[%run_scoped3A_71, %dma_wait3A_101] : memref<1x128xi32, #tpu.memory_space<vmem>> -> memref<1x128xi32, #tpu.memory_space<vmem>>
        %dma_wait3A_103 = tpu.memref_squeeze %dma_wait3A_102 : memref<1x128xi32, #tpu.memory_space<vmem>> -> memref<128xi32, #tpu.memory_space<vmem>>
        %dma_wait3A_104 = tpu.memref_slice %arg3[%multiple_of3A_70] : memref<320000xi32, #tpu.memory_space<hbm>> -> memref<128xi32, #tpu.memory_space<hbm>>
        tpu.wait_dma2 semaphore(%run_scoped3A_88 : memref<!tpu.dma_semaphore, #tpu.memory_space<semaphore_mem>>) src(%dma_wait3A_104 : memref<128xi32, #tpu.memory_space<hbm>>) dst(%dma_wait3A_103 : memref<128xi32, #tpu.memory_space<vmem>>)
        tpu.yield
      }) : () -> ()
      %run_scoped3A_72 = arith.constant 0 : i32
      "tpu.region"() ({
        %run_scoped3A_88 = tpu.sem_alloc : memref<!tpu.dma_semaphore, #tpu.memory_space<semaphore_mem>>
        %dma_start3A_89 = arith.constant 0 : i32
        %dma_start3A_90 = tpu.memref_slice %arg8[%run_scoped3A_72, %dma_start3A_89] : memref<1x128xi32, #tpu.memory_space<vmem>> -> memref<1x128xi32, #tpu.memory_space<vmem>>
        %dma_start3A_91 = tpu.memref_squeeze %dma_start3A_90 : memref<1x128xi32, #tpu.memory_space<vmem>> -> memref<128xi32, #tpu.memory_space<vmem>>
        %dma_start3A_92 = tpu.memref_slice %arg4[%multiple_of3A_70] : memref<320000xi32, #tpu.memory_space<hbm>> -> memref<128xi32, #tpu.memory_space<hbm>>
        %dma_start3A_93 = arith.constant 0 : i32
        %dma_start3A_94 = tpu.memref_slice %arg8[%run_scoped3A_72, %dma_start3A_93] : memref<1x128xi32, #tpu.memory_space<vmem>> -> memref<1x128xi32, #tpu.memory_space<vmem>>
        %dma_start3A_95 = tpu.memref_squeeze %dma_start3A_94 : memref<1x128xi32, #tpu.memory_space<vmem>> -> memref<128xi32, #tpu.memory_space<vmem>>
        %dma_start3A_96 = tpu.memref_slice %arg4[%multiple_of3A_70] : memref<320000xi32, #tpu.memory_space<hbm>> -> memref<128xi32, #tpu.memory_space<hbm>>
        tpu.enqueue_dma source(%dma_start3A_96 : memref<128xi32, #tpu.memory_space<hbm>>) target(%dma_start3A_95 : memref<128xi32, #tpu.memory_space<vmem>>) target_semaphore(%run_scoped3A_88 : memref<!tpu.dma_semaphore, #tpu.memory_space<semaphore_mem>>)
        %dma_wait3A_97 = arith.constant 0 : i32
        %dma_wait3A_98 = tpu.memref_slice %arg8[%run_scoped3A_72, %dma_wait3A_97] : memref<1x128xi32, #tpu.memory_space<vmem>> -> memref<1x128xi32, #tpu.memory_space<vmem>>
        %dma_wait3A_99 = tpu.memref_squeeze %dma_wait3A_98 : memref<1x128xi32, #tpu.memory_space<vmem>> -> memref<128xi32, #tpu.memory_space<vmem>>
        %dma_wait3A_100 = tpu.memref_slice %arg4[%multiple_of3A_70] : memref<320000xi32, #tpu.memory_space<hbm>> -> memref<128xi32, #tpu.memory_space<hbm>>
        %dma_wait3A_101 = arith.constant 0 : i32
        %dma_wait3A_102 = tpu.memref_slice %arg8[%run_scoped3A_72, %dma_wait3A_101] : memref<1x128xi32, #tpu.memory_space<vmem>> -> memref<1x128xi32, #tpu.memory_space<vmem>>
        %dma_wait3A_103 = tpu.memref_squeeze %dma_wait3A_102 : memref<1x128xi32, #tpu.memory_space<vmem>> -> memref<128xi32, #tpu.memory_space<vmem>>
        %dma_wait3A_104 = tpu.memref_slice %arg4[%multiple_of3A_70] : memref<320000xi32, #tpu.memory_space<hbm>> -> memref<128xi32, #tpu.memory_space<hbm>>
        tpu.wait_dma2 semaphore(%run_scoped3A_88 : memref<!tpu.dma_semaphore, #tpu.memory_space<semaphore_mem>>) src(%dma_wait3A_104 : memref<128xi32, #tpu.memory_space<hbm>>) dst(%dma_wait3A_103 : memref<128xi32, #tpu.memory_space<vmem>>)
        tpu.yield
      }) : () -> ()
      %dma_start3A_73 = arith.constant 0 : i32
      %dma_start3A_74 = arith.constant 0 : i32
      %dma_start3A_75 = tpu.memref_slice %arg7[%dma_start3A_73, %dma_start3A_74] : memref<1x128xi32, #tpu.memory_space<vmem>> -> memref<1x128xi32, #tpu.memory_space<vmem>>
      %dma_start3A_76 = tpu.memref_squeeze %dma_start3A_75 : memref<1x128xi32, #tpu.memory_space<vmem>> -> memref<128xi32, #tpu.memory_space<vmem>>
      %dma_start3A_77 = arith.constant 0 : i32
      %dma_start3A_78 = arith.constant 0 : i32
      %dma_start3A_79 = tpu.memref_slice %arg2[%dma_start3A_77, %dma_start3A_78] : memref<10496x128xf32, #tpu.memory_space<hbm>> -> memref<10496x128xf32, #tpu.memory_space<hbm>>
      tpu.enqueue_indirect_dma source(%dma_start3A_79 : memref<10496x128xf32, #tpu.memory_space<hbm>>) target(%arg9 : memref<128x128xf32, #tpu.memory_space<vmem>>) offsets(%dma_start3A_76 : memref<128xi32, #tpu.memory_space<vmem>>) semaphore(%arg15 : memref<!tpu.dma_semaphore, #tpu.memory_space<semaphore_mem>>)
      %dma_wait3A_80 = arith.constant 0 : i32
      %dma_wait3A_81 = arith.constant 0 : i32
      %dma_wait3A_82 = tpu.memref_slice %arg7[%dma_wait3A_80, %dma_wait3A_81] : memref<1x128xi32, #tpu.memory_space<vmem>> -> memref<1x128xi32, #tpu.memory_space<vmem>>
      %dma_wait3A_83 = tpu.memref_squeeze %dma_wait3A_82 : memref<1x128xi32, #tpu.memory_space<vmem>> -> memref<128xi32, #tpu.memory_space<vmem>>
      %dma_wait3A_84 = arith.constant 0 : i32
      %dma_wait3A_85 = arith.constant 0 : i32
      %dma_wait3A_86 = tpu.memref_slice %arg2[%dma_wait3A_84, %dma_wait3A_85] : memref<10496x128xf32, #tpu.memory_space<hbm>> -> memref<10496x128xf32, #tpu.memory_space<hbm>>
      tpu.wait_indirect_dma semaphore(%arg15 : memref<!tpu.dma_semaphore, #tpu.memory_space<semaphore_mem>>) src(%dma_wait3A_86 : memref<10496x128xf32, #tpu.memory_space<hbm>>) dst(%arg9 : memref<128x128xf32, #tpu.memory_space<vmem>>)
      %run_scoped3A_87 = arith.constant 0 : i32
      "tpu.region"() ({
        %run_scoped3A_88 = tpu.sem_alloc : memref<!tpu.dma_semaphore, #tpu.memory_space<semaphore_mem>>
        %dma_start3A_89 = arith.constant 0 : i32
        %dma_start3A_90 = tpu.memref_slice %arg8[%run_scoped3A_87, %dma_start3A_89] : memref<1x128xi32, #tpu.memory_space<vmem>> -> memref<1x128xi32, #tpu.memory_space<vmem>>
        %dma_start3A_91 = tpu.memref_squeeze %dma_start3A_90 : memref<1x128xi32, #tpu.memory_space<vmem>> -> memref<128xi32, #tpu.memory_space<vmem>>
        %dma_start3A_92 = arith.constant 0 : i32
        %dma_start3A_93 = arith.constant 0 : i32
        %dma_start3A_94 = tpu.memref_slice %arg14[%dma_start3A_92, %dma_start3A_93] : memref<10496x128xf32, #tpu.memory_space<vmem_shared>> -> memref<10496x128xf32, #tpu.memory_space<vmem_shared>>
        tpu.enqueue_indirect_dma source(%arg9 : memref<128x128xf32, #tpu.memory_space<vmem>>) target(%dma_start3A_94 : memref<10496x128xf32, #tpu.memory_space<vmem_shared>>) offsets(%dma_start3A_91 : memref<128xi32, #tpu.memory_space<vmem>>) semaphore(%run_scoped3A_88 : memref<!tpu.dma_semaphore, #tpu.memory_space<semaphore_mem>>) {add = true}
        %dma_wait3A_95 = arith.constant 0 : i32
        %dma_wait3A_96 = tpu.memref_slice %arg8[%run_scoped3A_87, %dma_wait3A_95] : memref<1x128xi32, #tpu.memory_space<vmem>> -> memref<1x128xi32, #tpu.memory_space<vmem>>
        %dma_wait3A_97 = tpu.memref_squeeze %dma_wait3A_96 : memref<1x128xi32, #tpu.memory_space<vmem>> -> memref<128xi32, #tpu.memory_space<vmem>>
        %dma_wait3A_98 = arith.constant 0 : i32
        %dma_wait3A_99 = arith.constant 0 : i32
        %dma_wait3A_100 = tpu.memref_slice %arg14[%dma_wait3A_98, %dma_wait3A_99] : memref<10496x128xf32, #tpu.memory_space<vmem_shared>> -> memref<10496x128xf32, #tpu.memory_space<vmem_shared>>
        tpu.wait_indirect_dma semaphore(%run_scoped3A_88 : memref<!tpu.dma_semaphore, #tpu.memory_space<semaphore_mem>>) src(%arg9 : memref<128x128xf32, #tpu.memory_space<vmem>>) dst(%dma_wait3A_100 : memref<10496x128xf32, #tpu.memory_space<vmem_shared>>)
        tpu.yield
      }) : () -> ()
    }
    %scan3A_21 = arith.constant 78 : i32
    %add3A_22 = arith.constant 9984 : i32
    %add3A_23 = arith.addi %mul3A_16, %add3A_22 : i32
    %multiple_of3A = tpu.assume_multiple %add3A_23, 8 : i32
    %run_scoped3A = arith.constant 0 : i32
    "tpu.region"() ({
      %run_scoped3A_66 = tpu.sem_alloc : memref<!tpu.dma_semaphore, #tpu.memory_space<semaphore_mem>>
      %dma_start3A_67 = arith.constant 0 : i32
      %dma_start3A_68 = tpu.memref_slice %arg10[%run_scoped3A, %dma_start3A_67] : memref<1x16xi32, #tpu.memory_space<vmem>> -> memref<1x16xi32, #tpu.memory_space<vmem>>
      %dma_start3A_69 = tpu.memref_squeeze %dma_start3A_68 : memref<1x16xi32, #tpu.memory_space<vmem>> -> memref<16xi32, #tpu.memory_space<vmem>>
      %dma_start3A_70 = tpu.memref_slice %arg3[%multiple_of3A] : memref<320000xi32, #tpu.memory_space<hbm>> -> memref<16xi32, #tpu.memory_space<hbm>>
      %dma_start3A_71 = arith.constant 0 : i32
      %dma_start3A_72 = tpu.memref_slice %arg10[%run_scoped3A, %dma_start3A_71] : memref<1x16xi32, #tpu.memory_space<vmem>> -> memref<1x16xi32, #tpu.memory_space<vmem>>
      %dma_start3A_73 = tpu.memref_squeeze %dma_start3A_72 : memref<1x16xi32, #tpu.memory_space<vmem>> -> memref<16xi32, #tpu.memory_space<vmem>>
      %dma_start3A_74 = tpu.memref_slice %arg3[%multiple_of3A] : memref<320000xi32, #tpu.memory_space<hbm>> -> memref<16xi32, #tpu.memory_space<hbm>>
      tpu.enqueue_dma source(%dma_start3A_74 : memref<16xi32, #tpu.memory_space<hbm>>) target(%dma_start3A_73 : memref<16xi32, #tpu.memory_space<vmem>>) target_semaphore(%run_scoped3A_66 : memref<!tpu.dma_semaphore, #tpu.memory_space<semaphore_mem>>)
      %dma_wait3A_75 = arith.constant 0 : i32
      %dma_wait3A_76 = tpu.memref_slice %arg10[%run_scoped3A, %dma_wait3A_75] : memref<1x16xi32, #tpu.memory_space<vmem>> -> memref<1x16xi32, #tpu.memory_space<vmem>>
      %dma_wait3A_77 = tpu.memref_squeeze %dma_wait3A_76 : memref<1x16xi32, #tpu.memory_space<vmem>> -> memref<16xi32, #tpu.memory_space<vmem>>
      %dma_wait3A_78 = tpu.memref_slice %arg3[%multiple_of3A] : memref<320000xi32, #tpu.memory_space<hbm>> -> memref<16xi32, #tpu.memory_space<hbm>>
      %dma_wait3A_79 = arith.constant 0 : i32
      %dma_wait3A_80 = tpu.memref_slice %arg10[%run_scoped3A, %dma_wait3A_79] : memref<1x16xi32, #tpu.memory_space<vmem>> -> memref<1x16xi32, #tpu.memory_space<vmem>>
      %dma_wait3A_81 = tpu.memref_squeeze %dma_wait3A_80 : memref<1x16xi32, #tpu.memory_space<vmem>> -> memref<16xi32, #tpu.memory_space<vmem>>
      %dma_wait3A_82 = tpu.memref_slice %arg3[%multiple_of3A] : memref<320000xi32, #tpu.memory_space<hbm>> -> memref<16xi32, #tpu.memory_space<hbm>>
      tpu.wait_dma2 semaphore(%run_scoped3A_66 : memref<!tpu.dma_semaphore, #tpu.memory_space<semaphore_mem>>) src(%dma_wait3A_82 : memref<16xi32, #tpu.memory_space<hbm>>) dst(%dma_wait3A_81 : memref<16xi32, #tpu.memory_space<vmem>>)
      tpu.yield
    }) : () -> ()
    %run_scoped3A_24 = arith.constant 0 : i32
    "tpu.region"() ({
      %run_scoped3A_66 = tpu.sem_alloc : memref<!tpu.dma_semaphore, #tpu.memory_space<semaphore_mem>>
      %dma_start3A_67 = arith.constant 0 : i32
      %dma_start3A_68 = tpu.memref_slice %arg11[%run_scoped3A_24, %dma_start3A_67] : memref<1x16xi32, #tpu.memory_space<vmem>> -> memref<1x16xi32, #tpu.memory_space<vmem>>
      %dma_start3A_69 = tpu.memref_squeeze %dma_start3A_68 : memref<1x16xi32, #tpu.memory_space<vmem>> -> memref<16xi32, #tpu.memory_space<vmem>>
      %dma_start3A_70 = tpu.memref_slice %arg4[%multiple_of3A] : memref<320000xi32, #tpu.memory_space<hbm>> -> memref<16xi32, #tpu.memory_space<hbm>>
      %dma_start3A_71 = arith.constant 0 : i32
      %dma_start3A_72 = tpu.memref_slice %arg11[%run_scoped3A_24, %dma_start3A_71] : memref<1x16xi32, #tpu.memory_space<vmem>> -> memref<1x16xi32, #tpu.memory_space<vmem>>
      %dma_start3A_73 = tpu.memref_squeeze %dma_start3A_72 : memref<1x16xi32, #tpu.memory_space<vmem>> -> memref<16xi32, #tpu.memory_space<vmem>>
      %dma_start3A_74 = tpu.memref_slice %arg4[%multiple_of3A] : memref<320000xi32, #tpu.memory_space<hbm>> -> memref<16xi32, #tpu.memory_space<hbm>>
      tpu.enqueue_dma source(%dma_start3A_74 : memref<16xi32, #tpu.memory_space<hbm>>) target(%dma_start3A_73 : memref<16xi32, #tpu.memory_space<vmem>>) target_semaphore(%run_scoped3A_66 : memref<!tpu.dma_semaphore, #tpu.memory_space<semaphore_mem>>)
      %dma_wait3A_75 = arith.constant 0 : i32
      %dma_wait3A_76 = tpu.memref_slice %arg11[%run_scoped3A_24, %dma_wait3A_75] : memref<1x16xi32, #tpu.memory_space<vmem>> -> memref<1x16xi32, #tpu.memory_space<vmem>>
      %dma_wait3A_77 = tpu.memref_squeeze %dma_wait3A_76 : memref<1x16xi32, #tpu.memory_space<vmem>> -> memref<16xi32, #tpu.memory_space<vmem>>
      %dma_wait3A_78 = tpu.memref_slice %arg4[%multiple_of3A] : memref<320000xi32, #tpu.memory_space<hbm>> -> memref<16xi32, #tpu.memory_space<hbm>>
      %dma_wait3A_79 = arith.constant 0 : i32
      %dma_wait3A_80 = tpu.memref_slice %arg11[%run_scoped3A_24, %dma_wait3A_79] : memref<1x16xi32, #tpu.memory_space<vmem>> -> memref<1x16xi32, #tpu.memory_space<vmem>>
      %dma_wait3A_81 = tpu.memref_squeeze %dma_wait3A_80 : memref<1x16xi32, #tpu.memory_space<vmem>> -> memref<16xi32, #tpu.memory_space<vmem>>
      %dma_wait3A_82 = tpu.memref_slice %arg4[%multiple_of3A] : memref<320000xi32, #tpu.memory_space<hbm>> -> memref<16xi32, #tpu.memory_space<hbm>>
      tpu.wait_dma2 semaphore(%run_scoped3A_66 : memref<!tpu.dma_semaphore, #tpu.memory_space<semaphore_mem>>) src(%dma_wait3A_82 : memref<16xi32, #tpu.memory_space<hbm>>) dst(%dma_wait3A_81 : memref<16xi32, #tpu.memory_space<vmem>>)
      tpu.yield
    }) : () -> ()
    %dma_start3A = arith.constant 0 : i32
    %dma_start3A_25 = arith.constant 0 : i32
    %dma_start3A_26 = tpu.memref_slice %arg10[%dma_start3A, %dma_start3A_25] : memref<1x16xi32, #tpu.memory_space<vmem>> -> memref<1x16xi32, #tpu.memory_space<vmem>>
    %dma_start3A_27 = tpu.memref_squeeze %dma_start3A_26 : memref<1x16xi32, #tpu.memory_space<vmem>> -> memref<16xi32, #tpu.memory_space<vmem>>
    %dma_start3A_28 = arith.constant 0 : i32
    %dma_start3A_29 = arith.constant 0 : i32
    %dma_start3A_30 = tpu.memref_slice %arg2[%dma_start3A_28, %dma_start3A_29] : memref<10496x128xf32, #tpu.memory_space<hbm>> -> memref<10496x128xf32, #tpu.memory_space<hbm>>
    tpu.enqueue_indirect_dma source(%dma_start3A_30 : memref<10496x128xf32, #tpu.memory_space<hbm>>) target(%arg12 : memref<16x128xf32, #tpu.memory_space<vmem>>) offsets(%dma_start3A_27 : memref<16xi32, #tpu.memory_space<vmem>>) semaphore(%arg15 : memref<!tpu.dma_semaphore, #tpu.memory_space<semaphore_mem>>)
    %dma_wait3A = arith.constant 0 : i32
    %dma_wait3A_31 = arith.constant 0 : i32
    %dma_wait3A_32 = tpu.memref_slice %arg10[%dma_wait3A, %dma_wait3A_31] : memref<1x16xi32, #tpu.memory_space<vmem>> -> memref<1x16xi32, #tpu.memory_space<vmem>>
    %dma_wait3A_33 = tpu.memref_squeeze %dma_wait3A_32 : memref<1x16xi32, #tpu.memory_space<vmem>> -> memref<16xi32, #tpu.memory_space<vmem>>
    %dma_wait3A_34 = arith.constant 0 : i32
    %dma_wait3A_35 = arith.constant 0 : i32
    %dma_wait3A_36 = tpu.memref_slice %arg2[%dma_wait3A_34, %dma_wait3A_35] : memref<10496x128xf32, #tpu.memory_space<hbm>> -> memref<10496x128xf32, #tpu.memory_space<hbm>>
    tpu.wait_indirect_dma semaphore(%arg15 : memref<!tpu.dma_semaphore, #tpu.memory_space<semaphore_mem>>) src(%dma_wait3A_36 : memref<10496x128xf32, #tpu.memory_space<hbm>>) dst(%arg12 : memref<16x128xf32, #tpu.memory_space<vmem>>)
    %run_scoped3A_37 = arith.constant 0 : i32
    "tpu.region"() ({
      %run_scoped3A_66 = tpu.sem_alloc : memref<!tpu.dma_semaphore, #tpu.memory_space<semaphore_mem>>
      %dma_start3A_67 = arith.constant 0 : i32
      %dma_start3A_68 = tpu.memref_slice %arg11[%run_scoped3A_37, %dma_start3A_67] : memref<1x16xi32, #tpu.memory_space<vmem>> -> memref<1x16xi32, #tpu.memory_space<vmem>>
      %dma_start3A_69 = tpu.memref_squeeze %dma_start3A_68 : memref<1x16xi32, #tpu.memory_space<vmem>> -> memref<16xi32, #tpu.memory_space<vmem>>
      %dma_start3A_70 = arith.constant 0 : i32
      %dma_start3A_71 = arith.constant 0 : i32
      %dma_start3A_72 = tpu.memref_slice %arg14[%dma_start3A_70, %dma_start3A_71] : memref<10496x128xf32, #tpu.memory_space<vmem_shared>> -> memref<10496x128xf32, #tpu.memory_space<vmem_shared>>
      tpu.enqueue_indirect_dma source(%arg12 : memref<16x128xf32, #tpu.memory_space<vmem>>) target(%dma_start3A_72 : memref<10496x128xf32, #tpu.memory_space<vmem_shared>>) offsets(%dma_start3A_69 : memref<16xi32, #tpu.memory_space<vmem>>) semaphore(%run_scoped3A_66 : memref<!tpu.dma_semaphore, #tpu.memory_space<semaphore_mem>>) {add = true}
      %dma_wait3A_73 = arith.constant 0 : i32
      %dma_wait3A_74 = tpu.memref_slice %arg11[%run_scoped3A_37, %dma_wait3A_73] : memref<1x16xi32, #tpu.memory_space<vmem>> -> memref<1x16xi32, #tpu.memory_space<vmem>>
      %dma_wait3A_75 = tpu.memref_squeeze %dma_wait3A_74 : memref<1x16xi32, #tpu.memory_space<vmem>> -> memref<16xi32, #tpu.memory_space<vmem>>
      %dma_wait3A_76 = arith.constant 0 : i32
      %dma_wait3A_77 = arith.constant 0 : i32
      %dma_wait3A_78 = tpu.memref_slice %arg14[%dma_wait3A_76, %dma_wait3A_77] : memref<10496x128xf32, #tpu.memory_space<vmem_shared>> -> memref<10496x128xf32, #tpu.memory_space<vmem_shared>>
      tpu.wait_indirect_dma semaphore(%run_scoped3A_66 : memref<!tpu.dma_semaphore, #tpu.memory_space<semaphore_mem>>) src(%arg12 : memref<16x128xf32, #tpu.memory_space<vmem>>) dst(%dma_wait3A_78 : memref<10496x128xf32, #tpu.memory_space<vmem_shared>>)
      tpu.yield
    }) : () -> ()
    %barrier3A_38 = arith.constant 0 : index
    tpu.barrier barrier_id(%barrier3A_38)
    %mul3A_39 = arith.constant 10496 : i32
    %mul3A_40 = arith.muli %arg0, %mul3A_39 : i32
    %add3A_41 = arith.addi %mul3A_40, %mul3A_2 : i32
    %add3A_42 = arith.constant 0 : i32
    %add3A_43 = arith.addi %mul3A_2, %add3A_42 : i32
    "tpu.region"() ({
      %run_scoped3A_66 = tpu.sem_alloc : memref<!tpu.dma_semaphore, #tpu.memory_space<semaphore_mem>>
      %dma_start3A_67 = arith.constant 0 : i32
      %dma_start3A_68 = tpu.memref_slice %arg14[%add3A_43, %dma_start3A_67] : memref<10496x128xf32, #tpu.memory_space<vmem_shared>> -> memref<128x128xf32, #tpu.memory_space<vmem_shared>>
      %dma_start3A_69 = arith.constant 0 : i32
      %dma_start3A_70 = tpu.memref_slice %arg14[%add3A_43, %dma_start3A_69] : memref<10496x128xf32, #tpu.memory_space<vmem_shared>> -> memref<128x128xf32, #tpu.memory_space<vmem_shared>>
      tpu.enqueue_dma source(%dma_start3A_70 : memref<128x128xf32, #tpu.memory_space<vmem_shared>>) target(%arg13 : memref<128x128xf32, #tpu.memory_space<vmem>>) target_semaphore(%run_scoped3A_66 : memref<!tpu.dma_semaphore, #tpu.memory_space<semaphore_mem>>)
      %dma_wait3A_71 = arith.constant 0 : i32
      %dma_wait3A_72 = tpu.memref_slice %arg14[%add3A_43, %dma_wait3A_71] : memref<10496x128xf32, #tpu.memory_space<vmem_shared>> -> memref<128x128xf32, #tpu.memory_space<vmem_shared>>
      %dma_wait3A_73 = arith.constant 0 : i32
      %dma_wait3A_74 = tpu.memref_slice %arg14[%add3A_43, %dma_wait3A_73] : memref<10496x128xf32, #tpu.memory_space<vmem_shared>> -> memref<128x128xf32, #tpu.memory_space<vmem_shared>>
      tpu.wait_dma2 semaphore(%run_scoped3A_66 : memref<!tpu.dma_semaphore, #tpu.memory_space<semaphore_mem>>) src(%dma_wait3A_74 : memref<128x128xf32, #tpu.memory_space<vmem_shared>>) dst(%arg13 : memref<128x128xf32, #tpu.memory_space<vmem>>)
      tpu.yield
    }) : () -> ()
    %add3A_44 = arith.constant 0 : i32
    %add3A_45 = arith.addi %add3A_41, %add3A_44 : i32
    "tpu.region"() ({
      %run_scoped3A_66 = tpu.sem_alloc : memref<!tpu.dma_semaphore, #tpu.memory_space<semaphore_mem>>
      %dma_start3A_67 = arith.constant 0 : i32
      %dma_start3A_68 = tpu.memref_slice %arg6[%add3A_45, %dma_start3A_67] : memref<20992x128xf32, #tpu.memory_space<hbm>> -> memref<128x128xf32, #tpu.memory_space<hbm>>
      %dma_start3A_69 = arith.constant 0 : i32
      %dma_start3A_70 = tpu.memref_slice %arg6[%add3A_45, %dma_start3A_69] : memref<20992x128xf32, #tpu.memory_space<hbm>> -> memref<128x128xf32, #tpu.memory_space<hbm>>
      tpu.enqueue_dma source(%arg13 : memref<128x128xf32, #tpu.memory_space<vmem>>) target(%dma_start3A_70 : memref<128x128xf32, #tpu.memory_space<hbm>>) target_semaphore(%run_scoped3A_66 : memref<!tpu.dma_semaphore, #tpu.memory_space<semaphore_mem>>)
      %dma_wait3A_71 = arith.constant 0 : i32
      %dma_wait3A_72 = tpu.memref_slice %arg6[%add3A_45, %dma_wait3A_71] : memref<20992x128xf32, #tpu.memory_space<hbm>> -> memref<128x128xf32, #tpu.memory_space<hbm>>
      %dma_wait3A_73 = arith.constant 0 : i32
      %dma_wait3A_74 = tpu.memref_slice %arg6[%add3A_45, %dma_wait3A_73] : memref<20992x128xf32, #tpu.memory_space<hbm>> -> memref<128x128xf32, #tpu.memory_space<hbm>>
      tpu.wait_dma2 semaphore(%run_scoped3A_66 : memref<!tpu.dma_semaphore, #tpu.memory_space<semaphore_mem>>) src(%arg13 : memref<128x128xf32, #tpu.memory_space<vmem>>) dst(%dma_wait3A_74 : memref<128x128xf32, #tpu.memory_space<hbm>>)
      tpu.yield
    }) : () -> ()
    %add3A_46 = arith.constant 128 : i32
    %add3A_47 = arith.addi %mul3A_2, %add3A_46 : i32
    "tpu.region"() ({
      %run_scoped3A_66 = tpu.sem_alloc : memref<!tpu.dma_semaphore, #tpu.memory_space<semaphore_mem>>
      %dma_start3A_67 = arith.constant 0 : i32
      %dma_start3A_68 = tpu.memref_slice %arg14[%add3A_47, %dma_start3A_67] : memref<10496x128xf32, #tpu.memory_space<vmem_shared>> -> memref<128x128xf32, #tpu.memory_space<vmem_shared>>
      %dma_start3A_69 = arith.constant 0 : i32
      %dma_start3A_70 = tpu.memref_slice %arg14[%add3A_47, %dma_start3A_69] : memref<10496x128xf32, #tpu.memory_space<vmem_shared>> -> memref<128x128xf32, #tpu.memory_space<vmem_shared>>
      tpu.enqueue_dma source(%dma_start3A_70 : memref<128x128xf32, #tpu.memory_space<vmem_shared>>) target(%arg13 : memref<128x128xf32, #tpu.memory_space<vmem>>) target_semaphore(%run_scoped3A_66 : memref<!tpu.dma_semaphore, #tpu.memory_space<semaphore_mem>>)
      %dma_wait3A_71 = arith.constant 0 : i32
      %dma_wait3A_72 = tpu.memref_slice %arg14[%add3A_47, %dma_wait3A_71] : memref<10496x128xf32, #tpu.memory_space<vmem_shared>> -> memref<128x128xf32, #tpu.memory_space<vmem_shared>>
      %dma_wait3A_73 = arith.constant 0 : i32
      %dma_wait3A_74 = tpu.memref_slice %arg14[%add3A_47, %dma_wait3A_73] : memref<10496x128xf32, #tpu.memory_space<vmem_shared>> -> memref<128x128xf32, #tpu.memory_space<vmem_shared>>
      tpu.wait_dma2 semaphore(%run_scoped3A_66 : memref<!tpu.dma_semaphore, #tpu.memory_space<semaphore_mem>>) src(%dma_wait3A_74 : memref<128x128xf32, #tpu.memory_space<vmem_shared>>) dst(%arg13 : memref<128x128xf32, #tpu.memory_space<vmem>>)
      tpu.yield
    }) : () -> ()
    %add3A_48 = arith.constant 128 : i32
    %add3A_49 = arith.addi %add3A_41, %add3A_48 : i32
    "tpu.region"() ({
      %run_scoped3A_66 = tpu.sem_alloc : memref<!tpu.dma_semaphore, #tpu.memory_space<semaphore_mem>>
      %dma_start3A_67 = arith.constant 0 : i32
      %dma_start3A_68 = tpu.memref_slice %arg6[%add3A_49, %dma_start3A_67] : memref<20992x128xf32, #tpu.memory_space<hbm>> -> memref<128x128xf32, #tpu.memory_space<hbm>>
      %dma_start3A_69 = arith.constant 0 : i32
      %dma_start3A_70 = tpu.memref_slice %arg6[%add3A_49, %dma_start3A_69] : memref<20992x128xf32, #tpu.memory_space<hbm>> -> memref<128x128xf32, #tpu.memory_space<hbm>>
      tpu.enqueue_dma source(%arg13 : memref<128x128xf32, #tpu.memory_space<vmem>>) target(%dma_start3A_70 : memref<128x128xf32, #tpu.memory_space<hbm>>) target_semaphore(%run_scoped3A_66 : memref<!tpu.dma_semaphore, #tpu.memory_space<semaphore_mem>>)
      %dma_wait3A_71 = arith.constant 0 : i32
      %dma_wait3A_72 = tpu.memref_slice %arg6[%add3A_49, %dma_wait3A_71] : memref<20992x128xf32, #tpu.memory_space<hbm>> -> memref<128x128xf32, #tpu.memory_space<hbm>>
      %dma_wait3A_73 = arith.constant 0 : i32
      %dma_wait3A_74 = tpu.memref_slice %arg6[%add3A_49, %dma_wait3A_73] : memref<20992x128xf32, #tpu.memory_space<hbm>> -> memref<128x128xf32, #tpu.memory_space<hbm>>
      tpu.wait_dma2 semaphore(%run_scoped3A_66 : memref<!tpu.dma_semaphore, #tpu.memory_space<semaphore_mem>>) src(%arg13 : memref<128x128xf32, #tpu.memory_space<vmem>>) dst(%dma_wait3A_74 : memref<128x128xf32, #tpu.memory_space<hbm>>)
      tpu.yield
    }) : () -> ()
    %add3A_50 = arith.constant 256 : i32
    %add3A_51 = arith.addi %mul3A_2, %add3A_50 : i32
    "tpu.region"() ({
      %run_scoped3A_66 = tpu.sem_alloc : memref<!tpu.dma_semaphore, #tpu.memory_space<semaphore_mem>>
      %dma_start3A_67 = arith.constant 0 : i32
      %dma_start3A_68 = tpu.memref_slice %arg14[%add3A_51, %dma_start3A_67] : memref<10496x128xf32, #tpu.memory_space<vmem_shared>> -> memref<128x128xf32, #tpu.memory_space<vmem_shared>>
      %dma_start3A_69 = arith.constant 0 : i32
      %dma_start3A_70 = tpu.memref_slice %arg14[%add3A_51, %dma_start3A_69] : memref<10496x128xf32, #tpu.memory_space<vmem_shared>> -> memref<128x128xf32, #tpu.memory_space<vmem_shared>>
      tpu.enqueue_dma source(%dma_start3A_70 : memref<128x128xf32, #tpu.memory_space<vmem_shared>>) target(%arg13 : memref<128x128xf32, #tpu.memory_space<vmem>>) target_semaphore(%run_scoped3A_66 : memref<!tpu.dma_semaphore, #tpu.memory_space<semaphore_mem>>)
      %dma_wait3A_71 = arith.constant 0 : i32
      %dma_wait3A_72 = tpu.memref_slice %arg14[%add3A_51, %dma_wait3A_71] : memref<10496x128xf32, #tpu.memory_space<vmem_shared>> -> memref<128x128xf32, #tpu.memory_space<vmem_shared>>
      %dma_wait3A_73 = arith.constant 0 : i32
      %dma_wait3A_74 = tpu.memref_slice %arg14[%add3A_51, %dma_wait3A_73] : memref<10496x128xf32, #tpu.memory_space<vmem_shared>> -> memref<128x128xf32, #tpu.memory_space<vmem_shared>>
      tpu.wait_dma2 semaphore(%run_scoped3A_66 : memref<!tpu.dma_semaphore, #tpu.memory_space<semaphore_mem>>) src(%dma_wait3A_74 : memref<128x128xf32, #tpu.memory_space<vmem_shared>>) dst(%arg13 : memref<128x128xf32, #tpu.memory_space<vmem>>)
      tpu.yield
    }) : () -> ()
    %add3A_52 = arith.constant 256 : i32
    %add3A_53 = arith.addi %add3A_41, %add3A_52 : i32
    "tpu.region"() ({
      %run_scoped3A_66 = tpu.sem_alloc : memref<!tpu.dma_semaphore, #tpu.memory_space<semaphore_mem>>
      %dma_start3A_67 = arith.constant 0 : i32
      %dma_start3A_68 = tpu.memref_slice %arg6[%add3A_53, %dma_start3A_67] : memref<20992x128xf32, #tpu.memory_space<hbm>> -> memref<128x128xf32, #tpu.memory_space<hbm>>
      %dma_start3A_69 = arith.constant 0 : i32
      %dma_start3A_70 = tpu.memref_slice %arg6[%add3A_53, %dma_start3A_69] : memref<20992x128xf32, #tpu.memory_space<hbm>> -> memref<128x128xf32, #tpu.memory_space<hbm>>
      tpu.enqueue_dma source(%arg13 : memref<128x128xf32, #tpu.memory_space<vmem>>) target(%dma_start3A_70 : memref<128x128xf32, #tpu.memory_space<hbm>>) target_semaphore(%run_scoped3A_66 : memref<!tpu.dma_semaphore, #tpu.memory_space<semaphore_mem>>)
      %dma_wait3A_71 = arith.constant 0 : i32
      %dma_wait3A_72 = tpu.memref_slice %arg6[%add3A_53, %dma_wait3A_71] : memref<20992x128xf32, #tpu.memory_space<hbm>> -> memref<128x128xf32, #tpu.memory_space<hbm>>
      %dma_wait3A_73 = arith.constant 0 : i32
      %dma_wait3A_74 = tpu.memref_slice %arg6[%add3A_53, %dma_wait3A_73] : memref<20992x128xf32, #tpu.memory_space<hbm>> -> memref<128x128xf32, #tpu.memory_space<hbm>>
      tpu.wait_dma2 semaphore(%run_scoped3A_66 : memref<!tpu.dma_semaphore, #tpu.memory_space<semaphore_mem>>) src(%arg13 : memref<128x128xf32, #tpu.memory_space<vmem>>) dst(%dma_wait3A_74 : memref<128x128xf32, #tpu.memory_space<hbm>>)
      tpu.yield
    }) : () -> ()
    %add3A_54 = arith.constant 384 : i32
    %add3A_55 = arith.addi %mul3A_2, %add3A_54 : i32
    "tpu.region"() ({
      %run_scoped3A_66 = tpu.sem_alloc : memref<!tpu.dma_semaphore, #tpu.memory_space<semaphore_mem>>
      %dma_start3A_67 = arith.constant 0 : i32
      %dma_start3A_68 = tpu.memref_slice %arg14[%add3A_55, %dma_start3A_67] : memref<10496x128xf32, #tpu.memory_space<vmem_shared>> -> memref<128x128xf32, #tpu.memory_space<vmem_shared>>
      %dma_start3A_69 = arith.constant 0 : i32
      %dma_start3A_70 = tpu.memref_slice %arg14[%add3A_55, %dma_start3A_69] : memref<10496x128xf32, #tpu.memory_space<vmem_shared>> -> memref<128x128xf32, #tpu.memory_space<vmem_shared>>
      tpu.enqueue_dma source(%dma_start3A_70 : memref<128x128xf32, #tpu.memory_space<vmem_shared>>) target(%arg13 : memref<128x128xf32, #tpu.memory_space<vmem>>) target_semaphore(%run_scoped3A_66 : memref<!tpu.dma_semaphore, #tpu.memory_space<semaphore_mem>>)
      %dma_wait3A_71 = arith.constant 0 : i32
      %dma_wait3A_72 = tpu.memref_slice %arg14[%add3A_55, %dma_wait3A_71] : memref<10496x128xf32, #tpu.memory_space<vmem_shared>> -> memref<128x128xf32, #tpu.memory_space<vmem_shared>>
      %dma_wait3A_73 = arith.constant 0 : i32
      %dma_wait3A_74 = tpu.memref_slice %arg14[%add3A_55, %dma_wait3A_73] : memref<10496x128xf32, #tpu.memory_space<vmem_shared>> -> memref<128x128xf32, #tpu.memory_space<vmem_shared>>
      tpu.wait_dma2 semaphore(%run_scoped3A_66 : memref<!tpu.dma_semaphore, #tpu.memory_space<semaphore_mem>>) src(%dma_wait3A_74 : memref<128x128xf32, #tpu.memory_space<vmem_shared>>) dst(%arg13 : memref<128x128xf32, #tpu.memory_space<vmem>>)
      tpu.yield
    }) : () -> ()
    %add3A_56 = arith.constant 384 : i32
    %add3A_57 = arith.addi %add3A_41, %add3A_56 : i32
    "tpu.region"() ({
      %run_scoped3A_66 = tpu.sem_alloc : memref<!tpu.dma_semaphore, #tpu.memory_space<semaphore_mem>>
      %dma_start3A_67 = arith.constant 0 : i32
      %dma_start3A_68 = tpu.memref_slice %arg6[%add3A_57, %dma_start3A_67] : memref<20992x128xf32, #tpu.memory_space<hbm>> -> memref<128x128xf32, #tpu.memory_space<hbm>>
      %dma_start3A_69 = arith.constant 0 : i32
      %dma_start3A_70 = tpu.memref_slice %arg6[%add3A_57, %dma_start3A_69] : memref<20992x128xf32, #tpu.memory_space<hbm>> -> memref<128x128xf32, #tpu.memory_space<hbm>>
      tpu.enqueue_dma source(%arg13 : memref<128x128xf32, #tpu.memory_space<vmem>>) target(%dma_start3A_70 : memref<128x128xf32, #tpu.memory_space<hbm>>) target_semaphore(%run_scoped3A_66 : memref<!tpu.dma_semaphore, #tpu.memory_space<semaphore_mem>>)
      %dma_wait3A_71 = arith.constant 0 : i32
      %dma_wait3A_72 = tpu.memref_slice %arg6[%add3A_57, %dma_wait3A_71] : memref<20992x128xf32, #tpu.memory_space<hbm>> -> memref<128x128xf32, #tpu.memory_space<hbm>>
      %dma_wait3A_73 = arith.constant 0 : i32
      %dma_wait3A_74 = tpu.memref_slice %arg6[%add3A_57, %dma_wait3A_73] : memref<20992x128xf32, #tpu.memory_space<hbm>> -> memref<128x128xf32, #tpu.memory_space<hbm>>
      tpu.wait_dma2 semaphore(%run_scoped3A_66 : memref<!tpu.dma_semaphore, #tpu.memory_space<semaphore_mem>>) src(%arg13 : memref<128x128xf32, #tpu.memory_space<vmem>>) dst(%dma_wait3A_74 : memref<128x128xf32, #tpu.memory_space<hbm>>)
      tpu.yield
    }) : () -> ()
    %add3A_58 = arith.constant 512 : i32
    %add3A_59 = arith.addi %mul3A_2, %add3A_58 : i32
    "tpu.region"() ({
      %run_scoped3A_66 = tpu.sem_alloc : memref<!tpu.dma_semaphore, #tpu.memory_space<semaphore_mem>>
      %dma_start3A_67 = arith.constant 0 : i32
      %dma_start3A_68 = tpu.memref_slice %arg14[%add3A_59, %dma_start3A_67] : memref<10496x128xf32, #tpu.memory_space<vmem_shared>> -> memref<128x128xf32, #tpu.memory_space<vmem_shared>>
      %dma_start3A_69 = arith.constant 0 : i32
      %dma_start3A_70 = tpu.memref_slice %arg14[%add3A_59, %dma_start3A_69] : memref<10496x128xf32, #tpu.memory_space<vmem_shared>> -> memref<128x128xf32, #tpu.memory_space<vmem_shared>>
      tpu.enqueue_dma source(%dma_start3A_70 : memref<128x128xf32, #tpu.memory_space<vmem_shared>>) target(%arg13 : memref<128x128xf32, #tpu.memory_space<vmem>>) target_semaphore(%run_scoped3A_66 : memref<!tpu.dma_semaphore, #tpu.memory_space<semaphore_mem>>)
      %dma_wait3A_71 = arith.constant 0 : i32
      %dma_wait3A_72 = tpu.memref_slice %arg14[%add3A_59, %dma_wait3A_71] : memref<10496x128xf32, #tpu.memory_space<vmem_shared>> -> memref<128x128xf32, #tpu.memory_space<vmem_shared>>
      %dma_wait3A_73 = arith.constant 0 : i32
      %dma_wait3A_74 = tpu.memref_slice %arg14[%add3A_59, %dma_wait3A_73] : memref<10496x128xf32, #tpu.memory_space<vmem_shared>> -> memref<128x128xf32, #tpu.memory_space<vmem_shared>>
      tpu.wait_dma2 semaphore(%run_scoped3A_66 : memref<!tpu.dma_semaphore, #tpu.memory_space<semaphore_mem>>) src(%dma_wait3A_74 : memref<128x128xf32, #tpu.memory_space<vmem_shared>>) dst(%arg13 : memref<128x128xf32, #tpu.memory_space<vmem>>)
      tpu.yield
    }) : () -> ()
    %add3A_60 = arith.constant 512 : i32
    %add3A_61 = arith.addi %add3A_41, %add3A_60 : i32
    "tpu.region"() ({
      %run_scoped3A_66 = tpu.sem_alloc : memref<!tpu.dma_semaphore, #tpu.memory_space<semaphore_mem>>
      %dma_start3A_67 = arith.constant 0 : i32
      %dma_start3A_68 = tpu.memref_slice %arg6[%add3A_61, %dma_start3A_67] : memref<20992x128xf32, #tpu.memory_space<hbm>> -> memref<128x128xf32, #tpu.memory_space<hbm>>
      %dma_start3A_69 = arith.constant 0 : i32
      %dma_start3A_70 = tpu.memref_slice %arg6[%add3A_61, %dma_start3A_69] : memref<20992x128xf32, #tpu.memory_space<hbm>> -> memref<128x128xf32, #tpu.memory_space<hbm>>
      tpu.enqueue_dma source(%arg13 : memref<128x128xf32, #tpu.memory_space<vmem>>) target(%dma_start3A_70 : memref<128x128xf32, #tpu.memory_space<hbm>>) target_semaphore(%run_scoped3A_66 : memref<!tpu.dma_semaphore, #tpu.memory_space<semaphore_mem>>)
      %dma_wait3A_71 = arith.constant 0 : i32
      %dma_wait3A_72 = tpu.memref_slice %arg6[%add3A_61, %dma_wait3A_71] : memref<20992x128xf32, #tpu.memory_space<hbm>> -> memref<128x128xf32, #tpu.memory_space<hbm>>
      %dma_wait3A_73 = arith.constant 0 : i32
      %dma_wait3A_74 = tpu.memref_slice %arg6[%add3A_61, %dma_wait3A_73] : memref<20992x128xf32, #tpu.memory_space<hbm>> -> memref<128x128xf32, #tpu.memory_space<hbm>>
      tpu.wait_dma2 semaphore(%run_scoped3A_66 : memref<!tpu.dma_semaphore, #tpu.memory_space<semaphore_mem>>) src(%arg13 : memref<128x128xf32, #tpu.memory_space<vmem>>) dst(%dma_wait3A_74 : memref<128x128xf32, #tpu.memory_space<hbm>>)
      tpu.yield
    }) : () -> ()
    %add3A_62 = arith.constant 640 : i32
    %add3A_63 = arith.addi %mul3A_2, %add3A_62 : i32
    "tpu.region"() ({
      %run_scoped3A_66 = tpu.sem_alloc : memref<!tpu.dma_semaphore, #tpu.memory_space<semaphore_mem>>
      %dma_start3A_67 = arith.constant 0 : i32
      %dma_start3A_68 = arith.constant 0 : i32
      %dma_start3A_69 = tpu.memref_slice %arg13[%dma_start3A_67, %dma_start3A_68] : memref<128x128xf32, #tpu.memory_space<vmem>> -> memref<16x128xf32, #tpu.memory_space<vmem>>
      %dma_start3A_70 = arith.constant 0 : i32
      %dma_start3A_71 = tpu.memref_slice %arg14[%add3A_63, %dma_start3A_70] : memref<10496x128xf32, #tpu.memory_space<vmem_shared>> -> memref<16x128xf32, #tpu.memory_space<vmem_shared>>
      %dma_start3A_72 = arith.constant 0 : i32
      %dma_start3A_73 = arith.constant 0 : i32
      %dma_start3A_74 = tpu.memref_slice %arg13[%dma_start3A_72, %dma_start3A_73] : memref<128x128xf32, #tpu.memory_space<vmem>> -> memref<16x128xf32, #tpu.memory_space<vmem>>
      %dma_start3A_75 = arith.constant 0 : i32
      %dma_start3A_76 = tpu.memref_slice %arg14[%add3A_63, %dma_start3A_75] : memref<10496x128xf32, #tpu.memory_space<vmem_shared>> -> memref<16x128xf32, #tpu.memory_space<vmem_shared>>
      tpu.enqueue_dma source(%dma_start3A_76 : memref<16x128xf32, #tpu.memory_space<vmem_shared>>) target(%dma_start3A_74 : memref<16x128xf32, #tpu.memory_space<vmem>>) target_semaphore(%run_scoped3A_66 : memref<!tpu.dma_semaphore, #tpu.memory_space<semaphore_mem>>)
      %dma_wait3A_77 = arith.constant 0 : i32
      %dma_wait3A_78 = arith.constant 0 : i32
      %dma_wait3A_79 = tpu.memref_slice %arg13[%dma_wait3A_77, %dma_wait3A_78] : memref<128x128xf32, #tpu.memory_space<vmem>> -> memref<16x128xf32, #tpu.memory_space<vmem>>
      %dma_wait3A_80 = arith.constant 0 : i32
      %dma_wait3A_81 = tpu.memref_slice %arg14[%add3A_63, %dma_wait3A_80] : memref<10496x128xf32, #tpu.memory_space<vmem_shared>> -> memref<16x128xf32, #tpu.memory_space<vmem_shared>>
      %dma_wait3A_82 = arith.constant 0 : i32
      %dma_wait3A_83 = arith.constant 0 : i32
      %dma_wait3A_84 = tpu.memref_slice %arg13[%dma_wait3A_82, %dma_wait3A_83] : memref<128x128xf32, #tpu.memory_space<vmem>> -> memref<16x128xf32, #tpu.memory_space<vmem>>
      %dma_wait3A_85 = arith.constant 0 : i32
      %dma_wait3A_86 = tpu.memref_slice %arg14[%add3A_63, %dma_wait3A_85] : memref<10496x128xf32, #tpu.memory_space<vmem_shared>> -> memref<16x128xf32, #tpu.memory_space<vmem_shared>>
      tpu.wait_dma2 semaphore(%run_scoped3A_66 : memref<!tpu.dma_semaphore, #tpu.memory_space<semaphore_mem>>) src(%dma_wait3A_86 : memref<16x128xf32, #tpu.memory_space<vmem_shared>>) dst(%dma_wait3A_84 : memref<16x128xf32, #tpu.memory_space<vmem>>)
      tpu.yield
    }) : () -> ()
    %add3A_64 = arith.constant 640 : i32
    %add3A_65 = arith.addi %add3A_41, %add3A_64 : i32
    "tpu.region"() ({
      %run_scoped3A_66 = tpu.sem_alloc : memref<!tpu.dma_semaphore, #tpu.memory_space<semaphore_mem>>
      %dma_start3A_67 = arith.constant 0 : i32
      %dma_start3A_68 = arith.constant 0 : i32
      %dma_start3A_69 = tpu.memref_slice %arg13[%dma_start3A_67, %dma_start3A_68] : memref<128x128xf32, #tpu.memory_space<vmem>> -> memref<16x128xf32, #tpu.memory_space<vmem>>
      %dma_start3A_70 = arith.constant 0 : i32
      %dma_start3A_71 = tpu.memref_slice %arg6[%add3A_65, %dma_start3A_70] : memref<20992x128xf32, #tpu.memory_space<hbm>> -> memref<16x128xf32, #tpu.memory_space<hbm>>
      %dma_start3A_72 = arith.constant 0 : i32
      %dma_start3A_73 = tpu.memref_slice %arg6[%add3A_65, %dma_start3A_72] : memref<20992x128xf32, #tpu.memory_space<hbm>> -> memref<16x128xf32, #tpu.memory_space<hbm>>
      %dma_start3A_74 = arith.constant 0 : i32
      %dma_start3A_75 = arith.constant 0 : i32
      %dma_start3A_76 = tpu.memref_slice %arg13[%dma_start3A_74, %dma_start3A_75] : memref<128x128xf32, #tpu.memory_space<vmem>> -> memref<16x128xf32, #tpu.memory_space<vmem>>
      tpu.enqueue_dma source(%dma_start3A_76 : memref<16x128xf32, #tpu.memory_space<vmem>>) target(%dma_start3A_73 : memref<16x128xf32, #tpu.memory_space<hbm>>) target_semaphore(%run_scoped3A_66 : memref<!tpu.dma_semaphore, #tpu.memory_space<semaphore_mem>>)
      %dma_wait3A_77 = arith.constant 0 : i32
      %dma_wait3A_78 = arith.constant 0 : i32
      %dma_wait3A_79 = tpu.memref_slice %arg13[%dma_wait3A_77, %dma_wait3A_78] : memref<128x128xf32, #tpu.memory_space<vmem>> -> memref<16x128xf32, #tpu.memory_space<vmem>>
      %dma_wait3A_80 = arith.constant 0 : i32
      %dma_wait3A_81 = tpu.memref_slice %arg6[%add3A_65, %dma_wait3A_80] : memref<20992x128xf32, #tpu.memory_space<hbm>> -> memref<16x128xf32, #tpu.memory_space<hbm>>
      %dma_wait3A_82 = arith.constant 0 : i32
      %dma_wait3A_83 = tpu.memref_slice %arg6[%add3A_65, %dma_wait3A_82] : memref<20992x128xf32, #tpu.memory_space<hbm>> -> memref<16x128xf32, #tpu.memory_space<hbm>>
      %dma_wait3A_84 = arith.constant 0 : i32
      %dma_wait3A_85 = arith.constant 0 : i32
      %dma_wait3A_86 = tpu.memref_slice %arg13[%dma_wait3A_84, %dma_wait3A_85] : memref<128x128xf32, #tpu.memory_space<vmem>> -> memref<16x128xf32, #tpu.memory_space<vmem>>
      tpu.wait_dma2 semaphore(%run_scoped3A_66 : memref<!tpu.dma_semaphore, #tpu.memory_space<semaphore_mem>>) src(%dma_wait3A_86 : memref<16x128xf32, #tpu.memory_space<vmem>>) dst(%dma_wait3A_83 : memref<16x128xf32, #tpu.memory_space<hbm>>)
      tpu.yield
    }) : () -> ()
    return
  }
}

#map = affine_map<(d0, d1) -> (0, 0)>
#map1 = affine_map<(d0, d1) -> (0)>
module attributes {stable_mosaic.version = 14 : i64} {
  func.func @body(%arg0: i32, %arg1: i32, %arg2: memref<10496x128xf32, #tpu.memory_space<hbm>>, %arg3: memref<320000xi32, #tpu.memory_space<hbm>>, %arg4: memref<320000xi32, #tpu.memory_space<hbm>>, %arg5: memref<128x128xf32, #tpu.memory_space<hbm>>, %arg6: memref<20992x128xf32, #tpu.memory_space<hbm>>, %arg7: memref<1x128xi32, #tpu.memory_space<vmem>>, %arg8: memref<1x128xi32, #tpu.memory_space<vmem>>, %arg9: memref<128x128xf32, #tpu.memory_space<vmem>>, %arg10: memref<1x16xi32, #tpu.memory_space<vmem>>, %arg11: memref<1x16xi32, #tpu.memory_space<vmem>>, %arg12: memref<16x128xf32, #tpu.memory_space<vmem>>, %arg13: memref<128x128xf32, #tpu.memory_space<vmem>>, %arg14: memref<10496x128xf32, #tpu.memory_space<vmem_shared>>, %arg15: memref<!tpu.dma_semaphore, #tpu.memory_space<semaphore_mem>>) attributes {dimension_semantics = [#tpu.dimension_semantics<core_parallel>, #tpu.dimension_semantics<subcore_parallel>], iteration_bounds = array<i64: 2, 16>, scalar_prefetch = 0 : i64, scratch_operands = 9 : i64, tpu.core_type = #tpu.core_type<sc_vector_subcore>, window_params = [{transform_indices = #map}, {transform_indices = #map1}, {transform_indices = #map1}, {transform_indices = #map}, {transform_indices = #map}]} {
    %mul3A = arith.constant 16 : i32
    %mul3A_0 = arith.muli %arg0, %mul3A : i32
    %add3A = arith.addi %mul3A_0, %arg1 : i32
    %mul3A_1 = arith.constant 656 : i32
    %mul3A_2 = arith.muli %arg1, %mul3A_1 : i32
    "tpu.region"() ({
      %run_scoped3A_66 = tpu.sem_alloc : memref<!tpu.dma_semaphore, #tpu.memory_space<semaphore_mem>>
      tpu.enqueue_dma source(%arg5 : memref<128x128xf32, #tpu.memory_space<hbm>>) target(%arg13 : memref<128x128xf32, #tpu.memory_space<vmem>>) target_semaphore(%run_scoped3A_66 : memref<!tpu.dma_semaphore, #tpu.memory_space<semaphore_mem>>)
      tpu.wait_dma2 semaphore(%run_scoped3A_66 : memref<!tpu.dma_semaphore, #tpu.memory_space<semaphore_mem>>) src(%arg5 : memref<128x128xf32, #tpu.memory_space<hbm>>) dst(%arg13 : memref<128x128xf32, #tpu.memory_space<vmem>>)
      tpu.yield
    }) : () -> ()
    %add3A_3 = arith.constant 0 : i32
    %add3A_4 = arith.addi %mul3A_2, %add3A_3 : i32
    "tpu.region"() ({
      %run_scoped3A_66 = tpu.sem_alloc : memref<!tpu.dma_semaphore, #tpu.memory_space<semaphore_mem>>
      %dma_start3A_67 = arith.constant 0 : i32
      %dma_start3A_68 = tpu.memref_slice %arg14[%add3A_4, %dma_start3A_67] : memref<10496x128xf32, #tpu.memory_space<vmem_shared>> -> memref<128x128xf32, #tpu.memory_space<vmem_shared>>
      %dma_start3A_69 = arith.constant 0 : i32
      %dma_start3A_70 = tpu.memref_slice %arg14[%add3A_4, %dma_start3A_69] : memref<10496x128xf32, #tpu.memory_space<vmem_shared>> -> memref<128x128xf32, #tpu.memory_space<vmem_shared>>
      tpu.enqueue_dma source(%arg13 : memref<128x128xf32, #tpu.memory_space<vmem>>) target(%dma_start3A_70 : memref<128x128xf32, #tpu.memory_space<vmem_shared>>) target_semaphore(%run_scoped3A_66 : memref<!tpu.dma_semaphore, #tpu.memory_space<semaphore_mem>>)
      %dma_wait3A_71 = arith.constant 0 : i32
      %dma_wait3A_72 = tpu.memref_slice %arg14[%add3A_4, %dma_wait3A_71] : memref<10496x128xf32, #tpu.memory_space<vmem_shared>> -> memref<128x128xf32, #tpu.memory_space<vmem_shared>>
      %dma_wait3A_73 = arith.constant 0 : i32
      %dma_wait3A_74 = tpu.memref_slice %arg14[%add3A_4, %dma_wait3A_73] : memref<10496x128xf32, #tpu.memory_space<vmem_shared>> -> memref<128x128xf32, #tpu.memory_space<vmem_shared>>
      tpu.wait_dma2 semaphore(%run_scoped3A_66 : memref<!tpu.dma_semaphore, #tpu.memory_space<semaphore_mem>>) src(%arg13 : memref<128x128xf32, #tpu.memory_space<vmem>>) dst(%dma_wait3A_74 : memref<128x128xf32, #tpu.memory_space<vmem_shared>>)
      tpu.yield
    }) : () -> ()
    %add3A_5 = arith.constant 128 : i32
    %add3A_6 = arith.addi %mul3A_2, %add3A_5 : i32
    "tpu.region"() ({
      %run_scoped3A_66 = tpu.sem_alloc : memref<!tpu.dma_semaphore, #tpu.memory_space<semaphore_mem>>
      %dma_start3A_67 = arith.constant 0 : i32
      %dma_start3A_68 = tpu.memref_slice %arg14[%add3A_6, %dma_start3A_67] : memref<10496x128xf32, #tpu.memory_space<vmem_shared>> -> memref<128x128xf32, #tpu.memory_space<vmem_shared>>
      %dma_start3A_69 = arith.constant 0 : i32
      %dma_start3A_70 = tpu.memref_slice %arg14[%add3A_6, %dma_start3A_69] : memref<10496x128xf32, #tpu.memory_space<vmem_shared>> -> memref<128x128xf32, #tpu.memory_space<vmem_shared>>
      tpu.enqueue_dma source(%arg13 : memref<128x128xf32, #tpu.memory_space<vmem>>) target(%dma_start3A_70 : memref<128x128xf32, #tpu.memory_space<vmem_shared>>) target_semaphore(%run_scoped3A_66 : memref<!tpu.dma_semaphore, #tpu.memory_space<semaphore_mem>>)
      %dma_wait3A_71 = arith.constant 0 : i32
      %dma_wait3A_72 = tpu.memref_slice %arg14[%add3A_6, %dma_wait3A_71] : memref<10496x128xf32, #tpu.memory_space<vmem_shared>> -> memref<128x128xf32, #tpu.memory_space<vmem_shared>>
      %dma_wait3A_73 = arith.constant 0 : i32
      %dma_wait3A_74 = tpu.memref_slice %arg14[%add3A_6, %dma_wait3A_73] : memref<10496x128xf32, #tpu.memory_space<vmem_shared>> -> memref<128x128xf32, #tpu.memory_space<vmem_shared>>
      tpu.wait_dma2 semaphore(%run_scoped3A_66 : memref<!tpu.dma_semaphore, #tpu.memory_space<semaphore_mem>>) src(%arg13 : memref<128x128xf32, #tpu.memory_space<vmem>>) dst(%dma_wait3A_74 : memref<128x128xf32, #tpu.memory_space<vmem_shared>>)
      tpu.yield
    }) : () -> ()
    %add3A_7 = arith.constant 256 : i32
    %add3A_8 = arith.addi %mul3A_2, %add3A_7 : i32
    "tpu.region"() ({
      %run_scoped3A_66 = tpu.sem_alloc : memref<!tpu.dma_semaphore, #tpu.memory_space<semaphore_mem>>
      %dma_start3A_67 = arith.constant 0 : i32
      %dma_start3A_68 = tpu.memref_slice %arg14[%add3A_8, %dma_start3A_67] : memref<10496x128xf32, #tpu.memory_space<vmem_shared>> -> memref<128x128xf32, #tpu.memory_space<vmem_shared>>
      %dma_start3A_69 = arith.constant 0 : i32
      %dma_start3A_70 = tpu.memref_slice %arg14[%add3A_8, %dma_start3A_69] : memref<10496x128xf32, #tpu.memory_space<vmem_shared>> -> memref<128x128xf32, #tpu.memory_space<vmem_shared>>
      tpu.enqueue_dma source(%arg13 : memref<128x128xf32, #tpu.memory_space<vmem>>) target(%dma_start3A_70 : memref<128x128xf32, #tpu.memory_space<vmem_shared>>) target_semaphore(%run_scoped3A_66 : memref<!tpu.dma_semaphore, #tpu.memory_space<semaphore_mem>>)
      %dma_wait3A_71 = arith.constant 0 : i32
      %dma_wait3A_72 = tpu.memref_slice %arg14[%add3A_8, %dma_wait3A_71] : memref<10496x128xf32, #tpu.memory_space<vmem_shared>> -> memref<128x128xf32, #tpu.memory_space<vmem_shared>>
      %dma_wait3A_73 = arith.constant 0 : i32
      %dma_wait3A_74 = tpu.memref_slice %arg14[%add3A_8, %dma_wait3A_73] : memref<10496x128xf32, #tpu.memory_space<vmem_shared>> -> memref<128x128xf32, #tpu.memory_space<vmem_shared>>
      tpu.wait_dma2 semaphore(%run_scoped3A_66 : memref<!tpu.dma_semaphore, #tpu.memory_space<semaphore_mem>>) src(%arg13 : memref<128x128xf32, #tpu.memory_space<vmem>>) dst(%dma_wait3A_74 : memref<128x128xf32, #tpu.memory_space<vmem_shared>>)
      tpu.yield
    }) : () -> ()
    %add3A_9 = arith.constant 384 : i32
    %add3A_10 = arith.addi %mul3A_2, %add3A_9 : i32
    "tpu.region"() ({
      %run_scoped3A_66 = tpu.sem_alloc : memref<!tpu.dma_semaphore, #tpu.memory_space<semaphore_mem>>
      %dma_start3A_67 = arith.constant 0 : i32
      %dma_start3A_68 = tpu.memref_slice %arg14[%add3A_10, %dma_start3A_67] : memref<10496x128xf32, #tpu.memory_space<vmem_shared>> -> memref<128x128xf32, #tpu.memory_space<vmem_shared>>
      %dma_start3A_69 = arith.constant 0 : i32
      %dma_start3A_70 = tpu.memref_slice %arg14[%add3A_10, %dma_start3A_69] : memref<10496x128xf32, #tpu.memory_space<vmem_shared>> -> memref<128x128xf32, #tpu.memory_space<vmem_shared>>
      tpu.enqueue_dma source(%arg13 : memref<128x128xf32, #tpu.memory_space<vmem>>) target(%dma_start3A_70 : memref<128x128xf32, #tpu.memory_space<vmem_shared>>) target_semaphore(%run_scoped3A_66 : memref<!tpu.dma_semaphore, #tpu.memory_space<semaphore_mem>>)
      %dma_wait3A_71 = arith.constant 0 : i32
      %dma_wait3A_72 = tpu.memref_slice %arg14[%add3A_10, %dma_wait3A_71] : memref<10496x128xf32, #tpu.memory_space<vmem_shared>> -> memref<128x128xf32, #tpu.memory_space<vmem_shared>>
      %dma_wait3A_73 = arith.constant 0 : i32
      %dma_wait3A_74 = tpu.memref_slice %arg14[%add3A_10, %dma_wait3A_73] : memref<10496x128xf32, #tpu.memory_space<vmem_shared>> -> memref<128x128xf32, #tpu.memory_space<vmem_shared>>
      tpu.wait_dma2 semaphore(%run_scoped3A_66 : memref<!tpu.dma_semaphore, #tpu.memory_space<semaphore_mem>>) src(%arg13 : memref<128x128xf32, #tpu.memory_space<vmem>>) dst(%dma_wait3A_74 : memref<128x128xf32, #tpu.memory_space<vmem_shared>>)
      tpu.yield
    }) : () -> ()
    %add3A_11 = arith.constant 512 : i32
    %add3A_12 = arith.addi %mul3A_2, %add3A_11 : i32
    "tpu.region"() ({
      %run_scoped3A_66 = tpu.sem_alloc : memref<!tpu.dma_semaphore, #tpu.memory_space<semaphore_mem>>
      %dma_start3A_67 = arith.constant 0 : i32
      %dma_start3A_68 = tpu.memref_slice %arg14[%add3A_12, %dma_start3A_67] : memref<10496x128xf32, #tpu.memory_space<vmem_shared>> -> memref<128x128xf32, #tpu.memory_space<vmem_shared>>
      %dma_start3A_69 = arith.constant 0 : i32
      %dma_start3A_70 = tpu.memref_slice %arg14[%add3A_12, %dma_start3A_69] : memref<10496x128xf32, #tpu.memory_space<vmem_shared>> -> memref<128x128xf32, #tpu.memory_space<vmem_shared>>
      tpu.enqueue_dma source(%arg13 : memref<128x128xf32, #tpu.memory_space<vmem>>) target(%dma_start3A_70 : memref<128x128xf32, #tpu.memory_space<vmem_shared>>) target_semaphore(%run_scoped3A_66 : memref<!tpu.dma_semaphore, #tpu.memory_space<semaphore_mem>>)
      %dma_wait3A_71 = arith.constant 0 : i32
      %dma_wait3A_72 = tpu.memref_slice %arg14[%add3A_12, %dma_wait3A_71] : memref<10496x128xf32, #tpu.memory_space<vmem_shared>> -> memref<128x128xf32, #tpu.memory_space<vmem_shared>>
      %dma_wait3A_73 = arith.constant 0 : i32
      %dma_wait3A_74 = tpu.memref_slice %arg14[%add3A_12, %dma_wait3A_73] : memref<10496x128xf32, #tpu.memory_space<vmem_shared>> -> memref<128x128xf32, #tpu.memory_space<vmem_shared>>
      tpu.wait_dma2 semaphore(%run_scoped3A_66 : memref<!tpu.dma_semaphore, #tpu.memory_space<semaphore_mem>>) src(%arg13 : memref<128x128xf32, #tpu.memory_space<vmem>>) dst(%dma_wait3A_74 : memref<128x128xf32, #tpu.memory_space<vmem_shared>>)
      tpu.yield
    }) : () -> ()
    %add3A_13 = arith.constant 640 : i32
    %add3A_14 = arith.addi %mul3A_2, %add3A_13 : i32
    "tpu.region"() ({
      %run_scoped3A_66 = tpu.sem_alloc : memref<!tpu.dma_semaphore, #tpu.memory_space<semaphore_mem>>
      %dma_start3A_67 = arith.constant 0 : i32
      %dma_start3A_68 = arith.constant 0 : i32
      %dma_start3A_69 = tpu.memref_slice %arg13[%dma_start3A_67, %dma_start3A_68] : memref<128x128xf32, #tpu.memory_space<vmem>> -> memref<16x128xf32, #tpu.memory_space<vmem>>
      %dma_start3A_70 = arith.constant 0 : i32
      %dma_start3A_71 = tpu.memref_slice %arg14[%add3A_14, %dma_start3A_70] : memref<10496x128xf32, #tpu.memory_space<vmem_shared>> -> memref<16x128xf32, #tpu.memory_space<vmem_shared>>
      %dma_start3A_72 = arith.constant 0 : i32
      %dma_start3A_73 = tpu.memref_slice %arg14[%add3A_14, %dma_start3A_72] : memref<10496x128xf32, #tpu.memory_space<vmem_shared>> -> memref<16x128xf32, #tpu.memory_space<vmem_shared>>
      %dma_start3A_74 = arith.constant 0 : i32
      %dma_start3A_75 = arith.constant 0 : i32
      %dma_start3A_76 = tpu.memref_slice %arg13[%dma_start3A_74, %dma_start3A_75] : memref<128x128xf32, #tpu.memory_space<vmem>> -> memref<16x128xf32, #tpu.memory_space<vmem>>
      tpu.enqueue_dma source(%dma_start3A_76 : memref<16x128xf32, #tpu.memory_space<vmem>>) target(%dma_start3A_73 : memref<16x128xf32, #tpu.memory_space<vmem_shared>>) target_semaphore(%run_scoped3A_66 : memref<!tpu.dma_semaphore, #tpu.memory_space<semaphore_mem>>)
      %dma_wait3A_77 = arith.constant 0 : i32
      %dma_wait3A_78 = arith.constant 0 : i32
      %dma_wait3A_79 = tpu.memref_slice %arg13[%dma_wait3A_77, %dma_wait3A_78] : memref<128x128xf32, #tpu.memory_space<vmem>> -> memref<16x128xf32, #tpu.memory_space<vmem>>
      %dma_wait3A_80 = arith.constant 0 : i32
      %dma_wait3A_81 = tpu.memref_slice %arg14[%add3A_14, %dma_wait3A_80] : memref<10496x128xf32, #tpu.memory_space<vmem_shared>> -> memref<16x128xf32, #tpu.memory_space<vmem_shared>>
      %dma_wait3A_82 = arith.constant 0 : i32
      %dma_wait3A_83 = tpu.memref_slice %arg14[%add3A_14, %dma_wait3A_82] : memref<10496x128xf32, #tpu.memory_space<vmem_shared>> -> memref<16x128xf32, #tpu.memory_space<vmem_shared>>
      %dma_wait3A_84 = arith.constant 0 : i32
      %dma_wait3A_85 = arith.constant 0 : i32
      %dma_wait3A_86 = tpu.memref_slice %arg13[%dma_wait3A_84, %dma_wait3A_85] : memref<128x128xf32, #tpu.memory_space<vmem>> -> memref<16x128xf32, #tpu.memory_space<vmem>>
      tpu.wait_dma2 semaphore(%run_scoped3A_66 : memref<!tpu.dma_semaphore, #tpu.memory_space<semaphore_mem>>) src(%dma_wait3A_86 : memref<16x128xf32, #tpu.memory_space<vmem>>) dst(%dma_wait3A_83 : memref<16x128xf32, #tpu.memory_space<vmem_shared>>)
      tpu.yield
    }) : () -> ()
    %barrier3A = arith.constant 0 : index
    tpu.barrier barrier_id(%barrier3A)
    %mul3A_15 = arith.constant 10000 : i32
    %mul3A_16 = arith.muli %add3A, %mul3A_15 : i32
    %scan3A = arith.constant 0 : i32
    %scan3A_17 = arith.constant 0 : i32
    %scan3A_18 = arith.constant 78 : i32
    %scan3A_19 = arith.addi %scan3A_17, %scan3A_18 : i32
    %scan3A_20 = arith.constant 1 : i32
    scf.for %scan3A_66 = %scan3A_17 to %scan3A_19 step %scan3A_20  : i32 {
      %mul3A_67 = arith.constant 128 : i32
      %mul3A_68 = arith.muli %scan3A_66, %mul3A_67 : i32
      %add3A_69 = arith.addi %mul3A_16, %mul3A_68 : i32
      %multiple_of3A_70 = tpu.assume_multiple %add3A_69, 8 : i32
      %run_scoped3A_71 = arith.constant 0 : i32
      "tpu.region"() ({
        %run_scoped3A_88 = tpu.sem_alloc : memref<!tpu.dma_semaphore, #tpu.memory_space<semaphore_mem>>
        %dma_start3A_89 = arith.constant 0 : i32
        %dma_start3A_90 = tpu.memref_slice %arg7[%run_scoped3A_71, %dma_start3A_89] : memref<1x128xi32, #tpu.memory_space<vmem>> -> memref<1x128xi32, #tpu.memory_space<vmem>>
        %dma_start3A_91 = tpu.memref_squeeze %dma_start3A_90 : memref<1x128xi32, #tpu.memory_space<vmem>> -> memref<128xi32, #tpu.memory_space<vmem>>
        %dma_start3A_92 = tpu.memref_slice %arg3[%multiple_of3A_70] : memref<320000xi32, #tpu.memory_space<hbm>> -> memref<128xi32, #tpu.memory_space<hbm>>
        %dma_start3A_93 = arith.constant 0 : i32
        %dma_start3A_94 = tpu.memref_slice %arg7[%run_scoped3A_71, %dma_start3A_93] : memref<1x128xi32, #tpu.memory_space<vmem>> -> memref<1x128xi32, #tpu.memory_space<vmem>>
        %dma_start3A_95 = tpu.memref_squeeze %dma_start3A_94 : memref<1x128xi32, #tpu.memory_space<vmem>> -> memref<128xi32, #tpu.memory_space<vmem>>
        %dma_start3A_96 = tpu.memref_slice %arg3[%multiple_of3A_70] : memref<320000xi32, #tpu.memory_space<hbm>> -> memref<128xi32, #tpu.memory_space<hbm>>
        tpu.enqueue_dma source(%dma_start3A_96 : memref<128xi32, #tpu.memory_space<hbm>>) target(%dma_start3A_95 : memref<128xi32, #tpu.memory_space<vmem>>) target_semaphore(%run_scoped3A_88 : memref<!tpu.dma_semaphore, #tpu.memory_space<semaphore_mem>>)
        %dma_wait3A_97 = arith.constant 0 : i32
        %dma_wait3A_98 = tpu.memref_slice %arg7[%run_scoped3A_71, %dma_wait3A_97] : memref<1x128xi32, #tpu.memory_space<vmem>> -> memref<1x128xi32, #tpu.memory_space<vmem>>
        %dma_wait3A_99 = tpu.memref_squeeze %dma_wait3A_98 : memref<1x128xi32, #tpu.memory_space<vmem>> -> memref<128xi32, #tpu.memory_space<vmem>>
        %dma_wait3A_100 = tpu.memref_slice %arg3[%multiple_of3A_70] : memref<320000xi32, #tpu.memory_space<hbm>> -> memref<128xi32, #tpu.memory_space<hbm>>
        %dma_wait3A_101 = arith.constant 0 : i32
        %dma_wait3A_102 = tpu.memref_slice %arg7[%run_scoped3A_71, %dma_wait3A_101] : memref<1x128xi32, #tpu.memory_space<vmem>> -> memref<1x128xi32, #tpu.memory_space<vmem>>
        %dma_wait3A_103 = tpu.memref_squeeze %dma_wait3A_102 : memref<1x128xi32, #tpu.memory_space<vmem>> -> memref<128xi32, #tpu.memory_space<vmem>>
        %dma_wait3A_104 = tpu.memref_slice %arg3[%multiple_of3A_70] : memref<320000xi32, #tpu.memory_space<hbm>> -> memref<128xi32, #tpu.memory_space<hbm>>
        tpu.wait_dma2 semaphore(%run_scoped3A_88 : memref<!tpu.dma_semaphore, #tpu.memory_space<semaphore_mem>>) src(%dma_wait3A_104 : memref<128xi32, #tpu.memory_space<hbm>>) dst(%dma_wait3A_103 : memref<128xi32, #tpu.memory_space<vmem>>)
        tpu.yield
      }) : () -> ()
      %run_scoped3A_72 = arith.constant 0 : i32
      "tpu.region"() ({
        %run_scoped3A_88 = tpu.sem_alloc : memref<!tpu.dma_semaphore, #tpu.memory_space<semaphore_mem>>
        %dma_start3A_89 = arith.constant 0 : i32
        %dma_start3A_90 = tpu.memref_slice %arg8[%run_scoped3A_72, %dma_start3A_89] : memref<1x128xi32, #tpu.memory_space<vmem>> -> memref<1x128xi32, #tpu.memory_space<vmem>>
        %dma_start3A_91 = tpu.memref_squeeze %dma_start3A_90 : memref<1x128xi32, #tpu.memory_space<vmem>> -> memref<128xi32, #tpu.memory_space<vmem>>
        %dma_start3A_92 = tpu.memref_slice %arg4[%multiple_of3A_70] : memref<320000xi32, #tpu.memory_space<hbm>> -> memref<128xi32, #tpu.memory_space<hbm>>
        %dma_start3A_93 = arith.constant 0 : i32
        %dma_start3A_94 = tpu.memref_slice %arg8[%run_scoped3A_72, %dma_start3A_93] : memref<1x128xi32, #tpu.memory_space<vmem>> -> memref<1x128xi32, #tpu.memory_space<vmem>>
        %dma_start3A_95 = tpu.memref_squeeze %dma_start3A_94 : memref<1x128xi32, #tpu.memory_space<vmem>> -> memref<128xi32, #tpu.memory_space<vmem>>
        %dma_start3A_96 = tpu.memref_slice %arg4[%multiple_of3A_70] : memref<320000xi32, #tpu.memory_space<hbm>> -> memref<128xi32, #tpu.memory_space<hbm>>
        tpu.enqueue_dma source(%dma_start3A_96 : memref<128xi32, #tpu.memory_space<hbm>>) target(%dma_start3A_95 : memref<128xi32, #tpu.memory_space<vmem>>) target_semaphore(%run_scoped3A_88 : memref<!tpu.dma_semaphore, #tpu.memory_space<semaphore_mem>>)
        %dma_wait3A_97 = arith.constant 0 : i32
        %dma_wait3A_98 = tpu.memref_slice %arg8[%run_scoped3A_72, %dma_wait3A_97] : memref<1x128xi32, #tpu.memory_space<vmem>> -> memref<1x128xi32, #tpu.memory_space<vmem>>
        %dma_wait3A_99 = tpu.memref_squeeze %dma_wait3A_98 : memref<1x128xi32, #tpu.memory_space<vmem>> -> memref<128xi32, #tpu.memory_space<vmem>>
        %dma_wait3A_100 = tpu.memref_slice %arg4[%multiple_of3A_70] : memref<320000xi32, #tpu.memory_space<hbm>> -> memref<128xi32, #tpu.memory_space<hbm>>
        %dma_wait3A_101 = arith.constant 0 : i32
        %dma_wait3A_102 = tpu.memref_slice %arg8[%run_scoped3A_72, %dma_wait3A_101] : memref<1x128xi32, #tpu.memory_space<vmem>> -> memref<1x128xi32, #tpu.memory_space<vmem>>
        %dma_wait3A_103 = tpu.memref_squeeze %dma_wait3A_102 : memref<1x128xi32, #tpu.memory_space<vmem>> -> memref<128xi32, #tpu.memory_space<vmem>>
        %dma_wait3A_104 = tpu.memref_slice %arg4[%multiple_of3A_70] : memref<320000xi32, #tpu.memory_space<hbm>> -> memref<128xi32, #tpu.memory_space<hbm>>
        tpu.wait_dma2 semaphore(%run_scoped3A_88 : memref<!tpu.dma_semaphore, #tpu.memory_space<semaphore_mem>>) src(%dma_wait3A_104 : memref<128xi32, #tpu.memory_space<hbm>>) dst(%dma_wait3A_103 : memref<128xi32, #tpu.memory_space<vmem>>)
        tpu.yield
      }) : () -> ()
      %dma_start3A_73 = arith.constant 0 : i32
      %dma_start3A_74 = arith.constant 0 : i32
      %dma_start3A_75 = tpu.memref_slice %arg7[%dma_start3A_73, %dma_start3A_74] : memref<1x128xi32, #tpu.memory_space<vmem>> -> memref<1x128xi32, #tpu.memory_space<vmem>>
      %dma_start3A_76 = tpu.memref_squeeze %dma_start3A_75 : memref<1x128xi32, #tpu.memory_space<vmem>> -> memref<128xi32, #tpu.memory_space<vmem>>
      %dma_start3A_77 = arith.constant 0 : i32
      %dma_start3A_78 = arith.constant 0 : i32
      %dma_start3A_79 = tpu.memref_slice %arg2[%dma_start3A_77, %dma_start3A_78] : memref<10496x128xf32, #tpu.memory_space<hbm>> -> memref<10496x128xf32, #tpu.memory_space<hbm>>
      tpu.enqueue_indirect_dma source(%dma_start3A_79 : memref<10496x128xf32, #tpu.memory_space<hbm>>) target(%arg9 : memref<128x128xf32, #tpu.memory_space<vmem>>) offsets(%dma_start3A_76 : memref<128xi32, #tpu.memory_space<vmem>>) semaphore(%arg15 : memref<!tpu.dma_semaphore, #tpu.memory_space<semaphore_mem>>)
      %dma_wait3A_80 = arith.constant 0 : i32
      %dma_wait3A_81 = arith.constant 0 : i32
      %dma_wait3A_82 = tpu.memref_slice %arg7[%dma_wait3A_80, %dma_wait3A_81] : memref<1x128xi32, #tpu.memory_space<vmem>> -> memref<1x128xi32, #tpu.memory_space<vmem>>
      %dma_wait3A_83 = tpu.memref_squeeze %dma_wait3A_82 : memref<1x128xi32, #tpu.memory_space<vmem>> -> memref<128xi32, #tpu.memory_space<vmem>>
      %dma_wait3A_84 = arith.constant 0 : i32
      %dma_wait3A_85 = arith.constant 0 : i32
      %dma_wait3A_86 = tpu.memref_slice %arg2[%dma_wait3A_84, %dma_wait3A_85] : memref<10496x128xf32, #tpu.memory_space<hbm>> -> memref<10496x128xf32, #tpu.memory_space<hbm>>
      tpu.wait_indirect_dma semaphore(%arg15 : memref<!tpu.dma_semaphore, #tpu.memory_space<semaphore_mem>>) src(%dma_wait3A_86 : memref<10496x128xf32, #tpu.memory_space<hbm>>) dst(%arg9 : memref<128x128xf32, #tpu.memory_space<vmem>>)
      %run_scoped3A_87 = arith.constant 0 : i32
      "tpu.region"() ({
        %run_scoped3A_88 = tpu.sem_alloc : memref<!tpu.dma_semaphore, #tpu.memory_space<semaphore_mem>>
        %dma_start3A_89 = arith.constant 0 : i32
        %dma_start3A_90 = tpu.memref_slice %arg8[%run_scoped3A_87, %dma_start3A_89] : memref<1x128xi32, #tpu.memory_space<vmem>> -> memref<1x128xi32, #tpu.memory_space<vmem>>
        %dma_start3A_91 = tpu.memref_squeeze %dma_start3A_90 : memref<1x128xi32, #tpu.memory_space<vmem>> -> memref<128xi32, #tpu.memory_space<vmem>>
        %dma_start3A_92 = arith.constant 0 : i32
        %dma_start3A_93 = arith.constant 0 : i32
        %dma_start3A_94 = tpu.memref_slice %arg14[%dma_start3A_92, %dma_start3A_93] : memref<10496x128xf32, #tpu.memory_space<vmem_shared>> -> memref<10496x128xf32, #tpu.memory_space<vmem_shared>>
        tpu.enqueue_indirect_dma source(%arg9 : memref<128x128xf32, #tpu.memory_space<vmem>>) target(%dma_start3A_94 : memref<10496x128xf32, #tpu.memory_space<vmem_shared>>) offsets(%dma_start3A_91 : memref<128xi32, #tpu.memory_space<vmem>>) semaphore(%run_scoped3A_88 : memref<!tpu.dma_semaphore, #tpu.memory_space<semaphore_mem>>) {add = true}
        %dma_wait3A_95 = arith.constant 0 : i32
        %dma_wait3A_96 = tpu.memref_slice %arg8[%run_scoped3A_87, %dma_wait3A_95] : memref<1x128xi32, #tpu.memory_space<vmem>> -> memref<1x128xi32, #tpu.memory_space<vmem>>
        %dma_wait3A_97 = tpu.memref_squeeze %dma_wait3A_96 : memref<1x128xi32, #tpu.memory_space<vmem>> -> memref<128xi32, #tpu.memory_space<vmem>>
        %dma_wait3A_98 = arith.constant 0 : i32
        %dma_wait3A_99 = arith.constant 0 : i32
        %dma_wait3A_100 = tpu.memref_slice %arg14[%dma_wait3A_98, %dma_wait3A_99] : memref<10496x128xf32, #tpu.memory_space<vmem_shared>> -> memref<10496x128xf32, #tpu.memory_space<vmem_shared>>
        tpu.wait_indirect_dma semaphore(%run_scoped3A_88 : memref<!tpu.dma_semaphore, #tpu.memory_space<semaphore_mem>>) src(%arg9 : memref<128x128xf32, #tpu.memory_space<vmem>>) dst(%dma_wait3A_100 : memref<10496x128xf32, #tpu.memory_space<vmem_shared>>)
        tpu.yield
      }) : () -> ()
    }
    %scan3A_21 = arith.constant 78 : i32
    %add3A_22 = arith.constant 9984 : i32
    %add3A_23 = arith.addi %mul3A_16, %add3A_22 : i32
    %multiple_of3A = tpu.assume_multiple %add3A_23, 8 : i32
    %run_scoped3A = arith.constant 0 : i32
    "tpu.region"() ({
      %run_scoped3A_66 = tpu.sem_alloc : memref<!tpu.dma_semaphore, #tpu.memory_space<semaphore_mem>>
      %dma_start3A_67 = arith.constant 0 : i32
      %dma_start3A_68 = tpu.memref_slice %arg10[%run_scoped3A, %dma_start3A_67] : memref<1x16xi32, #tpu.memory_space<vmem>> -> memref<1x16xi32, #tpu.memory_space<vmem>>
      %dma_start3A_69 = tpu.memref_squeeze %dma_start3A_68 : memref<1x16xi32, #tpu.memory_space<vmem>> -> memref<16xi32, #tpu.memory_space<vmem>>
      %dma_start3A_70 = tpu.memref_slice %arg3[%multiple_of3A] : memref<320000xi32, #tpu.memory_space<hbm>> -> memref<16xi32, #tpu.memory_space<hbm>>
      %dma_start3A_71 = arith.constant 0 : i32
      %dma_start3A_72 = tpu.memref_slice %arg10[%run_scoped3A, %dma_start3A_71] : memref<1x16xi32, #tpu.memory_space<vmem>> -> memref<1x16xi32, #tpu.memory_space<vmem>>
      %dma_start3A_73 = tpu.memref_squeeze %dma_start3A_72 : memref<1x16xi32, #tpu.memory_space<vmem>> -> memref<16xi32, #tpu.memory_space<vmem>>
      %dma_start3A_74 = tpu.memref_slice %arg3[%multiple_of3A] : memref<320000xi32, #tpu.memory_space<hbm>> -> memref<16xi32, #tpu.memory_space<hbm>>
      tpu.enqueue_dma source(%dma_start3A_74 : memref<16xi32, #tpu.memory_space<hbm>>) target(%dma_start3A_73 : memref<16xi32, #tpu.memory_space<vmem>>) target_semaphore(%run_scoped3A_66 : memref<!tpu.dma_semaphore, #tpu.memory_space<semaphore_mem>>)
      %dma_wait3A_75 = arith.constant 0 : i32
      %dma_wait3A_76 = tpu.memref_slice %arg10[%run_scoped3A, %dma_wait3A_75] : memref<1x16xi32, #tpu.memory_space<vmem>> -> memref<1x16xi32, #tpu.memory_space<vmem>>
      %dma_wait3A_77 = tpu.memref_squeeze %dma_wait3A_76 : memref<1x16xi32, #tpu.memory_space<vmem>> -> memref<16xi32, #tpu.memory_space<vmem>>
      %dma_wait3A_78 = tpu.memref_slice %arg3[%multiple_of3A] : memref<320000xi32, #tpu.memory_space<hbm>> -> memref<16xi32, #tpu.memory_space<hbm>>
      %dma_wait3A_79 = arith.constant 0 : i32
      %dma_wait3A_80 = tpu.memref_slice %arg10[%run_scoped3A, %dma_wait3A_79] : memref<1x16xi32, #tpu.memory_space<vmem>> -> memref<1x16xi32, #tpu.memory_space<vmem>>
      %dma_wait3A_81 = tpu.memref_squeeze %dma_wait3A_80 : memref<1x16xi32, #tpu.memory_space<vmem>> -> memref<16xi32, #tpu.memory_space<vmem>>
      %dma_wait3A_82 = tpu.memref_slice %arg3[%multiple_of3A] : memref<320000xi32, #tpu.memory_space<hbm>> -> memref<16xi32, #tpu.memory_space<hbm>>
      tpu.wait_dma2 semaphore(%run_scoped3A_66 : memref<!tpu.dma_semaphore, #tpu.memory_space<semaphore_mem>>) src(%dma_wait3A_82 : memref<16xi32, #tpu.memory_space<hbm>>) dst(%dma_wait3A_81 : memref<16xi32, #tpu.memory_space<vmem>>)
      tpu.yield
    }) : () -> ()
    %run_scoped3A_24 = arith.constant 0 : i32
    "tpu.region"() ({
      %run_scoped3A_66 = tpu.sem_alloc : memref<!tpu.dma_semaphore, #tpu.memory_space<semaphore_mem>>
      %dma_start3A_67 = arith.constant 0 : i32
      %dma_start3A_68 = tpu.memref_slice %arg11[%run_scoped3A_24, %dma_start3A_67] : memref<1x16xi32, #tpu.memory_space<vmem>> -> memref<1x16xi32, #tpu.memory_space<vmem>>
      %dma_start3A_69 = tpu.memref_squeeze %dma_start3A_68 : memref<1x16xi32, #tpu.memory_space<vmem>> -> memref<16xi32, #tpu.memory_space<vmem>>
      %dma_start3A_70 = tpu.memref_slice %arg4[%multiple_of3A] : memref<320000xi32, #tpu.memory_space<hbm>> -> memref<16xi32, #tpu.memory_space<hbm>>
      %dma_start3A_71 = arith.constant 0 : i32
      %dma_start3A_72 = tpu.memref_slice %arg11[%run_scoped3A_24, %dma_start3A_71] : memref<1x16xi32, #tpu.memory_space<vmem>> -> memref<1x16xi32, #tpu.memory_space<vmem>>
      %dma_start3A_73 = tpu.memref_squeeze %dma_start3A_72 : memref<1x16xi32, #tpu.memory_space<vmem>> -> memref<16xi32, #tpu.memory_space<vmem>>
      %dma_start3A_74 = tpu.memref_slice %arg4[%multiple_of3A] : memref<320000xi32, #tpu.memory_space<hbm>> -> memref<16xi32, #tpu.memory_space<hbm>>
      tpu.enqueue_dma source(%dma_start3A_74 : memref<16xi32, #tpu.memory_space<hbm>>) target(%dma_start3A_73 : memref<16xi32, #tpu.memory_space<vmem>>) target_semaphore(%run_scoped3A_66 : memref<!tpu.dma_semaphore, #tpu.memory_space<semaphore_mem>>)
      %dma_wait3A_75 = arith.constant 0 : i32
      %dma_wait3A_76 = tpu.memref_slice %arg11[%run_scoped3A_24, %dma_wait3A_75] : memref<1x16xi32, #tpu.memory_space<vmem>> -> memref<1x16xi32, #tpu.memory_space<vmem>>
      %dma_wait3A_77 = tpu.memref_squeeze %dma_wait3A_76 : memref<1x16xi32, #tpu.memory_space<vmem>> -> memref<16xi32, #tpu.memory_space<vmem>>
      %dma_wait3A_78 = tpu.memref_slice %arg4[%multiple_of3A] : memref<320000xi32, #tpu.memory_space<hbm>> -> memref<16xi32, #tpu.memory_space<hbm>>
      %dma_wait3A_79 = arith.constant 0 : i32
      %dma_wait3A_80 = tpu.memref_slice %arg11[%run_scoped3A_24, %dma_wait3A_79] : memref<1x16xi32, #tpu.memory_space<vmem>> -> memref<1x16xi32, #tpu.memory_space<vmem>>
      %dma_wait3A_81 = tpu.memref_squeeze %dma_wait3A_80 : memref<1x16xi32, #tpu.memory_space<vmem>> -> memref<16xi32, #tpu.memory_space<vmem>>
      %dma_wait3A_82 = tpu.memref_slice %arg4[%multiple_of3A] : memref<320000xi32, #tpu.memory_space<hbm>> -> memref<16xi32, #tpu.memory_space<hbm>>
      tpu.wait_dma2 semaphore(%run_scoped3A_66 : memref<!tpu.dma_semaphore, #tpu.memory_space<semaphore_mem>>) src(%dma_wait3A_82 : memref<16xi32, #tpu.memory_space<hbm>>) dst(%dma_wait3A_81 : memref<16xi32, #tpu.memory_space<vmem>>)
      tpu.yield
    }) : () -> ()
    %dma_start3A = arith.constant 0 : i32
    %dma_start3A_25 = arith.constant 0 : i32
    %dma_start3A_26 = tpu.memref_slice %arg10[%dma_start3A, %dma_start3A_25] : memref<1x16xi32, #tpu.memory_space<vmem>> -> memref<1x16xi32, #tpu.memory_space<vmem>>
    %dma_start3A_27 = tpu.memref_squeeze %dma_start3A_26 : memref<1x16xi32, #tpu.memory_space<vmem>> -> memref<16xi32, #tpu.memory_space<vmem>>
    %dma_start3A_28 = arith.constant 0 : i32
    %dma_start3A_29 = arith.constant 0 : i32
    %dma_start3A_30 = tpu.memref_slice %arg2[%dma_start3A_28, %dma_start3A_29] : memref<10496x128xf32, #tpu.memory_space<hbm>> -> memref<10496x128xf32, #tpu.memory_space<hbm>>
    tpu.enqueue_indirect_dma source(%dma_start3A_30 : memref<10496x128xf32, #tpu.memory_space<hbm>>) target(%arg12 : memref<16x128xf32, #tpu.memory_space<vmem>>) offsets(%dma_start3A_27 : memref<16xi32, #tpu.memory_space<vmem>>) semaphore(%arg15 : memref<!tpu.dma_semaphore, #tpu.memory_space<semaphore_mem>>)
    %dma_wait3A = arith.constant 0 : i32
    %dma_wait3A_31 = arith.constant 0 : i32
    %dma_wait3A_32 = tpu.memref_slice %arg10[%dma_wait3A, %dma_wait3A_31] : memref<1x16xi32, #tpu.memory_space<vmem>> -> memref<1x16xi32, #tpu.memory_space<vmem>>
    %dma_wait3A_33 = tpu.memref_squeeze %dma_wait3A_32 : memref<1x16xi32, #tpu.memory_space<vmem>> -> memref<16xi32, #tpu.memory_space<vmem>>
    %dma_wait3A_34 = arith.constant 0 : i32
    %dma_wait3A_35 = arith.constant 0 : i32
    %dma_wait3A_36 = tpu.memref_slice %arg2[%dma_wait3A_34, %dma_wait3A_35] : memref<10496x128xf32, #tpu.memory_space<hbm>> -> memref<10496x128xf32, #tpu.memory_space<hbm>>
    tpu.wait_indirect_dma semaphore(%arg15 : memref<!tpu.dma_semaphore, #tpu.memory_space<semaphore_mem>>) src(%dma_wait3A_36 : memref<10496x128xf32, #tpu.memory_space<hbm>>) dst(%arg12 : memref<16x128xf32, #tpu.memory_space<vmem>>)
    %run_scoped3A_37 = arith.constant 0 : i32
    "tpu.region"() ({
      %run_scoped3A_66 = tpu.sem_alloc : memref<!tpu.dma_semaphore, #tpu.memory_space<semaphore_mem>>
      %dma_start3A_67 = arith.constant 0 : i32
      %dma_start3A_68 = tpu.memref_slice %arg11[%run_scoped3A_37, %dma_start3A_67] : memref<1x16xi32, #tpu.memory_space<vmem>> -> memref<1x16xi32, #tpu.memory_space<vmem>>
      %dma_start3A_69 = tpu.memref_squeeze %dma_start3A_68 : memref<1x16xi32, #tpu.memory_space<vmem>> -> memref<16xi32, #tpu.memory_space<vmem>>
      %dma_start3A_70 = arith.constant 0 : i32
      %dma_start3A_71 = arith.constant 0 : i32
      %dma_start3A_72 = tpu.memref_slice %arg14[%dma_start3A_70, %dma_start3A_71] : memref<10496x128xf32, #tpu.memory_space<vmem_shared>> -> memref<10496x128xf32, #tpu.memory_space<vmem_shared>>
      tpu.enqueue_indirect_dma source(%arg12 : memref<16x128xf32, #tpu.memory_space<vmem>>) target(%dma_start3A_72 : memref<10496x128xf32, #tpu.memory_space<vmem_shared>>) offsets(%dma_start3A_69 : memref<16xi32, #tpu.memory_space<vmem>>) semaphore(%run_scoped3A_66 : memref<!tpu.dma_semaphore, #tpu.memory_space<semaphore_mem>>) {add = true}
      %dma_wait3A_73 = arith.constant 0 : i32
      %dma_wait3A_74 = tpu.memref_slice %arg11[%run_scoped3A_37, %dma_wait3A_73] : memref<1x16xi32, #tpu.memory_space<vmem>> -> memref<1x16xi32, #tpu.memory_space<vmem>>
      %dma_wait3A_75 = tpu.memref_squeeze %dma_wait3A_74 : memref<1x16xi32, #tpu.memory_space<vmem>> -> memref<16xi32, #tpu.memory_space<vmem>>
      %dma_wait3A_76 = arith.constant 0 : i32
      %dma_wait3A_77 = arith.constant 0 : i32
      %dma_wait3A_78 = tpu.memref_slice %arg14[%dma_wait3A_76, %dma_wait3A_77] : memref<10496x128xf32, #tpu.memory_space<vmem_shared>> -> memref<10496x128xf32, #tpu.memory_space<vmem_shared>>
      tpu.wait_indirect_dma semaphore(%run_scoped3A_66 : memref<!tpu.dma_semaphore, #tpu.memory_space<semaphore_mem>>) src(%arg12 : memref<16x128xf32, #tpu.memory_space<vmem>>) dst(%dma_wait3A_78 : memref<10496x128xf32, #tpu.memory_space<vmem_shared>>)
      tpu.yield
    }) : () -> ()
    %barrier3A_38 = arith.constant 0 : index
    tpu.barrier barrier_id(%barrier3A_38)
    %mul3A_39 = arith.constant 10496 : i32
    %mul3A_40 = arith.muli %arg0, %mul3A_39 : i32
    %add3A_41 = arith.addi %mul3A_40, %mul3A_2 : i32
    %add3A_42 = arith.constant 0 : i32
    %add3A_43 = arith.addi %mul3A_2, %add3A_42 : i32
    "tpu.region"() ({
      %run_scoped3A_66 = tpu.sem_alloc : memref<!tpu.dma_semaphore, #tpu.memory_space<semaphore_mem>>
      %dma_start3A_67 = arith.constant 0 : i32
      %dma_start3A_68 = tpu.memref_slice %arg14[%add3A_43, %dma_start3A_67] : memref<10496x128xf32, #tpu.memory_space<vmem_shared>> -> memref<128x128xf32, #tpu.memory_space<vmem_shared>>
      %dma_start3A_69 = arith.constant 0 : i32
      %dma_start3A_70 = tpu.memref_slice %arg14[%add3A_43, %dma_start3A_69] : memref<10496x128xf32, #tpu.memory_space<vmem_shared>> -> memref<128x128xf32, #tpu.memory_space<vmem_shared>>
      tpu.enqueue_dma source(%dma_start3A_70 : memref<128x128xf32, #tpu.memory_space<vmem_shared>>) target(%arg13 : memref<128x128xf32, #tpu.memory_space<vmem>>) target_semaphore(%run_scoped3A_66 : memref<!tpu.dma_semaphore, #tpu.memory_space<semaphore_mem>>)
      %dma_wait3A_71 = arith.constant 0 : i32
      %dma_wait3A_72 = tpu.memref_slice %arg14[%add3A_43, %dma_wait3A_71] : memref<10496x128xf32, #tpu.memory_space<vmem_shared>> -> memref<128x128xf32, #tpu.memory_space<vmem_shared>>
      %dma_wait3A_73 = arith.constant 0 : i32
      %dma_wait3A_74 = tpu.memref_slice %arg14[%add3A_43, %dma_wait3A_73] : memref<10496x128xf32, #tpu.memory_space<vmem_shared>> -> memref<128x128xf32, #tpu.memory_space<vmem_shared>>
      tpu.wait_dma2 semaphore(%run_scoped3A_66 : memref<!tpu.dma_semaphore, #tpu.memory_space<semaphore_mem>>) src(%dma_wait3A_74 : memref<128x128xf32, #tpu.memory_space<vmem_shared>>) dst(%arg13 : memref<128x128xf32, #tpu.memory_space<vmem>>)
      tpu.yield
    }) : () -> ()
    %add3A_44 = arith.constant 0 : i32
    %add3A_45 = arith.addi %add3A_41, %add3A_44 : i32
    "tpu.region"() ({
      %run_scoped3A_66 = tpu.sem_alloc : memref<!tpu.dma_semaphore, #tpu.memory_space<semaphore_mem>>
      %dma_start3A_67 = arith.constant 0 : i32
      %dma_start3A_68 = tpu.memref_slice %arg6[%add3A_45, %dma_start3A_67] : memref<20992x128xf32, #tpu.memory_space<hbm>> -> memref<128x128xf32, #tpu.memory_space<hbm>>
      %dma_start3A_69 = arith.constant 0 : i32
      %dma_start3A_70 = tpu.memref_slice %arg6[%add3A_45, %dma_start3A_69] : memref<20992x128xf32, #tpu.memory_space<hbm>> -> memref<128x128xf32, #tpu.memory_space<hbm>>
      tpu.enqueue_dma source(%arg13 : memref<128x128xf32, #tpu.memory_space<vmem>>) target(%dma_start3A_70 : memref<128x128xf32, #tpu.memory_space<hbm>>) target_semaphore(%run_scoped3A_66 : memref<!tpu.dma_semaphore, #tpu.memory_space<semaphore_mem>>)
      %dma_wait3A_71 = arith.constant 0 : i32
      %dma_wait3A_72 = tpu.memref_slice %arg6[%add3A_45, %dma_wait3A_71] : memref<20992x128xf32, #tpu.memory_space<hbm>> -> memref<128x128xf32, #tpu.memory_space<hbm>>
      %dma_wait3A_73 = arith.constant 0 : i32
      %dma_wait3A_74 = tpu.memref_slice %arg6[%add3A_45, %dma_wait3A_73] : memref<20992x128xf32, #tpu.memory_space<hbm>> -> memref<128x128xf32, #tpu.memory_space<hbm>>
      tpu.wait_dma2 semaphore(%run_scoped3A_66 : memref<!tpu.dma_semaphore, #tpu.memory_space<semaphore_mem>>) src(%arg13 : memref<128x128xf32, #tpu.memory_space<vmem>>) dst(%dma_wait3A_74 : memref<128x128xf32, #tpu.memory_space<hbm>>)
      tpu.yield
    }) : () -> ()
    %add3A_46 = arith.constant 128 : i32
    %add3A_47 = arith.addi %mul3A_2, %add3A_46 : i32
    "tpu.region"() ({
      %run_scoped3A_66 = tpu.sem_alloc : memref<!tpu.dma_semaphore, #tpu.memory_space<semaphore_mem>>
      %dma_start3A_67 = arith.constant 0 : i32
      %dma_start3A_68 = tpu.memref_slice %arg14[%add3A_47, %dma_start3A_67] : memref<10496x128xf32, #tpu.memory_space<vmem_shared>> -> memref<128x128xf32, #tpu.memory_space<vmem_shared>>
      %dma_start3A_69 = arith.constant 0 : i32
      %dma_start3A_70 = tpu.memref_slice %arg14[%add3A_47, %dma_start3A_69] : memref<10496x128xf32, #tpu.memory_space<vmem_shared>> -> memref<128x128xf32, #tpu.memory_space<vmem_shared>>
      tpu.enqueue_dma source(%dma_start3A_70 : memref<128x128xf32, #tpu.memory_space<vmem_shared>>) target(%arg13 : memref<128x128xf32, #tpu.memory_space<vmem>>) target_semaphore(%run_scoped3A_66 : memref<!tpu.dma_semaphore, #tpu.memory_space<semaphore_mem>>)
      %dma_wait3A_71 = arith.constant 0 : i32
      %dma_wait3A_72 = tpu.memref_slice %arg14[%add3A_47, %dma_wait3A_71] : memref<10496x128xf32, #tpu.memory_space<vmem_shared>> -> memref<128x128xf32, #tpu.memory_space<vmem_shared>>
      %dma_wait3A_73 = arith.constant 0 : i32
      %dma_wait3A_74 = tpu.memref_slice %arg14[%add3A_47, %dma_wait3A_73] : memref<10496x128xf32, #tpu.memory_space<vmem_shared>> -> memref<128x128xf32, #tpu.memory_space<vmem_shared>>
      tpu.wait_dma2 semaphore(%run_scoped3A_66 : memref<!tpu.dma_semaphore, #tpu.memory_space<semaphore_mem>>) src(%dma_wait3A_74 : memref<128x128xf32, #tpu.memory_space<vmem_shared>>) dst(%arg13 : memref<128x128xf32, #tpu.memory_space<vmem>>)
      tpu.yield
    }) : () -> ()
    %add3A_48 = arith.constant 128 : i32
    %add3A_49 = arith.addi %add3A_41, %add3A_48 : i32
    "tpu.region"() ({
      %run_scoped3A_66 = tpu.sem_alloc : memref<!tpu.dma_semaphore, #tpu.memory_space<semaphore_mem>>
      %dma_start3A_67 = arith.constant 0 : i32
      %dma_start3A_68 = tpu.memref_slice %arg6[%add3A_49, %dma_start3A_67] : memref<20992x128xf32, #tpu.memory_space<hbm>> -> memref<128x128xf32, #tpu.memory_space<hbm>>
      %dma_start3A_69 = arith.constant 0 : i32
      %dma_start3A_70 = tpu.memref_slice %arg6[%add3A_49, %dma_start3A_69] : memref<20992x128xf32, #tpu.memory_space<hbm>> -> memref<128x128xf32, #tpu.memory_space<hbm>>
      tpu.enqueue_dma source(%arg13 : memref<128x128xf32, #tpu.memory_space<vmem>>) target(%dma_start3A_70 : memref<128x128xf32, #tpu.memory_space<hbm>>) target_semaphore(%run_scoped3A_66 : memref<!tpu.dma_semaphore, #tpu.memory_space<semaphore_mem>>)
      %dma_wait3A_71 = arith.constant 0 : i32
      %dma_wait3A_72 = tpu.memref_slice %arg6[%add3A_49, %dma_wait3A_71] : memref<20992x128xf32, #tpu.memory_space<hbm>> -> memref<128x128xf32, #tpu.memory_space<hbm>>
      %dma_wait3A_73 = arith.constant 0 : i32
      %dma_wait3A_74 = tpu.memref_slice %arg6[%add3A_49, %dma_wait3A_73] : memref<20992x128xf32, #tpu.memory_space<hbm>> -> memref<128x128xf32, #tpu.memory_space<hbm>>
      tpu.wait_dma2 semaphore(%run_scoped3A_66 : memref<!tpu.dma_semaphore, #tpu.memory_space<semaphore_mem>>) src(%arg13 : memref<128x128xf32, #tpu.memory_space<vmem>>) dst(%dma_wait3A_74 : memref<128x128xf32, #tpu.memory_space<hbm>>)
      tpu.yield
    }) : () -> ()
    %add3A_50 = arith.constant 256 : i32
    %add3A_51 = arith.addi %mul3A_2, %add3A_50 : i32
    "tpu.region"() ({
      %run_scoped3A_66 = tpu.sem_alloc : memref<!tpu.dma_semaphore, #tpu.memory_space<semaphore_mem>>
      %dma_start3A_67 = arith.constant 0 : i32
      %dma_start3A_68 = tpu.memref_slice %arg14[%add3A_51, %dma_start3A_67] : memref<10496x128xf32, #tpu.memory_space<vmem_shared>> -> memref<128x128xf32, #tpu.memory_space<vmem_shared>>
      %dma_start3A_69 = arith.constant 0 : i32
      %dma_start3A_70 = tpu.memref_slice %arg14[%add3A_51, %dma_start3A_69] : memref<10496x128xf32, #tpu.memory_space<vmem_shared>> -> memref<128x128xf32, #tpu.memory_space<vmem_shared>>
      tpu.enqueue_dma source(%dma_start3A_70 : memref<128x128xf32, #tpu.memory_space<vmem_shared>>) target(%arg13 : memref<128x128xf32, #tpu.memory_space<vmem>>) target_semaphore(%run_scoped3A_66 : memref<!tpu.dma_semaphore, #tpu.memory_space<semaphore_mem>>)
      %dma_wait3A_71 = arith.constant 0 : i32
      %dma_wait3A_72 = tpu.memref_slice %arg14[%add3A_51, %dma_wait3A_71] : memref<10496x128xf32, #tpu.memory_space<vmem_shared>> -> memref<128x128xf32, #tpu.memory_space<vmem_shared>>
      %dma_wait3A_73 = arith.constant 0 : i32
      %dma_wait3A_74 = tpu.memref_slice %arg14[%add3A_51, %dma_wait3A_73] : memref<10496x128xf32, #tpu.memory_space<vmem_shared>> -> memref<128x128xf32, #tpu.memory_space<vmem_shared>>
      tpu.wait_dma2 semaphore(%run_scoped3A_66 : memref<!tpu.dma_semaphore, #tpu.memory_space<semaphore_mem>>) src(%dma_wait3A_74 : memref<128x128xf32, #tpu.memory_space<vmem_shared>>) dst(%arg13 : memref<128x128xf32, #tpu.memory_space<vmem>>)
      tpu.yield
    }) : () -> ()
    %add3A_52 = arith.constant 256 : i32
    %add3A_53 = arith.addi %add3A_41, %add3A_52 : i32
    "tpu.region"() ({
      %run_scoped3A_66 = tpu.sem_alloc : memref<!tpu.dma_semaphore, #tpu.memory_space<semaphore_mem>>
      %dma_start3A_67 = arith.constant 0 : i32
      %dma_start3A_68 = tpu.memref_slice %arg6[%add3A_53, %dma_start3A_67] : memref<20992x128xf32, #tpu.memory_space<hbm>> -> memref<128x128xf32, #tpu.memory_space<hbm>>
      %dma_start3A_69 = arith.constant 0 : i32
      %dma_start3A_70 = tpu.memref_slice %arg6[%add3A_53, %dma_start3A_69] : memref<20992x128xf32, #tpu.memory_space<hbm>> -> memref<128x128xf32, #tpu.memory_space<hbm>>
      tpu.enqueue_dma source(%arg13 : memref<128x128xf32, #tpu.memory_space<vmem>>) target(%dma_start3A_70 : memref<128x128xf32, #tpu.memory_space<hbm>>) target_semaphore(%run_scoped3A_66 : memref<!tpu.dma_semaphore, #tpu.memory_space<semaphore_mem>>)
      %dma_wait3A_71 = arith.constant 0 : i32
      %dma_wait3A_72 = tpu.memref_slice %arg6[%add3A_53, %dma_wait3A_71] : memref<20992x128xf32, #tpu.memory_space<hbm>> -> memref<128x128xf32, #tpu.memory_space<hbm>>
      %dma_wait3A_73 = arith.constant 0 : i32
      %dma_wait3A_74 = tpu.memref_slice %arg6[%add3A_53, %dma_wait3A_73] : memref<20992x128xf32, #tpu.memory_space<hbm>> -> memref<128x128xf32, #tpu.memory_space<hbm>>
      tpu.wait_dma2 semaphore(%run_scoped3A_66 : memref<!tpu.dma_semaphore, #tpu.memory_space<semaphore_mem>>) src(%arg13 : memref<128x128xf32, #tpu.memory_space<vmem>>) dst(%dma_wait3A_74 : memref<128x128xf32, #tpu.memory_space<hbm>>)
      tpu.yield
    }) : () -> ()
    %add3A_54 = arith.constant 384 : i32
    %add3A_55 = arith.addi %mul3A_2, %add3A_54 : i32
    "tpu.region"() ({
      %run_scoped3A_66 = tpu.sem_alloc : memref<!tpu.dma_semaphore, #tpu.memory_space<semaphore_mem>>
      %dma_start3A_67 = arith.constant 0 : i32
      %dma_start3A_68 = tpu.memref_slice %arg14[%add3A_55, %dma_start3A_67] : memref<10496x128xf32, #tpu.memory_space<vmem_shared>> -> memref<128x128xf32, #tpu.memory_space<vmem_shared>>
      %dma_start3A_69 = arith.constant 0 : i32
      %dma_start3A_70 = tpu.memref_slice %arg14[%add3A_55, %dma_start3A_69] : memref<10496x128xf32, #tpu.memory_space<vmem_shared>> -> memref<128x128xf32, #tpu.memory_space<vmem_shared>>
      tpu.enqueue_dma source(%dma_start3A_70 : memref<128x128xf32, #tpu.memory_space<vmem_shared>>) target(%arg13 : memref<128x128xf32, #tpu.memory_space<vmem>>) target_semaphore(%run_scoped3A_66 : memref<!tpu.dma_semaphore, #tpu.memory_space<semaphore_mem>>)
      %dma_wait3A_71 = arith.constant 0 : i32
      %dma_wait3A_72 = tpu.memref_slice %arg14[%add3A_55, %dma_wait3A_71] : memref<10496x128xf32, #tpu.memory_space<vmem_shared>> -> memref<128x128xf32, #tpu.memory_space<vmem_shared>>
      %dma_wait3A_73 = arith.constant 0 : i32
      %dma_wait3A_74 = tpu.memref_slice %arg14[%add3A_55, %dma_wait3A_73] : memref<10496x128xf32, #tpu.memory_space<vmem_shared>> -> memref<128x128xf32, #tpu.memory_space<vmem_shared>>
      tpu.wait_dma2 semaphore(%run_scoped3A_66 : memref<!tpu.dma_semaphore, #tpu.memory_space<semaphore_mem>>) src(%dma_wait3A_74 : memref<128x128xf32, #tpu.memory_space<vmem_shared>>) dst(%arg13 : memref<128x128xf32, #tpu.memory_space<vmem>>)
      tpu.yield
    }) : () -> ()
    %add3A_56 = arith.constant 384 : i32
    %add3A_57 = arith.addi %add3A_41, %add3A_56 : i32
    "tpu.region"() ({
      %run_scoped3A_66 = tpu.sem_alloc : memref<!tpu.dma_semaphore, #tpu.memory_space<semaphore_mem>>
      %dma_start3A_67 = arith.constant 0 : i32
      %dma_start3A_68 = tpu.memref_slice %arg6[%add3A_57, %dma_start3A_67] : memref<20992x128xf32, #tpu.memory_space<hbm>> -> memref<128x128xf32, #tpu.memory_space<hbm>>
      %dma_start3A_69 = arith.constant 0 : i32
      %dma_start3A_70 = tpu.memref_slice %arg6[%add3A_57, %dma_start3A_69] : memref<20992x128xf32, #tpu.memory_space<hbm>> -> memref<128x128xf32, #tpu.memory_space<hbm>>
      tpu.enqueue_dma source(%arg13 : memref<128x128xf32, #tpu.memory_space<vmem>>) target(%dma_start3A_70 : memref<128x128xf32, #tpu.memory_space<hbm>>) target_semaphore(%run_scoped3A_66 : memref<!tpu.dma_semaphore, #tpu.memory_space<semaphore_mem>>)
      %dma_wait3A_71 = arith.constant 0 : i32
      %dma_wait3A_72 = tpu.memref_slice %arg6[%add3A_57, %dma_wait3A_71] : memref<20992x128xf32, #tpu.memory_space<hbm>> -> memref<128x128xf32, #tpu.memory_space<hbm>>
      %dma_wait3A_73 = arith.constant 0 : i32
      %dma_wait3A_74 = tpu.memref_slice %arg6[%add3A_57, %dma_wait3A_73] : memref<20992x128xf32, #tpu.memory_space<hbm>> -> memref<128x128xf32, #tpu.memory_space<hbm>>
      tpu.wait_dma2 semaphore(%run_scoped3A_66 : memref<!tpu.dma_semaphore, #tpu.memory_space<semaphore_mem>>) src(%arg13 : memref<128x128xf32, #tpu.memory_space<vmem>>) dst(%dma_wait3A_74 : memref<128x128xf32, #tpu.memory_space<hbm>>)
      tpu.yield
    }) : () -> ()
    %add3A_58 = arith.constant 512 : i32
    %add3A_59 = arith.addi %mul3A_2, %add3A_58 : i32
    "tpu.region"() ({
      %run_scoped3A_66 = tpu.sem_alloc : memref<!tpu.dma_semaphore, #tpu.memory_space<semaphore_mem>>
      %dma_start3A_67 = arith.constant 0 : i32
      %dma_start3A_68 = tpu.memref_slice %arg14[%add3A_59, %dma_start3A_67] : memref<10496x128xf32, #tpu.memory_space<vmem_shared>> -> memref<128x128xf32, #tpu.memory_space<vmem_shared>>
      %dma_start3A_69 = arith.constant 0 : i32
      %dma_start3A_70 = tpu.memref_slice %arg14[%add3A_59, %dma_start3A_69] : memref<10496x128xf32, #tpu.memory_space<vmem_shared>> -> memref<128x128xf32, #tpu.memory_space<vmem_shared>>
      tpu.enqueue_dma source(%dma_start3A_70 : memref<128x128xf32, #tpu.memory_space<vmem_shared>>) target(%arg13 : memref<128x128xf32, #tpu.memory_space<vmem>>) target_semaphore(%run_scoped3A_66 : memref<!tpu.dma_semaphore, #tpu.memory_space<semaphore_mem>>)
      %dma_wait3A_71 = arith.constant 0 : i32
      %dma_wait3A_72 = tpu.memref_slice %arg14[%add3A_59, %dma_wait3A_71] : memref<10496x128xf32, #tpu.memory_space<vmem_shared>> -> memref<128x128xf32, #tpu.memory_space<vmem_shared>>
      %dma_wait3A_73 = arith.constant 0 : i32
      %dma_wait3A_74 = tpu.memref_slice %arg14[%add3A_59, %dma_wait3A_73] : memref<10496x128xf32, #tpu.memory_space<vmem_shared>> -> memref<128x128xf32, #tpu.memory_space<vmem_shared>>
      tpu.wait_dma2 semaphore(%run_scoped3A_66 : memref<!tpu.dma_semaphore, #tpu.memory_space<semaphore_mem>>) src(%dma_wait3A_74 : memref<128x128xf32, #tpu.memory_space<vmem_shared>>) dst(%arg13 : memref<128x128xf32, #tpu.memory_space<vmem>>)
      tpu.yield
    }) : () -> ()
    %add3A_60 = arith.constant 512 : i32
    %add3A_61 = arith.addi %add3A_41, %add3A_60 : i32
    "tpu.region"() ({
      %run_scoped3A_66 = tpu.sem_alloc : memref<!tpu.dma_semaphore, #tpu.memory_space<semaphore_mem>>
      %dma_start3A_67 = arith.constant 0 : i32
      %dma_start3A_68 = tpu.memref_slice %arg6[%add3A_61, %dma_start3A_67] : memref<20992x128xf32, #tpu.memory_space<hbm>> -> memref<128x128xf32, #tpu.memory_space<hbm>>
      %dma_start3A_69 = arith.constant 0 : i32
      %dma_start3A_70 = tpu.memref_slice %arg6[%add3A_61, %dma_start3A_69] : memref<20992x128xf32, #tpu.memory_space<hbm>> -> memref<128x128xf32, #tpu.memory_space<hbm>>
      tpu.enqueue_dma source(%arg13 : memref<128x128xf32, #tpu.memory_space<vmem>>) target(%dma_start3A_70 : memref<128x128xf32, #tpu.memory_space<hbm>>) target_semaphore(%run_scoped3A_66 : memref<!tpu.dma_semaphore, #tpu.memory_space<semaphore_mem>>)
      %dma_wait3A_71 = arith.constant 0 : i32
      %dma_wait3A_72 = tpu.memref_slice %arg6[%add3A_61, %dma_wait3A_71] : memref<20992x128xf32, #tpu.memory_space<hbm>> -> memref<128x128xf32, #tpu.memory_space<hbm>>
      %dma_wait3A_73 = arith.constant 0 : i32
      %dma_wait3A_74 = tpu.memref_slice %arg6[%add3A_61, %dma_wait3A_73] : memref<20992x128xf32, #tpu.memory_space<hbm>> -> memref<128x128xf32, #tpu.memory_space<hbm>>
      tpu.wait_dma2 semaphore(%run_scoped3A_66 : memref<!tpu.dma_semaphore, #tpu.memory_space<semaphore_mem>>) src(%arg13 : memref<128x128xf32, #tpu.memory_space<vmem>>) dst(%dma_wait3A_74 : memref<128x128xf32, #tpu.memory_space<hbm>>)
      tpu.yield
    }) : () -> ()
    %add3A_62 = arith.constant 640 : i32
    %add3A_63 = arith.addi %mul3A_2, %add3A_62 : i32
    "tpu.region"() ({
      %run_scoped3A_66 = tpu.sem_alloc : memref<!tpu.dma_semaphore, #tpu.memory_space<semaphore_mem>>
      %dma_start3A_67 = arith.constant 0 : i32
      %dma_start3A_68 = arith.constant 0 : i32
      %dma_start3A_69 = tpu.memref_slice %arg13[%dma_start3A_67, %dma_start3A_68] : memref<128x128xf32, #tpu.memory_space<vmem>> -> memref<16x128xf32, #tpu.memory_space<vmem>>
      %dma_start3A_70 = arith.constant 0 : i32
      %dma_start3A_71 = tpu.memref_slice %arg14[%add3A_63, %dma_start3A_70] : memref<10496x128xf32, #tpu.memory_space<vmem_shared>> -> memref<16x128xf32, #tpu.memory_space<vmem_shared>>
      %dma_start3A_72 = arith.constant 0 : i32
      %dma_start3A_73 = arith.constant 0 : i32
      %dma_start3A_74 = tpu.memref_slice %arg13[%dma_start3A_72, %dma_start3A_73] : memref<128x128xf32, #tpu.memory_space<vmem>> -> memref<16x128xf32, #tpu.memory_space<vmem>>
      %dma_start3A_75 = arith.constant 0 : i32
      %dma_start3A_76 = tpu.memref_slice %arg14[%add3A_63, %dma_start3A_75] : memref<10496x128xf32, #tpu.memory_space<vmem_shared>> -> memref<16x128xf32, #tpu.memory_space<vmem_shared>>
      tpu.enqueue_dma source(%dma_start3A_76 : memref<16x128xf32, #tpu.memory_space<vmem_shared>>) target(%dma_start3A_74 : memref<16x128xf32, #tpu.memory_space<vmem>>) target_semaphore(%run_scoped3A_66 : memref<!tpu.dma_semaphore, #tpu.memory_space<semaphore_mem>>)
      %dma_wait3A_77 = arith.constant 0 : i32
      %dma_wait3A_78 = arith.constant 0 : i32
      %dma_wait3A_79 = tpu.memref_slice %arg13[%dma_wait3A_77, %dma_wait3A_78] : memref<128x128xf32, #tpu.memory_space<vmem>> -> memref<16x128xf32, #tpu.memory_space<vmem>>
      %dma_wait3A_80 = arith.constant 0 : i32
      %dma_wait3A_81 = tpu.memref_slice %arg14[%add3A_63, %dma_wait3A_80] : memref<10496x128xf32, #tpu.memory_space<vmem_shared>> -> memref<16x128xf32, #tpu.memory_space<vmem_shared>>
      %dma_wait3A_82 = arith.constant 0 : i32
      %dma_wait3A_83 = arith.constant 0 : i32
      %dma_wait3A_84 = tpu.memref_slice %arg13[%dma_wait3A_82, %dma_wait3A_83] : memref<128x128xf32, #tpu.memory_space<vmem>> -> memref<16x128xf32, #tpu.memory_space<vmem>>
      %dma_wait3A_85 = arith.constant 0 : i32
      %dma_wait3A_86 = tpu.memref_slice %arg14[%add3A_63, %dma_wait3A_85] : memref<10496x128xf32, #tpu.memory_space<vmem_shared>> -> memref<16x128xf32, #tpu.memory_space<vmem_shared>>
      tpu.wait_dma2 semaphore(%run_scoped3A_66 : memref<!tpu.dma_semaphore, #tpu.memory_space<semaphore_mem>>) src(%dma_wait3A_86 : memref<16x128xf32, #tpu.memory_space<vmem_shared>>) dst(%dma_wait3A_84 : memref<16x128xf32, #tpu.memory_space<vmem>>)
      tpu.yield
    }) : () -> ()
    %add3A_64 = arith.constant 640 : i32
    %add3A_65 = arith.addi %add3A_41, %add3A_64 : i32
    "tpu.region"() ({
      %run_scoped3A_66 = tpu.sem_alloc : memref<!tpu.dma_semaphore, #tpu.memory_space<semaphore_mem>>
      %dma_start3A_67 = arith.constant 0 : i32
      %dma_start3A_68 = arith.constant 0 : i32
      %dma_start3A_69 = tpu.memref_slice %arg13[%dma_start3A_67, %dma_start3A_68] : memref<128x128xf32, #tpu.memory_space<vmem>> -> memref<16x128xf32, #tpu.memory_space<vmem>>
      %dma_start3A_70 = arith.constant 0 : i32
      %dma_start3A_71 = tpu.memref_slice %arg6[%add3A_65, %dma_start3A_70] : memref<20992x128xf32, #tpu.memory_space<hbm>> -> memref<16x128xf32, #tpu.memory_space<hbm>>
      %dma_start3A_72 = arith.constant 0 : i32
      %dma_start3A_73 = tpu.memref_slice %arg6[%add3A_65, %dma_start3A_72] : memref<20992x128xf32, #tpu.memory_space<hbm>> -> memref<16x128xf32, #tpu.memory_space<hbm>>
      %dma_start3A_74 = arith.constant 0 : i32
      %dma_start3A_75 = arith.constant 0 : i32
      %dma_start3A_76 = tpu.memref_slice %arg13[%dma_start3A_74, %dma_start3A_75] : memref<128x128xf32, #tpu.memory_space<vmem>> -> memref<16x128xf32, #tpu.memory_space<vmem>>
      tpu.enqueue_dma source(%dma_start3A_76 : memref<16x128xf32, #tpu.memory_space<vmem>>) target(%dma_start3A_73 : memref<16x128xf32, #tpu.memory_space<hbm>>) target_semaphore(%run_scoped3A_66 : memref<!tpu.dma_semaphore, #tpu.memory_space<semaphore_mem>>)
      %dma_wait3A_77 = arith.constant 0 : i32
      %dma_wait3A_78 = arith.constant 0 : i32
      %dma_wait3A_79 = tpu.memref_slice %arg13[%dma_wait3A_77, %dma_wait3A_78] : memref<128x128xf32, #tpu.memory_space<vmem>> -> memref<16x128xf32, #tpu.memory_space<vmem>>
      %dma_wait3A_80 = arith.constant 0 : i32
      %dma_wait3A_81 = tpu.memref_slice %arg6[%add3A_65, %dma_wait3A_80] : memref<20992x128xf32, #tpu.memory_space<hbm>> -> memref<16x128xf32, #tpu.memory_space<hbm>>
      %dma_wait3A_82 = arith.constant 0 : i32
      %dma_wait3A_83 = tpu.memref_slice %arg6[%add3A_65, %dma_wait3A_82] : memref<20992x128xf32, #tpu.memory_space<hbm>> -> memref<16x128xf32, #tpu.memory_space<hbm>>
      %dma_wait3A_84 = arith.constant 0 : i32
      %dma_wait3A_85 = arith.constant 0 : i32
      %dma_wait3A_86 = tpu.memref_slice %arg13[%dma_wait3A_84, %dma_wait3A_85] : memref<128x128xf32, #tpu.memory_space<vmem>> -> memref<16x128xf32, #tpu.memory_space<vmem>>
      tpu.wait_dma2 semaphore(%run_scoped3A_66 : memref<!tpu.dma_semaphore, #tpu.memory_space<semaphore_mem>>) src(%dma_wait3A_86 : memref<16x128xf32, #tpu.memory_space<vmem>>) dst(%dma_wait3A_83 : memref<16x128xf32, #tpu.memory_space<hbm>>)
      tpu.yield
    }) : () -> ()
    return
  }
}

#map = affine_map<(d0, d1) -> (0, 0)>
#map1 = affine_map<(d0, d1) -> (0)>
module attributes {stable_mosaic.version = 14 : i64} {
  func.func @body(%arg0: i32, %arg1: i32, %arg2: memref<10496x128xf32, #tpu.memory_space<hbm>>, %arg3: memref<320000xi32, #tpu.memory_space<hbm>>, %arg4: memref<320000xi32, #tpu.memory_space<hbm>>, %arg5: memref<128x128xf32, #tpu.memory_space<hbm>>, %arg6: memref<20992x128xf32, #tpu.memory_space<hbm>>, %arg7: memref<1x128xi32, #tpu.memory_space<vmem>>, %arg8: memref<1x128xi32, #tpu.memory_space<vmem>>, %arg9: memref<128x128xf32, #tpu.memory_space<vmem>>, %arg10: memref<1x16xi32, #tpu.memory_space<vmem>>, %arg11: memref<1x16xi32, #tpu.memory_space<vmem>>, %arg12: memref<16x128xf32, #tpu.memory_space<vmem>>, %arg13: memref<128x128xf32, #tpu.memory_space<vmem>>, %arg14: memref<10496x128xf32, #tpu.memory_space<vmem_shared>>, %arg15: memref<!tpu.dma_semaphore, #tpu.memory_space<semaphore_mem>>) attributes {dimension_semantics = [#tpu.dimension_semantics<core_parallel>, #tpu.dimension_semantics<subcore_parallel>], iteration_bounds = array<i64: 2, 16>, scalar_prefetch = 0 : i64, scratch_operands = 9 : i64, tpu.core_type = #tpu.core_type<sc_vector_subcore>, window_params = [{transform_indices = #map}, {transform_indices = #map1}, {transform_indices = #map1}, {transform_indices = #map}, {transform_indices = #map}]} {
    %mul3A = arith.constant 16 : i32
    %mul3A_0 = arith.muli %arg0, %mul3A : i32
    %add3A = arith.addi %mul3A_0, %arg1 : i32
    %mul3A_1 = arith.constant 656 : i32
    %mul3A_2 = arith.muli %arg1, %mul3A_1 : i32
    "tpu.region"() ({
      %run_scoped3A_66 = tpu.sem_alloc : memref<!tpu.dma_semaphore, #tpu.memory_space<semaphore_mem>>
      tpu.enqueue_dma source(%arg5 : memref<128x128xf32, #tpu.memory_space<hbm>>) target(%arg13 : memref<128x128xf32, #tpu.memory_space<vmem>>) target_semaphore(%run_scoped3A_66 : memref<!tpu.dma_semaphore, #tpu.memory_space<semaphore_mem>>)
      tpu.wait_dma2 semaphore(%run_scoped3A_66 : memref<!tpu.dma_semaphore, #tpu.memory_space<semaphore_mem>>) src(%arg5 : memref<128x128xf32, #tpu.memory_space<hbm>>) dst(%arg13 : memref<128x128xf32, #tpu.memory_space<vmem>>)
      tpu.yield
    }) : () -> ()
    %add3A_3 = arith.constant 0 : i32
    %add3A_4 = arith.addi %mul3A_2, %add3A_3 : i32
    "tpu.region"() ({
      %run_scoped3A_66 = tpu.sem_alloc : memref<!tpu.dma_semaphore, #tpu.memory_space<semaphore_mem>>
      %dma_start3A_67 = arith.constant 0 : i32
      %dma_start3A_68 = tpu.memref_slice %arg14[%add3A_4, %dma_start3A_67] : memref<10496x128xf32, #tpu.memory_space<vmem_shared>> -> memref<128x128xf32, #tpu.memory_space<vmem_shared>>
      %dma_start3A_69 = arith.constant 0 : i32
      %dma_start3A_70 = tpu.memref_slice %arg14[%add3A_4, %dma_start3A_69] : memref<10496x128xf32, #tpu.memory_space<vmem_shared>> -> memref<128x128xf32, #tpu.memory_space<vmem_shared>>
      tpu.enqueue_dma source(%arg13 : memref<128x128xf32, #tpu.memory_space<vmem>>) target(%dma_start3A_70 : memref<128x128xf32, #tpu.memory_space<vmem_shared>>) target_semaphore(%run_scoped3A_66 : memref<!tpu.dma_semaphore, #tpu.memory_space<semaphore_mem>>)
      %dma_wait3A_71 = arith.constant 0 : i32
      %dma_wait3A_72 = tpu.memref_slice %arg14[%add3A_4, %dma_wait3A_71] : memref<10496x128xf32, #tpu.memory_space<vmem_shared>> -> memref<128x128xf32, #tpu.memory_space<vmem_shared>>
      %dma_wait3A_73 = arith.constant 0 : i32
      %dma_wait3A_74 = tpu.memref_slice %arg14[%add3A_4, %dma_wait3A_73] : memref<10496x128xf32, #tpu.memory_space<vmem_shared>> -> memref<128x128xf32, #tpu.memory_space<vmem_shared>>
      tpu.wait_dma2 semaphore(%run_scoped3A_66 : memref<!tpu.dma_semaphore, #tpu.memory_space<semaphore_mem>>) src(%arg13 : memref<128x128xf32, #tpu.memory_space<vmem>>) dst(%dma_wait3A_74 : memref<128x128xf32, #tpu.memory_space<vmem_shared>>)
      tpu.yield
    }) : () -> ()
    %add3A_5 = arith.constant 128 : i32
    %add3A_6 = arith.addi %mul3A_2, %add3A_5 : i32
    "tpu.region"() ({
      %run_scoped3A_66 = tpu.sem_alloc : memref<!tpu.dma_semaphore, #tpu.memory_space<semaphore_mem>>
      %dma_start3A_67 = arith.constant 0 : i32
      %dma_start3A_68 = tpu.memref_slice %arg14[%add3A_6, %dma_start3A_67] : memref<10496x128xf32, #tpu.memory_space<vmem_shared>> -> memref<128x128xf32, #tpu.memory_space<vmem_shared>>
      %dma_start3A_69 = arith.constant 0 : i32
      %dma_start3A_70 = tpu.memref_slice %arg14[%add3A_6, %dma_start3A_69] : memref<10496x128xf32, #tpu.memory_space<vmem_shared>> -> memref<128x128xf32, #tpu.memory_space<vmem_shared>>
      tpu.enqueue_dma source(%arg13 : memref<128x128xf32, #tpu.memory_space<vmem>>) target(%dma_start3A_70 : memref<128x128xf32, #tpu.memory_space<vmem_shared>>) target_semaphore(%run_scoped3A_66 : memref<!tpu.dma_semaphore, #tpu.memory_space<semaphore_mem>>)
      %dma_wait3A_71 = arith.constant 0 : i32
      %dma_wait3A_72 = tpu.memref_slice %arg14[%add3A_6, %dma_wait3A_71] : memref<10496x128xf32, #tpu.memory_space<vmem_shared>> -> memref<128x128xf32, #tpu.memory_space<vmem_shared>>
      %dma_wait3A_73 = arith.constant 0 : i32
      %dma_wait3A_74 = tpu.memref_slice %arg14[%add3A_6, %dma_wait3A_73] : memref<10496x128xf32, #tpu.memory_space<vmem_shared>> -> memref<128x128xf32, #tpu.memory_space<vmem_shared>>
      tpu.wait_dma2 semaphore(%run_scoped3A_66 : memref<!tpu.dma_semaphore, #tpu.memory_space<semaphore_mem>>) src(%arg13 : memref<128x128xf32, #tpu.memory_space<vmem>>) dst(%dma_wait3A_74 : memref<128x128xf32, #tpu.memory_space<vmem_shared>>)
      tpu.yield
    }) : () -> ()
    %add3A_7 = arith.constant 256 : i32
    %add3A_8 = arith.addi %mul3A_2, %add3A_7 : i32
    "tpu.region"() ({
      %run_scoped3A_66 = tpu.sem_alloc : memref<!tpu.dma_semaphore, #tpu.memory_space<semaphore_mem>>
      %dma_start3A_67 = arith.constant 0 : i32
      %dma_start3A_68 = tpu.memref_slice %arg14[%add3A_8, %dma_start3A_67] : memref<10496x128xf32, #tpu.memory_space<vmem_shared>> -> memref<128x128xf32, #tpu.memory_space<vmem_shared>>
      %dma_start3A_69 = arith.constant 0 : i32
      %dma_start3A_70 = tpu.memref_slice %arg14[%add3A_8, %dma_start3A_69] : memref<10496x128xf32, #tpu.memory_space<vmem_shared>> -> memref<128x128xf32, #tpu.memory_space<vmem_shared>>
      tpu.enqueue_dma source(%arg13 : memref<128x128xf32, #tpu.memory_space<vmem>>) target(%dma_start3A_70 : memref<128x128xf32, #tpu.memory_space<vmem_shared>>) target_semaphore(%run_scoped3A_66 : memref<!tpu.dma_semaphore, #tpu.memory_space<semaphore_mem>>)
      %dma_wait3A_71 = arith.constant 0 : i32
      %dma_wait3A_72 = tpu.memref_slice %arg14[%add3A_8, %dma_wait3A_71] : memref<10496x128xf32, #tpu.memory_space<vmem_shared>> -> memref<128x128xf32, #tpu.memory_space<vmem_shared>>
      %dma_wait3A_73 = arith.constant 0 : i32
      %dma_wait3A_74 = tpu.memref_slice %arg14[%add3A_8, %dma_wait3A_73] : memref<10496x128xf32, #tpu.memory_space<vmem_shared>> -> memref<128x128xf32, #tpu.memory_space<vmem_shared>>
      tpu.wait_dma2 semaphore(%run_scoped3A_66 : memref<!tpu.dma_semaphore, #tpu.memory_space<semaphore_mem>>) src(%arg13 : memref<128x128xf32, #tpu.memory_space<vmem>>) dst(%dma_wait3A_74 : memref<128x128xf32, #tpu.memory_space<vmem_shared>>)
      tpu.yield
    }) : () -> ()
    %add3A_9 = arith.constant 384 : i32
    %add3A_10 = arith.addi %mul3A_2, %add3A_9 : i32
    "tpu.region"() ({
      %run_scoped3A_66 = tpu.sem_alloc : memref<!tpu.dma_semaphore, #tpu.memory_space<semaphore_mem>>
      %dma_start3A_67 = arith.constant 0 : i32
      %dma_start3A_68 = tpu.memref_slice %arg14[%add3A_10, %dma_start3A_67] : memref<10496x128xf32, #tpu.memory_space<vmem_shared>> -> memref<128x128xf32, #tpu.memory_space<vmem_shared>>
      %dma_start3A_69 = arith.constant 0 : i32
      %dma_start3A_70 = tpu.memref_slice %arg14[%add3A_10, %dma_start3A_69] : memref<10496x128xf32, #tpu.memory_space<vmem_shared>> -> memref<128x128xf32, #tpu.memory_space<vmem_shared>>
      tpu.enqueue_dma source(%arg13 : memref<128x128xf32, #tpu.memory_space<vmem>>) target(%dma_start3A_70 : memref<128x128xf32, #tpu.memory_space<vmem_shared>>) target_semaphore(%run_scoped3A_66 : memref<!tpu.dma_semaphore, #tpu.memory_space<semaphore_mem>>)
      %dma_wait3A_71 = arith.constant 0 : i32
      %dma_wait3A_72 = tpu.memref_slice %arg14[%add3A_10, %dma_wait3A_71] : memref<10496x128xf32, #tpu.memory_space<vmem_shared>> -> memref<128x128xf32, #tpu.memory_space<vmem_shared>>
      %dma_wait3A_73 = arith.constant 0 : i32
      %dma_wait3A_74 = tpu.memref_slice %arg14[%add3A_10, %dma_wait3A_73] : memref<10496x128xf32, #tpu.memory_space<vmem_shared>> -> memref<128x128xf32, #tpu.memory_space<vmem_shared>>
      tpu.wait_dma2 semaphore(%run_scoped3A_66 : memref<!tpu.dma_semaphore, #tpu.memory_space<semaphore_mem>>) src(%arg13 : memref<128x128xf32, #tpu.memory_space<vmem>>) dst(%dma_wait3A_74 : memref<128x128xf32, #tpu.memory_space<vmem_shared>>)
      tpu.yield
    }) : () -> ()
    %add3A_11 = arith.constant 512 : i32
    %add3A_12 = arith.addi %mul3A_2, %add3A_11 : i32
    "tpu.region"() ({
      %run_scoped3A_66 = tpu.sem_alloc : memref<!tpu.dma_semaphore, #tpu.memory_space<semaphore_mem>>
      %dma_start3A_67 = arith.constant 0 : i32
      %dma_start3A_68 = tpu.memref_slice %arg14[%add3A_12, %dma_start3A_67] : memref<10496x128xf32, #tpu.memory_space<vmem_shared>> -> memref<128x128xf32, #tpu.memory_space<vmem_shared>>
      %dma_start3A_69 = arith.constant 0 : i32
      %dma_start3A_70 = tpu.memref_slice %arg14[%add3A_12, %dma_start3A_69] : memref<10496x128xf32, #tpu.memory_space<vmem_shared>> -> memref<128x128xf32, #tpu.memory_space<vmem_shared>>
      tpu.enqueue_dma source(%arg13 : memref<128x128xf32, #tpu.memory_space<vmem>>) target(%dma_start3A_70 : memref<128x128xf32, #tpu.memory_space<vmem_shared>>) target_semaphore(%run_scoped3A_66 : memref<!tpu.dma_semaphore, #tpu.memory_space<semaphore_mem>>)
      %dma_wait3A_71 = arith.constant 0 : i32
      %dma_wait3A_72 = tpu.memref_slice %arg14[%add3A_12, %dma_wait3A_71] : memref<10496x128xf32, #tpu.memory_space<vmem_shared>> -> memref<128x128xf32, #tpu.memory_space<vmem_shared>>
      %dma_wait3A_73 = arith.constant 0 : i32
      %dma_wait3A_74 = tpu.memref_slice %arg14[%add3A_12, %dma_wait3A_73] : memref<10496x128xf32, #tpu.memory_space<vmem_shared>> -> memref<128x128xf32, #tpu.memory_space<vmem_shared>>
      tpu.wait_dma2 semaphore(%run_scoped3A_66 : memref<!tpu.dma_semaphore, #tpu.memory_space<semaphore_mem>>) src(%arg13 : memref<128x128xf32, #tpu.memory_space<vmem>>) dst(%dma_wait3A_74 : memref<128x128xf32, #tpu.memory_space<vmem_shared>>)
      tpu.yield
    }) : () -> ()
    %add3A_13 = arith.constant 640 : i32
    %add3A_14 = arith.addi %mul3A_2, %add3A_13 : i32
    "tpu.region"() ({
      %run_scoped3A_66 = tpu.sem_alloc : memref<!tpu.dma_semaphore, #tpu.memory_space<semaphore_mem>>
      %dma_start3A_67 = arith.constant 0 : i32
      %dma_start3A_68 = arith.constant 0 : i32
      %dma_start3A_69 = tpu.memref_slice %arg13[%dma_start3A_67, %dma_start3A_68] : memref<128x128xf32, #tpu.memory_space<vmem>> -> memref<16x128xf32, #tpu.memory_space<vmem>>
      %dma_start3A_70 = arith.constant 0 : i32
      %dma_start3A_71 = tpu.memref_slice %arg14[%add3A_14, %dma_start3A_70] : memref<10496x128xf32, #tpu.memory_space<vmem_shared>> -> memref<16x128xf32, #tpu.memory_space<vmem_shared>>
      %dma_start3A_72 = arith.constant 0 : i32
      %dma_start3A_73 = tpu.memref_slice %arg14[%add3A_14, %dma_start3A_72] : memref<10496x128xf32, #tpu.memory_space<vmem_shared>> -> memref<16x128xf32, #tpu.memory_space<vmem_shared>>
      %dma_start3A_74 = arith.constant 0 : i32
      %dma_start3A_75 = arith.constant 0 : i32
      %dma_start3A_76 = tpu.memref_slice %arg13[%dma_start3A_74, %dma_start3A_75] : memref<128x128xf32, #tpu.memory_space<vmem>> -> memref<16x128xf32, #tpu.memory_space<vmem>>
      tpu.enqueue_dma source(%dma_start3A_76 : memref<16x128xf32, #tpu.memory_space<vmem>>) target(%dma_start3A_73 : memref<16x128xf32, #tpu.memory_space<vmem_shared>>) target_semaphore(%run_scoped3A_66 : memref<!tpu.dma_semaphore, #tpu.memory_space<semaphore_mem>>)
      %dma_wait3A_77 = arith.constant 0 : i32
      %dma_wait3A_78 = arith.constant 0 : i32
      %dma_wait3A_79 = tpu.memref_slice %arg13[%dma_wait3A_77, %dma_wait3A_78] : memref<128x128xf32, #tpu.memory_space<vmem>> -> memref<16x128xf32, #tpu.memory_space<vmem>>
      %dma_wait3A_80 = arith.constant 0 : i32
      %dma_wait3A_81 = tpu.memref_slice %arg14[%add3A_14, %dma_wait3A_80] : memref<10496x128xf32, #tpu.memory_space<vmem_shared>> -> memref<16x128xf32, #tpu.memory_space<vmem_shared>>
      %dma_wait3A_82 = arith.constant 0 : i32
      %dma_wait3A_83 = tpu.memref_slice %arg14[%add3A_14, %dma_wait3A_82] : memref<10496x128xf32, #tpu.memory_space<vmem_shared>> -> memref<16x128xf32, #tpu.memory_space<vmem_shared>>
      %dma_wait3A_84 = arith.constant 0 : i32
      %dma_wait3A_85 = arith.constant 0 : i32
      %dma_wait3A_86 = tpu.memref_slice %arg13[%dma_wait3A_84, %dma_wait3A_85] : memref<128x128xf32, #tpu.memory_space<vmem>> -> memref<16x128xf32, #tpu.memory_space<vmem>>
      tpu.wait_dma2 semaphore(%run_scoped3A_66 : memref<!tpu.dma_semaphore, #tpu.memory_space<semaphore_mem>>) src(%dma_wait3A_86 : memref<16x128xf32, #tpu.memory_space<vmem>>) dst(%dma_wait3A_83 : memref<16x128xf32, #tpu.memory_space<vmem_shared>>)
      tpu.yield
    }) : () -> ()
    %barrier3A = arith.constant 0 : index
    tpu.barrier barrier_id(%barrier3A)
    %mul3A_15 = arith.constant 10000 : i32
    %mul3A_16 = arith.muli %add3A, %mul3A_15 : i32
    %scan3A = arith.constant 0 : i32
    %scan3A_17 = arith.constant 0 : i32
    %scan3A_18 = arith.constant 78 : i32
    %scan3A_19 = arith.addi %scan3A_17, %scan3A_18 : i32
    %scan3A_20 = arith.constant 1 : i32
    scf.for %scan3A_66 = %scan3A_17 to %scan3A_19 step %scan3A_20  : i32 {
      %mul3A_67 = arith.constant 128 : i32
      %mul3A_68 = arith.muli %scan3A_66, %mul3A_67 : i32
      %add3A_69 = arith.addi %mul3A_16, %mul3A_68 : i32
      %multiple_of3A_70 = tpu.assume_multiple %add3A_69, 8 : i32
      %run_scoped3A_71 = arith.constant 0 : i32
      "tpu.region"() ({
        %run_scoped3A_88 = tpu.sem_alloc : memref<!tpu.dma_semaphore, #tpu.memory_space<semaphore_mem>>
        %dma_start3A_89 = arith.constant 0 : i32
        %dma_start3A_90 = tpu.memref_slice %arg7[%run_scoped3A_71, %dma_start3A_89] : memref<1x128xi32, #tpu.memory_space<vmem>> -> memref<1x128xi32, #tpu.memory_space<vmem>>
        %dma_start3A_91 = tpu.memref_squeeze %dma_start3A_90 : memref<1x128xi32, #tpu.memory_space<vmem>> -> memref<128xi32, #tpu.memory_space<vmem>>
        %dma_start3A_92 = tpu.memref_slice %arg3[%multiple_of3A_70] : memref<320000xi32, #tpu.memory_space<hbm>> -> memref<128xi32, #tpu.memory_space<hbm>>
        %dma_start3A_93 = arith.constant 0 : i32
        %dma_start3A_94 = tpu.memref_slice %arg7[%run_scoped3A_71, %dma_start3A_93] : memref<1x128xi32, #tpu.memory_space<vmem>> -> memref<1x128xi32, #tpu.memory_space<vmem>>
        %dma_start3A_95 = tpu.memref_squeeze %dma_start3A_94 : memref<1x128xi32, #tpu.memory_space<vmem>> -> memref<128xi32, #tpu.memory_space<vmem>>
        %dma_start3A_96 = tpu.memref_slice %arg3[%multiple_of3A_70] : memref<320000xi32, #tpu.memory_space<hbm>> -> memref<128xi32, #tpu.memory_space<hbm>>
        tpu.enqueue_dma source(%dma_start3A_96 : memref<128xi32, #tpu.memory_space<hbm>>) target(%dma_start3A_95 : memref<128xi32, #tpu.memory_space<vmem>>) target_semaphore(%run_scoped3A_88 : memref<!tpu.dma_semaphore, #tpu.memory_space<semaphore_mem>>)
        %dma_wait3A_97 = arith.constant 0 : i32
        %dma_wait3A_98 = tpu.memref_slice %arg7[%run_scoped3A_71, %dma_wait3A_97] : memref<1x128xi32, #tpu.memory_space<vmem>> -> memref<1x128xi32, #tpu.memory_space<vmem>>
        %dma_wait3A_99 = tpu.memref_squeeze %dma_wait3A_98 : memref<1x128xi32, #tpu.memory_space<vmem>> -> memref<128xi32, #tpu.memory_space<vmem>>
        %dma_wait3A_100 = tpu.memref_slice %arg3[%multiple_of3A_70] : memref<320000xi32, #tpu.memory_space<hbm>> -> memref<128xi32, #tpu.memory_space<hbm>>
        %dma_wait3A_101 = arith.constant 0 : i32
        %dma_wait3A_102 = tpu.memref_slice %arg7[%run_scoped3A_71, %dma_wait3A_101] : memref<1x128xi32, #tpu.memory_space<vmem>> -> memref<1x128xi32, #tpu.memory_space<vmem>>
        %dma_wait3A_103 = tpu.memref_squeeze %dma_wait3A_102 : memref<1x128xi32, #tpu.memory_space<vmem>> -> memref<128xi32, #tpu.memory_space<vmem>>
        %dma_wait3A_104 = tpu.memref_slice %arg3[%multiple_of3A_70] : memref<320000xi32, #tpu.memory_space<hbm>> -> memref<128xi32, #tpu.memory_space<hbm>>
        tpu.wait_dma2 semaphore(%run_scoped3A_88 : memref<!tpu.dma_semaphore, #tpu.memory_space<semaphore_mem>>) src(%dma_wait3A_104 : memref<128xi32, #tpu.memory_space<hbm>>) dst(%dma_wait3A_103 : memref<128xi32, #tpu.memory_space<vmem>>)
        tpu.yield
      }) : () -> ()
      %run_scoped3A_72 = arith.constant 0 : i32
      "tpu.region"() ({
        %run_scoped3A_88 = tpu.sem_alloc : memref<!tpu.dma_semaphore, #tpu.memory_space<semaphore_mem>>
        %dma_start3A_89 = arith.constant 0 : i32
        %dma_start3A_90 = tpu.memref_slice %arg8[%run_scoped3A_72, %dma_start3A_89] : memref<1x128xi32, #tpu.memory_space<vmem>> -> memref<1x128xi32, #tpu.memory_space<vmem>>
        %dma_start3A_91 = tpu.memref_squeeze %dma_start3A_90 : memref<1x128xi32, #tpu.memory_space<vmem>> -> memref<128xi32, #tpu.memory_space<vmem>>
        %dma_start3A_92 = tpu.memref_slice %arg4[%multiple_of3A_70] : memref<320000xi32, #tpu.memory_space<hbm>> -> memref<128xi32, #tpu.memory_space<hbm>>
        %dma_start3A_93 = arith.constant 0 : i32
        %dma_start3A_94 = tpu.memref_slice %arg8[%run_scoped3A_72, %dma_start3A_93] : memref<1x128xi32, #tpu.memory_space<vmem>> -> memref<1x128xi32, #tpu.memory_space<vmem>>
        %dma_start3A_95 = tpu.memref_squeeze %dma_start3A_94 : memref<1x128xi32, #tpu.memory_space<vmem>> -> memref<128xi32, #tpu.memory_space<vmem>>
        %dma_start3A_96 = tpu.memref_slice %arg4[%multiple_of3A_70] : memref<320000xi32, #tpu.memory_space<hbm>> -> memref<128xi32, #tpu.memory_space<hbm>>
        tpu.enqueue_dma source(%dma_start3A_96 : memref<128xi32, #tpu.memory_space<hbm>>) target(%dma_start3A_95 : memref<128xi32, #tpu.memory_space<vmem>>) target_semaphore(%run_scoped3A_88 : memref<!tpu.dma_semaphore, #tpu.memory_space<semaphore_mem>>)
        %dma_wait3A_97 = arith.constant 0 : i32
        %dma_wait3A_98 = tpu.memref_slice %arg8[%run_scoped3A_72, %dma_wait3A_97] : memref<1x128xi32, #tpu.memory_space<vmem>> -> memref<1x128xi32, #tpu.memory_space<vmem>>
        %dma_wait3A_99 = tpu.memref_squeeze %dma_wait3A_98 : memref<1x128xi32, #tpu.memory_space<vmem>> -> memref<128xi32, #tpu.memory_space<vmem>>
        %dma_wait3A_100 = tpu.memref_slice %arg4[%multiple_of3A_70] : memref<320000xi32, #tpu.memory_space<hbm>> -> memref<128xi32, #tpu.memory_space<hbm>>
        %dma_wait3A_101 = arith.constant 0 : i32
        %dma_wait3A_102 = tpu.memref_slice %arg8[%run_scoped3A_72, %dma_wait3A_101] : memref<1x128xi32, #tpu.memory_space<vmem>> -> memref<1x128xi32, #tpu.memory_space<vmem>>
        %dma_wait3A_103 = tpu.memref_squeeze %dma_wait3A_102 : memref<1x128xi32, #tpu.memory_space<vmem>> -> memref<128xi32, #tpu.memory_space<vmem>>
        %dma_wait3A_104 = tpu.memref_slice %arg4[%multiple_of3A_70] : memref<320000xi32, #tpu.memory_space<hbm>> -> memref<128xi32, #tpu.memory_space<hbm>>
        tpu.wait_dma2 semaphore(%run_scoped3A_88 : memref<!tpu.dma_semaphore, #tpu.memory_space<semaphore_mem>>) src(%dma_wait3A_104 : memref<128xi32, #tpu.memory_space<hbm>>) dst(%dma_wait3A_103 : memref<128xi32, #tpu.memory_space<vmem>>)
        tpu.yield
      }) : () -> ()
      %dma_start3A_73 = arith.constant 0 : i32
      %dma_start3A_74 = arith.constant 0 : i32
      %dma_start3A_75 = tpu.memref_slice %arg7[%dma_start3A_73, %dma_start3A_74] : memref<1x128xi32, #tpu.memory_space<vmem>> -> memref<1x128xi32, #tpu.memory_space<vmem>>
      %dma_start3A_76 = tpu.memref_squeeze %dma_start3A_75 : memref<1x128xi32, #tpu.memory_space<vmem>> -> memref<128xi32, #tpu.memory_space<vmem>>
      %dma_start3A_77 = arith.constant 0 : i32
      %dma_start3A_78 = arith.constant 0 : i32
      %dma_start3A_79 = tpu.memref_slice %arg2[%dma_start3A_77, %dma_start3A_78] : memref<10496x128xf32, #tpu.memory_space<hbm>> -> memref<10496x128xf32, #tpu.memory_space<hbm>>
      tpu.enqueue_indirect_dma source(%dma_start3A_79 : memref<10496x128xf32, #tpu.memory_space<hbm>>) target(%arg9 : memref<128x128xf32, #tpu.memory_space<vmem>>) offsets(%dma_start3A_76 : memref<128xi32, #tpu.memory_space<vmem>>) semaphore(%arg15 : memref<!tpu.dma_semaphore, #tpu.memory_space<semaphore_mem>>)
      %dma_wait3A_80 = arith.constant 0 : i32
      %dma_wait3A_81 = arith.constant 0 : i32
      %dma_wait3A_82 = tpu.memref_slice %arg7[%dma_wait3A_80, %dma_wait3A_81] : memref<1x128xi32, #tpu.memory_space<vmem>> -> memref<1x128xi32, #tpu.memory_space<vmem>>
      %dma_wait3A_83 = tpu.memref_squeeze %dma_wait3A_82 : memref<1x128xi32, #tpu.memory_space<vmem>> -> memref<128xi32, #tpu.memory_space<vmem>>
      %dma_wait3A_84 = arith.constant 0 : i32
      %dma_wait3A_85 = arith.constant 0 : i32
      %dma_wait3A_86 = tpu.memref_slice %arg2[%dma_wait3A_84, %dma_wait3A_85] : memref<10496x128xf32, #tpu.memory_space<hbm>> -> memref<10496x128xf32, #tpu.memory_space<hbm>>
      tpu.wait_indirect_dma semaphore(%arg15 : memref<!tpu.dma_semaphore, #tpu.memory_space<semaphore_mem>>) src(%dma_wait3A_86 : memref<10496x128xf32, #tpu.memory_space<hbm>>) dst(%arg9 : memref<128x128xf32, #tpu.memory_space<vmem>>)
      %run_scoped3A_87 = arith.constant 0 : i32
      "tpu.region"() ({
        %run_scoped3A_88 = tpu.sem_alloc : memref<!tpu.dma_semaphore, #tpu.memory_space<semaphore_mem>>
        %dma_start3A_89 = arith.constant 0 : i32
        %dma_start3A_90 = tpu.memref_slice %arg8[%run_scoped3A_87, %dma_start3A_89] : memref<1x128xi32, #tpu.memory_space<vmem>> -> memref<1x128xi32, #tpu.memory_space<vmem>>
        %dma_start3A_91 = tpu.memref_squeeze %dma_start3A_90 : memref<1x128xi32, #tpu.memory_space<vmem>> -> memref<128xi32, #tpu.memory_space<vmem>>
        %dma_start3A_92 = arith.constant 0 : i32
        %dma_start3A_93 = arith.constant 0 : i32
        %dma_start3A_94 = tpu.memref_slice %arg14[%dma_start3A_92, %dma_start3A_93] : memref<10496x128xf32, #tpu.memory_space<vmem_shared>> -> memref<10496x128xf32, #tpu.memory_space<vmem_shared>>
        tpu.enqueue_indirect_dma source(%arg9 : memref<128x128xf32, #tpu.memory_space<vmem>>) target(%dma_start3A_94 : memref<10496x128xf32, #tpu.memory_space<vmem_shared>>) offsets(%dma_start3A_91 : memref<128xi32, #tpu.memory_space<vmem>>) semaphore(%run_scoped3A_88 : memref<!tpu.dma_semaphore, #tpu.memory_space<semaphore_mem>>) {add = true}
        %dma_wait3A_95 = arith.constant 0 : i32
        %dma_wait3A_96 = tpu.memref_slice %arg8[%run_scoped3A_87, %dma_wait3A_95] : memref<1x128xi32, #tpu.memory_space<vmem>> -> memref<1x128xi32, #tpu.memory_space<vmem>>
        %dma_wait3A_97 = tpu.memref_squeeze %dma_wait3A_96 : memref<1x128xi32, #tpu.memory_space<vmem>> -> memref<128xi32, #tpu.memory_space<vmem>>
        %dma_wait3A_98 = arith.constant 0 : i32
        %dma_wait3A_99 = arith.constant 0 : i32
        %dma_wait3A_100 = tpu.memref_slice %arg14[%dma_wait3A_98, %dma_wait3A_99] : memref<10496x128xf32, #tpu.memory_space<vmem_shared>> -> memref<10496x128xf32, #tpu.memory_space<vmem_shared>>
        tpu.wait_indirect_dma semaphore(%run_scoped3A_88 : memref<!tpu.dma_semaphore, #tpu.memory_space<semaphore_mem>>) src(%arg9 : memref<128x128xf32, #tpu.memory_space<vmem>>) dst(%dma_wait3A_100 : memref<10496x128xf32, #tpu.memory_space<vmem_shared>>)
        tpu.yield
      }) : () -> ()
    }
    %scan3A_21 = arith.constant 78 : i32
    %add3A_22 = arith.constant 9984 : i32
    %add3A_23 = arith.addi %mul3A_16, %add3A_22 : i32
    %multiple_of3A = tpu.assume_multiple %add3A_23, 8 : i32
    %run_scoped3A = arith.constant 0 : i32
    "tpu.region"() ({
      %run_scoped3A_66 = tpu.sem_alloc : memref<!tpu.dma_semaphore, #tpu.memory_space<semaphore_mem>>
      %dma_start3A_67 = arith.constant 0 : i32
      %dma_start3A_68 = tpu.memref_slice %arg10[%run_scoped3A, %dma_start3A_67] : memref<1x16xi32, #tpu.memory_space<vmem>> -> memref<1x16xi32, #tpu.memory_space<vmem>>
      %dma_start3A_69 = tpu.memref_squeeze %dma_start3A_68 : memref<1x16xi32, #tpu.memory_space<vmem>> -> memref<16xi32, #tpu.memory_space<vmem>>
      %dma_start3A_70 = tpu.memref_slice %arg3[%multiple_of3A] : memref<320000xi32, #tpu.memory_space<hbm>> -> memref<16xi32, #tpu.memory_space<hbm>>
      %dma_start3A_71 = arith.constant 0 : i32
      %dma_start3A_72 = tpu.memref_slice %arg10[%run_scoped3A, %dma_start3A_71] : memref<1x16xi32, #tpu.memory_space<vmem>> -> memref<1x16xi32, #tpu.memory_space<vmem>>
      %dma_start3A_73 = tpu.memref_squeeze %dma_start3A_72 : memref<1x16xi32, #tpu.memory_space<vmem>> -> memref<16xi32, #tpu.memory_space<vmem>>
      %dma_start3A_74 = tpu.memref_slice %arg3[%multiple_of3A] : memref<320000xi32, #tpu.memory_space<hbm>> -> memref<16xi32, #tpu.memory_space<hbm>>
      tpu.enqueue_dma source(%dma_start3A_74 : memref<16xi32, #tpu.memory_space<hbm>>) target(%dma_start3A_73 : memref<16xi32, #tpu.memory_space<vmem>>) target_semaphore(%run_scoped3A_66 : memref<!tpu.dma_semaphore, #tpu.memory_space<semaphore_mem>>)
      %dma_wait3A_75 = arith.constant 0 : i32
      %dma_wait3A_76 = tpu.memref_slice %arg10[%run_scoped3A, %dma_wait3A_75] : memref<1x16xi32, #tpu.memory_space<vmem>> -> memref<1x16xi32, #tpu.memory_space<vmem>>
      %dma_wait3A_77 = tpu.memref_squeeze %dma_wait3A_76 : memref<1x16xi32, #tpu.memory_space<vmem>> -> memref<16xi32, #tpu.memory_space<vmem>>
      %dma_wait3A_78 = tpu.memref_slice %arg3[%multiple_of3A] : memref<320000xi32, #tpu.memory_space<hbm>> -> memref<16xi32, #tpu.memory_space<hbm>>
      %dma_wait3A_79 = arith.constant 0 : i32
      %dma_wait3A_80 = tpu.memref_slice %arg10[%run_scoped3A, %dma_wait3A_79] : memref<1x16xi32, #tpu.memory_space<vmem>> -> memref<1x16xi32, #tpu.memory_space<vmem>>
      %dma_wait3A_81 = tpu.memref_squeeze %dma_wait3A_80 : memref<1x16xi32, #tpu.memory_space<vmem>> -> memref<16xi32, #tpu.memory_space<vmem>>
      %dma_wait3A_82 = tpu.memref_slice %arg3[%multiple_of3A] : memref<320000xi32, #tpu.memory_space<hbm>> -> memref<16xi32, #tpu.memory_space<hbm>>
      tpu.wait_dma2 semaphore(%run_scoped3A_66 : memref<!tpu.dma_semaphore, #tpu.memory_space<semaphore_mem>>) src(%dma_wait3A_82 : memref<16xi32, #tpu.memory_space<hbm>>) dst(%dma_wait3A_81 : memref<16xi32, #tpu.memory_space<vmem>>)
      tpu.yield
    }) : () -> ()
    %run_scoped3A_24 = arith.constant 0 : i32
    "tpu.region"() ({
      %run_scoped3A_66 = tpu.sem_alloc : memref<!tpu.dma_semaphore, #tpu.memory_space<semaphore_mem>>
      %dma_start3A_67 = arith.constant 0 : i32
      %dma_start3A_68 = tpu.memref_slice %arg11[%run_scoped3A_24, %dma_start3A_67] : memref<1x16xi32, #tpu.memory_space<vmem>> -> memref<1x16xi32, #tpu.memory_space<vmem>>
      %dma_start3A_69 = tpu.memref_squeeze %dma_start3A_68 : memref<1x16xi32, #tpu.memory_space<vmem>> -> memref<16xi32, #tpu.memory_space<vmem>>
      %dma_start3A_70 = tpu.memref_slice %arg4[%multiple_of3A] : memref<320000xi32, #tpu.memory_space<hbm>> -> memref<16xi32, #tpu.memory_space<hbm>>
      %dma_start3A_71 = arith.constant 0 : i32
      %dma_start3A_72 = tpu.memref_slice %arg11[%run_scoped3A_24, %dma_start3A_71] : memref<1x16xi32, #tpu.memory_space<vmem>> -> memref<1x16xi32, #tpu.memory_space<vmem>>
      %dma_start3A_73 = tpu.memref_squeeze %dma_start3A_72 : memref<1x16xi32, #tpu.memory_space<vmem>> -> memref<16xi32, #tpu.memory_space<vmem>>
      %dma_start3A_74 = tpu.memref_slice %arg4[%multiple_of3A] : memref<320000xi32, #tpu.memory_space<hbm>> -> memref<16xi32, #tpu.memory_space<hbm>>
      tpu.enqueue_dma source(%dma_start3A_74 : memref<16xi32, #tpu.memory_space<hbm>>) target(%dma_start3A_73 : memref<16xi32, #tpu.memory_space<vmem>>) target_semaphore(%run_scoped3A_66 : memref<!tpu.dma_semaphore, #tpu.memory_space<semaphore_mem>>)
      %dma_wait3A_75 = arith.constant 0 : i32
      %dma_wait3A_76 = tpu.memref_slice %arg11[%run_scoped3A_24, %dma_wait3A_75] : memref<1x16xi32, #tpu.memory_space<vmem>> -> memref<1x16xi32, #tpu.memory_space<vmem>>
      %dma_wait3A_77 = tpu.memref_squeeze %dma_wait3A_76 : memref<1x16xi32, #tpu.memory_space<vmem>> -> memref<16xi32, #tpu.memory_space<vmem>>
      %dma_wait3A_78 = tpu.memref_slice %arg4[%multiple_of3A] : memref<320000xi32, #tpu.memory_space<hbm>> -> memref<16xi32, #tpu.memory_space<hbm>>
      %dma_wait3A_79 = arith.constant 0 : i32
      %dma_wait3A_80 = tpu.memref_slice %arg11[%run_scoped3A_24, %dma_wait3A_79] : memref<1x16xi32, #tpu.memory_space<vmem>> -> memref<1x16xi32, #tpu.memory_space<vmem>>
      %dma_wait3A_81 = tpu.memref_squeeze %dma_wait3A_80 : memref<1x16xi32, #tpu.memory_space<vmem>> -> memref<16xi32, #tpu.memory_space<vmem>>
      %dma_wait3A_82 = tpu.memref_slice %arg4[%multiple_of3A] : memref<320000xi32, #tpu.memory_space<hbm>> -> memref<16xi32, #tpu.memory_space<hbm>>
      tpu.wait_dma2 semaphore(%run_scoped3A_66 : memref<!tpu.dma_semaphore, #tpu.memory_space<semaphore_mem>>) src(%dma_wait3A_82 : memref<16xi32, #tpu.memory_space<hbm>>) dst(%dma_wait3A_81 : memref<16xi32, #tpu.memory_space<vmem>>)
      tpu.yield
    }) : () -> ()
    %dma_start3A = arith.constant 0 : i32
    %dma_start3A_25 = arith.constant 0 : i32
    %dma_start3A_26 = tpu.memref_slice %arg10[%dma_start3A, %dma_start3A_25] : memref<1x16xi32, #tpu.memory_space<vmem>> -> memref<1x16xi32, #tpu.memory_space<vmem>>
    %dma_start3A_27 = tpu.memref_squeeze %dma_start3A_26 : memref<1x16xi32, #tpu.memory_space<vmem>> -> memref<16xi32, #tpu.memory_space<vmem>>
    %dma_start3A_28 = arith.constant 0 : i32
    %dma_start3A_29 = arith.constant 0 : i32
    %dma_start3A_30 = tpu.memref_slice %arg2[%dma_start3A_28, %dma_start3A_29] : memref<10496x128xf32, #tpu.memory_space<hbm>> -> memref<10496x128xf32, #tpu.memory_space<hbm>>
    tpu.enqueue_indirect_dma source(%dma_start3A_30 : memref<10496x128xf32, #tpu.memory_space<hbm>>) target(%arg12 : memref<16x128xf32, #tpu.memory_space<vmem>>) offsets(%dma_start3A_27 : memref<16xi32, #tpu.memory_space<vmem>>) semaphore(%arg15 : memref<!tpu.dma_semaphore, #tpu.memory_space<semaphore_mem>>)
    %dma_wait3A = arith.constant 0 : i32
    %dma_wait3A_31 = arith.constant 0 : i32
    %dma_wait3A_32 = tpu.memref_slice %arg10[%dma_wait3A, %dma_wait3A_31] : memref<1x16xi32, #tpu.memory_space<vmem>> -> memref<1x16xi32, #tpu.memory_space<vmem>>
    %dma_wait3A_33 = tpu.memref_squeeze %dma_wait3A_32 : memref<1x16xi32, #tpu.memory_space<vmem>> -> memref<16xi32, #tpu.memory_space<vmem>>
    %dma_wait3A_34 = arith.constant 0 : i32
    %dma_wait3A_35 = arith.constant 0 : i32
    %dma_wait3A_36 = tpu.memref_slice %arg2[%dma_wait3A_34, %dma_wait3A_35] : memref<10496x128xf32, #tpu.memory_space<hbm>> -> memref<10496x128xf32, #tpu.memory_space<hbm>>
    tpu.wait_indirect_dma semaphore(%arg15 : memref<!tpu.dma_semaphore, #tpu.memory_space<semaphore_mem>>) src(%dma_wait3A_36 : memref<10496x128xf32, #tpu.memory_space<hbm>>) dst(%arg12 : memref<16x128xf32, #tpu.memory_space<vmem>>)
    %run_scoped3A_37 = arith.constant 0 : i32
    "tpu.region"() ({
      %run_scoped3A_66 = tpu.sem_alloc : memref<!tpu.dma_semaphore, #tpu.memory_space<semaphore_mem>>
      %dma_start3A_67 = arith.constant 0 : i32
      %dma_start3A_68 = tpu.memref_slice %arg11[%run_scoped3A_37, %dma_start3A_67] : memref<1x16xi32, #tpu.memory_space<vmem>> -> memref<1x16xi32, #tpu.memory_space<vmem>>
      %dma_start3A_69 = tpu.memref_squeeze %dma_start3A_68 : memref<1x16xi32, #tpu.memory_space<vmem>> -> memref<16xi32, #tpu.memory_space<vmem>>
      %dma_start3A_70 = arith.constant 0 : i32
      %dma_start3A_71 = arith.constant 0 : i32
      %dma_start3A_72 = tpu.memref_slice %arg14[%dma_start3A_70, %dma_start3A_71] : memref<10496x128xf32, #tpu.memory_space<vmem_shared>> -> memref<10496x128xf32, #tpu.memory_space<vmem_shared>>
      tpu.enqueue_indirect_dma source(%arg12 : memref<16x128xf32, #tpu.memory_space<vmem>>) target(%dma_start3A_72 : memref<10496x128xf32, #tpu.memory_space<vmem_shared>>) offsets(%dma_start3A_69 : memref<16xi32, #tpu.memory_space<vmem>>) semaphore(%run_scoped3A_66 : memref<!tpu.dma_semaphore, #tpu.memory_space<semaphore_mem>>) {add = true}
      %dma_wait3A_73 = arith.constant 0 : i32
      %dma_wait3A_74 = tpu.memref_slice %arg11[%run_scoped3A_37, %dma_wait3A_73] : memref<1x16xi32, #tpu.memory_space<vmem>> -> memref<1x16xi32, #tpu.memory_space<vmem>>
      %dma_wait3A_75 = tpu.memref_squeeze %dma_wait3A_74 : memref<1x16xi32, #tpu.memory_space<vmem>> -> memref<16xi32, #tpu.memory_space<vmem>>
      %dma_wait3A_76 = arith.constant 0 : i32
      %dma_wait3A_77 = arith.constant 0 : i32
      %dma_wait3A_78 = tpu.memref_slice %arg14[%dma_wait3A_76, %dma_wait3A_77] : memref<10496x128xf32, #tpu.memory_space<vmem_shared>> -> memref<10496x128xf32, #tpu.memory_space<vmem_shared>>
      tpu.wait_indirect_dma semaphore(%run_scoped3A_66 : memref<!tpu.dma_semaphore, #tpu.memory_space<semaphore_mem>>) src(%arg12 : memref<16x128xf32, #tpu.memory_space<vmem>>) dst(%dma_wait3A_78 : memref<10496x128xf32, #tpu.memory_space<vmem_shared>>)
      tpu.yield
    }) : () -> ()
    %barrier3A_38 = arith.constant 0 : index
    tpu.barrier barrier_id(%barrier3A_38)
    %mul3A_39 = arith.constant 10496 : i32
    %mul3A_40 = arith.muli %arg0, %mul3A_39 : i32
    %add3A_41 = arith.addi %mul3A_40, %mul3A_2 : i32
    %add3A_42 = arith.constant 0 : i32
    %add3A_43 = arith.addi %mul3A_2, %add3A_42 : i32
    "tpu.region"() ({
      %run_scoped3A_66 = tpu.sem_alloc : memref<!tpu.dma_semaphore, #tpu.memory_space<semaphore_mem>>
      %dma_start3A_67 = arith.constant 0 : i32
      %dma_start3A_68 = tpu.memref_slice %arg14[%add3A_43, %dma_start3A_67] : memref<10496x128xf32, #tpu.memory_space<vmem_shared>> -> memref<128x128xf32, #tpu.memory_space<vmem_shared>>
      %dma_start3A_69 = arith.constant 0 : i32
      %dma_start3A_70 = tpu.memref_slice %arg14[%add3A_43, %dma_start3A_69] : memref<10496x128xf32, #tpu.memory_space<vmem_shared>> -> memref<128x128xf32, #tpu.memory_space<vmem_shared>>
      tpu.enqueue_dma source(%dma_start3A_70 : memref<128x128xf32, #tpu.memory_space<vmem_shared>>) target(%arg13 : memref<128x128xf32, #tpu.memory_space<vmem>>) target_semaphore(%run_scoped3A_66 : memref<!tpu.dma_semaphore, #tpu.memory_space<semaphore_mem>>)
      %dma_wait3A_71 = arith.constant 0 : i32
      %dma_wait3A_72 = tpu.memref_slice %arg14[%add3A_43, %dma_wait3A_71] : memref<10496x128xf32, #tpu.memory_space<vmem_shared>> -> memref<128x128xf32, #tpu.memory_space<vmem_shared>>
      %dma_wait3A_73 = arith.constant 0 : i32
      %dma_wait3A_74 = tpu.memref_slice %arg14[%add3A_43, %dma_wait3A_73] : memref<10496x128xf32, #tpu.memory_space<vmem_shared>> -> memref<128x128xf32, #tpu.memory_space<vmem_shared>>
      tpu.wait_dma2 semaphore(%run_scoped3A_66 : memref<!tpu.dma_semaphore, #tpu.memory_space<semaphore_mem>>) src(%dma_wait3A_74 : memref<128x128xf32, #tpu.memory_space<vmem_shared>>) dst(%arg13 : memref<128x128xf32, #tpu.memory_space<vmem>>)
      tpu.yield
    }) : () -> ()
    %add3A_44 = arith.constant 0 : i32
    %add3A_45 = arith.addi %add3A_41, %add3A_44 : i32
    "tpu.region"() ({
      %run_scoped3A_66 = tpu.sem_alloc : memref<!tpu.dma_semaphore, #tpu.memory_space<semaphore_mem>>
      %dma_start3A_67 = arith.constant 0 : i32
      %dma_start3A_68 = tpu.memref_slice %arg6[%add3A_45, %dma_start3A_67] : memref<20992x128xf32, #tpu.memory_space<hbm>> -> memref<128x128xf32, #tpu.memory_space<hbm>>
      %dma_start3A_69 = arith.constant 0 : i32
      %dma_start3A_70 = tpu.memref_slice %arg6[%add3A_45, %dma_start3A_69] : memref<20992x128xf32, #tpu.memory_space<hbm>> -> memref<128x128xf32, #tpu.memory_space<hbm>>
      tpu.enqueue_dma source(%arg13 : memref<128x128xf32, #tpu.memory_space<vmem>>) target(%dma_start3A_70 : memref<128x128xf32, #tpu.memory_space<hbm>>) target_semaphore(%run_scoped3A_66 : memref<!tpu.dma_semaphore, #tpu.memory_space<semaphore_mem>>)
      %dma_wait3A_71 = arith.constant 0 : i32
      %dma_wait3A_72 = tpu.memref_slice %arg6[%add3A_45, %dma_wait3A_71] : memref<20992x128xf32, #tpu.memory_space<hbm>> -> memref<128x128xf32, #tpu.memory_space<hbm>>
      %dma_wait3A_73 = arith.constant 0 : i32
      %dma_wait3A_74 = tpu.memref_slice %arg6[%add3A_45, %dma_wait3A_73] : memref<20992x128xf32, #tpu.memory_space<hbm>> -> memref<128x128xf32, #tpu.memory_space<hbm>>
      tpu.wait_dma2 semaphore(%run_scoped3A_66 : memref<!tpu.dma_semaphore, #tpu.memory_space<semaphore_mem>>) src(%arg13 : memref<128x128xf32, #tpu.memory_space<vmem>>) dst(%dma_wait3A_74 : memref<128x128xf32, #tpu.memory_space<hbm>>)
      tpu.yield
    }) : () -> ()
    %add3A_46 = arith.constant 128 : i32
    %add3A_47 = arith.addi %mul3A_2, %add3A_46 : i32
    "tpu.region"() ({
      %run_scoped3A_66 = tpu.sem_alloc : memref<!tpu.dma_semaphore, #tpu.memory_space<semaphore_mem>>
      %dma_start3A_67 = arith.constant 0 : i32
      %dma_start3A_68 = tpu.memref_slice %arg14[%add3A_47, %dma_start3A_67] : memref<10496x128xf32, #tpu.memory_space<vmem_shared>> -> memref<128x128xf32, #tpu.memory_space<vmem_shared>>
      %dma_start3A_69 = arith.constant 0 : i32
      %dma_start3A_70 = tpu.memref_slice %arg14[%add3A_47, %dma_start3A_69] : memref<10496x128xf32, #tpu.memory_space<vmem_shared>> -> memref<128x128xf32, #tpu.memory_space<vmem_shared>>
      tpu.enqueue_dma source(%dma_start3A_70 : memref<128x128xf32, #tpu.memory_space<vmem_shared>>) target(%arg13 : memref<128x128xf32, #tpu.memory_space<vmem>>) target_semaphore(%run_scoped3A_66 : memref<!tpu.dma_semaphore, #tpu.memory_space<semaphore_mem>>)
      %dma_wait3A_71 = arith.constant 0 : i32
      %dma_wait3A_72 = tpu.memref_slice %arg14[%add3A_47, %dma_wait3A_71] : memref<10496x128xf32, #tpu.memory_space<vmem_shared>> -> memref<128x128xf32, #tpu.memory_space<vmem_shared>>
      %dma_wait3A_73 = arith.constant 0 : i32
      %dma_wait3A_74 = tpu.memref_slice %arg14[%add3A_47, %dma_wait3A_73] : memref<10496x128xf32, #tpu.memory_space<vmem_shared>> -> memref<128x128xf32, #tpu.memory_space<vmem_shared>>
      tpu.wait_dma2 semaphore(%run_scoped3A_66 : memref<!tpu.dma_semaphore, #tpu.memory_space<semaphore_mem>>) src(%dma_wait3A_74 : memref<128x128xf32, #tpu.memory_space<vmem_shared>>) dst(%arg13 : memref<128x128xf32, #tpu.memory_space<vmem>>)
      tpu.yield
    }) : () -> ()
    %add3A_48 = arith.constant 128 : i32
    %add3A_49 = arith.addi %add3A_41, %add3A_48 : i32
    "tpu.region"() ({
      %run_scoped3A_66 = tpu.sem_alloc : memref<!tpu.dma_semaphore, #tpu.memory_space<semaphore_mem>>
      %dma_start3A_67 = arith.constant 0 : i32
      %dma_start3A_68 = tpu.memref_slice %arg6[%add3A_49, %dma_start3A_67] : memref<20992x128xf32, #tpu.memory_space<hbm>> -> memref<128x128xf32, #tpu.memory_space<hbm>>
      %dma_start3A_69 = arith.constant 0 : i32
      %dma_start3A_70 = tpu.memref_slice %arg6[%add3A_49, %dma_start3A_69] : memref<20992x128xf32, #tpu.memory_space<hbm>> -> memref<128x128xf32, #tpu.memory_space<hbm>>
      tpu.enqueue_dma source(%arg13 : memref<128x128xf32, #tpu.memory_space<vmem>>) target(%dma_start3A_70 : memref<128x128xf32, #tpu.memory_space<hbm>>) target_semaphore(%run_scoped3A_66 : memref<!tpu.dma_semaphore, #tpu.memory_space<semaphore_mem>>)
      %dma_wait3A_71 = arith.constant 0 : i32
      %dma_wait3A_72 = tpu.memref_slice %arg6[%add3A_49, %dma_wait3A_71] : memref<20992x128xf32, #tpu.memory_space<hbm>> -> memref<128x128xf32, #tpu.memory_space<hbm>>
      %dma_wait3A_73 = arith.constant 0 : i32
      %dma_wait3A_74 = tpu.memref_slice %arg6[%add3A_49, %dma_wait3A_73] : memref<20992x128xf32, #tpu.memory_space<hbm>> -> memref<128x128xf32, #tpu.memory_space<hbm>>
      tpu.wait_dma2 semaphore(%run_scoped3A_66 : memref<!tpu.dma_semaphore, #tpu.memory_space<semaphore_mem>>) src(%arg13 : memref<128x128xf32, #tpu.memory_space<vmem>>) dst(%dma_wait3A_74 : memref<128x128xf32, #tpu.memory_space<hbm>>)
      tpu.yield
    }) : () -> ()
    %add3A_50 = arith.constant 256 : i32
    %add3A_51 = arith.addi %mul3A_2, %add3A_50 : i32
    "tpu.region"() ({
      %run_scoped3A_66 = tpu.sem_alloc : memref<!tpu.dma_semaphore, #tpu.memory_space<semaphore_mem>>
      %dma_start3A_67 = arith.constant 0 : i32
      %dma_start3A_68 = tpu.memref_slice %arg14[%add3A_51, %dma_start3A_67] : memref<10496x128xf32, #tpu.memory_space<vmem_shared>> -> memref<128x128xf32, #tpu.memory_space<vmem_shared>>
      %dma_start3A_69 = arith.constant 0 : i32
      %dma_start3A_70 = tpu.memref_slice %arg14[%add3A_51, %dma_start3A_69] : memref<10496x128xf32, #tpu.memory_space<vmem_shared>> -> memref<128x128xf32, #tpu.memory_space<vmem_shared>>
      tpu.enqueue_dma source(%dma_start3A_70 : memref<128x128xf32, #tpu.memory_space<vmem_shared>>) target(%arg13 : memref<128x128xf32, #tpu.memory_space<vmem>>) target_semaphore(%run_scoped3A_66 : memref<!tpu.dma_semaphore, #tpu.memory_space<semaphore_mem>>)
      %dma_wait3A_71 = arith.constant 0 : i32
      %dma_wait3A_72 = tpu.memref_slice %arg14[%add3A_51, %dma_wait3A_71] : memref<10496x128xf32, #tpu.memory_space<vmem_shared>> -> memref<128x128xf32, #tpu.memory_space<vmem_shared>>
      %dma_wait3A_73 = arith.constant 0 : i32
      %dma_wait3A_74 = tpu.memref_slice %arg14[%add3A_51, %dma_wait3A_73] : memref<10496x128xf32, #tpu.memory_space<vmem_shared>> -> memref<128x128xf32, #tpu.memory_space<vmem_shared>>
      tpu.wait_dma2 semaphore(%run_scoped3A_66 : memref<!tpu.dma_semaphore, #tpu.memory_space<semaphore_mem>>) src(%dma_wait3A_74 : memref<128x128xf32, #tpu.memory_space<vmem_shared>>) dst(%arg13 : memref<128x128xf32, #tpu.memory_space<vmem>>)
      tpu.yield
    }) : () -> ()
    %add3A_52 = arith.constant 256 : i32
    %add3A_53 = arith.addi %add3A_41, %add3A_52 : i32
    "tpu.region"() ({
      %run_scoped3A_66 = tpu.sem_alloc : memref<!tpu.dma_semaphore, #tpu.memory_space<semaphore_mem>>
      %dma_start3A_67 = arith.constant 0 : i32
      %dma_start3A_68 = tpu.memref_slice %arg6[%add3A_53, %dma_start3A_67] : memref<20992x128xf32, #tpu.memory_space<hbm>> -> memref<128x128xf32, #tpu.memory_space<hbm>>
      %dma_start3A_69 = arith.constant 0 : i32
      %dma_start3A_70 = tpu.memref_slice %arg6[%add3A_53, %dma_start3A_69] : memref<20992x128xf32, #tpu.memory_space<hbm>> -> memref<128x128xf32, #tpu.memory_space<hbm>>
      tpu.enqueue_dma source(%arg13 : memref<128x128xf32, #tpu.memory_space<vmem>>) target(%dma_start3A_70 : memref<128x128xf32, #tpu.memory_space<hbm>>) target_semaphore(%run_scoped3A_66 : memref<!tpu.dma_semaphore, #tpu.memory_space<semaphore_mem>>)
      %dma_wait3A_71 = arith.constant 0 : i32
      %dma_wait3A_72 = tpu.memref_slice %arg6[%add3A_53, %dma_wait3A_71] : memref<20992x128xf32, #tpu.memory_space<hbm>> -> memref<128x128xf32, #tpu.memory_space<hbm>>
      %dma_wait3A_73 = arith.constant 0 : i32
      %dma_wait3A_74 = tpu.memref_slice %arg6[%add3A_53, %dma_wait3A_73] : memref<20992x128xf32, #tpu.memory_space<hbm>> -> memref<128x128xf32, #tpu.memory_space<hbm>>
      tpu.wait_dma2 semaphore(%run_scoped3A_66 : memref<!tpu.dma_semaphore, #tpu.memory_space<semaphore_mem>>) src(%arg13 : memref<128x128xf32, #tpu.memory_space<vmem>>) dst(%dma_wait3A_74 : memref<128x128xf32, #tpu.memory_space<hbm>>)
      tpu.yield
    }) : () -> ()
    %add3A_54 = arith.constant 384 : i32
    %add3A_55 = arith.addi %mul3A_2, %add3A_54 : i32
    "tpu.region"() ({
      %run_scoped3A_66 = tpu.sem_alloc : memref<!tpu.dma_semaphore, #tpu.memory_space<semaphore_mem>>
      %dma_start3A_67 = arith.constant 0 : i32
      %dma_start3A_68 = tpu.memref_slice %arg14[%add3A_55, %dma_start3A_67] : memref<10496x128xf32, #tpu.memory_space<vmem_shared>> -> memref<128x128xf32, #tpu.memory_space<vmem_shared>>
      %dma_start3A_69 = arith.constant 0 : i32
      %dma_start3A_70 = tpu.memref_slice %arg14[%add3A_55, %dma_start3A_69] : memref<10496x128xf32, #tpu.memory_space<vmem_shared>> -> memref<128x128xf32, #tpu.memory_space<vmem_shared>>
      tpu.enqueue_dma source(%dma_start3A_70 : memref<128x128xf32, #tpu.memory_space<vmem_shared>>) target(%arg13 : memref<128x128xf32, #tpu.memory_space<vmem>>) target_semaphore(%run_scoped3A_66 : memref<!tpu.dma_semaphore, #tpu.memory_space<semaphore_mem>>)
      %dma_wait3A_71 = arith.constant 0 : i32
      %dma_wait3A_72 = tpu.memref_slice %arg14[%add3A_55, %dma_wait3A_71] : memref<10496x128xf32, #tpu.memory_space<vmem_shared>> -> memref<128x128xf32, #tpu.memory_space<vmem_shared>>
      %dma_wait3A_73 = arith.constant 0 : i32
      %dma_wait3A_74 = tpu.memref_slice %arg14[%add3A_55, %dma_wait3A_73] : memref<10496x128xf32, #tpu.memory_space<vmem_shared>> -> memref<128x128xf32, #tpu.memory_space<vmem_shared>>
      tpu.wait_dma2 semaphore(%run_scoped3A_66 : memref<!tpu.dma_semaphore, #tpu.memory_space<semaphore_mem>>) src(%dma_wait3A_74 : memref<128x128xf32, #tpu.memory_space<vmem_shared>>) dst(%arg13 : memref<128x128xf32, #tpu.memory_space<vmem>>)
      tpu.yield
    }) : () -> ()
    %add3A_56 = arith.constant 384 : i32
    %add3A_57 = arith.addi %add3A_41, %add3A_56 : i32
    "tpu.region"() ({
      %run_scoped3A_66 = tpu.sem_alloc : memref<!tpu.dma_semaphore, #tpu.memory_space<semaphore_mem>>
      %dma_start3A_67 = arith.constant 0 : i32
      %dma_start3A_68 = tpu.memref_slice %arg6[%add3A_57, %dma_start3A_67] : memref<20992x128xf32, #tpu.memory_space<hbm>> -> memref<128x128xf32, #tpu.memory_space<hbm>>
      %dma_start3A_69 = arith.constant 0 : i32
      %dma_start3A_70 = tpu.memref_slice %arg6[%add3A_57, %dma_start3A_69] : memref<20992x128xf32, #tpu.memory_space<hbm>> -> memref<128x128xf32, #tpu.memory_space<hbm>>
      tpu.enqueue_dma source(%arg13 : memref<128x128xf32, #tpu.memory_space<vmem>>) target(%dma_start3A_70 : memref<128x128xf32, #tpu.memory_space<hbm>>) target_semaphore(%run_scoped3A_66 : memref<!tpu.dma_semaphore, #tpu.memory_space<semaphore_mem>>)
      %dma_wait3A_71 = arith.constant 0 : i32
      %dma_wait3A_72 = tpu.memref_slice %arg6[%add3A_57, %dma_wait3A_71] : memref<20992x128xf32, #tpu.memory_space<hbm>> -> memref<128x128xf32, #tpu.memory_space<hbm>>
      %dma_wait3A_73 = arith.constant 0 : i32
      %dma_wait3A_74 = tpu.memref_slice %arg6[%add3A_57, %dma_wait3A_73] : memref<20992x128xf32, #tpu.memory_space<hbm>> -> memref<128x128xf32, #tpu.memory_space<hbm>>
      tpu.wait_dma2 semaphore(%run_scoped3A_66 : memref<!tpu.dma_semaphore, #tpu.memory_space<semaphore_mem>>) src(%arg13 : memref<128x128xf32, #tpu.memory_space<vmem>>) dst(%dma_wait3A_74 : memref<128x128xf32, #tpu.memory_space<hbm>>)
      tpu.yield
    }) : () -> ()
    %add3A_58 = arith.constant 512 : i32
    %add3A_59 = arith.addi %mul3A_2, %add3A_58 : i32
    "tpu.region"() ({
      %run_scoped3A_66 = tpu.sem_alloc : memref<!tpu.dma_semaphore, #tpu.memory_space<semaphore_mem>>
      %dma_start3A_67 = arith.constant 0 : i32
      %dma_start3A_68 = tpu.memref_slice %arg14[%add3A_59, %dma_start3A_67] : memref<10496x128xf32, #tpu.memory_space<vmem_shared>> -> memref<128x128xf32, #tpu.memory_space<vmem_shared>>
      %dma_start3A_69 = arith.constant 0 : i32
      %dma_start3A_70 = tpu.memref_slice %arg14[%add3A_59, %dma_start3A_69] : memref<10496x128xf32, #tpu.memory_space<vmem_shared>> -> memref<128x128xf32, #tpu.memory_space<vmem_shared>>
      tpu.enqueue_dma source(%dma_start3A_70 : memref<128x128xf32, #tpu.memory_space<vmem_shared>>) target(%arg13 : memref<128x128xf32, #tpu.memory_space<vmem>>) target_semaphore(%run_scoped3A_66 : memref<!tpu.dma_semaphore, #tpu.memory_space<semaphore_mem>>)
      %dma_wait3A_71 = arith.constant 0 : i32
      %dma_wait3A_72 = tpu.memref_slice %arg14[%add3A_59, %dma_wait3A_71] : memref<10496x128xf32, #tpu.memory_space<vmem_shared>> -> memref<128x128xf32, #tpu.memory_space<vmem_shared>>
      %dma_wait3A_73 = arith.constant 0 : i32
      %dma_wait3A_74 = tpu.memref_slice %arg14[%add3A_59, %dma_wait3A_73] : memref<10496x128xf32, #tpu.memory_space<vmem_shared>> -> memref<128x128xf32, #tpu.memory_space<vmem_shared>>
      tpu.wait_dma2 semaphore(%run_scoped3A_66 : memref<!tpu.dma_semaphore, #tpu.memory_space<semaphore_mem>>) src(%dma_wait3A_74 : memref<128x128xf32, #tpu.memory_space<vmem_shared>>) dst(%arg13 : memref<128x128xf32, #tpu.memory_space<vmem>>)
      tpu.yield
    }) : () -> ()
    %add3A_60 = arith.constant 512 : i32
    %add3A_61 = arith.addi %add3A_41, %add3A_60 : i32
    "tpu.region"() ({
      %run_scoped3A_66 = tpu.sem_alloc : memref<!tpu.dma_semaphore, #tpu.memory_space<semaphore_mem>>
      %dma_start3A_67 = arith.constant 0 : i32
      %dma_start3A_68 = tpu.memref_slice %arg6[%add3A_61, %dma_start3A_67] : memref<20992x128xf32, #tpu.memory_space<hbm>> -> memref<128x128xf32, #tpu.memory_space<hbm>>
      %dma_start3A_69 = arith.constant 0 : i32
      %dma_start3A_70 = tpu.memref_slice %arg6[%add3A_61, %dma_start3A_69] : memref<20992x128xf32, #tpu.memory_space<hbm>> -> memref<128x128xf32, #tpu.memory_space<hbm>>
      tpu.enqueue_dma source(%arg13 : memref<128x128xf32, #tpu.memory_space<vmem>>) target(%dma_start3A_70 : memref<128x128xf32, #tpu.memory_space<hbm>>) target_semaphore(%run_scoped3A_66 : memref<!tpu.dma_semaphore, #tpu.memory_space<semaphore_mem>>)
      %dma_wait3A_71 = arith.constant 0 : i32
      %dma_wait3A_72 = tpu.memref_slice %arg6[%add3A_61, %dma_wait3A_71] : memref<20992x128xf32, #tpu.memory_space<hbm>> -> memref<128x128xf32, #tpu.memory_space<hbm>>
      %dma_wait3A_73 = arith.constant 0 : i32
      %dma_wait3A_74 = tpu.memref_slice %arg6[%add3A_61, %dma_wait3A_73] : memref<20992x128xf32, #tpu.memory_space<hbm>> -> memref<128x128xf32, #tpu.memory_space<hbm>>
      tpu.wait_dma2 semaphore(%run_scoped3A_66 : memref<!tpu.dma_semaphore, #tpu.memory_space<semaphore_mem>>) src(%arg13 : memref<128x128xf32, #tpu.memory_space<vmem>>) dst(%dma_wait3A_74 : memref<128x128xf32, #tpu.memory_space<hbm>>)
      tpu.yield
    }) : () -> ()
    %add3A_62 = arith.constant 640 : i32
    %add3A_63 = arith.addi %mul3A_2, %add3A_62 : i32
    "tpu.region"() ({
      %run_scoped3A_66 = tpu.sem_alloc : memref<!tpu.dma_semaphore, #tpu.memory_space<semaphore_mem>>
      %dma_start3A_67 = arith.constant 0 : i32
      %dma_start3A_68 = arith.constant 0 : i32
      %dma_start3A_69 = tpu.memref_slice %arg13[%dma_start3A_67, %dma_start3A_68] : memref<128x128xf32, #tpu.memory_space<vmem>> -> memref<16x128xf32, #tpu.memory_space<vmem>>
      %dma_start3A_70 = arith.constant 0 : i32
      %dma_start3A_71 = tpu.memref_slice %arg14[%add3A_63, %dma_start3A_70] : memref<10496x128xf32, #tpu.memory_space<vmem_shared>> -> memref<16x128xf32, #tpu.memory_space<vmem_shared>>
      %dma_start3A_72 = arith.constant 0 : i32
      %dma_start3A_73 = arith.constant 0 : i32
      %dma_start3A_74 = tpu.memref_slice %arg13[%dma_start3A_72, %dma_start3A_73] : memref<128x128xf32, #tpu.memory_space<vmem>> -> memref<16x128xf32, #tpu.memory_space<vmem>>
      %dma_start3A_75 = arith.constant 0 : i32
      %dma_start3A_76 = tpu.memref_slice %arg14[%add3A_63, %dma_start3A_75] : memref<10496x128xf32, #tpu.memory_space<vmem_shared>> -> memref<16x128xf32, #tpu.memory_space<vmem_shared>>
      tpu.enqueue_dma source(%dma_start3A_76 : memref<16x128xf32, #tpu.memory_space<vmem_shared>>) target(%dma_start3A_74 : memref<16x128xf32, #tpu.memory_space<vmem>>) target_semaphore(%run_scoped3A_66 : memref<!tpu.dma_semaphore, #tpu.memory_space<semaphore_mem>>)
      %dma_wait3A_77 = arith.constant 0 : i32
      %dma_wait3A_78 = arith.constant 0 : i32
      %dma_wait3A_79 = tpu.memref_slice %arg13[%dma_wait3A_77, %dma_wait3A_78] : memref<128x128xf32, #tpu.memory_space<vmem>> -> memref<16x128xf32, #tpu.memory_space<vmem>>
      %dma_wait3A_80 = arith.constant 0 : i32
      %dma_wait3A_81 = tpu.memref_slice %arg14[%add3A_63, %dma_wait3A_80] : memref<10496x128xf32, #tpu.memory_space<vmem_shared>> -> memref<16x128xf32, #tpu.memory_space<vmem_shared>>
      %dma_wait3A_82 = arith.constant 0 : i32
      %dma_wait3A_83 = arith.constant 0 : i32
      %dma_wait3A_84 = tpu.memref_slice %arg13[%dma_wait3A_82, %dma_wait3A_83] : memref<128x128xf32, #tpu.memory_space<vmem>> -> memref<16x128xf32, #tpu.memory_space<vmem>>
      %dma_wait3A_85 = arith.constant 0 : i32
      %dma_wait3A_86 = tpu.memref_slice %arg14[%add3A_63, %dma_wait3A_85] : memref<10496x128xf32, #tpu.memory_space<vmem_shared>> -> memref<16x128xf32, #tpu.memory_space<vmem_shared>>
      tpu.wait_dma2 semaphore(%run_scoped3A_66 : memref<!tpu.dma_semaphore, #tpu.memory_space<semaphore_mem>>) src(%dma_wait3A_86 : memref<16x128xf32, #tpu.memory_space<vmem_shared>>) dst(%dma_wait3A_84 : memref<16x128xf32, #tpu.memory_space<vmem>>)
      tpu.yield
    }) : () -> ()
    %add3A_64 = arith.constant 640 : i32
    %add3A_65 = arith.addi %add3A_41, %add3A_64 : i32
    "tpu.region"() ({
      %run_scoped3A_66 = tpu.sem_alloc : memref<!tpu.dma_semaphore, #tpu.memory_space<semaphore_mem>>
      %dma_start3A_67 = arith.constant 0 : i32
      %dma_start3A_68 = arith.constant 0 : i32
      %dma_start3A_69 = tpu.memref_slice %arg13[%dma_start3A_67, %dma_start3A_68] : memref<128x128xf32, #tpu.memory_space<vmem>> -> memref<16x128xf32, #tpu.memory_space<vmem>>
      %dma_start3A_70 = arith.constant 0 : i32
      %dma_start3A_71 = tpu.memref_slice %arg6[%add3A_65, %dma_start3A_70] : memref<20992x128xf32, #tpu.memory_space<hbm>> -> memref<16x128xf32, #tpu.memory_space<hbm>>
      %dma_start3A_72 = arith.constant 0 : i32
      %dma_start3A_73 = tpu.memref_slice %arg6[%add3A_65, %dma_start3A_72] : memref<20992x128xf32, #tpu.memory_space<hbm>> -> memref<16x128xf32, #tpu.memory_space<hbm>>
      %dma_start3A_74 = arith.constant 0 : i32
      %dma_start3A_75 = arith.constant 0 : i32
      %dma_start3A_76 = tpu.memref_slice %arg13[%dma_start3A_74, %dma_start3A_75] : memref<128x128xf32, #tpu.memory_space<vmem>> -> memref<16x128xf32, #tpu.memory_space<vmem>>
      tpu.enqueue_dma source(%dma_start3A_76 : memref<16x128xf32, #tpu.memory_space<vmem>>) target(%dma_start3A_73 : memref<16x128xf32, #tpu.memory_space<hbm>>) target_semaphore(%run_scoped3A_66 : memref<!tpu.dma_semaphore, #tpu.memory_space<semaphore_mem>>)
      %dma_wait3A_77 = arith.constant 0 : i32
      %dma_wait3A_78 = arith.constant 0 : i32
      %dma_wait3A_79 = tpu.memref_slice %arg13[%dma_wait3A_77, %dma_wait3A_78] : memref<128x128xf32, #tpu.memory_space<vmem>> -> memref<16x128xf32, #tpu.memory_space<vmem>>
      %dma_wait3A_80 = arith.constant 0 : i32
      %dma_wait3A_81 = tpu.memref_slice %arg6[%add3A_65, %dma_wait3A_80] : memref<20992x128xf32, #tpu.memory_space<hbm>> -> memref<16x128xf32, #tpu.memory_space<hbm>>
      %dma_wait3A_82 = arith.constant 0 : i32
      %dma_wait3A_83 = tpu.memref_slice %arg6[%add3A_65, %dma_wait3A_82] : memref<20992x128xf32, #tpu.memory_space<hbm>> -> memref<16x128xf32, #tpu.memory_space<hbm>>
      %dma_wait3A_84 = arith.constant 0 : i32
      %dma_wait3A_85 = arith.constant 0 : i32
      %dma_wait3A_86 = tpu.memref_slice %arg13[%dma_wait3A_84, %dma_wait3A_85] : memref<128x128xf32, #tpu.memory_space<vmem>> -> memref<16x128xf32, #tpu.memory_space<vmem>>
      tpu.wait_dma2 semaphore(%run_scoped3A_66 : memref<!tpu.dma_semaphore, #tpu.memory_space<semaphore_mem>>) src(%dma_wait3A_86 : memref<16x128xf32, #tpu.memory_space<vmem>>) dst(%dma_wait3A_83 : memref<16x128xf32, #tpu.memory_space<hbm>>)
      tpu.yield
    }) : () -> ()
    return
  }
}

module attributes {stable_mosaic.version = 14 : i64} {
  func.func @body(%arg0: memref<1x10496xi32, #tpu.memory_space<vmem>>, %arg1: memref<64x1xi32, #tpu.memory_space<vmem>>, %arg2: memref<64x1xi32, #tpu.memory_space<vmem>>) attributes {dimension_semantics = [], scalar_prefetch = 0 : i64, scratch_operands = 0 : i64, tpu.core_type = #tpu.core_type<tc>} {
    %get3A = arith.constant 0 : index
    %get3A_0 = arith.constant 0 : index
    %get3A_1 = vector.load %arg0[%get3A, %get3A_0] : memref<1x10496xi32, #tpu.memory_space<vmem>>, vector<1x10496xi32>
    %iota3A = tpu.iota {dimensions = array<i32: 0>} : vector<64x10496xi32>
    %eq3A = vector.broadcast %get3A_1 : vector<1x10496xi32> to vector<64x10496xi32>
    %eq3A_2 = arith.cmpi eq, %iota3A, %eq3A : vector<64x10496xi32>
    %convert_element_type3A = arith.extui %eq3A_2 : vector<64x10496xi1> to vector<64x10496xi32>
    %convert_element_type3A_3 = arith.sitofp %convert_element_type3A : vector<64x10496xi32> to vector<64x10496xf32>
    %reduce_sum3A = arith.constant dense<0.000000e+00> : vector<64xf32>
    %reduce_sum3A_4 = vector.multi_reduction <add>, %convert_element_type3A_3, %reduce_sum3A [1] : vector<64x10496xf32> to vector<64xf32>
    %broadcast_in_dim3A = vector.shape_cast %reduce_sum3A_4 : vector<64xf32> to vector<64x1xf32>
    %iota3A_5 = tpu.iota {dimensions = array<i32: 1>} : vector<64x64xi32>
    %iota3A_6 = tpu.iota {dimensions = array<i32: 0>} : vector<64x64xi32>
    %lt3A = arith.cmpi slt, %iota3A_5, %iota3A_6 : vector<64x64xi32>
    %convert_element_type3A_7 = arith.extui %lt3A : vector<64x64xi1> to vector<64x64xi32>
    %convert_element_type3A_8 = arith.sitofp %convert_element_type3A_7 : vector<64x64xi32> to vector<64x64xf32>
    %dot_general3A = arith.constant dense<0.000000e+00> : vector<64x1xf32>
    %dot_general3A_9 = tpu.matmul %convert_element_type3A_8, %broadcast_in_dim3A, %dot_general3A {dimension_numbers = #tpu.dot_dimension_numbers<[1], [0], [0], [1], [0, 0, 1, 1], [], []>, precision = #tpu.contract_precision<fp32>, transpose_lhs_hint = false} : vector<64x64xf32>, vector<64x1xf32>, vector<64x1xf32> -> vector<64x1xf32>
    %convert_element_type3A_10 = arith.fptosi %dot_general3A_9 : vector<64x1xf32> to vector<64x1xi32>
    %swap3A = arith.constant 0 : index
    %swap3A_11 = arith.constant 0 : index
    %swap3A_12 = vector.load %arg1[%swap3A, %swap3A_11] : memref<64x1xi32, #tpu.memory_space<vmem>>, vector<64x1xi32>
    tpu.vector_store %arg1[%swap3A, %swap3A_11], %convert_element_type3A_10 {strides = array<i32>} : memref<64x1xi32, #tpu.memory_space<vmem>>, vector<64x1xi32>,
    %convert_element_type3A_13 = arith.fptosi %broadcast_in_dim3A : vector<64x1xf32> to vector<64x1xi32>
    %swap3A_14 = arith.constant 0 : index
    %swap3A_15 = arith.constant 0 : index
    %swap3A_16 = vector.load %arg2[%swap3A_14, %swap3A_15] : memref<64x1xi32, #tpu.memory_space<vmem>>, vector<64x1xi32>
    tpu.vector_store %arg2[%swap3A_14, %swap3A_15], %convert_element_type3A_13 {strides = array<i32>} : memref<64x1xi32, #tpu.memory_space<vmem>>, vector<64x1xi32>,
    return
  }
}

module attributes {stable_mosaic.version = 14 : i64} {
  func.func @body(%arg0: i32, %arg1: memref<1312x128xf32, #tpu.memory_space<vmem>>, %arg2: memref<1312x128xf32, #tpu.memory_space<vmem>>, %arg3: memref<1312x128xf32, #tpu.memory_space<vmem>>, %arg4: memref<1312x1xf32, #tpu.memory_space<vmem>>, %arg5: memref<128x128xf32, #tpu.memory_space<vmem>>, %arg6: memref<1x128xf32, #tpu.memory_space<vmem>>, %arg7: memref<128x128xf32, #tpu.memory_space<vmem>>, %arg8: memref<1x128xf32, #tpu.memory_space<vmem>>, %arg9: memref<128x128xf32, #tpu.memory_space<vmem>>, %arg10: memref<1x128xf32, #tpu.memory_space<vmem>>, %arg11: memref<128x128xf32, #tpu.memory_space<vmem>>, %arg12: memref<1x128xf32, #tpu.memory_space<vmem>>, %arg13: memref<128x1xf32, #tpu.memory_space<vmem>>, %arg14: memref<1312x128xf32, #tpu.memory_space<vmem>>, %arg15: memref<1312x128xf32, #tpu.memory_space<vmem>>, %arg16: memref<1312x1xf32, #tpu.memory_space<vmem>>) attributes {dimension_semantics = [#tpu.dimension_semantics<arbitrary>], iteration_bounds = array<i64: 8>, scalar_prefetch = 0 : i64, scratch_operands = 0 : i64, tpu.core_type = #tpu.core_type<tc>, window_params = [{transform_indices = @transform_0, window_bounds = array<i64: 1312, 128>}, {transform_indices = @transform_1, window_bounds = array<i64: 1312, 128>}, {transform_indices = @transform_2, window_bounds = array<i64: 1312, 128>}, {transform_indices = @transform_3, window_bounds = array<i64: 1312, 1>}, {pipeline_mode = #tpu.pipeline_mode<synchronous>, transform_indices = @transform_4, window_bounds = array<i64: 128, 128>}, {pipeline_mode = #tpu.pipeline_mode<synchronous>, transform_indices = @transform_5, window_bounds = array<i64: 1, 128>}, {pipeline_mode = #tpu.pipeline_mode<synchronous>, transform_indices = @transform_6, window_bounds = array<i64: 128, 128>}, {pipeline_mode = #tpu.pipeline_mode<synchronous>, transform_indices = @transform_7, window_bounds = array<i64: 1, 128>}, {pipeline_mode = #tpu.pipeline_mode<synchronous>, transform_indices = @transform_8, window_bounds = array<i64: 128, 128>}, {pipeline_mode = #tpu.pipeline_mode<synchronous>, transform_indices = @transform_9, window_bounds = array<i64: 1, 128>}, {pipeline_mode = #tpu.pipeline_mode<synchronous>, transform_indices = @transform_10, window_bounds = array<i64: 128, 128>}, {pipeline_mode = #tpu.pipeline_mode<synchronous>, transform_indices = @transform_11, window_bounds = array<i64: 1, 128>}, {pipeline_mode = #tpu.pipeline_mode<synchronous>, transform_indices = @transform_12, window_bounds = array<i64: 128, 1>}, {transform_indices = @transform_13, window_bounds = array<i64: 1312, 128>}, {transform_indices = @transform_14, window_bounds = array<i64: 1312, 128>}, {transform_indices = @transform_15, window_bounds = array<i64: 1312, 1>}]} {
    %get3A = arith.constant 0 : index
    %get3A_0 = arith.constant 0 : index
    %get3A_1 = vector.load %arg1[%get3A, %get3A_0] : memref<1312x128xf32, #tpu.memory_space<vmem>>, vector<1312x128xf32>
    %get3A_2 = arith.constant 0 : index
    %get3A_3 = arith.constant 0 : index
    %get3A_4 = vector.load %arg2[%get3A_2, %get3A_3] : memref<1312x128xf32, #tpu.memory_space<vmem>>, vector<1312x128xf32>
    %add3A = arith.addf %get3A_1, %get3A_4 : vector<1312x128xf32>
    %get3A_5 = arith.constant 0 : index
    %get3A_6 = arith.constant 0 : index
    %get3A_7 = vector.load %arg3[%get3A_5, %get3A_6] : memref<1312x128xf32, #tpu.memory_space<vmem>>, vector<1312x128xf32>
    %add3A_8 = arith.addf %add3A, %get3A_7 : vector<1312x128xf32>
    %get3A_9 = arith.constant 0 : index
    %get3A_10 = arith.constant 0 : index
    %get3A_11 = vector.load %arg5[%get3A_9, %get3A_10] : memref<128x128xf32, #tpu.memory_space<vmem>>, vector<128x128xf32>
    %dot_general3A = arith.constant dense<0.000000e+00> : vector<1312x128xf32>
    %dot_general3A_12 = tpu.matmul %add3A_8, %get3A_11, %dot_general3A {dimension_numbers = #tpu.dot_dimension_numbers<[1], [0], [0], [1], [0, 0, 1, 1], [], []>, transpose_lhs_hint = false} : vector<1312x128xf32>, vector<128x128xf32>, vector<1312x128xf32> -> vector<1312x128xf32>
    %get3A_13 = arith.constant 0 : index
    %get3A_14 = arith.constant 0 : index
    %get3A_15 = vector.load %arg6[%get3A_13, %get3A_14] : memref<1x128xf32, #tpu.memory_space<vmem>>, vector<1x128xf32>
    %add3A_16 = vector.broadcast %get3A_15 : vector<1x128xf32> to vector<1312x128xf32>
    %add3A_17 = arith.addf %dot_general3A_12, %add3A_16 : vector<1312x128xf32>
    %max3A = arith.constant 0.000000e+00 : f32
    %max3A_18 = vector.broadcast %max3A : f32 to vector<1312x128xf32>
    %max3A_19 = arith.maximumf %add3A_17, %max3A_18 : vector<1312x128xf32>
    %get3A_20 = arith.constant 0 : index
    %get3A_21 = arith.constant 0 : index
    %get3A_22 = vector.load %arg7[%get3A_20, %get3A_21] : memref<128x128xf32, #tpu.memory_space<vmem>>, vector<128x128xf32>
    %dot_general3A_23 = arith.constant dense<0.000000e+00> : vector<1312x128xf32>
    %dot_general3A_24 = tpu.matmul %max3A_19, %get3A_22, %dot_general3A_23 {dimension_numbers = #tpu.dot_dimension_numbers<[1], [0], [0], [1], [0, 0, 1, 1], [], []>, transpose_lhs_hint = false} : vector<1312x128xf32>, vector<128x128xf32>, vector<1312x128xf32> -> vector<1312x128xf32>
    %get3A_25 = arith.constant 0 : index
    %get3A_26 = arith.constant 0 : index
    %get3A_27 = vector.load %arg8[%get3A_25, %get3A_26] : memref<1x128xf32, #tpu.memory_space<vmem>>, vector<1x128xf32>
    %add3A_28 = vector.broadcast %get3A_27 : vector<1x128xf32> to vector<1312x128xf32>
    %add3A_29 = arith.addf %dot_general3A_24, %add3A_28 : vector<1312x128xf32>
    %max3A_30 = arith.constant 0.000000e+00 : f32
    %max3A_31 = vector.broadcast %max3A_30 : f32 to vector<1312x128xf32>
    %max3A_32 = arith.maximumf %add3A_29, %max3A_31 : vector<1312x128xf32>
    %get3A_33 = arith.constant 0 : index
    %get3A_34 = arith.constant 0 : index
    %get3A_35 = vector.load %arg9[%get3A_33, %get3A_34] : memref<128x128xf32, #tpu.memory_space<vmem>>, vector<128x128xf32>
    %dot_general3A_36 = arith.constant dense<0.000000e+00> : vector<1312x128xf32>
    %dot_general3A_37 = tpu.matmul %max3A_32, %get3A_35, %dot_general3A_36 {dimension_numbers = #tpu.dot_dimension_numbers<[1], [0], [0], [1], [0, 0, 1, 1], [], []>, transpose_lhs_hint = false} : vector<1312x128xf32>, vector<128x128xf32>, vector<1312x128xf32> -> vector<1312x128xf32>
    %get3A_38 = arith.constant 0 : index
    %get3A_39 = arith.constant 0 : index
    %get3A_40 = vector.load %arg10[%get3A_38, %get3A_39] : memref<1x128xf32, #tpu.memory_space<vmem>>, vector<1x128xf32>
    %add3A_41 = vector.broadcast %get3A_40 : vector<1x128xf32> to vector<1312x128xf32>
    %add3A_42 = arith.addf %dot_general3A_37, %add3A_41 : vector<1312x128xf32>
    %max3A_43 = arith.constant 0.000000e+00 : f32
    %max3A_44 = vector.broadcast %max3A_43 : f32 to vector<1312x128xf32>
    %max3A_45 = arith.maximumf %add3A_42, %max3A_44 : vector<1312x128xf32>
    %get3A_46 = arith.constant 0 : index
    %get3A_47 = arith.constant 0 : index
    %get3A_48 = vector.load %arg11[%get3A_46, %get3A_47] : memref<128x128xf32, #tpu.memory_space<vmem>>, vector<128x128xf32>
    %dot_general3A_49 = arith.constant dense<0.000000e+00> : vector<1312x128xf32>
    %dot_general3A_50 = tpu.matmul %max3A_45, %get3A_48, %dot_general3A_49 {dimension_numbers = #tpu.dot_dimension_numbers<[1], [0], [0], [1], [0, 0, 1, 1], [], []>, transpose_lhs_hint = false} : vector<1312x128xf32>, vector<128x128xf32>, vector<1312x128xf32> -> vector<1312x128xf32>
    %get3A_51 = arith.constant 0 : index
    %get3A_52 = arith.constant 0 : index
    %get3A_53 = vector.load %arg12[%get3A_51, %get3A_52] : memref<1x128xf32, #tpu.memory_space<vmem>>, vector<1x128xf32>
    %add3A_54 = vector.broadcast %get3A_53 : vector<1x128xf32> to vector<1312x128xf32>
    %add3A_55 = arith.addf %dot_general3A_50, %add3A_54 : vector<1312x128xf32>
    %get3A_56 = arith.constant 0 : index
    %get3A_57 = arith.constant 0 : index
    %get3A_58 = vector.load %arg13[%get3A_56, %get3A_57] : memref<128x1xf32, #tpu.memory_space<vmem>>, vector<128x1xf32>
    %dot_general3A_59 = arith.constant dense<0.000000e+00> : vector<1312x1xf32>
    %dot_general3A_60 = tpu.matmul %max3A_32, %get3A_58, %dot_general3A_59 {dimension_numbers = #tpu.dot_dimension_numbers<[1], [0], [0], [1], [0, 0, 1, 1], [], []>, transpose_lhs_hint = false} : vector<1312x128xf32>, vector<128x1xf32>, vector<1312x1xf32> -> vector<1312x1xf32>
    %mul3A = arith.mulf %get3A_58, %get3A_58 : vector<128x1xf32>
    %reduce_sum3A = vector.shape_cast %mul3A : vector<128x1xf32> to vector<1x128x1xf32>
    %reduce_sum3A_61 = arith.constant dense<0.000000e+00> : vector<1xf32>
    %reduce_sum3A_62 = vector.multi_reduction <add>, %reduce_sum3A, %reduce_sum3A_61 [1, 2] : vector<1x128x1xf32> to vector<1xf32>
    %reduce_sum3A_63 = vector.shape_cast %reduce_sum3A_62 : vector<1xf32> to vector<1x1x1xf32>
    %reduce_sum3A_64 = vector.extract %reduce_sum3A_63[0, 0, 0] : f32 from vector<1x1x1xf32>
    %sqrt3A = math.sqrt %reduce_sum3A_64 : f32
    %div3A = vector.broadcast %sqrt3A : f32 to vector<1312x1xf32>
    %div3A_65 = arith.divf %dot_general3A_60, %div3A : vector<1312x1xf32>
    %swap3A = arith.constant 0 : index
    %swap3A_66 = arith.constant 0 : index
    %swap3A_67 = vector.load %arg14[%swap3A, %swap3A_66] : memref<1312x128xf32, #tpu.memory_space<vmem>>, vector<1312x128xf32>
    tpu.vector_store %arg14[%swap3A, %swap3A_66], %max3A_32 {strides = array<i32>} : memref<1312x128xf32, #tpu.memory_space<vmem>>, vector<1312x128xf32>,
    %swap3A_68 = arith.constant 0 : index
    %swap3A_69 = arith.constant 0 : index
    %swap3A_70 = vector.load %arg15[%swap3A_68, %swap3A_69] : memref<1312x128xf32, #tpu.memory_space<vmem>>, vector<1312x128xf32>
    tpu.vector_store %arg15[%swap3A_68, %swap3A_69], %add3A_55 {strides = array<i32>} : memref<1312x128xf32, #tpu.memory_space<vmem>>, vector<1312x128xf32>,
    %get3A_71 = arith.constant 0 : index
    %get3A_72 = arith.constant 0 : index
    %get3A_73 = vector.load %arg4[%get3A_71, %get3A_72] : memref<1312x1xf32, #tpu.memory_space<vmem>>, vector<1312x1xf32>
    %gt3A = arith.constant 0.000000e+00 : f32
    %gt3A_74 = vector.broadcast %gt3A : f32 to vector<1312x1xf32>
    %gt3A_75 = arith.cmpf ogt, %get3A_73, %gt3A_74 : vector<1312x1xf32>
    %jit3A = arith.constant 0xFF800000 : f32
    %broadcast_in_dim3A = vector.broadcast %jit3A : f32 to vector<1312x1xf32>
    %select_n3A = arith.select %gt3A_75, %div3A_65, %broadcast_in_dim3A : vector<1312x1xi1>, vector<1312x1xf32>
    %swap3A_76 = arith.constant 0 : index
    %swap3A_77 = arith.constant 0 : index
    %swap3A_78 = vector.load %arg16[%swap3A_76, %swap3A_77] : memref<1312x1xf32, #tpu.memory_space<vmem>>, vector<1312x1xf32>
    tpu.vector_store %arg16[%swap3A_76, %swap3A_77], %select_n3A {strides = array<i32>} : memref<1312x1xf32, #tpu.memory_space<vmem>>, vector<1312x1xf32>,
    return
  }
  func.func @transform_0(%arg0: i32) -> (i32, i32) {
    %c0_i32 = arith.constant 0 : i32
    %c0_i32_0 = arith.constant 0 : i32
    return %arg0, %c0_i32 : i32, i32
  }
  func.func @transform_1(%arg0: i32) -> (i32, i32) {
    %c0_i32 = arith.constant 0 : i32
    %c0_i32_0 = arith.constant 0 : i32
    return %arg0, %c0_i32 : i32, i32
  }
  func.func @transform_2(%arg0: i32) -> (i32, i32) {
    %c0_i32 = arith.constant 0 : i32
    %c0_i32_0 = arith.constant 0 : i32
    return %arg0, %c0_i32 : i32, i32
  }
  func.func @transform_3(%arg0: i32) -> (i32, i32) {
    %c0_i32 = arith.constant 0 : i32
    %c0_i32_0 = arith.constant 0 : i32
    return %arg0, %c0_i32 : i32, i32
  }
  func.func @transform_4(%arg0: i32) -> (i32, i32) {
    %c0_i32 = arith.constant 0 : i32
    %c0_i32_0 = arith.constant 0 : i32
    %c0_i32_1 = arith.constant 0 : i32
    return %c0_i32, %c0_i32_0 : i32, i32
  }
  func.func @transform_5(%arg0: i32) -> (i32, i32) {
    %c0_i32 = arith.constant 0 : i32
    %c0_i32_0 = arith.constant 0 : i32
    %c0_i32_1 = arith.constant 0 : i32
    return %c0_i32, %c0_i32_0 : i32, i32
  }
  func.func @transform_6(%arg0: i32) -> (i32, i32) {
    %c0_i32 = arith.constant 0 : i32
    %c0_i32_0 = arith.constant 0 : i32
    %c0_i32_1 = arith.constant 0 : i32
    return %c0_i32, %c0_i32_0 : i32, i32
  }
  func.func @transform_7(%arg0: i32) -> (i32, i32) {
    %c0_i32 = arith.constant 0 : i32
    %c0_i32_0 = arith.constant 0 : i32
    %c0_i32_1 = arith.constant 0 : i32
    return %c0_i32, %c0_i32_0 : i32, i32
  }
  func.func @transform_8(%arg0: i32) -> (i32, i32) {
    %c0_i32 = arith.constant 0 : i32
    %c0_i32_0 = arith.constant 0 : i32
    %c0_i32_1 = arith.constant 0 : i32
    return %c0_i32, %c0_i32_0 : i32, i32
  }
  func.func @transform_9(%arg0: i32) -> (i32, i32) {
    %c0_i32 = arith.constant 0 : i32
    %c0_i32_0 = arith.constant 0 : i32
    %c0_i32_1 = arith.constant 0 : i32
    return %c0_i32, %c0_i32_0 : i32, i32
  }
  func.func @transform_10(%arg0: i32) -> (i32, i32) {
    %c0_i32 = arith.constant 0 : i32
    %c0_i32_0 = arith.constant 0 : i32
    %c0_i32_1 = arith.constant 0 : i32
    return %c0_i32, %c0_i32_0 : i32, i32
  }
  func.func @transform_11(%arg0: i32) -> (i32, i32) {
    %c0_i32 = arith.constant 0 : i32
    %c0_i32_0 = arith.constant 0 : i32
    %c0_i32_1 = arith.constant 0 : i32
    return %c0_i32, %c0_i32_0 : i32, i32
  }
  func.func @transform_12(%arg0: i32) -> (i32, i32) {
    %c0_i32 = arith.constant 0 : i32
    %c0_i32_0 = arith.constant 0 : i32
    %c0_i32_1 = arith.constant 0 : i32
    return %c0_i32, %c0_i32_0 : i32, i32
  }
  func.func @transform_13(%arg0: i32) -> (i32, i32) {
    %c0_i32 = arith.constant 0 : i32
    %c0_i32_0 = arith.constant 0 : i32
    return %arg0, %c0_i32 : i32, i32
  }
  func.func @transform_14(%arg0: i32) -> (i32, i32) {
    %c0_i32 = arith.constant 0 : i32
    %c0_i32_0 = arith.constant 0 : i32
    return %arg0, %c0_i32 : i32, i32
  }
  func.func @transform_15(%arg0: i32) -> (i32, i32) {
    %c0_i32 = arith.constant 0 : i32
    %c0_i32_0 = arith.constant 0 : i32
    return %arg0, %c0_i32 : i32, i32
  }
}

module attributes {stable_mosaic.version = 14 : i64} {
  func.func @body(%arg0: memref<64xi32, #tpu.memory_space<smem>>, %arg1: memref<64xi32, #tpu.memory_space<smem>>, %arg2: memref<10496x128xf32, #tpu.memory_space<vmem>>, %arg3: memref<10496x128xf32, #tpu.memory_space<vmem>>, %arg4: memref<10496x1xf32, #tpu.memory_space<vmem>>, %arg5: memref<10496x1xf32, #tpu.memory_space<vmem>>, %arg6: memref<64x1x256xf32, #tpu.memory_space<vmem>>, %arg7: memref<64x1x256xf32, #tpu.memory_space<vmem>>, %arg8: memref<10496x128xf32, #tpu.memory_space<vmem>>, %arg9: memref<10496x1xf32, #tpu.memory_space<vmem>>, %arg10: memref<64x1x256xf32, #tpu.memory_space<vmem>>, %arg11: memref<64x1x256xf32, #tpu.memory_space<vmem>>, %arg12: memref<64x1x256xf32, #tpu.memory_space<vmem>>) attributes {dimension_semantics = [], scalar_prefetch = 0 : i64, scratch_operands = 0 : i64, tpu.core_type = #tpu.core_type<tc>} {
    %iota3A = tpu.iota {dimensions = array<i32: 0>} : vector<256x256xi32>
    %iota3A_0 = tpu.iota {dimensions = array<i32: 1>} : vector<256x256xi32>
    %eq3A = arith.cmpi eq, %iota3A, %iota3A_0 : vector<256x256xi32>
    %convert_element_type3A = arith.extui %eq3A : vector<256x256xi1> to vector<256x256xi32>
    %convert_element_type3A_1 = arith.sitofp %convert_element_type3A : vector<256x256xi32> to vector<256x256xf32>
    %broadcast_in_dim3A = arith.constant 0.000000e+00 : f32
    %broadcast_in_dim3A_2 = vector.broadcast %broadcast_in_dim3A : f32 to vector<256x128xf32>
    %broadcast_in_dim3A_3 = arith.constant 0.000000e+00 : f32
    %broadcast_in_dim3A_4 = vector.broadcast %broadcast_in_dim3A_3 : f32 to vector<256x1xf32>
    %swap3A = arith.constant 0 : index
    %swap3A_5 = arith.constant 0 : index
    %swap3A_6 = vector.load %arg8[%swap3A, %swap3A_5] : memref<10496x128xf32, #tpu.memory_space<vmem>>, vector<256x128xf32>
    tpu.vector_store %arg8[%swap3A, %swap3A_5], %broadcast_in_dim3A_2 {strides = array<i32>} : memref<10496x128xf32, #tpu.memory_space<vmem>>, vector<256x128xf32>,
    %swap3A_7 = arith.constant 0 : index
    %swap3A_8 = arith.constant 0 : index
    %swap3A_9 = vector.load %arg9[%swap3A_7, %swap3A_8] : memref<10496x1xf32, #tpu.memory_space<vmem>>, vector<256x1xf32>
    tpu.vector_store %arg9[%swap3A_7, %swap3A_8], %broadcast_in_dim3A_4 {strides = array<i32>} : memref<10496x1xf32, #tpu.memory_space<vmem>>, vector<256x1xf32>,
    %swap3A_10 = arith.constant 256 : index
    %swap3A_11 = arith.constant 0 : index
    %swap3A_12 = vector.load %arg8[%swap3A_10, %swap3A_11] : memref<10496x128xf32, #tpu.memory_space<vmem>>, vector<256x128xf32>
    tpu.vector_store %arg8[%swap3A_10, %swap3A_11], %broadcast_in_dim3A_2 {strides = array<i32>} : memref<10496x128xf32, #tpu.memory_space<vmem>>, vector<256x128xf32>,
    %swap3A_13 = arith.constant 256 : index
    %swap3A_14 = arith.constant 0 : index
    %swap3A_15 = vector.load %arg9[%swap3A_13, %swap3A_14] : memref<10496x1xf32, #tpu.memory_space<vmem>>, vector<256x1xf32>
    tpu.vector_store %arg9[%swap3A_13, %swap3A_14], %broadcast_in_dim3A_4 {strides = array<i32>} : memref<10496x1xf32, #tpu.memory_space<vmem>>, vector<256x1xf32>,
    %swap3A_16 = arith.constant 512 : index
    %swap3A_17 = arith.constant 0 : index
    %swap3A_18 = vector.load %arg8[%swap3A_16, %swap3A_17] : memref<10496x128xf32, #tpu.memory_space<vmem>>, vector<256x128xf32>
    tpu.vector_store %arg8[%swap3A_16, %swap3A_17], %broadcast_in_dim3A_2 {strides = array<i32>} : memref<10496x128xf32, #tpu.memory_space<vmem>>, vector<256x128xf32>,
    %swap3A_19 = arith.constant 512 : index
    %swap3A_20 = arith.constant 0 : index
    %swap3A_21 = vector.load %arg9[%swap3A_19, %swap3A_20] : memref<10496x1xf32, #tpu.memory_space<vmem>>, vector<256x1xf32>
    tpu.vector_store %arg9[%swap3A_19, %swap3A_20], %broadcast_in_dim3A_4 {strides = array<i32>} : memref<10496x1xf32, #tpu.memory_space<vmem>>, vector<256x1xf32>,
    %swap3A_22 = arith.constant 768 : index
    %swap3A_23 = arith.constant 0 : index
    %swap3A_24 = vector.load %arg8[%swap3A_22, %swap3A_23] : memref<10496x128xf32, #tpu.memory_space<vmem>>, vector<256x128xf32>
    tpu.vector_store %arg8[%swap3A_22, %swap3A_23], %broadcast_in_dim3A_2 {strides = array<i32>} : memref<10496x128xf32, #tpu.memory_space<vmem>>, vector<256x128xf32>,
    %swap3A_25 = arith.constant 768 : index
    %swap3A_26 = arith.constant 0 : index
    %swap3A_27 = vector.load %arg9[%swap3A_25, %swap3A_26] : memref<10496x1xf32, #tpu.memory_space<vmem>>, vector<256x1xf32>
    tpu.vector_store %arg9[%swap3A_25, %swap3A_26], %broadcast_in_dim3A_4 {strides = array<i32>} : memref<10496x1xf32, #tpu.memory_space<vmem>>, vector<256x1xf32>,
    %swap3A_28 = arith.constant 1024 : index
    %swap3A_29 = arith.constant 0 : index
    %swap3A_30 = vector.load %arg8[%swap3A_28, %swap3A_29] : memref<10496x128xf32, #tpu.memory_space<vmem>>, vector<256x128xf32>
    tpu.vector_store %arg8[%swap3A_28, %swap3A_29], %broadcast_in_dim3A_2 {strides = array<i32>} : memref<10496x128xf32, #tpu.memory_space<vmem>>, vector<256x128xf32>,
    %swap3A_31 = arith.constant 1024 : index
    %swap3A_32 = arith.constant 0 : index
    %swap3A_33 = vector.load %arg9[%swap3A_31, %swap3A_32] : memref<10496x1xf32, #tpu.memory_space<vmem>>, vector<256x1xf32>
    tpu.vector_store %arg9[%swap3A_31, %swap3A_32], %broadcast_in_dim3A_4 {strides = array<i32>} : memref<10496x1xf32, #tpu.memory_space<vmem>>, vector<256x1xf32>,
    %swap3A_34 = arith.constant 1280 : index
    %swap3A_35 = arith.constant 0 : index
    %swap3A_36 = vector.load %arg8[%swap3A_34, %swap3A_35] : memref<10496x128xf32, #tpu.memory_space<vmem>>, vector<256x128xf32>
    tpu.vector_store %arg8[%swap3A_34, %swap3A_35], %broadcast_in_dim3A_2 {strides = array<i32>} : memref<10496x128xf32, #tpu.memory_space<vmem>>, vector<256x128xf32>,
    %swap3A_37 = arith.constant 1280 : index
    %swap3A_38 = arith.constant 0 : index
    %swap3A_39 = vector.load %arg9[%swap3A_37, %swap3A_38] : memref<10496x1xf32, #tpu.memory_space<vmem>>, vector<256x1xf32>
    tpu.vector_store %arg9[%swap3A_37, %swap3A_38], %broadcast_in_dim3A_4 {strides = array<i32>} : memref<10496x1xf32, #tpu.memory_space<vmem>>, vector<256x1xf32>,
    %swap3A_40 = arith.constant 1536 : index
    %swap3A_41 = arith.constant 0 : index
    %swap3A_42 = vector.load %arg8[%swap3A_40, %swap3A_41] : memref<10496x128xf32, #tpu.memory_space<vmem>>, vector<256x128xf32>
    tpu.vector_store %arg8[%swap3A_40, %swap3A_41], %broadcast_in_dim3A_2 {strides = array<i32>} : memref<10496x128xf32, #tpu.memory_space<vmem>>, vector<256x128xf32>,
    %swap3A_43 = arith.constant 1536 : index
    %swap3A_44 = arith.constant 0 : index
    %swap3A_45 = vector.load %arg9[%swap3A_43, %swap3A_44] : memref<10496x1xf32, #tpu.memory_space<vmem>>, vector<256x1xf32>
    tpu.vector_store %arg9[%swap3A_43, %swap3A_44], %broadcast_in_dim3A_4 {strides = array<i32>} : memref<10496x1xf32, #tpu.memory_space<vmem>>, vector<256x1xf32>,
    %swap3A_46 = arith.constant 1792 : index
    %swap3A_47 = arith.constant 0 : index
    %swap3A_48 = vector.load %arg8[%swap3A_46, %swap3A_47] : memref<10496x128xf32, #tpu.memory_space<vmem>>, vector<256x128xf32>
    tpu.vector_store %arg8[%swap3A_46, %swap3A_47], %broadcast_in_dim3A_2 {strides = array<i32>} : memref<10496x128xf32, #tpu.memory_space<vmem>>, vector<256x128xf32>,
    %swap3A_49 = arith.constant 1792 : index
    %swap3A_50 = arith.constant 0 : index
    %swap3A_51 = vector.load %arg9[%swap3A_49, %swap3A_50] : memref<10496x1xf32, #tpu.memory_space<vmem>>, vector<256x1xf32>
    tpu.vector_store %arg9[%swap3A_49, %swap3A_50], %broadcast_in_dim3A_4 {strides = array<i32>} : memref<10496x1xf32, #tpu.memory_space<vmem>>, vector<256x1xf32>,
    %swap3A_52 = arith.constant 2048 : index
    %swap3A_53 = arith.constant 0 : index
    %swap3A_54 = vector.load %arg8[%swap3A_52, %swap3A_53] : memref<10496x128xf32, #tpu.memory_space<vmem>>, vector<256x128xf32>
    tpu.vector_store %arg8[%swap3A_52, %swap3A_53], %broadcast_in_dim3A_2 {strides = array<i32>} : memref<10496x128xf32, #tpu.memory_space<vmem>>, vector<256x128xf32>,
    %swap3A_55 = arith.constant 2048 : index
    %swap3A_56 = arith.constant 0 : index
    %swap3A_57 = vector.load %arg9[%swap3A_55, %swap3A_56] : memref<10496x1xf32, #tpu.memory_space<vmem>>, vector<256x1xf32>
    tpu.vector_store %arg9[%swap3A_55, %swap3A_56], %broadcast_in_dim3A_4 {strides = array<i32>} : memref<10496x1xf32, #tpu.memory_space<vmem>>, vector<256x1xf32>,
    %swap3A_58 = arith.constant 2304 : index
    %swap3A_59 = arith.constant 0 : index
    %swap3A_60 = vector.load %arg8[%swap3A_58, %swap3A_59] : memref<10496x128xf32, #tpu.memory_space<vmem>>, vector<256x128xf32>
    tpu.vector_store %arg8[%swap3A_58, %swap3A_59], %broadcast_in_dim3A_2 {strides = array<i32>} : memref<10496x128xf32, #tpu.memory_space<vmem>>, vector<256x128xf32>,
    %swap3A_61 = arith.constant 2304 : index
    %swap3A_62 = arith.constant 0 : index
    %swap3A_63 = vector.load %arg9[%swap3A_61, %swap3A_62] : memref<10496x1xf32, #tpu.memory_space<vmem>>, vector<256x1xf32>
    tpu.vector_store %arg9[%swap3A_61, %swap3A_62], %broadcast_in_dim3A_4 {strides = array<i32>} : memref<10496x1xf32, #tpu.memory_space<vmem>>, vector<256x1xf32>,
    %swap3A_64 = arith.constant 2560 : index
    %swap3A_65 = arith.constant 0 : index
    %swap3A_66 = vector.load %arg8[%swap3A_64, %swap3A_65] : memref<10496x128xf32, #tpu.memory_space<vmem>>, vector<256x128xf32>
    tpu.vector_store %arg8[%swap3A_64, %swap3A_65], %broadcast_in_dim3A_2 {strides = array<i32>} : memref<10496x128xf32, #tpu.memory_space<vmem>>, vector<256x128xf32>,
    %swap3A_67 = arith.constant 2560 : index
    %swap3A_68 = arith.constant 0 : index
    %swap3A_69 = vector.load %arg9[%swap3A_67, %swap3A_68] : memref<10496x1xf32, #tpu.memory_space<vmem>>, vector<256x1xf32>
    tpu.vector_store %arg9[%swap3A_67, %swap3A_68], %broadcast_in_dim3A_4 {strides = array<i32>} : memref<10496x1xf32, #tpu.memory_space<vmem>>, vector<256x1xf32>,
    %swap3A_70 = arith.constant 2816 : index
    %swap3A_71 = arith.constant 0 : index
    %swap3A_72 = vector.load %arg8[%swap3A_70, %swap3A_71] : memref<10496x128xf32, #tpu.memory_space<vmem>>, vector<256x128xf32>
    tpu.vector_store %arg8[%swap3A_70, %swap3A_71], %broadcast_in_dim3A_2 {strides = array<i32>} : memref<10496x128xf32, #tpu.memory_space<vmem>>, vector<256x128xf32>,
    %swap3A_73 = arith.constant 2816 : index
    %swap3A_74 = arith.constant 0 : index
    %swap3A_75 = vector.load %arg9[%swap3A_73, %swap3A_74] : memref<10496x1xf32, #tpu.memory_space<vmem>>, vector<256x1xf32>
    tpu.vector_store %arg9[%swap3A_73, %swap3A_74], %broadcast_in_dim3A_4 {strides = array<i32>} : memref<10496x1xf32, #tpu.memory_space<vmem>>, vector<256x1xf32>,
    %swap3A_76 = arith.constant 3072 : index
    %swap3A_77 = arith.constant 0 : index
    %swap3A_78 = vector.load %arg8[%swap3A_76, %swap3A_77] : memref<10496x128xf32, #tpu.memory_space<vmem>>, vector<256x128xf32>
    tpu.vector_store %arg8[%swap3A_76, %swap3A_77], %broadcast_in_dim3A_2 {strides = array<i32>} : memref<10496x128xf32, #tpu.memory_space<vmem>>, vector<256x128xf32>,
    %swap3A_79 = arith.constant 3072 : index
    %swap3A_80 = arith.constant 0 : index
    %swap3A_81 = vector.load %arg9[%swap3A_79, %swap3A_80] : memref<10496x1xf32, #tpu.memory_space<vmem>>, vector<256x1xf32>
    tpu.vector_store %arg9[%swap3A_79, %swap3A_80], %broadcast_in_dim3A_4 {strides = array<i32>} : memref<10496x1xf32, #tpu.memory_space<vmem>>, vector<256x1xf32>,
    %swap3A_82 = arith.constant 3328 : index
    %swap3A_83 = arith.constant 0 : index
    %swap3A_84 = vector.load %arg8[%swap3A_82, %swap3A_83] : memref<10496x128xf32, #tpu.memory_space<vmem>>, vector<256x128xf32>
    tpu.vector_store %arg8[%swap3A_82, %swap3A_83], %broadcast_in_dim3A_2 {strides = array<i32>} : memref<10496x128xf32, #tpu.memory_space<vmem>>, vector<256x128xf32>,
    %swap3A_85 = arith.constant 3328 : index
    %swap3A_86 = arith.constant 0 : index
    %swap3A_87 = vector.load %arg9[%swap3A_85, %swap3A_86] : memref<10496x1xf32, #tpu.memory_space<vmem>>, vector<256x1xf32>
    tpu.vector_store %arg9[%swap3A_85, %swap3A_86], %broadcast_in_dim3A_4 {strides = array<i32>} : memref<10496x1xf32, #tpu.memory_space<vmem>>, vector<256x1xf32>,
    %swap3A_88 = arith.constant 3584 : index
    %swap3A_89 = arith.constant 0 : index
    %swap3A_90 = vector.load %arg8[%swap3A_88, %swap3A_89] : memref<10496x128xf32, #tpu.memory_space<vmem>>, vector<256x128xf32>
    tpu.vector_store %arg8[%swap3A_88, %swap3A_89], %broadcast_in_dim3A_2 {strides = array<i32>} : memref<10496x128xf32, #tpu.memory_space<vmem>>, vector<256x128xf32>,
    %swap3A_91 = arith.constant 3584 : index
    %swap3A_92 = arith.constant 0 : index
    %swap3A_93 = vector.load %arg9[%swap3A_91, %swap3A_92] : memref<10496x1xf32, #tpu.memory_space<vmem>>, vector<256x1xf32>
    tpu.vector_store %arg9[%swap3A_91, %swap3A_92], %broadcast_in_dim3A_4 {strides = array<i32>} : memref<10496x1xf32, #tpu.memory_space<vmem>>, vector<256x1xf32>,
    %swap3A_94 = arith.constant 3840 : index
    %swap3A_95 = arith.constant 0 : index
    %swap3A_96 = vector.load %arg8[%swap3A_94, %swap3A_95] : memref<10496x128xf32, #tpu.memory_space<vmem>>, vector<256x128xf32>
    tpu.vector_store %arg8[%swap3A_94, %swap3A_95], %broadcast_in_dim3A_2 {strides = array<i32>} : memref<10496x128xf32, #tpu.memory_space<vmem>>, vector<256x128xf32>,
    %swap3A_97 = arith.constant 3840 : index
    %swap3A_98 = arith.constant 0 : index
    %swap3A_99 = vector.load %arg9[%swap3A_97, %swap3A_98] : memref<10496x1xf32, #tpu.memory_space<vmem>>, vector<256x1xf32>
    tpu.vector_store %arg9[%swap3A_97, %swap3A_98], %broadcast_in_dim3A_4 {strides = array<i32>} : memref<10496x1xf32, #tpu.memory_space<vmem>>, vector<256x1xf32>,
    %swap3A_100 = arith.constant 4096 : index
    %swap3A_101 = arith.constant 0 : index
    %swap3A_102 = vector.load %arg8[%swap3A_100, %swap3A_101] : memref<10496x128xf32, #tpu.memory_space<vmem>>, vector<256x128xf32>
    tpu.vector_store %arg8[%swap3A_100, %swap3A_101], %broadcast_in_dim3A_2 {strides = array<i32>} : memref<10496x128xf32, #tpu.memory_space<vmem>>, vector<256x128xf32>,
    %swap3A_103 = arith.constant 4096 : index
    %swap3A_104 = arith.constant 0 : index
    %swap3A_105 = vector.load %arg9[%swap3A_103, %swap3A_104] : memref<10496x1xf32, #tpu.memory_space<vmem>>, vector<256x1xf32>
    tpu.vector_store %arg9[%swap3A_103, %swap3A_104], %broadcast_in_dim3A_4 {strides = array<i32>} : memref<10496x1xf32, #tpu.memory_space<vmem>>, vector<256x1xf32>,
    %swap3A_106 = arith.constant 4352 : index
    %swap3A_107 = arith.constant 0 : index
    %swap3A_108 = vector.load %arg8[%swap3A_106, %swap3A_107] : memref<10496x128xf32, #tpu.memory_space<vmem>>, vector<256x128xf32>
    tpu.vector_store %arg8[%swap3A_106, %swap3A_107], %broadcast_in_dim3A_2 {strides = array<i32>} : memref<10496x128xf32, #tpu.memory_space<vmem>>, vector<256x128xf32>,
    %swap3A_109 = arith.constant 4352 : index
    %swap3A_110 = arith.constant 0 : index
    %swap3A_111 = vector.load %arg9[%swap3A_109, %swap3A_110] : memref<10496x1xf32, #tpu.memory_space<vmem>>, vector<256x1xf32>
    tpu.vector_store %arg9[%swap3A_109, %swap3A_110], %broadcast_in_dim3A_4 {strides = array<i32>} : memref<10496x1xf32, #tpu.memory_space<vmem>>, vector<256x1xf32>,
    %swap3A_112 = arith.constant 4608 : index
    %swap3A_113 = arith.constant 0 : index
    %swap3A_114 = vector.load %arg8[%swap3A_112, %swap3A_113] : memref<10496x128xf32, #tpu.memory_space<vmem>>, vector<256x128xf32>
    tpu.vector_store %arg8[%swap3A_112, %swap3A_113], %broadcast_in_dim3A_2 {strides = array<i32>} : memref<10496x128xf32, #tpu.memory_space<vmem>>, vector<256x128xf32>,
    %swap3A_115 = arith.constant 4608 : index
    %swap3A_116 = arith.constant 0 : index
    %swap3A_117 = vector.load %arg9[%swap3A_115, %swap3A_116] : memref<10496x1xf32, #tpu.memory_space<vmem>>, vector<256x1xf32>
    tpu.vector_store %arg9[%swap3A_115, %swap3A_116], %broadcast_in_dim3A_4 {strides = array<i32>} : memref<10496x1xf32, #tpu.memory_space<vmem>>, vector<256x1xf32>,
    %swap3A_118 = arith.constant 4864 : index
    %swap3A_119 = arith.constant 0 : index
    %swap3A_120 = vector.load %arg8[%swap3A_118, %swap3A_119] : memref<10496x128xf32, #tpu.memory_space<vmem>>, vector<256x128xf32>
    tpu.vector_store %arg8[%swap3A_118, %swap3A_119], %broadcast_in_dim3A_2 {strides = array<i32>} : memref<10496x128xf32, #tpu.memory_space<vmem>>, vector<256x128xf32>,
    %swap3A_121 = arith.constant 4864 : index
    %swap3A_122 = arith.constant 0 : index
    %swap3A_123 = vector.load %arg9[%swap3A_121, %swap3A_122] : memref<10496x1xf32, #tpu.memory_space<vmem>>, vector<256x1xf32>
    tpu.vector_store %arg9[%swap3A_121, %swap3A_122], %broadcast_in_dim3A_4 {strides = array<i32>} : memref<10496x1xf32, #tpu.memory_space<vmem>>, vector<256x1xf32>,
    %swap3A_124 = arith.constant 5120 : index
    %swap3A_125 = arith.constant 0 : index
    %swap3A_126 = vector.load %arg8[%swap3A_124, %swap3A_125] : memref<10496x128xf32, #tpu.memory_space<vmem>>, vector<256x128xf32>
    tpu.vector_store %arg8[%swap3A_124, %swap3A_125], %broadcast_in_dim3A_2 {strides = array<i32>} : memref<10496x128xf32, #tpu.memory_space<vmem>>, vector<256x128xf32>,
    %swap3A_127 = arith.constant 5120 : index
    %swap3A_128 = arith.constant 0 : index
    %swap3A_129 = vector.load %arg9[%swap3A_127, %swap3A_128] : memref<10496x1xf32, #tpu.memory_space<vmem>>, vector<256x1xf32>
    tpu.vector_store %arg9[%swap3A_127, %swap3A_128], %broadcast_in_dim3A_4 {strides = array<i32>} : memref<10496x1xf32, #tpu.memory_space<vmem>>, vector<256x1xf32>,
    %swap3A_130 = arith.constant 5376 : index
    %swap3A_131 = arith.constant 0 : index
    %swap3A_132 = vector.load %arg8[%swap3A_130, %swap3A_131] : memref<10496x128xf32, #tpu.memory_space<vmem>>, vector<256x128xf32>
    tpu.vector_store %arg8[%swap3A_130, %swap3A_131], %broadcast_in_dim3A_2 {strides = array<i32>} : memref<10496x128xf32, #tpu.memory_space<vmem>>, vector<256x128xf32>,
    %swap3A_133 = arith.constant 5376 : index
    %swap3A_134 = arith.constant 0 : index
    %swap3A_135 = vector.load %arg9[%swap3A_133, %swap3A_134] : memref<10496x1xf32, #tpu.memory_space<vmem>>, vector<256x1xf32>
    tpu.vector_store %arg9[%swap3A_133, %swap3A_134], %broadcast_in_dim3A_4 {strides = array<i32>} : memref<10496x1xf32, #tpu.memory_space<vmem>>, vector<256x1xf32>,
    %swap3A_136 = arith.constant 5632 : index
    %swap3A_137 = arith.constant 0 : index
    %swap3A_138 = vector.load %arg8[%swap3A_136, %swap3A_137] : memref<10496x128xf32, #tpu.memory_space<vmem>>, vector<256x128xf32>
    tpu.vector_store %arg8[%swap3A_136, %swap3A_137], %broadcast_in_dim3A_2 {strides = array<i32>} : memref<10496x128xf32, #tpu.memory_space<vmem>>, vector<256x128xf32>,
    %swap3A_139 = arith.constant 5632 : index
    %swap3A_140 = arith.constant 0 : index
    %swap3A_141 = vector.load %arg9[%swap3A_139, %swap3A_140] : memref<10496x1xf32, #tpu.memory_space<vmem>>, vector<256x1xf32>
    tpu.vector_store %arg9[%swap3A_139, %swap3A_140], %broadcast_in_dim3A_4 {strides = array<i32>} : memref<10496x1xf32, #tpu.memory_space<vmem>>, vector<256x1xf32>,
    %swap3A_142 = arith.constant 5888 : index
    %swap3A_143 = arith.constant 0 : index
    %swap3A_144 = vector.load %arg8[%swap3A_142, %swap3A_143] : memref<10496x128xf32, #tpu.memory_space<vmem>>, vector<256x128xf32>
    tpu.vector_store %arg8[%swap3A_142, %swap3A_143], %broadcast_in_dim3A_2 {strides = array<i32>} : memref<10496x128xf32, #tpu.memory_space<vmem>>, vector<256x128xf32>,
    %swap3A_145 = arith.constant 5888 : index
    %swap3A_146 = arith.constant 0 : index
    %swap3A_147 = vector.load %arg9[%swap3A_145, %swap3A_146] : memref<10496x1xf32, #tpu.memory_space<vmem>>, vector<256x1xf32>
    tpu.vector_store %arg9[%swap3A_145, %swap3A_146], %broadcast_in_dim3A_4 {strides = array<i32>} : memref<10496x1xf32, #tpu.memory_space<vmem>>, vector<256x1xf32>,
    %swap3A_148 = arith.constant 6144 : index
    %swap3A_149 = arith.constant 0 : index
    %swap3A_150 = vector.load %arg8[%swap3A_148, %swap3A_149] : memref<10496x128xf32, #tpu.memory_space<vmem>>, vector<256x128xf32>
    tpu.vector_store %arg8[%swap3A_148, %swap3A_149], %broadcast_in_dim3A_2 {strides = array<i32>} : memref<10496x128xf32, #tpu.memory_space<vmem>>, vector<256x128xf32>,
    %swap3A_151 = arith.constant 6144 : index
    %swap3A_152 = arith.constant 0 : index
    %swap3A_153 = vector.load %arg9[%swap3A_151, %swap3A_152] : memref<10496x1xf32, #tpu.memory_space<vmem>>, vector<256x1xf32>
    tpu.vector_store %arg9[%swap3A_151, %swap3A_152], %broadcast_in_dim3A_4 {strides = array<i32>} : memref<10496x1xf32, #tpu.memory_space<vmem>>, vector<256x1xf32>,
    %swap3A_154 = arith.constant 6400 : index
    %swap3A_155 = arith.constant 0 : index
    %swap3A_156 = vector.load %arg8[%swap3A_154, %swap3A_155] : memref<10496x128xf32, #tpu.memory_space<vmem>>, vector<256x128xf32>
    tpu.vector_store %arg8[%swap3A_154, %swap3A_155], %broadcast_in_dim3A_2 {strides = array<i32>} : memref<10496x128xf32, #tpu.memory_space<vmem>>, vector<256x128xf32>,
    %swap3A_157 = arith.constant 6400 : index
    %swap3A_158 = arith.constant 0 : index
    %swap3A_159 = vector.load %arg9[%swap3A_157, %swap3A_158] : memref<10496x1xf32, #tpu.memory_space<vmem>>, vector<256x1xf32>
    tpu.vector_store %arg9[%swap3A_157, %swap3A_158], %broadcast_in_dim3A_4 {strides = array<i32>} : memref<10496x1xf32, #tpu.memory_space<vmem>>, vector<256x1xf32>,
    %swap3A_160 = arith.constant 6656 : index
    %swap3A_161 = arith.constant 0 : index
    %swap3A_162 = vector.load %arg8[%swap3A_160, %swap3A_161] : memref<10496x128xf32, #tpu.memory_space<vmem>>, vector<256x128xf32>
    tpu.vector_store %arg8[%swap3A_160, %swap3A_161], %broadcast_in_dim3A_2 {strides = array<i32>} : memref<10496x128xf32, #tpu.memory_space<vmem>>, vector<256x128xf32>,
    %swap3A_163 = arith.constant 6656 : index
    %swap3A_164 = arith.constant 0 : index
    %swap3A_165 = vector.load %arg9[%swap3A_163, %swap3A_164] : memref<10496x1xf32, #tpu.memory_space<vmem>>, vector<256x1xf32>
    tpu.vector_store %arg9[%swap3A_163, %swap3A_164], %broadcast_in_dim3A_4 {strides = array<i32>} : memref<10496x1xf32, #tpu.memory_space<vmem>>, vector<256x1xf32>,
    %swap3A_166 = arith.constant 6912 : index
    %swap3A_167 = arith.constant 0 : index
    %swap3A_168 = vector.load %arg8[%swap3A_166, %swap3A_167] : memref<10496x128xf32, #tpu.memory_space<vmem>>, vector<256x128xf32>
    tpu.vector_store %arg8[%swap3A_166, %swap3A_167], %broadcast_in_dim3A_2 {strides = array<i32>} : memref<10496x128xf32, #tpu.memory_space<vmem>>, vector<256x128xf32>,
    %swap3A_169 = arith.constant 6912 : index
    %swap3A_170 = arith.constant 0 : index
    %swap3A_171 = vector.load %arg9[%swap3A_169, %swap3A_170] : memref<10496x1xf32, #tpu.memory_space<vmem>>, vector<256x1xf32>
    tpu.vector_store %arg9[%swap3A_169, %swap3A_170], %broadcast_in_dim3A_4 {strides = array<i32>} : memref<10496x1xf32, #tpu.memory_space<vmem>>, vector<256x1xf32>,
    %swap3A_172 = arith.constant 7168 : index
    %swap3A_173 = arith.constant 0 : index
    %swap3A_174 = vector.load %arg8[%swap3A_172, %swap3A_173] : memref<10496x128xf32, #tpu.memory_space<vmem>>, vector<256x128xf32>
    tpu.vector_store %arg8[%swap3A_172, %swap3A_173], %broadcast_in_dim3A_2 {strides = array<i32>} : memref<10496x128xf32, #tpu.memory_space<vmem>>, vector<256x128xf32>,
    %swap3A_175 = arith.constant 7168 : index
    %swap3A_176 = arith.constant 0 : index
    %swap3A_177 = vector.load %arg9[%swap3A_175, %swap3A_176] : memref<10496x1xf32, #tpu.memory_space<vmem>>, vector<256x1xf32>
    tpu.vector_store %arg9[%swap3A_175, %swap3A_176], %broadcast_in_dim3A_4 {strides = array<i32>} : memref<10496x1xf32, #tpu.memory_space<vmem>>, vector<256x1xf32>,
    %swap3A_178 = arith.constant 7424 : index
    %swap3A_179 = arith.constant 0 : index
    %swap3A_180 = vector.load %arg8[%swap3A_178, %swap3A_179] : memref<10496x128xf32, #tpu.memory_space<vmem>>, vector<256x128xf32>
    tpu.vector_store %arg8[%swap3A_178, %swap3A_179], %broadcast_in_dim3A_2 {strides = array<i32>} : memref<10496x128xf32, #tpu.memory_space<vmem>>, vector<256x128xf32>,
    %swap3A_181 = arith.constant 7424 : index
    %swap3A_182 = arith.constant 0 : index
    %swap3A_183 = vector.load %arg9[%swap3A_181, %swap3A_182] : memref<10496x1xf32, #tpu.memory_space<vmem>>, vector<256x1xf32>
    tpu.vector_store %arg9[%swap3A_181, %swap3A_182], %broadcast_in_dim3A_4 {strides = array<i32>} : memref<10496x1xf32, #tpu.memory_space<vmem>>, vector<256x1xf32>,
    %swap3A_184 = arith.constant 7680 : index
    %swap3A_185 = arith.constant 0 : index
    %swap3A_186 = vector.load %arg8[%swap3A_184, %swap3A_185] : memref<10496x128xf32, #tpu.memory_space<vmem>>, vector<256x128xf32>
    tpu.vector_store %arg8[%swap3A_184, %swap3A_185], %broadcast_in_dim3A_2 {strides = array<i32>} : memref<10496x128xf32, #tpu.memory_space<vmem>>, vector<256x128xf32>,
    %swap3A_187 = arith.constant 7680 : index
    %swap3A_188 = arith.constant 0 : index
    %swap3A_189 = vector.load %arg9[%swap3A_187, %swap3A_188] : memref<10496x1xf32, #tpu.memory_space<vmem>>, vector<256x1xf32>
    tpu.vector_store %arg9[%swap3A_187, %swap3A_188], %broadcast_in_dim3A_4 {strides = array<i32>} : memref<10496x1xf32, #tpu.memory_space<vmem>>, vector<256x1xf32>,
    %swap3A_190 = arith.constant 7936 : index
    %swap3A_191 = arith.constant 0 : index
    %swap3A_192 = vector.load %arg8[%swap3A_190, %swap3A_191] : memref<10496x128xf32, #tpu.memory_space<vmem>>, vector<256x128xf32>
    tpu.vector_store %arg8[%swap3A_190, %swap3A_191], %broadcast_in_dim3A_2 {strides = array<i32>} : memref<10496x128xf32, #tpu.memory_space<vmem>>, vector<256x128xf32>,
    %swap3A_193 = arith.constant 7936 : index
    %swap3A_194 = arith.constant 0 : index
    %swap3A_195 = vector.load %arg9[%swap3A_193, %swap3A_194] : memref<10496x1xf32, #tpu.memory_space<vmem>>, vector<256x1xf32>
    tpu.vector_store %arg9[%swap3A_193, %swap3A_194], %broadcast_in_dim3A_4 {strides = array<i32>} : memref<10496x1xf32, #tpu.memory_space<vmem>>, vector<256x1xf32>,
    %swap3A_196 = arith.constant 8192 : index
    %swap3A_197 = arith.constant 0 : index
    %swap3A_198 = vector.load %arg8[%swap3A_196, %swap3A_197] : memref<10496x128xf32, #tpu.memory_space<vmem>>, vector<256x128xf32>
    tpu.vector_store %arg8[%swap3A_196, %swap3A_197], %broadcast_in_dim3A_2 {strides = array<i32>} : memref<10496x128xf32, #tpu.memory_space<vmem>>, vector<256x128xf32>,
    %swap3A_199 = arith.constant 8192 : index
    %swap3A_200 = arith.constant 0 : index
    %swap3A_201 = vector.load %arg9[%swap3A_199, %swap3A_200] : memref<10496x1xf32, #tpu.memory_space<vmem>>, vector<256x1xf32>
    tpu.vector_store %arg9[%swap3A_199, %swap3A_200], %broadcast_in_dim3A_4 {strides = array<i32>} : memref<10496x1xf32, #tpu.memory_space<vmem>>, vector<256x1xf32>,
    %swap3A_202 = arith.constant 8448 : index
    %swap3A_203 = arith.constant 0 : index
    %swap3A_204 = vector.load %arg8[%swap3A_202, %swap3A_203] : memref<10496x128xf32, #tpu.memory_space<vmem>>, vector<256x128xf32>
    tpu.vector_store %arg8[%swap3A_202, %swap3A_203], %broadcast_in_dim3A_2 {strides = array<i32>} : memref<10496x128xf32, #tpu.memory_space<vmem>>, vector<256x128xf32>,
    %swap3A_205 = arith.constant 8448 : index
    %swap3A_206 = arith.constant 0 : index
    %swap3A_207 = vector.load %arg9[%swap3A_205, %swap3A_206] : memref<10496x1xf32, #tpu.memory_space<vmem>>, vector<256x1xf32>
    tpu.vector_store %arg9[%swap3A_205, %swap3A_206], %broadcast_in_dim3A_4 {strides = array<i32>} : memref<10496x1xf32, #tpu.memory_space<vmem>>, vector<256x1xf32>,
    %swap3A_208 = arith.constant 8704 : index
    %swap3A_209 = arith.constant 0 : index
    %swap3A_210 = vector.load %arg8[%swap3A_208, %swap3A_209] : memref<10496x128xf32, #tpu.memory_space<vmem>>, vector<256x128xf32>
    tpu.vector_store %arg8[%swap3A_208, %swap3A_209], %broadcast_in_dim3A_2 {strides = array<i32>} : memref<10496x128xf32, #tpu.memory_space<vmem>>, vector<256x128xf32>,
    %swap3A_211 = arith.constant 8704 : index
    %swap3A_212 = arith.constant 0 : index
    %swap3A_213 = vector.load %arg9[%swap3A_211, %swap3A_212] : memref<10496x1xf32, #tpu.memory_space<vmem>>, vector<256x1xf32>
    tpu.vector_store %arg9[%swap3A_211, %swap3A_212], %broadcast_in_dim3A_4 {strides = array<i32>} : memref<10496x1xf32, #tpu.memory_space<vmem>>, vector<256x1xf32>,
    %swap3A_214 = arith.constant 8960 : index
    %swap3A_215 = arith.constant 0 : index
    %swap3A_216 = vector.load %arg8[%swap3A_214, %swap3A_215] : memref<10496x128xf32, #tpu.memory_space<vmem>>, vector<256x128xf32>
    tpu.vector_store %arg8[%swap3A_214, %swap3A_215], %broadcast_in_dim3A_2 {strides = array<i32>} : memref<10496x128xf32, #tpu.memory_space<vmem>>, vector<256x128xf32>,
    %swap3A_217 = arith.constant 8960 : index
    %swap3A_218 = arith.constant 0 : index
    %swap3A_219 = vector.load %arg9[%swap3A_217, %swap3A_218] : memref<10496x1xf32, #tpu.memory_space<vmem>>, vector<256x1xf32>
    tpu.vector_store %arg9[%swap3A_217, %swap3A_218], %broadcast_in_dim3A_4 {strides = array<i32>} : memref<10496x1xf32, #tpu.memory_space<vmem>>, vector<256x1xf32>,
    %swap3A_220 = arith.constant 9216 : index
    %swap3A_221 = arith.constant 0 : index
    %swap3A_222 = vector.load %arg8[%swap3A_220, %swap3A_221] : memref<10496x128xf32, #tpu.memory_space<vmem>>, vector<256x128xf32>
    tpu.vector_store %arg8[%swap3A_220, %swap3A_221], %broadcast_in_dim3A_2 {strides = array<i32>} : memref<10496x128xf32, #tpu.memory_space<vmem>>, vector<256x128xf32>,
    %swap3A_223 = arith.constant 9216 : index
    %swap3A_224 = arith.constant 0 : index
    %swap3A_225 = vector.load %arg9[%swap3A_223, %swap3A_224] : memref<10496x1xf32, #tpu.memory_space<vmem>>, vector<256x1xf32>
    tpu.vector_store %arg9[%swap3A_223, %swap3A_224], %broadcast_in_dim3A_4 {strides = array<i32>} : memref<10496x1xf32, #tpu.memory_space<vmem>>, vector<256x1xf32>,
    %swap3A_226 = arith.constant 9472 : index
    %swap3A_227 = arith.constant 0 : index
    %swap3A_228 = vector.load %arg8[%swap3A_226, %swap3A_227] : memref<10496x128xf32, #tpu.memory_space<vmem>>, vector<256x128xf32>
    tpu.vector_store %arg8[%swap3A_226, %swap3A_227], %broadcast_in_dim3A_2 {strides = array<i32>} : memref<10496x128xf32, #tpu.memory_space<vmem>>, vector<256x128xf32>,
    %swap3A_229 = arith.constant 9472 : index
    %swap3A_230 = arith.constant 0 : index
    %swap3A_231 = vector.load %arg9[%swap3A_229, %swap3A_230] : memref<10496x1xf32, #tpu.memory_space<vmem>>, vector<256x1xf32>
    tpu.vector_store %arg9[%swap3A_229, %swap3A_230], %broadcast_in_dim3A_4 {strides = array<i32>} : memref<10496x1xf32, #tpu.memory_space<vmem>>, vector<256x1xf32>,
    %swap3A_232 = arith.constant 9728 : index
    %swap3A_233 = arith.constant 0 : index
    %swap3A_234 = vector.load %arg8[%swap3A_232, %swap3A_233] : memref<10496x128xf32, #tpu.memory_space<vmem>>, vector<256x128xf32>
    tpu.vector_store %arg8[%swap3A_232, %swap3A_233], %broadcast_in_dim3A_2 {strides = array<i32>} : memref<10496x128xf32, #tpu.memory_space<vmem>>, vector<256x128xf32>,
    %swap3A_235 = arith.constant 9728 : index
    %swap3A_236 = arith.constant 0 : index
    %swap3A_237 = vector.load %arg9[%swap3A_235, %swap3A_236] : memref<10496x1xf32, #tpu.memory_space<vmem>>, vector<256x1xf32>
    tpu.vector_store %arg9[%swap3A_235, %swap3A_236], %broadcast_in_dim3A_4 {strides = array<i32>} : memref<10496x1xf32, #tpu.memory_space<vmem>>, vector<256x1xf32>,
    %swap3A_238 = arith.constant 9984 : index
    %swap3A_239 = arith.constant 0 : index
    %swap3A_240 = vector.load %arg8[%swap3A_238, %swap3A_239] : memref<10496x128xf32, #tpu.memory_space<vmem>>, vector<256x128xf32>
    tpu.vector_store %arg8[%swap3A_238, %swap3A_239], %broadcast_in_dim3A_2 {strides = array<i32>} : memref<10496x128xf32, #tpu.memory_space<vmem>>, vector<256x128xf32>,
    %swap3A_241 = arith.constant 9984 : index
    %swap3A_242 = arith.constant 0 : index
    %swap3A_243 = vector.load %arg9[%swap3A_241, %swap3A_242] : memref<10496x1xf32, #tpu.memory_space<vmem>>, vector<256x1xf32>
    tpu.vector_store %arg9[%swap3A_241, %swap3A_242], %broadcast_in_dim3A_4 {strides = array<i32>} : memref<10496x1xf32, #tpu.memory_space<vmem>>, vector<256x1xf32>,
    %swap3A_244 = arith.constant 10240 : index
    %swap3A_245 = arith.constant 0 : index
    %swap3A_246 = vector.load %arg8[%swap3A_244, %swap3A_245] : memref<10496x128xf32, #tpu.memory_space<vmem>>, vector<256x128xf32>
    tpu.vector_store %arg8[%swap3A_244, %swap3A_245], %broadcast_in_dim3A_2 {strides = array<i32>} : memref<10496x128xf32, #tpu.memory_space<vmem>>, vector<256x128xf32>,
    %swap3A_247 = arith.constant 10240 : index
    %swap3A_248 = arith.constant 0 : index
    %swap3A_249 = vector.load %arg9[%swap3A_247, %swap3A_248] : memref<10496x1xf32, #tpu.memory_space<vmem>>, vector<256x1xf32>
    tpu.vector_store %arg9[%swap3A_247, %swap3A_248], %broadcast_in_dim3A_4 {strides = array<i32>} : memref<10496x1xf32, #tpu.memory_space<vmem>>, vector<256x1xf32>,
    %scan3A = arith.constant 0 : i32
    %scan3A_250 = arith.constant 64 : i32
    %scan3A_251 = arith.addi %scan3A, %scan3A_250 : i32
    %scan3A_252 = arith.constant 1 : i32
    scf.for %scan3A_278 = %scan3A to %scan3A_251 step %scan3A_252  : i32 {
      %get3A_279 = arith.index_cast %scan3A_278 : i32 to index
      %get3A_280 = memref.load %arg0[%get3A_279] : memref<64xi32, #tpu.memory_space<smem>>
      %get3A_281 = arith.index_cast %scan3A_278 : i32 to index
      %get3A_282 = memref.load %arg1[%get3A_281] : memref<64xi32, #tpu.memory_space<smem>>
      %jit3A = arith.constant 8 : i32
      %div3A = arith.divsi %get3A_280, %jit3A : i32
      %sign3A = arith.constant 0 : i32
      %sign3A_283 = arith.cmpi sgt, %get3A_280, %sign3A : i32
      %sign3A_284 = arith.extui %sign3A_283 : i1 to i32
      %sign3A_285 = arith.constant 0 : i32
      %sign3A_286 = arith.cmpi slt, %get3A_280, %sign3A_285 : i32
      %sign3A_287 = arith.extui %sign3A_286 : i1 to i32
      %sign3A_288 = arith.subi %sign3A_284, %sign3A_287 : i32
      %sign3A_289 = arith.constant 0 : i32
      %sign3A_290 = arith.cmpi sgt, %jit3A, %sign3A_289 : i32
      %sign3A_291 = arith.extui %sign3A_290 : i1 to i32
      %sign3A_292 = arith.constant 0 : i32
      %sign3A_293 = arith.cmpi slt, %jit3A, %sign3A_292 : i32
      %sign3A_294 = arith.extui %sign3A_293 : i1 to i32
      %sign3A_295 = arith.subi %sign3A_291, %sign3A_294 : i32
      %ne3A = arith.cmpi ne, %sign3A_288, %sign3A_295 : i32
      %rem3A = arith.remsi %get3A_280, %jit3A : i32
      %ne3A_296 = arith.constant 0 : i32
      %ne3A_297 = arith.cmpi ne, %rem3A, %ne3A_296 : i32
      %and3A = arith.andi %ne3A, %ne3A_297 : i1
      %sub3A = arith.constant 1 : i32
      %sub3A_298 = arith.subi %div3A, %sub3A : i32
      %select_n3A = arith.select %and3A, %sub3A_298, %div3A : i32
      %mul3A = arith.constant 8 : i32
      %mul3A_299 = arith.muli %select_n3A, %mul3A : i32
      %sub3A_300 = arith.subi %get3A_280, %mul3A_299 : i32
      %add3A_301 = arith.addi %sub3A_300, %get3A_282 : i32
      %add3A_302 = arith.constant 256 : i32
      %add3A_303 = arith.addi %add3A_301, %add3A_302 : i32
      %sub3A_304 = arith.constant 1 : i32
      %sub3A_305 = arith.subi %add3A_303, %sub3A_304 : i32
      %jit3A_306 = arith.constant 256 : i32
      %div3A_307 = arith.divsi %sub3A_305, %jit3A_306 : i32
      %sign3A_308 = arith.constant 0 : i32
      %sign3A_309 = arith.cmpi sgt, %sub3A_305, %sign3A_308 : i32
      %sign3A_310 = arith.extui %sign3A_309 : i1 to i32
      %sign3A_311 = arith.constant 0 : i32
      %sign3A_312 = arith.cmpi slt, %sub3A_305, %sign3A_311 : i32
      %sign3A_313 = arith.extui %sign3A_312 : i1 to i32
      %sign3A_314 = arith.subi %sign3A_310, %sign3A_313 : i32
      %sign3A_315 = arith.constant 0 : i32
      %sign3A_316 = arith.cmpi sgt, %jit3A_306, %sign3A_315 : i32
      %sign3A_317 = arith.extui %sign3A_316 : i1 to i32
      %sign3A_318 = arith.constant 0 : i32
      %sign3A_319 = arith.cmpi slt, %jit3A_306, %sign3A_318 : i32
      %sign3A_320 = arith.extui %sign3A_319 : i1 to i32
      %sign3A_321 = arith.subi %sign3A_317, %sign3A_320 : i32
      %ne3A_322 = arith.cmpi ne, %sign3A_314, %sign3A_321 : i32
      %rem3A_323 = arith.remsi %sub3A_305, %jit3A_306 : i32
      %ne3A_324 = arith.constant 0 : i32
      %ne3A_325 = arith.cmpi ne, %rem3A_323, %ne3A_324 : i32
      %and3A_326 = arith.andi %ne3A_322, %ne3A_325 : i1
      %sub3A_327 = arith.constant 1 : i32
      %sub3A_328 = arith.subi %div3A_307, %sub3A_327 : i32
      %select_n3A_329 = arith.select %and3A_326, %sub3A_328, %div3A_307 : i32
      %add3A_330 = arith.addi %get3A_280, %get3A_282 : i32
      %broadcast_in_dim3A_331 = arith.constant 0xFF800000 : f32
      %broadcast_in_dim3A_332 = vector.broadcast %broadcast_in_dim3A_331 : f32 to vector<1x128xf32>
      %broadcast_in_dim3A_333 = arith.constant 0.000000e+00 : f32
      %broadcast_in_dim3A_334 = vector.broadcast %broadcast_in_dim3A_333 : f32 to vector<1x128xf32>
      %broadcast_in_dim3A_335 = arith.constant 0.000000e+00 : f32
      %broadcast_in_dim3A_336 = vector.broadcast %broadcast_in_dim3A_335 : f32 to vector<1x1xf32>
      %while3A = arith.constant 0 : i32
      %while3A_337 = arith.subi %select_n3A_329, %while3A : i32
      %while3A_338 = arith.addi %while3A, %while3A_337 : i32
      %while3A_339 = arith.constant 1 : i32
      %while3A_340 = arith.divsi %while3A_337, %while3A_339 : i32
      %while3A_341 = arith.muli %while3A_340, %while3A_339 : i32
      %while3A_342 = arith.addi %while3A, %while3A_341 : i32
      %while3A_343 = arith.constant 1 : i32
      %while3A_344:3 = scf.for %while3A_387 = %while3A to %while3A_342 step %while3A_343 iter_args(%while3A_388 = %broadcast_in_dim3A_332, %while3A_389 = %broadcast_in_dim3A_334, %while3A_390 = %broadcast_in_dim3A_336) -> (vector<1x128xf32>, vector<1x128xf32>, vector<1x1xf32>)  : i32 {
        %mul3A_391 = arith.constant 256 : i32
        %mul3A_392 = arith.muli %while3A_387, %mul3A_391 : i32
        %add3A_393 = arith.addi %mul3A_299, %mul3A_392 : i32
        %multiple_of3A = tpu.assume_multiple %add3A_393, 8 : i32
        %get3A_394 = arith.index_cast %multiple_of3A : i32 to index
        %get3A_395 = arith.constant 0 : index
        %get3A_396 = vector.load %arg3[%get3A_394, %get3A_395] : memref<10496x128xf32, #tpu.memory_space<vmem>>, vector<256x128xf32>
        %get3A_397 = arith.index_cast %multiple_of3A : i32 to index
        %get3A_398 = arith.constant 0 : index
        %get3A_399 = vector.load %arg5[%get3A_397, %get3A_398] : memref<10496x1xf32, #tpu.memory_space<vmem>>, vector<256x1xf32>
        %iota3A_400 = tpu.iota {dimensions = array<i32: 0>} : vector<256x1xi32>
        %add3A_401 = vector.broadcast %multiple_of3A : i32 to vector<256x1xi32>
        %add3A_402 = arith.addi %iota3A_400, %add3A_401 : vector<256x1xi32>
        %ge3A = vector.broadcast %get3A_280 : i32 to vector<256x1xi32>
        %ge3A_403 = arith.cmpi sge, %add3A_402, %ge3A : vector<256x1xi32>
        %lt3A = vector.broadcast %add3A_330 : i32 to vector<256x1xi32>
        %lt3A_404 = arith.cmpi slt, %add3A_402, %lt3A : vector<256x1xi32>
        %and3A_405 = arith.andi %ge3A_403, %lt3A_404 : vector<256x1xi1>
        %gt3A = arith.constant 0.000000e+00 : f32
        %gt3A_406 = vector.broadcast %gt3A : f32 to vector<256x1xf32>
        %gt3A_407 = arith.cmpf ogt, %get3A_399, %gt3A_406 : vector<256x1xf32>
        %and3A_408 = arith.andi %and3A_405, %gt3A_407 : vector<256x1xi1>
        %jit3A_409 = arith.constant 0xFF800000 : f32
        %broadcast_in_dim3A_410 = vector.shape_cast %and3A_408 : vector<256x1xi1> to vector<256x1xi1>
        %broadcast_in_dim3A_411 = vector.broadcast %broadcast_in_dim3A_410 : vector<256x1xi1> to vector<256x128xi1>
        %broadcast_in_dim3A_412 = vector.broadcast %jit3A_409 : f32 to vector<256x128xf32>
        %select_n3A_413 = arith.select %broadcast_in_dim3A_411, %get3A_396, %broadcast_in_dim3A_412 : vector<256x128xi1>, vector<256x128xf32>
        %reduce_max3A = arith.constant dense<0xFF800000> : vector<128xf32>
        %reduce_max3A_414 = vector.multi_reduction <maximumf>, %select_n3A_413, %reduce_max3A [0] : vector<256x128xf32> to vector<128xf32>
        %broadcast_in_dim3A_415 = vector.shape_cast %reduce_max3A_414 : vector<128xf32> to vector<1x128xf32>
        %max3A_416 = arith.maximumf %while3A_388, %broadcast_in_dim3A_415 : vector<1x128xf32>
        %jit3A_417 = arith.constant 0.000000e+00 : f32
        %broadcast_in_dim3A_418 = vector.shape_cast %and3A_408 : vector<256x1xi1> to vector<256x1xi1>
        %broadcast_in_dim3A_419 = vector.broadcast %broadcast_in_dim3A_418 : vector<256x1xi1> to vector<256x128xi1>
        %broadcast_in_dim3A_420 = vector.broadcast %jit3A_417 : f32 to vector<256x128xf32>
        %select_n3A_421 = arith.select %broadcast_in_dim3A_419, %get3A_396, %broadcast_in_dim3A_420 : vector<256x128xi1>, vector<256x128xf32>
        %reduce_sum3A = arith.constant dense<0.000000e+00> : vector<128xf32>
        %reduce_sum3A_422 = vector.multi_reduction <add>, %select_n3A_421, %reduce_sum3A [0] : vector<256x128xf32> to vector<128xf32>
        %broadcast_in_dim3A_423 = vector.shape_cast %reduce_sum3A_422 : vector<128xf32> to vector<1x128xf32>
        %add3A_424 = arith.addf %while3A_389, %broadcast_in_dim3A_423 : vector<1x128xf32>
        %convert_element_type3A_425 = arith.extui %and3A_408 : vector<256x1xi1> to vector<256x1xi32>
        %convert_element_type3A_426 = arith.sitofp %convert_element_type3A_425 : vector<256x1xi32> to vector<256x1xf32>
        %reduce_sum3A_427 = arith.constant dense<0.000000e+00> : vector<1xf32>
        %reduce_sum3A_428 = vector.multi_reduction <add>, %convert_element_type3A_426, %reduce_sum3A_427 [0] : vector<256x1xf32> to vector<1xf32>
        %broadcast_in_dim3A_429 = vector.shape_cast %reduce_sum3A_428 : vector<1xf32> to vector<1x1xf32>
        %reduce_sum3A_430 = arith.constant dense<0.000000e+00> : vector<1xf32>
        %reduce_sum3A_431 = vector.multi_reduction <add>, %broadcast_in_dim3A_429, %reduce_sum3A_430 [1] : vector<1x1xf32> to vector<1xf32>
        %broadcast_in_dim3A_432 = vector.shape_cast %reduce_sum3A_431 : vector<1xf32> to vector<1x1xf32>
        %add3A_433 = arith.addf %while3A_390, %broadcast_in_dim3A_432 : vector<1x1xf32>
        scf.yield %max3A_416, %add3A_424, %add3A_433 : vector<1x128xf32>, vector<1x128xf32>, vector<1x1xf32>
      }
      %while3A_345 = arith.constant 1 : i32
      %while3A_346:3 = scf.for %while3A_387 = %while3A_342 to %while3A_338 step %while3A_345 iter_args(%while3A_388 = %while3A_344#0, %while3A_389 = %while3A_344#1, %while3A_390 = %while3A_344#2) -> (vector<1x128xf32>, vector<1x128xf32>, vector<1x1xf32>)  : i32 {
        %mul3A_391 = arith.constant 256 : i32
        %mul3A_392 = arith.muli %while3A_387, %mul3A_391 : i32
        %add3A_393 = arith.addi %mul3A_299, %mul3A_392 : i32
        %multiple_of3A = tpu.assume_multiple %add3A_393, 8 : i32
        %get3A_394 = arith.index_cast %multiple_of3A : i32 to index
        %get3A_395 = arith.constant 0 : index
        %get3A_396 = vector.load %arg3[%get3A_394, %get3A_395] : memref<10496x128xf32, #tpu.memory_space<vmem>>, vector<256x128xf32>
        %get3A_397 = arith.index_cast %multiple_of3A : i32 to index
        %get3A_398 = arith.constant 0 : index
        %get3A_399 = vector.load %arg5[%get3A_397, %get3A_398] : memref<10496x1xf32, #tpu.memory_space<vmem>>, vector<256x1xf32>
        %iota3A_400 = tpu.iota {dimensions = array<i32: 0>} : vector<256x1xi32>
        %add3A_401 = vector.broadcast %multiple_of3A : i32 to vector<256x1xi32>
        %add3A_402 = arith.addi %iota3A_400, %add3A_401 : vector<256x1xi32>
        %ge3A = vector.broadcast %get3A_280 : i32 to vector<256x1xi32>
        %ge3A_403 = arith.cmpi sge, %add3A_402, %ge3A : vector<256x1xi32>
        %lt3A = vector.broadcast %add3A_330 : i32 to vector<256x1xi32>
        %lt3A_404 = arith.cmpi slt, %add3A_402, %lt3A : vector<256x1xi32>
        %and3A_405 = arith.andi %ge3A_403, %lt3A_404 : vector<256x1xi1>
        %gt3A = arith.constant 0.000000e+00 : f32
        %gt3A_406 = vector.broadcast %gt3A : f32 to vector<256x1xf32>
        %gt3A_407 = arith.cmpf ogt, %get3A_399, %gt3A_406 : vector<256x1xf32>
        %and3A_408 = arith.andi %and3A_405, %gt3A_407 : vector<256x1xi1>
        %jit3A_409 = arith.constant 0xFF800000 : f32
        %broadcast_in_dim3A_410 = vector.shape_cast %and3A_408 : vector<256x1xi1> to vector<256x1xi1>
        %broadcast_in_dim3A_411 = vector.broadcast %broadcast_in_dim3A_410 : vector<256x1xi1> to vector<256x128xi1>
        %broadcast_in_dim3A_412 = vector.broadcast %jit3A_409 : f32 to vector<256x128xf32>
        %select_n3A_413 = arith.select %broadcast_in_dim3A_411, %get3A_396, %broadcast_in_dim3A_412 : vector<256x128xi1>, vector<256x128xf32>
        %reduce_max3A = arith.constant dense<0xFF800000> : vector<128xf32>
        %reduce_max3A_414 = vector.multi_reduction <maximumf>, %select_n3A_413, %reduce_max3A [0] : vector<256x128xf32> to vector<128xf32>
        %broadcast_in_dim3A_415 = vector.shape_cast %reduce_max3A_414 : vector<128xf32> to vector<1x128xf32>
        %max3A_416 = arith.maximumf %while3A_388, %broadcast_in_dim3A_415 : vector<1x128xf32>
        %jit3A_417 = arith.constant 0.000000e+00 : f32
        %broadcast_in_dim3A_418 = vector.shape_cast %and3A_408 : vector<256x1xi1> to vector<256x1xi1>
        %broadcast_in_dim3A_419 = vector.broadcast %broadcast_in_dim3A_418 : vector<256x1xi1> to vector<256x128xi1>
        %broadcast_in_dim3A_420 = vector.broadcast %jit3A_417 : f32 to vector<256x128xf32>
        %select_n3A_421 = arith.select %broadcast_in_dim3A_419, %get3A_396, %broadcast_in_dim3A_420 : vector<256x128xi1>, vector<256x128xf32>
        %reduce_sum3A = arith.constant dense<0.000000e+00> : vector<128xf32>
        %reduce_sum3A_422 = vector.multi_reduction <add>, %select_n3A_421, %reduce_sum3A [0] : vector<256x128xf32> to vector<128xf32>
        %broadcast_in_dim3A_423 = vector.shape_cast %reduce_sum3A_422 : vector<128xf32> to vector<1x128xf32>
        %add3A_424 = arith.addf %while3A_389, %broadcast_in_dim3A_423 : vector<1x128xf32>
        %convert_element_type3A_425 = arith.extui %and3A_408 : vector<256x1xi1> to vector<256x1xi32>
        %convert_element_type3A_426 = arith.sitofp %convert_element_type3A_425 : vector<256x1xi32> to vector<256x1xf32>
        %reduce_sum3A_427 = arith.constant dense<0.000000e+00> : vector<1xf32>
        %reduce_sum3A_428 = vector.multi_reduction <add>, %convert_element_type3A_426, %reduce_sum3A_427 [0] : vector<256x1xf32> to vector<1xf32>
        %broadcast_in_dim3A_429 = vector.shape_cast %reduce_sum3A_428 : vector<1xf32> to vector<1x1xf32>
        %reduce_sum3A_430 = arith.constant dense<0.000000e+00> : vector<1xf32>
        %reduce_sum3A_431 = vector.multi_reduction <add>, %broadcast_in_dim3A_429, %reduce_sum3A_430 [1] : vector<1x1xf32> to vector<1xf32>
        %broadcast_in_dim3A_432 = vector.shape_cast %reduce_sum3A_431 : vector<1xf32> to vector<1x1xf32>
        %add3A_433 = arith.addf %while3A_390, %broadcast_in_dim3A_432 : vector<1x1xf32>
        scf.yield %max3A_416, %add3A_424, %add3A_433 : vector<1x128xf32>, vector<1x128xf32>, vector<1x1xf32>
      }
      %max3A_347 = arith.constant 1.000000e+00 : f32
      %max3A_348 = vector.broadcast %max3A_347 : f32 to vector<1x1xf32>
      %max3A_349 = arith.maximumf %while3A_346#2, %max3A_348 : vector<1x1xf32>
      %div3A_350 = vector.broadcast %max3A_349 : vector<1x1xf32> to vector<1x128xf32>
      %div3A_351 = arith.divf %while3A_346#1, %div3A_350 : vector<1x128xf32>
      %concatenate3A = tpu.concatenate %while3A_346#0, %div3A_351 in 1 : vector<1x128xf32>, vector<1x128xf32> -> vector<1x256xf32>
      %reshape3A = vector.shape_cast %concatenate3A : vector<1x256xf32> to vector<1x1x256xf32>
      %swap3A_352 = arith.index_cast %scan3A_278 : i32 to index
      %swap3A_353 = arith.constant 0 : index
      %swap3A_354 = arith.constant 0 : index
      %swap3A_355 = vector.load %arg11[%swap3A_352, %swap3A_353, %swap3A_354] : memref<64x1x256xf32, #tpu.memory_space<vmem>>, vector<1x1x256xf32>
      tpu.vector_store %arg11[%swap3A_352, %swap3A_353, %swap3A_354], %reshape3A {strides = array<i32>} : memref<64x1x256xf32, #tpu.memory_space<vmem>>, vector<1x1x256xf32>,
      %mul3A_356 = arith.constant 5.000000e-01 : f32
      %mul3A_357 = vector.broadcast %mul3A_356 : f32 to vector<1x1xf32>
      %mul3A_358 = arith.mulf %mul3A_357, %while3A_346#2 : vector<1x1xf32>
      %ceil3A = math.ceil %mul3A_358 : vector<1x1xf32>
      %broadcast_in_dim3A_359 = arith.constant 0xFF800000 : f32
      %broadcast_in_dim3A_360 = vector.broadcast %broadcast_in_dim3A_359 : f32 to vector<1x128xf32>
      %broadcast_in_dim3A_361 = arith.constant 0.000000e+00 : f32
      %broadcast_in_dim3A_362 = vector.broadcast %broadcast_in_dim3A_361 : f32 to vector<1x128xf32>
      %broadcast_in_dim3A_363 = arith.constant 0.000000e+00 : f32
      %broadcast_in_dim3A_364 = vector.broadcast %broadcast_in_dim3A_363 : f32 to vector<1x1xf32>
      %while3A_365 = arith.constant 0 : i32
      %while3A_366 = arith.subi %select_n3A_329, %while3A_365 : i32
      %while3A_367 = arith.addi %while3A_365, %while3A_366 : i32
      %while3A_368 = arith.constant 1 : i32
      %while3A_369 = arith.divsi %while3A_366, %while3A_368 : i32
      %while3A_370 = arith.muli %while3A_369, %while3A_368 : i32
      %while3A_371 = arith.addi %while3A_365, %while3A_370 : i32
      %while3A_372 = arith.constant 1 : i32
      %while3A_373:3 = scf.for %while3A_387 = %while3A_365 to %while3A_371 step %while3A_372 iter_args(%while3A_388 = %broadcast_in_dim3A_360, %while3A_389 = %broadcast_in_dim3A_362, %while3A_390 = %broadcast_in_dim3A_364) -> (vector<1x128xf32>, vector<1x128xf32>, vector<1x1xf32>)  : i32 {
        %mul3A_391 = arith.constant 256 : i32
        %mul3A_392 = arith.muli %while3A_387, %mul3A_391 : i32
        %add3A_393 = arith.addi %mul3A_299, %mul3A_392 : i32
        %multiple_of3A = tpu.assume_multiple %add3A_393, 8 : i32
        %get3A_394 = arith.index_cast %multiple_of3A : i32 to index
        %get3A_395 = arith.constant 0 : index
        %get3A_396 = vector.load %arg4[%get3A_394, %get3A_395] : memref<10496x1xf32, #tpu.memory_space<vmem>>, vector<256x1xf32>
        %iota3A_397 = tpu.iota {dimensions = array<i32: 0>} : vector<256x1xi32>
        %add3A_398 = vector.broadcast %multiple_of3A : i32 to vector<256x1xi32>
        %add3A_399 = arith.addi %iota3A_397, %add3A_398 : vector<256x1xi32>
        %ge3A = vector.broadcast %get3A_280 : i32 to vector<256x1xi32>
        %ge3A_400 = arith.cmpi sge, %add3A_399, %ge3A : vector<256x1xi32>
        %lt3A = vector.broadcast %add3A_330 : i32 to vector<256x1xi32>
        %lt3A_401 = arith.cmpi slt, %add3A_399, %lt3A : vector<256x1xi32>
        %and3A_402 = arith.andi %ge3A_400, %lt3A_401 : vector<256x1xi1>
        %get3A_403 = arith.index_cast %multiple_of3A : i32 to index
        %get3A_404 = arith.constant 0 : index
        %get3A_405 = vector.load %arg5[%get3A_403, %get3A_404] : memref<10496x1xf32, #tpu.memory_space<vmem>>, vector<256x1xf32>
        %gt3A = arith.constant 0.000000e+00 : f32
        %gt3A_406 = vector.broadcast %gt3A : f32 to vector<256x1xf32>
        %gt3A_407 = arith.cmpf ogt, %get3A_405, %gt3A_406 : vector<256x1xf32>
        %broadcast_in_dim3A_408 = arith.constant 0.000000e+00 : f32
        %broadcast_in_dim3A_409 = vector.broadcast %broadcast_in_dim3A_408 : f32 to vector<256x1xf32>
        %while3A_410 = arith.constant 0 : i32
        %while3A_411 = arith.subi %select_n3A_329, %while3A_410 : i32
        %while3A_412 = arith.addi %while3A_410, %while3A_411 : i32
        %while3A_413 = arith.constant 1 : i32
        %while3A_414 = arith.divsi %while3A_411, %while3A_413 : i32
        %while3A_415 = arith.muli %while3A_414, %while3A_413 : i32
        %while3A_416 = arith.addi %while3A_410, %while3A_415 : i32
        %while3A_417 = arith.constant 1 : i32
        %while3A_418 = scf.for %while3A_473 = %while3A_410 to %while3A_416 step %while3A_417 iter_args(%while3A_474 = %broadcast_in_dim3A_409) -> (vector<256x1xf32>)  : i32 {
          %mul3A_475 = arith.constant 256 : i32
          %mul3A_476 = arith.muli %while3A_473, %mul3A_475 : i32
          %add3A_477 = arith.addi %mul3A_299, %mul3A_476 : i32
          %multiple_of3A_478 = tpu.assume_multiple %add3A_477, 8 : i32
          %get3A_479 = arith.index_cast %multiple_of3A_478 : i32 to index
          %get3A_480 = arith.constant 0 : index
          %get3A_481 = vector.load %arg4[%get3A_479, %get3A_480] : memref<10496x1xf32, #tpu.memory_space<vmem>>, vector<256x1xf32>
          %get3A_482 = arith.index_cast %multiple_of3A_478 : i32 to index
          %get3A_483 = arith.constant 0 : index
          %get3A_484 = vector.load %arg5[%get3A_482, %get3A_483] : memref<10496x1xf32, #tpu.memory_space<vmem>>, vector<256x1xf32>
          %gt3A_485 = arith.constant 0.000000e+00 : f32
          %gt3A_486 = vector.broadcast %gt3A_485 : f32 to vector<256x1xf32>
          %gt3A_487 = arith.cmpf ogt, %get3A_484, %gt3A_486 : vector<256x1xf32>
          %jit3A_488 = arith.constant 0.000000e+00 : f32
          %broadcast_in_dim3A_489 = vector.broadcast %jit3A_488 : f32 to vector<256x1xf32>
          %select_n3A_490 = arith.select %gt3A_487, %get3A_481, %broadcast_in_dim3A_489 : vector<256x1xi1>, vector<256x1xf32>
          %dot_general3A = arith.constant dense<0.000000e+00> : vector<1x256xf32>
          %dot_general3A_491 = tpu.matmul %select_n3A_490, %convert_element_type3A_1, %dot_general3A {dimension_numbers = #tpu.dot_dimension_numbers<[0], [0], [1], [1], [0, 1, 1, 1], [], []>, precision = #tpu.contract_precision<fp32>, transpose_lhs_hint = false} : vector<256x1xf32>, vector<256x256xf32>, vector<1x256xf32> -> vector<1x256xf32>
          %convert_element_type3A_492 = arith.extui %gt3A_487 : vector<256x1xi1> to vector<256x1xi32>
          %convert_element_type3A_493 = arith.sitofp %convert_element_type3A_492 : vector<256x1xi32> to vector<256x1xf32>
          %dot_general3A_494 = arith.constant dense<0.000000e+00> : vector<1x256xf32>
          %dot_general3A_495 = tpu.matmul %convert_element_type3A_493, %convert_element_type3A_1, %dot_general3A_494 {dimension_numbers = #tpu.dot_dimension_numbers<[0], [0], [1], [1], [0, 1, 1, 1], [], []>, precision = #tpu.contract_precision<fp32>, transpose_lhs_hint = false} : vector<256x1xf32>, vector<256x256xf32>, vector<1x256xf32> -> vector<1x256xf32>
          %iota3A_496 = tpu.iota {dimensions = array<i32: 1>} : vector<256x256xi32>
          %add3A_497 = vector.broadcast %multiple_of3A_478 : i32 to vector<256x256xi32>
          %add3A_498 = arith.addi %iota3A_496, %add3A_497 : vector<256x256xi32>
          %iota3A_499 = tpu.iota {dimensions = array<i32: 0>} : vector<256x256xi32>
          %add3A_500 = vector.broadcast %multiple_of3A : i32 to vector<256x256xi32>
          %add3A_501 = arith.addi %iota3A_499, %add3A_500 : vector<256x256xi32>
          %gt3A_502 = vector.broadcast %dot_general3A_491 : vector<1x256xf32> to vector<256x256xf32>
          %gt3A_503 = vector.broadcast %get3A_396 : vector<256x1xf32> to vector<256x256xf32>
          %gt3A_504 = arith.cmpf ogt, %gt3A_502, %gt3A_503 : vector<256x256xf32>
          %eq3A_505 = vector.broadcast %dot_general3A_491 : vector<1x256xf32> to vector<256x256xf32>
          %eq3A_506 = vector.broadcast %get3A_396 : vector<256x1xf32> to vector<256x256xf32>
          %eq3A_507 = arith.cmpf oeq, %eq3A_505, %eq3A_506 : vector<256x256xf32>
          %lt3A_508 = arith.cmpi slt, %add3A_498, %add3A_501 : vector<256x256xi32>
          %and3A_509 = arith.andi %eq3A_507, %lt3A_508 : vector<256x256xi1>
          %or3A = arith.ori %gt3A_504, %and3A_509 : vector<256x256xi1>
          %gt3A_510 = arith.constant 0.000000e+00 : f32
          %gt3A_511 = vector.broadcast %gt3A_510 : f32 to vector<1x256xf32>
          %gt3A_512 = arith.cmpf ogt, %dot_general3A_495, %gt3A_511 : vector<1x256xf32>
          %and3A_513 = vector.broadcast %gt3A_512 : vector<1x256xi1> to vector<256x256xi1>
          %and3A_514 = arith.andi %or3A, %and3A_513 : vector<256x256xi1>
          %ge3A_515 = vector.broadcast %get3A_280 : i32 to vector<256x256xi32>
          %ge3A_516 = arith.cmpi sge, %add3A_498, %ge3A_515 : vector<256x256xi32>
          %and3A_517 = arith.andi %and3A_514, %ge3A_516 : vector<256x256xi1>
          %lt3A_518 = vector.broadcast %add3A_330 : i32 to vector<256x256xi32>
          %lt3A_519 = arith.cmpi slt, %add3A_498, %lt3A_518 : vector<256x256xi32>
          %and3A_520 = arith.andi %and3A_517, %lt3A_519 : vector<256x256xi1>
          %convert_element_type3A_521 = arith.extui %and3A_520 : vector<256x256xi1> to vector<256x256xi32>
          %convert_element_type3A_522 = arith.sitofp %convert_element_type3A_521 : vector<256x256xi32> to vector<256x256xf32>
          %reduce_sum3A_523 = arith.constant dense<0.000000e+00> : vector<256xf32>
          %reduce_sum3A_524 = vector.multi_reduction <add>, %convert_element_type3A_522, %reduce_sum3A_523 [1] : vector<256x256xf32> to vector<256xf32>
          %broadcast_in_dim3A_525 = vector.shape_cast %reduce_sum3A_524 : vector<256xf32> to vector<256x1xf32>
          %add3A_526 = arith.addf %while3A_474, %broadcast_in_dim3A_525 : vector<256x1xf32>
          scf.yield %add3A_526 : vector<256x1xf32>
        }
        %while3A_419 = arith.constant 1 : i32
        %while3A_420 = scf.for %while3A_473 = %while3A_416 to %while3A_412 step %while3A_419 iter_args(%while3A_474 = %while3A_418) -> (vector<256x1xf32>)  : i32 {
          %mul3A_475 = arith.constant 256 : i32
          %mul3A_476 = arith.muli %while3A_473, %mul3A_475 : i32
          %add3A_477 = arith.addi %mul3A_299, %mul3A_476 : i32
          %multiple_of3A_478 = tpu.assume_multiple %add3A_477, 8 : i32
          %get3A_479 = arith.index_cast %multiple_of3A_478 : i32 to index
          %get3A_480 = arith.constant 0 : index
          %get3A_481 = vector.load %arg4[%get3A_479, %get3A_480] : memref<10496x1xf32, #tpu.memory_space<vmem>>, vector<256x1xf32>
          %get3A_482 = arith.index_cast %multiple_of3A_478 : i32 to index
          %get3A_483 = arith.constant 0 : index
          %get3A_484 = vector.load %arg5[%get3A_482, %get3A_483] : memref<10496x1xf32, #tpu.memory_space<vmem>>, vector<256x1xf32>
          %gt3A_485 = arith.constant 0.000000e+00 : f32
          %gt3A_486 = vector.broadcast %gt3A_485 : f32 to vector<256x1xf32>
          %gt3A_487 = arith.cmpf ogt, %get3A_484, %gt3A_486 : vector<256x1xf32>
          %jit3A_488 = arith.constant 0.000000e+00 : f32
          %broadcast_in_dim3A_489 = vector.broadcast %jit3A_488 : f32 to vector<256x1xf32>
          %select_n3A_490 = arith.select %gt3A_487, %get3A_481, %broadcast_in_dim3A_489 : vector<256x1xi1>, vector<256x1xf32>
          %dot_general3A = arith.constant dense<0.000000e+00> : vector<1x256xf32>
          %dot_general3A_491 = tpu.matmul %select_n3A_490, %convert_element_type3A_1, %dot_general3A {dimension_numbers = #tpu.dot_dimension_numbers<[0], [0], [1], [1], [0, 1, 1, 1], [], []>, precision = #tpu.contract_precision<fp32>, transpose_lhs_hint = false} : vector<256x1xf32>, vector<256x256xf32>, vector<1x256xf32> -> vector<1x256xf32>
          %convert_element_type3A_492 = arith.extui %gt3A_487 : vector<256x1xi1> to vector<256x1xi32>
          %convert_element_type3A_493 = arith.sitofp %convert_element_type3A_492 : vector<256x1xi32> to vector<256x1xf32>
          %dot_general3A_494 = arith.constant dense<0.000000e+00> : vector<1x256xf32>
          %dot_general3A_495 = tpu.matmul %convert_element_type3A_493, %convert_element_type3A_1, %dot_general3A_494 {dimension_numbers = #tpu.dot_dimension_numbers<[0], [0], [1], [1], [0, 1, 1, 1], [], []>, precision = #tpu.contract_precision<fp32>, transpose_lhs_hint = false} : vector<256x1xf32>, vector<256x256xf32>, vector<1x256xf32> -> vector<1x256xf32>
          %iota3A_496 = tpu.iota {dimensions = array<i32: 1>} : vector<256x256xi32>
          %add3A_497 = vector.broadcast %multiple_of3A_478 : i32 to vector<256x256xi32>
          %add3A_498 = arith.addi %iota3A_496, %add3A_497 : vector<256x256xi32>
          %iota3A_499 = tpu.iota {dimensions = array<i32: 0>} : vector<256x256xi32>
          %add3A_500 = vector.broadcast %multiple_of3A : i32 to vector<256x256xi32>
          %add3A_501 = arith.addi %iota3A_499, %add3A_500 : vector<256x256xi32>
          %gt3A_502 = vector.broadcast %dot_general3A_491 : vector<1x256xf32> to vector<256x256xf32>
          %gt3A_503 = vector.broadcast %get3A_396 : vector<256x1xf32> to vector<256x256xf32>
          %gt3A_504 = arith.cmpf ogt, %gt3A_502, %gt3A_503 : vector<256x256xf32>
          %eq3A_505 = vector.broadcast %dot_general3A_491 : vector<1x256xf32> to vector<256x256xf32>
          %eq3A_506 = vector.broadcast %get3A_396 : vector<256x1xf32> to vector<256x256xf32>
          %eq3A_507 = arith.cmpf oeq, %eq3A_505, %eq3A_506 : vector<256x256xf32>
          %lt3A_508 = arith.cmpi slt, %add3A_498, %add3A_501 : vector<256x256xi32>
          %and3A_509 = arith.andi %eq3A_507, %lt3A_508 : vector<256x256xi1>
          %or3A = arith.ori %gt3A_504, %and3A_509 : vector<256x256xi1>
          %gt3A_510 = arith.constant 0.000000e+00 : f32
          %gt3A_511 = vector.broadcast %gt3A_510 : f32 to vector<1x256xf32>
          %gt3A_512 = arith.cmpf ogt, %dot_general3A_495, %gt3A_511 : vector<1x256xf32>
          %and3A_513 = vector.broadcast %gt3A_512 : vector<1x256xi1> to vector<256x256xi1>
          %and3A_514 = arith.andi %or3A, %and3A_513 : vector<256x256xi1>
          %ge3A_515 = vector.broadcast %get3A_280 : i32 to vector<256x256xi32>
          %ge3A_516 = arith.cmpi sge, %add3A_498, %ge3A_515 : vector<256x256xi32>
          %and3A_517 = arith.andi %and3A_514, %ge3A_516 : vector<256x256xi1>
          %lt3A_518 = vector.broadcast %add3A_330 : i32 to vector<256x256xi32>
          %lt3A_519 = arith.cmpi slt, %add3A_498, %lt3A_518 : vector<256x256xi32>
          %and3A_520 = arith.andi %and3A_517, %lt3A_519 : vector<256x256xi1>
          %convert_element_type3A_521 = arith.extui %and3A_520 : vector<256x256xi1> to vector<256x256xi32>
          %convert_element_type3A_522 = arith.sitofp %convert_element_type3A_521 : vector<256x256xi32> to vector<256x256xf32>
          %reduce_sum3A_523 = arith.constant dense<0.000000e+00> : vector<256xf32>
          %reduce_sum3A_524 = vector.multi_reduction <add>, %convert_element_type3A_522, %reduce_sum3A_523 [1] : vector<256x256xf32> to vector<256xf32>
          %broadcast_in_dim3A_525 = vector.shape_cast %reduce_sum3A_524 : vector<256xf32> to vector<256x1xf32>
          %add3A_526 = arith.addf %while3A_474, %broadcast_in_dim3A_525 : vector<256x1xf32>
          scf.yield %add3A_526 : vector<256x1xf32>
        }
        %lt3A_421 = vector.broadcast %ceil3A : vector<1x1xf32> to vector<256x1xf32>
        %lt3A_422 = arith.cmpf olt, %while3A_420, %lt3A_421 : vector<256x1xf32>
        %and3A_423 = arith.andi %lt3A_422, %gt3A_407 : vector<256x1xi1>
        %and3A_424 = arith.andi %and3A_423, %and3A_402 : vector<256x1xi1>
        %get3A_425 = arith.index_cast %multiple_of3A : i32 to index
        %get3A_426 = arith.constant 0 : index
        %get3A_427 = vector.load %arg2[%get3A_425, %get3A_426] : memref<10496x128xf32, #tpu.memory_space<vmem>>, vector<256x128xf32>
        %tanh3A = math.tanh %get3A_396 : vector<256x1xf32>
        %mul3A_428 = vector.broadcast %tanh3A : vector<256x1xf32> to vector<256x128xf32>
        %mul3A_429 = arith.mulf %get3A_427, %mul3A_428 : vector<256x128xf32>
        %jit3A_430 = arith.constant 0.000000e+00 : f32
        %broadcast_in_dim3A_431 = vector.shape_cast %and3A_424 : vector<256x1xi1> to vector<256x1xi1>
        %broadcast_in_dim3A_432 = vector.broadcast %broadcast_in_dim3A_431 : vector<256x1xi1> to vector<256x128xi1>
        %broadcast_in_dim3A_433 = vector.broadcast %jit3A_430 : f32 to vector<256x128xf32>
        %select_n3A_434 = arith.select %broadcast_in_dim3A_432, %mul3A_429, %broadcast_in_dim3A_433 : vector<256x128xi1>, vector<256x128xf32>
        %get3A_435 = arith.index_cast %multiple_of3A : i32 to index
        %get3A_436 = arith.constant 0 : index
        %get3A_437 = vector.load %arg8[%get3A_435, %get3A_436] : memref<10496x128xf32, #tpu.memory_space<vmem>>, vector<256x128xf32>
        %broadcast_in_dim3A_438 = vector.shape_cast %and3A_402 : vector<256x1xi1> to vector<256x1xi1>
        %broadcast_in_dim3A_439 = vector.broadcast %broadcast_in_dim3A_438 : vector<256x1xi1> to vector<256x128xi1>
        %select_n3A_440 = arith.select %broadcast_in_dim3A_439, %select_n3A_434, %get3A_437 : vector<256x128xi1>, vector<256x128xf32>
        %swap3A_441 = arith.index_cast %multiple_of3A : i32 to index
        %swap3A_442 = arith.constant 0 : index
        %swap3A_443 = vector.load %arg8[%swap3A_441, %swap3A_442] : memref<10496x128xf32, #tpu.memory_space<vmem>>, vector<256x128xf32>
        tpu.vector_store %arg8[%swap3A_441, %swap3A_442], %select_n3A_440 {strides = array<i32>} : memref<10496x128xf32, #tpu.memory_space<vmem>>, vector<256x128xf32>,
        %get3A_444 = arith.index_cast %multiple_of3A : i32 to index
        %get3A_445 = arith.constant 0 : index
        %get3A_446 = vector.load %arg9[%get3A_444, %get3A_445] : memref<10496x1xf32, #tpu.memory_space<vmem>>, vector<256x1xf32>
        %convert_element_type3A_447 = arith.extui %and3A_424 : vector<256x1xi1> to vector<256x1xi32>
        %convert_element_type3A_448 = arith.sitofp %convert_element_type3A_447 : vector<256x1xi32> to vector<256x1xf32>
        %select_n3A_449 = arith.select %and3A_402, %convert_element_type3A_448, %get3A_446 : vector<256x1xi1>, vector<256x1xf32>
        %swap3A_450 = arith.index_cast %multiple_of3A : i32 to index
        %swap3A_451 = arith.constant 0 : index
        %swap3A_452 = vector.load %arg9[%swap3A_450, %swap3A_451] : memref<10496x1xf32, #tpu.memory_space<vmem>>, vector<256x1xf32>
        tpu.vector_store %arg9[%swap3A_450, %swap3A_451], %select_n3A_449 {strides = array<i32>} : memref<10496x1xf32, #tpu.memory_space<vmem>>, vector<256x1xf32>,
        %jit3A_453 = arith.constant 0xFF800000 : f32
        %broadcast_in_dim3A_454 = vector.shape_cast %and3A_424 : vector<256x1xi1> to vector<256x1xi1>
        %broadcast_in_dim3A_455 = vector.broadcast %broadcast_in_dim3A_454 : vector<256x1xi1> to vector<256x128xi1>
        %broadcast_in_dim3A_456 = vector.broadcast %jit3A_453 : f32 to vector<256x128xf32>
        %select_n3A_457 = arith.select %broadcast_in_dim3A_455, %select_n3A_434, %broadcast_in_dim3A_456 : vector<256x128xi1>, vector<256x128xf32>
        %reduce_max3A = arith.constant dense<0xFF800000> : vector<128xf32>
        %reduce_max3A_458 = vector.multi_reduction <maximumf>, %select_n3A_457, %reduce_max3A [0] : vector<256x128xf32> to vector<128xf32>
        %broadcast_in_dim3A_459 = vector.shape_cast %reduce_max3A_458 : vector<128xf32> to vector<1x128xf32>
        %max3A_460 = arith.maximumf %while3A_388, %broadcast_in_dim3A_459 : vector<1x128xf32>
        %reduce_sum3A = arith.constant dense<0.000000e+00> : vector<128xf32>
        %reduce_sum3A_461 = vector.multi_reduction <add>, %select_n3A_434, %reduce_sum3A [0] : vector<256x128xf32> to vector<128xf32>
        %broadcast_in_dim3A_462 = vector.shape_cast %reduce_sum3A_461 : vector<128xf32> to vector<1x128xf32>
        %add3A_463 = arith.addf %while3A_389, %broadcast_in_dim3A_462 : vector<1x128xf32>
        %convert_element_type3A_464 = arith.extui %and3A_424 : vector<256x1xi1> to vector<256x1xi32>
        %convert_element_type3A_465 = arith.sitofp %convert_element_type3A_464 : vector<256x1xi32> to vector<256x1xf32>
        %reduce_sum3A_466 = arith.constant dense<0.000000e+00> : vector<1xf32>
        %reduce_sum3A_467 = vector.multi_reduction <add>, %convert_element_type3A_465, %reduce_sum3A_466 [0] : vector<256x1xf32> to vector<1xf32>
        %broadcast_in_dim3A_468 = vector.shape_cast %reduce_sum3A_467 : vector<1xf32> to vector<1x1xf32>
        %reduce_sum3A_469 = arith.constant dense<0.000000e+00> : vector<1xf32>
        %reduce_sum3A_470 = vector.multi_reduction <add>, %broadcast_in_dim3A_468, %reduce_sum3A_469 [1] : vector<1x1xf32> to vector<1xf32>
        %broadcast_in_dim3A_471 = vector.shape_cast %reduce_sum3A_470 : vector<1xf32> to vector<1x1xf32>
        %add3A_472 = arith.addf %while3A_390, %broadcast_in_dim3A_471 : vector<1x1xf32>
        scf.yield %max3A_460, %add3A_463, %add3A_472 : vector<1x128xf32>, vector<1x128xf32>, vector<1x1xf32>
      }
      %while3A_374 = arith.constant 1 : i32
      %while3A_375:3 = scf.for %while3A_387 = %while3A_371 to %while3A_367 step %while3A_374 iter_args(%while3A_388 = %while3A_373#0, %while3A_389 = %while3A_373#1, %while3A_390 = %while3A_373#2) -> (vector<1x128xf32>, vector<1x128xf32>, vector<1x1xf32>)  : i32 {
        %mul3A_391 = arith.constant 256 : i32
        %mul3A_392 = arith.muli %while3A_387, %mul3A_391 : i32
        %add3A_393 = arith.addi %mul3A_299, %mul3A_392 : i32
        %multiple_of3A = tpu.assume_multiple %add3A_393, 8 : i32
        %get3A_394 = arith.index_cast %multiple_of3A : i32 to index
        %get3A_395 = arith.constant 0 : index
        %get3A_396 = vector.load %arg4[%get3A_394, %get3A_395] : memref<10496x1xf32, #tpu.memory_space<vmem>>, vector<256x1xf32>
        %iota3A_397 = tpu.iota {dimensions = array<i32: 0>} : vector<256x1xi32>
        %add3A_398 = vector.broadcast %multiple_of3A : i32 to vector<256x1xi32>
        %add3A_399 = arith.addi %iota3A_397, %add3A_398 : vector<256x1xi32>
        %ge3A = vector.broadcast %get3A_280 : i32 to vector<256x1xi32>
        %ge3A_400 = arith.cmpi sge, %add3A_399, %ge3A : vector<256x1xi32>
        %lt3A = vector.broadcast %add3A_330 : i32 to vector<256x1xi32>
        %lt3A_401 = arith.cmpi slt, %add3A_399, %lt3A : vector<256x1xi32>
        %and3A_402 = arith.andi %ge3A_400, %lt3A_401 : vector<256x1xi1>
        %get3A_403 = arith.index_cast %multiple_of3A : i32 to index
        %get3A_404 = arith.constant 0 : index
        %get3A_405 = vector.load %arg5[%get3A_403, %get3A_404] : memref<10496x1xf32, #tpu.memory_space<vmem>>, vector<256x1xf32>
        %gt3A = arith.constant 0.000000e+00 : f32
        %gt3A_406 = vector.broadcast %gt3A : f32 to vector<256x1xf32>
        %gt3A_407 = arith.cmpf ogt, %get3A_405, %gt3A_406 : vector<256x1xf32>
        %broadcast_in_dim3A_408 = arith.constant 0.000000e+00 : f32
        %broadcast_in_dim3A_409 = vector.broadcast %broadcast_in_dim3A_408 : f32 to vector<256x1xf32>
        %while3A_410 = arith.constant 0 : i32
        %while3A_411 = arith.subi %select_n3A_329, %while3A_410 : i32
        %while3A_412 = arith.addi %while3A_410, %while3A_411 : i32
        %while3A_413 = arith.constant 1 : i32
        %while3A_414 = arith.divsi %while3A_411, %while3A_413 : i32
        %while3A_415 = arith.muli %while3A_414, %while3A_413 : i32
        %while3A_416 = arith.addi %while3A_410, %while3A_415 : i32
        %while3A_417 = arith.constant 1 : i32
        %while3A_418 = scf.for %while3A_473 = %while3A_410 to %while3A_416 step %while3A_417 iter_args(%while3A_474 = %broadcast_in_dim3A_409) -> (vector<256x1xf32>)  : i32 {
          %mul3A_475 = arith.constant 256 : i32
          %mul3A_476 = arith.muli %while3A_473, %mul3A_475 : i32
          %add3A_477 = arith.addi %mul3A_299, %mul3A_476 : i32
          %multiple_of3A_478 = tpu.assume_multiple %add3A_477, 8 : i32
          %get3A_479 = arith.index_cast %multiple_of3A_478 : i32 to index
          %get3A_480 = arith.constant 0 : index
          %get3A_481 = vector.load %arg4[%get3A_479, %get3A_480] : memref<10496x1xf32, #tpu.memory_space<vmem>>, vector<256x1xf32>
          %get3A_482 = arith.index_cast %multiple_of3A_478 : i32 to index
          %get3A_483 = arith.constant 0 : index
          %get3A_484 = vector.load %arg5[%get3A_482, %get3A_483] : memref<10496x1xf32, #tpu.memory_space<vmem>>, vector<256x1xf32>
          %gt3A_485 = arith.constant 0.000000e+00 : f32
          %gt3A_486 = vector.broadcast %gt3A_485 : f32 to vector<256x1xf32>
          %gt3A_487 = arith.cmpf ogt, %get3A_484, %gt3A_486 : vector<256x1xf32>
          %jit3A_488 = arith.constant 0.000000e+00 : f32
          %broadcast_in_dim3A_489 = vector.broadcast %jit3A_488 : f32 to vector<256x1xf32>
          %select_n3A_490 = arith.select %gt3A_487, %get3A_481, %broadcast_in_dim3A_489 : vector<256x1xi1>, vector<256x1xf32>
          %dot_general3A = arith.constant dense<0.000000e+00> : vector<1x256xf32>
          %dot_general3A_491 = tpu.matmul %select_n3A_490, %convert_element_type3A_1, %dot_general3A {dimension_numbers = #tpu.dot_dimension_numbers<[0], [0], [1], [1], [0, 1, 1, 1], [], []>, precision = #tpu.contract_precision<fp32>, transpose_lhs_hint = false} : vector<256x1xf32>, vector<256x256xf32>, vector<1x256xf32> -> vector<1x256xf32>
          %convert_element_type3A_492 = arith.extui %gt3A_487 : vector<256x1xi1> to vector<256x1xi32>
          %convert_element_type3A_493 = arith.sitofp %convert_element_type3A_492 : vector<256x1xi32> to vector<256x1xf32>
          %dot_general3A_494 = arith.constant dense<0.000000e+00> : vector<1x256xf32>
          %dot_general3A_495 = tpu.matmul %convert_element_type3A_493, %convert_element_type3A_1, %dot_general3A_494 {dimension_numbers = #tpu.dot_dimension_numbers<[0], [0], [1], [1], [0, 1, 1, 1], [], []>, precision = #tpu.contract_precision<fp32>, transpose_lhs_hint = false} : vector<256x1xf32>, vector<256x256xf32>, vector<1x256xf32> -> vector<1x256xf32>
          %iota3A_496 = tpu.iota {dimensions = array<i32: 1>} : vector<256x256xi32>
          %add3A_497 = vector.broadcast %multiple_of3A_478 : i32 to vector<256x256xi32>
          %add3A_498 = arith.addi %iota3A_496, %add3A_497 : vector<256x256xi32>
          %iota3A_499 = tpu.iota {dimensions = array<i32: 0>} : vector<256x256xi32>
          %add3A_500 = vector.broadcast %multiple_of3A : i32 to vector<256x256xi32>
          %add3A_501 = arith.addi %iota3A_499, %add3A_500 : vector<256x256xi32>
          %gt3A_502 = vector.broadcast %dot_general3A_491 : vector<1x256xf32> to vector<256x256xf32>
          %gt3A_503 = vector.broadcast %get3A_396 : vector<256x1xf32> to vector<256x256xf32>
          %gt3A_504 = arith.cmpf ogt, %gt3A_502, %gt3A_503 : vector<256x256xf32>
          %eq3A_505 = vector.broadcast %dot_general3A_491 : vector<1x256xf32> to vector<256x256xf32>
          %eq3A_506 = vector.broadcast %get3A_396 : vector<256x1xf32> to vector<256x256xf32>
          %eq3A_507 = arith.cmpf oeq, %eq3A_505, %eq3A_506 : vector<256x256xf32>
          %lt3A_508 = arith.cmpi slt, %add3A_498, %add3A_501 : vector<256x256xi32>
          %and3A_509 = arith.andi %eq3A_507, %lt3A_508 : vector<256x256xi1>
          %or3A = arith.ori %gt3A_504, %and3A_509 : vector<256x256xi1>
          %gt3A_510 = arith.constant 0.000000e+00 : f32
          %gt3A_511 = vector.broadcast %gt3A_510 : f32 to vector<1x256xf32>
          %gt3A_512 = arith.cmpf ogt, %dot_general3A_495, %gt3A_511 : vector<1x256xf32>
          %and3A_513 = vector.broadcast %gt3A_512 : vector<1x256xi1> to vector<256x256xi1>
          %and3A_514 = arith.andi %or3A, %and3A_513 : vector<256x256xi1>
          %ge3A_515 = vector.broadcast %get3A_280 : i32 to vector<256x256xi32>
          %ge3A_516 = arith.cmpi sge, %add3A_498, %ge3A_515 : vector<256x256xi32>
          %and3A_517 = arith.andi %and3A_514, %ge3A_516 : vector<256x256xi1>
          %lt3A_518 = vector.broadcast %add3A_330 : i32 to vector<256x256xi32>
          %lt3A_519 = arith.cmpi slt, %add3A_498, %lt3A_518 : vector<256x256xi32>
          %and3A_520 = arith.andi %and3A_517, %lt3A_519 : vector<256x256xi1>
          %convert_element_type3A_521 = arith.extui %and3A_520 : vector<256x256xi1> to vector<256x256xi32>
          %convert_element_type3A_522 = arith.sitofp %convert_element_type3A_521 : vector<256x256xi32> to vector<256x256xf32>
          %reduce_sum3A_523 = arith.constant dense<0.000000e+00> : vector<256xf32>
          %reduce_sum3A_524 = vector.multi_reduction <add>, %convert_element_type3A_522, %reduce_sum3A_523 [1] : vector<256x256xf32> to vector<256xf32>
          %broadcast_in_dim3A_525 = vector.shape_cast %reduce_sum3A_524 : vector<256xf32> to vector<256x1xf32>
          %add3A_526 = arith.addf %while3A_474, %broadcast_in_dim3A_525 : vector<256x1xf32>
          scf.yield %add3A_526 : vector<256x1xf32>
        }
        %while3A_419 = arith.constant 1 : i32
        %while3A_420 = scf.for %while3A_473 = %while3A_416 to %while3A_412 step %while3A_419 iter_args(%while3A_474 = %while3A_418) -> (vector<256x1xf32>)  : i32 {
          %mul3A_475 = arith.constant 256 : i32
          %mul3A_476 = arith.muli %while3A_473, %mul3A_475 : i32
          %add3A_477 = arith.addi %mul3A_299, %mul3A_476 : i32
          %multiple_of3A_478 = tpu.assume_multiple %add3A_477, 8 : i32
          %get3A_479 = arith.index_cast %multiple_of3A_478 : i32 to index
          %get3A_480 = arith.constant 0 : index
          %get3A_481 = vector.load %arg4[%get3A_479, %get3A_480] : memref<10496x1xf32, #tpu.memory_space<vmem>>, vector<256x1xf32>
          %get3A_482 = arith.index_cast %multiple_of3A_478 : i32 to index
          %get3A_483 = arith.constant 0 : index
          %get3A_484 = vector.load %arg5[%get3A_482, %get3A_483] : memref<10496x1xf32, #tpu.memory_space<vmem>>, vector<256x1xf32>
          %gt3A_485 = arith.constant 0.000000e+00 : f32
          %gt3A_486 = vector.broadcast %gt3A_485 : f32 to vector<256x1xf32>
          %gt3A_487 = arith.cmpf ogt, %get3A_484, %gt3A_486 : vector<256x1xf32>
          %jit3A_488 = arith.constant 0.000000e+00 : f32
          %broadcast_in_dim3A_489 = vector.broadcast %jit3A_488 : f32 to vector<256x1xf32>
          %select_n3A_490 = arith.select %gt3A_487, %get3A_481, %broadcast_in_dim3A_489 : vector<256x1xi1>, vector<256x1xf32>
          %dot_general3A = arith.constant dense<0.000000e+00> : vector<1x256xf32>
          %dot_general3A_491 = tpu.matmul %select_n3A_490, %convert_element_type3A_1, %dot_general3A {dimension_numbers = #tpu.dot_dimension_numbers<[0], [0], [1], [1], [0, 1, 1, 1], [], []>, precision = #tpu.contract_precision<fp32>, transpose_lhs_hint = false} : vector<256x1xf32>, vector<256x256xf32>, vector<1x256xf32> -> vector<1x256xf32>
          %convert_element_type3A_492 = arith.extui %gt3A_487 : vector<256x1xi1> to vector<256x1xi32>
          %convert_element_type3A_493 = arith.sitofp %convert_element_type3A_492 : vector<256x1xi32> to vector<256x1xf32>
          %dot_general3A_494 = arith.constant dense<0.000000e+00> : vector<1x256xf32>
          %dot_general3A_495 = tpu.matmul %convert_element_type3A_493, %convert_element_type3A_1, %dot_general3A_494 {dimension_numbers = #tpu.dot_dimension_numbers<[0], [0], [1], [1], [0, 1, 1, 1], [], []>, precision = #tpu.contract_precision<fp32>, transpose_lhs_hint = false} : vector<256x1xf32>, vector<256x256xf32>, vector<1x256xf32> -> vector<1x256xf32>
          %iota3A_496 = tpu.iota {dimensions = array<i32: 1>} : vector<256x256xi32>
          %add3A_497 = vector.broadcast %multiple_of3A_478 : i32 to vector<256x256xi32>
          %add3A_498 = arith.addi %iota3A_496, %add3A_497 : vector<256x256xi32>
          %iota3A_499 = tpu.iota {dimensions = array<i32: 0>} : vector<256x256xi32>
          %add3A_500 = vector.broadcast %multiple_of3A : i32 to vector<256x256xi32>
          %add3A_501 = arith.addi %iota3A_499, %add3A_500 : vector<256x256xi32>
          %gt3A_502 = vector.broadcast %dot_general3A_491 : vector<1x256xf32> to vector<256x256xf32>
          %gt3A_503 = vector.broadcast %get3A_396 : vector<256x1xf32> to vector<256x256xf32>
          %gt3A_504 = arith.cmpf ogt, %gt3A_502, %gt3A_503 : vector<256x256xf32>
          %eq3A_505 = vector.broadcast %dot_general3A_491 : vector<1x256xf32> to vector<256x256xf32>
          %eq3A_506 = vector.broadcast %get3A_396 : vector<256x1xf32> to vector<256x256xf32>
          %eq3A_507 = arith.cmpf oeq, %eq3A_505, %eq3A_506 : vector<256x256xf32>
          %lt3A_508 = arith.cmpi slt, %add3A_498, %add3A_501 : vector<256x256xi32>
          %and3A_509 = arith.andi %eq3A_507, %lt3A_508 : vector<256x256xi1>
          %or3A = arith.ori %gt3A_504, %and3A_509 : vector<256x256xi1>
          %gt3A_510 = arith.constant 0.000000e+00 : f32
          %gt3A_511 = vector.broadcast %gt3A_510 : f32 to vector<1x256xf32>
          %gt3A_512 = arith.cmpf ogt, %dot_general3A_495, %gt3A_511 : vector<1x256xf32>
          %and3A_513 = vector.broadcast %gt3A_512 : vector<1x256xi1> to vector<256x256xi1>
          %and3A_514 = arith.andi %or3A, %and3A_513 : vector<256x256xi1>
          %ge3A_515 = vector.broadcast %get3A_280 : i32 to vector<256x256xi32>
          %ge3A_516 = arith.cmpi sge, %add3A_498, %ge3A_515 : vector<256x256xi32>
          %and3A_517 = arith.andi %and3A_514, %ge3A_516 : vector<256x256xi1>
          %lt3A_518 = vector.broadcast %add3A_330 : i32 to vector<256x256xi32>
          %lt3A_519 = arith.cmpi slt, %add3A_498, %lt3A_518 : vector<256x256xi32>
          %and3A_520 = arith.andi %and3A_517, %lt3A_519 : vector<256x256xi1>
          %convert_element_type3A_521 = arith.extui %and3A_520 : vector<256x256xi1> to vector<256x256xi32>
          %convert_element_type3A_522 = arith.sitofp %convert_element_type3A_521 : vector<256x256xi32> to vector<256x256xf32>
          %reduce_sum3A_523 = arith.constant dense<0.000000e+00> : vector<256xf32>
          %reduce_sum3A_524 = vector.multi_reduction <add>, %convert_element_type3A_522, %reduce_sum3A_523 [1] : vector<256x256xf32> to vector<256xf32>
          %broadcast_in_dim3A_525 = vector.shape_cast %reduce_sum3A_524 : vector<256xf32> to vector<256x1xf32>
          %add3A_526 = arith.addf %while3A_474, %broadcast_in_dim3A_525 : vector<256x1xf32>
          scf.yield %add3A_526 : vector<256x1xf32>
        }
        %lt3A_421 = vector.broadcast %ceil3A : vector<1x1xf32> to vector<256x1xf32>
        %lt3A_422 = arith.cmpf olt, %while3A_420, %lt3A_421 : vector<256x1xf32>
        %and3A_423 = arith.andi %lt3A_422, %gt3A_407 : vector<256x1xi1>
        %and3A_424 = arith.andi %and3A_423, %and3A_402 : vector<256x1xi1>
        %get3A_425 = arith.index_cast %multiple_of3A : i32 to index
        %get3A_426 = arith.constant 0 : index
        %get3A_427 = vector.load %arg2[%get3A_425, %get3A_426] : memref<10496x128xf32, #tpu.memory_space<vmem>>, vector<256x128xf32>
        %tanh3A = math.tanh %get3A_396 : vector<256x1xf32>
        %mul3A_428 = vector.broadcast %tanh3A : vector<256x1xf32> to vector<256x128xf32>
        %mul3A_429 = arith.mulf %get3A_427, %mul3A_428 : vector<256x128xf32>
        %jit3A_430 = arith.constant 0.000000e+00 : f32
        %broadcast_in_dim3A_431 = vector.shape_cast %and3A_424 : vector<256x1xi1> to vector<256x1xi1>
        %broadcast_in_dim3A_432 = vector.broadcast %broadcast_in_dim3A_431 : vector<256x1xi1> to vector<256x128xi1>
        %broadcast_in_dim3A_433 = vector.broadcast %jit3A_430 : f32 to vector<256x128xf32>
        %select_n3A_434 = arith.select %broadcast_in_dim3A_432, %mul3A_429, %broadcast_in_dim3A_433 : vector<256x128xi1>, vector<256x128xf32>
        %get3A_435 = arith.index_cast %multiple_of3A : i32 to index
        %get3A_436 = arith.constant 0 : index
        %get3A_437 = vector.load %arg8[%get3A_435, %get3A_436] : memref<10496x128xf32, #tpu.memory_space<vmem>>, vector<256x128xf32>
        %broadcast_in_dim3A_438 = vector.shape_cast %and3A_402 : vector<256x1xi1> to vector<256x1xi1>
        %broadcast_in_dim3A_439 = vector.broadcast %broadcast_in_dim3A_438 : vector<256x1xi1> to vector<256x128xi1>
        %select_n3A_440 = arith.select %broadcast_in_dim3A_439, %select_n3A_434, %get3A_437 : vector<256x128xi1>, vector<256x128xf32>
        %swap3A_441 = arith.index_cast %multiple_of3A : i32 to index
        %swap3A_442 = arith.constant 0 : index
        %swap3A_443 = vector.load %arg8[%swap3A_441, %swap3A_442] : memref<10496x128xf32, #tpu.memory_space<vmem>>, vector<256x128xf32>
        tpu.vector_store %arg8[%swap3A_441, %swap3A_442], %select_n3A_440 {strides = array<i32>} : memref<10496x128xf32, #tpu.memory_space<vmem>>, vector<256x128xf32>,
        %get3A_444 = arith.index_cast %multiple_of3A : i32 to index
        %get3A_445 = arith.constant 0 : index
        %get3A_446 = vector.load %arg9[%get3A_444, %get3A_445] : memref<10496x1xf32, #tpu.memory_space<vmem>>, vector<256x1xf32>
        %convert_element_type3A_447 = arith.extui %and3A_424 : vector<256x1xi1> to vector<256x1xi32>
        %convert_element_type3A_448 = arith.sitofp %convert_element_type3A_447 : vector<256x1xi32> to vector<256x1xf32>
        %select_n3A_449 = arith.select %and3A_402, %convert_element_type3A_448, %get3A_446 : vector<256x1xi1>, vector<256x1xf32>
        %swap3A_450 = arith.index_cast %multiple_of3A : i32 to index
        %swap3A_451 = arith.constant 0 : index
        %swap3A_452 = vector.load %arg9[%swap3A_450, %swap3A_451] : memref<10496x1xf32, #tpu.memory_space<vmem>>, vector<256x1xf32>
        tpu.vector_store %arg9[%swap3A_450, %swap3A_451], %select_n3A_449 {strides = array<i32>} : memref<10496x1xf32, #tpu.memory_space<vmem>>, vector<256x1xf32>,
        %jit3A_453 = arith.constant 0xFF800000 : f32
        %broadcast_in_dim3A_454 = vector.shape_cast %and3A_424 : vector<256x1xi1> to vector<256x1xi1>
        %broadcast_in_dim3A_455 = vector.broadcast %broadcast_in_dim3A_454 : vector<256x1xi1> to vector<256x128xi1>
        %broadcast_in_dim3A_456 = vector.broadcast %jit3A_453 : f32 to vector<256x128xf32>
        %select_n3A_457 = arith.select %broadcast_in_dim3A_455, %select_n3A_434, %broadcast_in_dim3A_456 : vector<256x128xi1>, vector<256x128xf32>
        %reduce_max3A = arith.constant dense<0xFF800000> : vector<128xf32>
        %reduce_max3A_458 = vector.multi_reduction <maximumf>, %select_n3A_457, %reduce_max3A [0] : vector<256x128xf32> to vector<128xf32>
        %broadcast_in_dim3A_459 = vector.shape_cast %reduce_max3A_458 : vector<128xf32> to vector<1x128xf32>
        %max3A_460 = arith.maximumf %while3A_388, %broadcast_in_dim3A_459 : vector<1x128xf32>
        %reduce_sum3A = arith.constant dense<0.000000e+00> : vector<128xf32>
        %reduce_sum3A_461 = vector.multi_reduction <add>, %select_n3A_434, %reduce_sum3A [0] : vector<256x128xf32> to vector<128xf32>
        %broadcast_in_dim3A_462 = vector.shape_cast %reduce_sum3A_461 : vector<128xf32> to vector<1x128xf32>
        %add3A_463 = arith.addf %while3A_389, %broadcast_in_dim3A_462 : vector<1x128xf32>
        %convert_element_type3A_464 = arith.extui %and3A_424 : vector<256x1xi1> to vector<256x1xi32>
        %convert_element_type3A_465 = arith.sitofp %convert_element_type3A_464 : vector<256x1xi32> to vector<256x1xf32>
        %reduce_sum3A_466 = arith.constant dense<0.000000e+00> : vector<1xf32>
        %reduce_sum3A_467 = vector.multi_reduction <add>, %convert_element_type3A_465, %reduce_sum3A_466 [0] : vector<256x1xf32> to vector<1xf32>
        %broadcast_in_dim3A_468 = vector.shape_cast %reduce_sum3A_467 : vector<1xf32> to vector<1x1xf32>
        %reduce_sum3A_469 = arith.constant dense<0.000000e+00> : vector<1xf32>
        %reduce_sum3A_470 = vector.multi_reduction <add>, %broadcast_in_dim3A_468, %reduce_sum3A_469 [1] : vector<1x1xf32> to vector<1xf32>
        %broadcast_in_dim3A_471 = vector.shape_cast %reduce_sum3A_470 : vector<1xf32> to vector<1x1xf32>
        %add3A_472 = arith.addf %while3A_390, %broadcast_in_dim3A_471 : vector<1x1xf32>
        scf.yield %max3A_460, %add3A_463, %add3A_472 : vector<1x128xf32>, vector<1x128xf32>, vector<1x1xf32>
      }
      %max3A_376 = arith.constant 1.000000e+00 : f32
      %max3A_377 = vector.broadcast %max3A_376 : f32 to vector<1x1xf32>
      %max3A_378 = arith.maximumf %while3A_375#2, %max3A_377 : vector<1x1xf32>
      %div3A_379 = vector.broadcast %max3A_378 : vector<1x1xf32> to vector<1x128xf32>
      %div3A_380 = arith.divf %while3A_375#1, %div3A_379 : vector<1x128xf32>
      %concatenate3A_381 = tpu.concatenate %while3A_375#0, %div3A_380 in 1 : vector<1x128xf32>, vector<1x128xf32> -> vector<1x256xf32>
      %reshape3A_382 = vector.shape_cast %concatenate3A_381 : vector<1x256xf32> to vector<1x1x256xf32>
      %swap3A_383 = arith.index_cast %scan3A_278 : i32 to index
      %swap3A_384 = arith.constant 0 : index
      %swap3A_385 = arith.constant 0 : index
      %swap3A_386 = vector.load %arg10[%swap3A_383, %swap3A_384, %swap3A_385] : memref<64x1x256xf32, #tpu.memory_space<vmem>>, vector<1x1x256xf32>
      tpu.vector_store %arg10[%swap3A_383, %swap3A_384, %swap3A_385], %reshape3A_382 {strides = array<i32>} : memref<64x1x256xf32, #tpu.memory_space<vmem>>, vector<1x1x256xf32>,
    }
    %scan3A_253 = arith.constant 64 : i32
    %get3A = arith.constant 0 : index
    %get3A_254 = arith.constant 0 : index
    %get3A_255 = arith.constant 0 : index
    %get3A_256 = vector.load %arg6[%get3A, %get3A_254, %get3A_255] : memref<64x1x256xf32, #tpu.memory_space<vmem>>, vector<64x1x256xf32>
    %max3A = arith.constant 0.000000e+00 : f32
    %max3A_257 = vector.broadcast %max3A : f32 to vector<64x1x256xf32>
    %max3A_258 = arith.maximumf %get3A_256, %max3A_257 : vector<64x1x256xf32>
    %get3A_259 = arith.constant 0 : index
    %get3A_260 = arith.constant 0 : index
    %get3A_261 = arith.constant 0 : index
    %get3A_262 = vector.load %arg7[%get3A_259, %get3A_260, %get3A_261] : memref<64x1x256xf32, #tpu.memory_space<vmem>>, vector<64x1x256xf32>
    %max3A_263 = arith.constant 0.000000e+00 : f32
    %max3A_264 = vector.broadcast %max3A_263 : f32 to vector<64x1x256xf32>
    %max3A_265 = arith.maximumf %get3A_262, %max3A_264 : vector<64x1x256xf32>
    %add3A = arith.addf %max3A_258, %max3A_265 : vector<64x1x256xf32>
    %get3A_266 = arith.constant 0 : index
    %get3A_267 = arith.constant 0 : index
    %get3A_268 = arith.constant 0 : index
    %get3A_269 = vector.load %arg10[%get3A_266, %get3A_267, %get3A_268] : memref<64x1x256xf32, #tpu.memory_space<vmem>>, vector<64x1x256xf32>
    %max3A_270 = arith.constant 0.000000e+00 : f32
    %max3A_271 = vector.broadcast %max3A_270 : f32 to vector<64x1x256xf32>
    %max3A_272 = arith.maximumf %get3A_269, %max3A_271 : vector<64x1x256xf32>
    %add3A_273 = arith.addf %add3A, %max3A_272 : vector<64x1x256xf32>
    %swap3A_274 = arith.constant 0 : index
    %swap3A_275 = arith.constant 0 : index
    %swap3A_276 = arith.constant 0 : index
    %swap3A_277 = vector.load %arg12[%swap3A_274, %swap3A_275, %swap3A_276] : memref<64x1x256xf32, #tpu.memory_space<vmem>>, vector<64x1x256xf32>
    tpu.vector_store %arg12[%swap3A_274, %swap3A_275, %swap3A_276], %add3A_273 {strides = array<i32>} : memref<64x1x256xf32, #tpu.memory_space<vmem>>, vector<64x1x256xf32>,
    return
  }
}

module attributes {stable_mosaic.version = 14 : i64} {
  func.func @body(%arg0: memref<64xi32, #tpu.memory_space<smem>>, %arg1: memref<64xi32, #tpu.memory_space<smem>>, %arg2: memref<10496x128xf32, #tpu.memory_space<vmem>>, %arg3: memref<10496x128xf32, #tpu.memory_space<vmem>>, %arg4: memref<10496x1xf32, #tpu.memory_space<vmem>>, %arg5: memref<10496x1xf32, #tpu.memory_space<vmem>>, %arg6: memref<10496x128xf32, #tpu.memory_space<vmem>>, %arg7: memref<10496x1xf32, #tpu.memory_space<vmem>>, %arg8: memref<64x1x256xf32, #tpu.memory_space<vmem>>, %arg9: memref<64x1x256xf32, #tpu.memory_space<vmem>>) attributes {dimension_semantics = [], scalar_prefetch = 0 : i64, scratch_operands = 0 : i64, tpu.core_type = #tpu.core_type<tc>} {
    %iota3A = tpu.iota {dimensions = array<i32: 0>} : vector<256x256xi32>
    %iota3A_0 = tpu.iota {dimensions = array<i32: 1>} : vector<256x256xi32>
    %eq3A = arith.cmpi eq, %iota3A, %iota3A_0 : vector<256x256xi32>
    %convert_element_type3A = arith.extui %eq3A : vector<256x256xi1> to vector<256x256xi32>
    %convert_element_type3A_1 = arith.sitofp %convert_element_type3A : vector<256x256xi32> to vector<256x256xf32>
    %broadcast_in_dim3A = arith.constant 0.000000e+00 : f32
    %broadcast_in_dim3A_2 = vector.broadcast %broadcast_in_dim3A : f32 to vector<256x128xf32>
    %broadcast_in_dim3A_3 = arith.constant 0.000000e+00 : f32
    %broadcast_in_dim3A_4 = vector.broadcast %broadcast_in_dim3A_3 : f32 to vector<256x1xf32>
    %swap3A = arith.constant 0 : index
    %swap3A_5 = arith.constant 0 : index
    %swap3A_6 = vector.load %arg6[%swap3A, %swap3A_5] : memref<10496x128xf32, #tpu.memory_space<vmem>>, vector<256x128xf32>
    tpu.vector_store %arg6[%swap3A, %swap3A_5], %broadcast_in_dim3A_2 {strides = array<i32>} : memref<10496x128xf32, #tpu.memory_space<vmem>>, vector<256x128xf32>,
    %swap3A_7 = arith.constant 0 : index
    %swap3A_8 = arith.constant 0 : index
    %swap3A_9 = vector.load %arg7[%swap3A_7, %swap3A_8] : memref<10496x1xf32, #tpu.memory_space<vmem>>, vector<256x1xf32>
    tpu.vector_store %arg7[%swap3A_7, %swap3A_8], %broadcast_in_dim3A_4 {strides = array<i32>} : memref<10496x1xf32, #tpu.memory_space<vmem>>, vector<256x1xf32>,
    %swap3A_10 = arith.constant 256 : index
    %swap3A_11 = arith.constant 0 : index
    %swap3A_12 = vector.load %arg6[%swap3A_10, %swap3A_11] : memref<10496x128xf32, #tpu.memory_space<vmem>>, vector<256x128xf32>
    tpu.vector_store %arg6[%swap3A_10, %swap3A_11], %broadcast_in_dim3A_2 {strides = array<i32>} : memref<10496x128xf32, #tpu.memory_space<vmem>>, vector<256x128xf32>,
    %swap3A_13 = arith.constant 256 : index
    %swap3A_14 = arith.constant 0 : index
    %swap3A_15 = vector.load %arg7[%swap3A_13, %swap3A_14] : memref<10496x1xf32, #tpu.memory_space<vmem>>, vector<256x1xf32>
    tpu.vector_store %arg7[%swap3A_13, %swap3A_14], %broadcast_in_dim3A_4 {strides = array<i32>} : memref<10496x1xf32, #tpu.memory_space<vmem>>, vector<256x1xf32>,
    %swap3A_16 = arith.constant 512 : index
    %swap3A_17 = arith.constant 0 : index
    %swap3A_18 = vector.load %arg6[%swap3A_16, %swap3A_17] : memref<10496x128xf32, #tpu.memory_space<vmem>>, vector<256x128xf32>
    tpu.vector_store %arg6[%swap3A_16, %swap3A_17], %broadcast_in_dim3A_2 {strides = array<i32>} : memref<10496x128xf32, #tpu.memory_space<vmem>>, vector<256x128xf32>,
    %swap3A_19 = arith.constant 512 : index
    %swap3A_20 = arith.constant 0 : index
    %swap3A_21 = vector.load %arg7[%swap3A_19, %swap3A_20] : memref<10496x1xf32, #tpu.memory_space<vmem>>, vector<256x1xf32>
    tpu.vector_store %arg7[%swap3A_19, %swap3A_20], %broadcast_in_dim3A_4 {strides = array<i32>} : memref<10496x1xf32, #tpu.memory_space<vmem>>, vector<256x1xf32>,
    %swap3A_22 = arith.constant 768 : index
    %swap3A_23 = arith.constant 0 : index
    %swap3A_24 = vector.load %arg6[%swap3A_22, %swap3A_23] : memref<10496x128xf32, #tpu.memory_space<vmem>>, vector<256x128xf32>
    tpu.vector_store %arg6[%swap3A_22, %swap3A_23], %broadcast_in_dim3A_2 {strides = array<i32>} : memref<10496x128xf32, #tpu.memory_space<vmem>>, vector<256x128xf32>,
    %swap3A_25 = arith.constant 768 : index
    %swap3A_26 = arith.constant 0 : index
    %swap3A_27 = vector.load %arg7[%swap3A_25, %swap3A_26] : memref<10496x1xf32, #tpu.memory_space<vmem>>, vector<256x1xf32>
    tpu.vector_store %arg7[%swap3A_25, %swap3A_26], %broadcast_in_dim3A_4 {strides = array<i32>} : memref<10496x1xf32, #tpu.memory_space<vmem>>, vector<256x1xf32>,
    %swap3A_28 = arith.constant 1024 : index
    %swap3A_29 = arith.constant 0 : index
    %swap3A_30 = vector.load %arg6[%swap3A_28, %swap3A_29] : memref<10496x128xf32, #tpu.memory_space<vmem>>, vector<256x128xf32>
    tpu.vector_store %arg6[%swap3A_28, %swap3A_29], %broadcast_in_dim3A_2 {strides = array<i32>} : memref<10496x128xf32, #tpu.memory_space<vmem>>, vector<256x128xf32>,
    %swap3A_31 = arith.constant 1024 : index
    %swap3A_32 = arith.constant 0 : index
    %swap3A_33 = vector.load %arg7[%swap3A_31, %swap3A_32] : memref<10496x1xf32, #tpu.memory_space<vmem>>, vector<256x1xf32>
    tpu.vector_store %arg7[%swap3A_31, %swap3A_32], %broadcast_in_dim3A_4 {strides = array<i32>} : memref<10496x1xf32, #tpu.memory_space<vmem>>, vector<256x1xf32>,
    %swap3A_34 = arith.constant 1280 : index
    %swap3A_35 = arith.constant 0 : index
    %swap3A_36 = vector.load %arg6[%swap3A_34, %swap3A_35] : memref<10496x128xf32, #tpu.memory_space<vmem>>, vector<256x128xf32>
    tpu.vector_store %arg6[%swap3A_34, %swap3A_35], %broadcast_in_dim3A_2 {strides = array<i32>} : memref<10496x128xf32, #tpu.memory_space<vmem>>, vector<256x128xf32>,
    %swap3A_37 = arith.constant 1280 : index
    %swap3A_38 = arith.constant 0 : index
    %swap3A_39 = vector.load %arg7[%swap3A_37, %swap3A_38] : memref<10496x1xf32, #tpu.memory_space<vmem>>, vector<256x1xf32>
    tpu.vector_store %arg7[%swap3A_37, %swap3A_38], %broadcast_in_dim3A_4 {strides = array<i32>} : memref<10496x1xf32, #tpu.memory_space<vmem>>, vector<256x1xf32>,
    %swap3A_40 = arith.constant 1536 : index
    %swap3A_41 = arith.constant 0 : index
    %swap3A_42 = vector.load %arg6[%swap3A_40, %swap3A_41] : memref<10496x128xf32, #tpu.memory_space<vmem>>, vector<256x128xf32>
    tpu.vector_store %arg6[%swap3A_40, %swap3A_41], %broadcast_in_dim3A_2 {strides = array<i32>} : memref<10496x128xf32, #tpu.memory_space<vmem>>, vector<256x128xf32>,
    %swap3A_43 = arith.constant 1536 : index
    %swap3A_44 = arith.constant 0 : index
    %swap3A_45 = vector.load %arg7[%swap3A_43, %swap3A_44] : memref<10496x1xf32, #tpu.memory_space<vmem>>, vector<256x1xf32>
    tpu.vector_store %arg7[%swap3A_43, %swap3A_44], %broadcast_in_dim3A_4 {strides = array<i32>} : memref<10496x1xf32, #tpu.memory_space<vmem>>, vector<256x1xf32>,
    %swap3A_46 = arith.constant 1792 : index
    %swap3A_47 = arith.constant 0 : index
    %swap3A_48 = vector.load %arg6[%swap3A_46, %swap3A_47] : memref<10496x128xf32, #tpu.memory_space<vmem>>, vector<256x128xf32>
    tpu.vector_store %arg6[%swap3A_46, %swap3A_47], %broadcast_in_dim3A_2 {strides = array<i32>} : memref<10496x128xf32, #tpu.memory_space<vmem>>, vector<256x128xf32>,
    %swap3A_49 = arith.constant 1792 : index
    %swap3A_50 = arith.constant 0 : index
    %swap3A_51 = vector.load %arg7[%swap3A_49, %swap3A_50] : memref<10496x1xf32, #tpu.memory_space<vmem>>, vector<256x1xf32>
    tpu.vector_store %arg7[%swap3A_49, %swap3A_50], %broadcast_in_dim3A_4 {strides = array<i32>} : memref<10496x1xf32, #tpu.memory_space<vmem>>, vector<256x1xf32>,
    %swap3A_52 = arith.constant 2048 : index
    %swap3A_53 = arith.constant 0 : index
    %swap3A_54 = vector.load %arg6[%swap3A_52, %swap3A_53] : memref<10496x128xf32, #tpu.memory_space<vmem>>, vector<256x128xf32>
    tpu.vector_store %arg6[%swap3A_52, %swap3A_53], %broadcast_in_dim3A_2 {strides = array<i32>} : memref<10496x128xf32, #tpu.memory_space<vmem>>, vector<256x128xf32>,
    %swap3A_55 = arith.constant 2048 : index
    %swap3A_56 = arith.constant 0 : index
    %swap3A_57 = vector.load %arg7[%swap3A_55, %swap3A_56] : memref<10496x1xf32, #tpu.memory_space<vmem>>, vector<256x1xf32>
    tpu.vector_store %arg7[%swap3A_55, %swap3A_56], %broadcast_in_dim3A_4 {strides = array<i32>} : memref<10496x1xf32, #tpu.memory_space<vmem>>, vector<256x1xf32>,
    %swap3A_58 = arith.constant 2304 : index
    %swap3A_59 = arith.constant 0 : index
    %swap3A_60 = vector.load %arg6[%swap3A_58, %swap3A_59] : memref<10496x128xf32, #tpu.memory_space<vmem>>, vector<256x128xf32>
    tpu.vector_store %arg6[%swap3A_58, %swap3A_59], %broadcast_in_dim3A_2 {strides = array<i32>} : memref<10496x128xf32, #tpu.memory_space<vmem>>, vector<256x128xf32>,
    %swap3A_61 = arith.constant 2304 : index
    %swap3A_62 = arith.constant 0 : index
    %swap3A_63 = vector.load %arg7[%swap3A_61, %swap3A_62] : memref<10496x1xf32, #tpu.memory_space<vmem>>, vector<256x1xf32>
    tpu.vector_store %arg7[%swap3A_61, %swap3A_62], %broadcast_in_dim3A_4 {strides = array<i32>} : memref<10496x1xf32, #tpu.memory_space<vmem>>, vector<256x1xf32>,
    %swap3A_64 = arith.constant 2560 : index
    %swap3A_65 = arith.constant 0 : index
    %swap3A_66 = vector.load %arg6[%swap3A_64, %swap3A_65] : memref<10496x128xf32, #tpu.memory_space<vmem>>, vector<256x128xf32>
    tpu.vector_store %arg6[%swap3A_64, %swap3A_65], %broadcast_in_dim3A_2 {strides = array<i32>} : memref<10496x128xf32, #tpu.memory_space<vmem>>, vector<256x128xf32>,
    %swap3A_67 = arith.constant 2560 : index
    %swap3A_68 = arith.constant 0 : index
    %swap3A_69 = vector.load %arg7[%swap3A_67, %swap3A_68] : memref<10496x1xf32, #tpu.memory_space<vmem>>, vector<256x1xf32>
    tpu.vector_store %arg7[%swap3A_67, %swap3A_68], %broadcast_in_dim3A_4 {strides = array<i32>} : memref<10496x1xf32, #tpu.memory_space<vmem>>, vector<256x1xf32>,
    %swap3A_70 = arith.constant 2816 : index
    %swap3A_71 = arith.constant 0 : index
    %swap3A_72 = vector.load %arg6[%swap3A_70, %swap3A_71] : memref<10496x128xf32, #tpu.memory_space<vmem>>, vector<256x128xf32>
    tpu.vector_store %arg6[%swap3A_70, %swap3A_71], %broadcast_in_dim3A_2 {strides = array<i32>} : memref<10496x128xf32, #tpu.memory_space<vmem>>, vector<256x128xf32>,
    %swap3A_73 = arith.constant 2816 : index
    %swap3A_74 = arith.constant 0 : index
    %swap3A_75 = vector.load %arg7[%swap3A_73, %swap3A_74] : memref<10496x1xf32, #tpu.memory_space<vmem>>, vector<256x1xf32>
    tpu.vector_store %arg7[%swap3A_73, %swap3A_74], %broadcast_in_dim3A_4 {strides = array<i32>} : memref<10496x1xf32, #tpu.memory_space<vmem>>, vector<256x1xf32>,
    %swap3A_76 = arith.constant 3072 : index
    %swap3A_77 = arith.constant 0 : index
    %swap3A_78 = vector.load %arg6[%swap3A_76, %swap3A_77] : memref<10496x128xf32, #tpu.memory_space<vmem>>, vector<256x128xf32>
    tpu.vector_store %arg6[%swap3A_76, %swap3A_77], %broadcast_in_dim3A_2 {strides = array<i32>} : memref<10496x128xf32, #tpu.memory_space<vmem>>, vector<256x128xf32>,
    %swap3A_79 = arith.constant 3072 : index
    %swap3A_80 = arith.constant 0 : index
    %swap3A_81 = vector.load %arg7[%swap3A_79, %swap3A_80] : memref<10496x1xf32, #tpu.memory_space<vmem>>, vector<256x1xf32>
    tpu.vector_store %arg7[%swap3A_79, %swap3A_80], %broadcast_in_dim3A_4 {strides = array<i32>} : memref<10496x1xf32, #tpu.memory_space<vmem>>, vector<256x1xf32>,
    %swap3A_82 = arith.constant 3328 : index
    %swap3A_83 = arith.constant 0 : index
    %swap3A_84 = vector.load %arg6[%swap3A_82, %swap3A_83] : memref<10496x128xf32, #tpu.memory_space<vmem>>, vector<256x128xf32>
    tpu.vector_store %arg6[%swap3A_82, %swap3A_83], %broadcast_in_dim3A_2 {strides = array<i32>} : memref<10496x128xf32, #tpu.memory_space<vmem>>, vector<256x128xf32>,
    %swap3A_85 = arith.constant 3328 : index
    %swap3A_86 = arith.constant 0 : index
    %swap3A_87 = vector.load %arg7[%swap3A_85, %swap3A_86] : memref<10496x1xf32, #tpu.memory_space<vmem>>, vector<256x1xf32>
    tpu.vector_store %arg7[%swap3A_85, %swap3A_86], %broadcast_in_dim3A_4 {strides = array<i32>} : memref<10496x1xf32, #tpu.memory_space<vmem>>, vector<256x1xf32>,
    %swap3A_88 = arith.constant 3584 : index
    %swap3A_89 = arith.constant 0 : index
    %swap3A_90 = vector.load %arg6[%swap3A_88, %swap3A_89] : memref<10496x128xf32, #tpu.memory_space<vmem>>, vector<256x128xf32>
    tpu.vector_store %arg6[%swap3A_88, %swap3A_89], %broadcast_in_dim3A_2 {strides = array<i32>} : memref<10496x128xf32, #tpu.memory_space<vmem>>, vector<256x128xf32>,
    %swap3A_91 = arith.constant 3584 : index
    %swap3A_92 = arith.constant 0 : index
    %swap3A_93 = vector.load %arg7[%swap3A_91, %swap3A_92] : memref<10496x1xf32, #tpu.memory_space<vmem>>, vector<256x1xf32>
    tpu.vector_store %arg7[%swap3A_91, %swap3A_92], %broadcast_in_dim3A_4 {strides = array<i32>} : memref<10496x1xf32, #tpu.memory_space<vmem>>, vector<256x1xf32>,
    %swap3A_94 = arith.constant 3840 : index
    %swap3A_95 = arith.constant 0 : index
    %swap3A_96 = vector.load %arg6[%swap3A_94, %swap3A_95] : memref<10496x128xf32, #tpu.memory_space<vmem>>, vector<256x128xf32>
    tpu.vector_store %arg6[%swap3A_94, %swap3A_95], %broadcast_in_dim3A_2 {strides = array<i32>} : memref<10496x128xf32, #tpu.memory_space<vmem>>, vector<256x128xf32>,
    %swap3A_97 = arith.constant 3840 : index
    %swap3A_98 = arith.constant 0 : index
    %swap3A_99 = vector.load %arg7[%swap3A_97, %swap3A_98] : memref<10496x1xf32, #tpu.memory_space<vmem>>, vector<256x1xf32>
    tpu.vector_store %arg7[%swap3A_97, %swap3A_98], %broadcast_in_dim3A_4 {strides = array<i32>} : memref<10496x1xf32, #tpu.memory_space<vmem>>, vector<256x1xf32>,
    %swap3A_100 = arith.constant 4096 : index
    %swap3A_101 = arith.constant 0 : index
    %swap3A_102 = vector.load %arg6[%swap3A_100, %swap3A_101] : memref<10496x128xf32, #tpu.memory_space<vmem>>, vector<256x128xf32>
    tpu.vector_store %arg6[%swap3A_100, %swap3A_101], %broadcast_in_dim3A_2 {strides = array<i32>} : memref<10496x128xf32, #tpu.memory_space<vmem>>, vector<256x128xf32>,
    %swap3A_103 = arith.constant 4096 : index
    %swap3A_104 = arith.constant 0 : index
    %swap3A_105 = vector.load %arg7[%swap3A_103, %swap3A_104] : memref<10496x1xf32, #tpu.memory_space<vmem>>, vector<256x1xf32>
    tpu.vector_store %arg7[%swap3A_103, %swap3A_104], %broadcast_in_dim3A_4 {strides = array<i32>} : memref<10496x1xf32, #tpu.memory_space<vmem>>, vector<256x1xf32>,
    %swap3A_106 = arith.constant 4352 : index
    %swap3A_107 = arith.constant 0 : index
    %swap3A_108 = vector.load %arg6[%swap3A_106, %swap3A_107] : memref<10496x128xf32, #tpu.memory_space<vmem>>, vector<256x128xf32>
    tpu.vector_store %arg6[%swap3A_106, %swap3A_107], %broadcast_in_dim3A_2 {strides = array<i32>} : memref<10496x128xf32, #tpu.memory_space<vmem>>, vector<256x128xf32>,
    %swap3A_109 = arith.constant 4352 : index
    %swap3A_110 = arith.constant 0 : index
    %swap3A_111 = vector.load %arg7[%swap3A_109, %swap3A_110] : memref<10496x1xf32, #tpu.memory_space<vmem>>, vector<256x1xf32>
    tpu.vector_store %arg7[%swap3A_109, %swap3A_110], %broadcast_in_dim3A_4 {strides = array<i32>} : memref<10496x1xf32, #tpu.memory_space<vmem>>, vector<256x1xf32>,
    %swap3A_112 = arith.constant 4608 : index
    %swap3A_113 = arith.constant 0 : index
    %swap3A_114 = vector.load %arg6[%swap3A_112, %swap3A_113] : memref<10496x128xf32, #tpu.memory_space<vmem>>, vector<256x128xf32>
    tpu.vector_store %arg6[%swap3A_112, %swap3A_113], %broadcast_in_dim3A_2 {strides = array<i32>} : memref<10496x128xf32, #tpu.memory_space<vmem>>, vector<256x128xf32>,
    %swap3A_115 = arith.constant 4608 : index
    %swap3A_116 = arith.constant 0 : index
    %swap3A_117 = vector.load %arg7[%swap3A_115, %swap3A_116] : memref<10496x1xf32, #tpu.memory_space<vmem>>, vector<256x1xf32>
    tpu.vector_store %arg7[%swap3A_115, %swap3A_116], %broadcast_in_dim3A_4 {strides = array<i32>} : memref<10496x1xf32, #tpu.memory_space<vmem>>, vector<256x1xf32>,
    %swap3A_118 = arith.constant 4864 : index
    %swap3A_119 = arith.constant 0 : index
    %swap3A_120 = vector.load %arg6[%swap3A_118, %swap3A_119] : memref<10496x128xf32, #tpu.memory_space<vmem>>, vector<256x128xf32>
    tpu.vector_store %arg6[%swap3A_118, %swap3A_119], %broadcast_in_dim3A_2 {strides = array<i32>} : memref<10496x128xf32, #tpu.memory_space<vmem>>, vector<256x128xf32>,
    %swap3A_121 = arith.constant 4864 : index
    %swap3A_122 = arith.constant 0 : index
    %swap3A_123 = vector.load %arg7[%swap3A_121, %swap3A_122] : memref<10496x1xf32, #tpu.memory_space<vmem>>, vector<256x1xf32>
    tpu.vector_store %arg7[%swap3A_121, %swap3A_122], %broadcast_in_dim3A_4 {strides = array<i32>} : memref<10496x1xf32, #tpu.memory_space<vmem>>, vector<256x1xf32>,
    %swap3A_124 = arith.constant 5120 : index
    %swap3A_125 = arith.constant 0 : index
    %swap3A_126 = vector.load %arg6[%swap3A_124, %swap3A_125] : memref<10496x128xf32, #tpu.memory_space<vmem>>, vector<256x128xf32>
    tpu.vector_store %arg6[%swap3A_124, %swap3A_125], %broadcast_in_dim3A_2 {strides = array<i32>} : memref<10496x128xf32, #tpu.memory_space<vmem>>, vector<256x128xf32>,
    %swap3A_127 = arith.constant 5120 : index
    %swap3A_128 = arith.constant 0 : index
    %swap3A_129 = vector.load %arg7[%swap3A_127, %swap3A_128] : memref<10496x1xf32, #tpu.memory_space<vmem>>, vector<256x1xf32>
    tpu.vector_store %arg7[%swap3A_127, %swap3A_128], %broadcast_in_dim3A_4 {strides = array<i32>} : memref<10496x1xf32, #tpu.memory_space<vmem>>, vector<256x1xf32>,
    %swap3A_130 = arith.constant 5376 : index
    %swap3A_131 = arith.constant 0 : index
    %swap3A_132 = vector.load %arg6[%swap3A_130, %swap3A_131] : memref<10496x128xf32, #tpu.memory_space<vmem>>, vector<256x128xf32>
    tpu.vector_store %arg6[%swap3A_130, %swap3A_131], %broadcast_in_dim3A_2 {strides = array<i32>} : memref<10496x128xf32, #tpu.memory_space<vmem>>, vector<256x128xf32>,
    %swap3A_133 = arith.constant 5376 : index
    %swap3A_134 = arith.constant 0 : index
    %swap3A_135 = vector.load %arg7[%swap3A_133, %swap3A_134] : memref<10496x1xf32, #tpu.memory_space<vmem>>, vector<256x1xf32>
    tpu.vector_store %arg7[%swap3A_133, %swap3A_134], %broadcast_in_dim3A_4 {strides = array<i32>} : memref<10496x1xf32, #tpu.memory_space<vmem>>, vector<256x1xf32>,
    %swap3A_136 = arith.constant 5632 : index
    %swap3A_137 = arith.constant 0 : index
    %swap3A_138 = vector.load %arg6[%swap3A_136, %swap3A_137] : memref<10496x128xf32, #tpu.memory_space<vmem>>, vector<256x128xf32>
    tpu.vector_store %arg6[%swap3A_136, %swap3A_137], %broadcast_in_dim3A_2 {strides = array<i32>} : memref<10496x128xf32, #tpu.memory_space<vmem>>, vector<256x128xf32>,
    %swap3A_139 = arith.constant 5632 : index
    %swap3A_140 = arith.constant 0 : index
    %swap3A_141 = vector.load %arg7[%swap3A_139, %swap3A_140] : memref<10496x1xf32, #tpu.memory_space<vmem>>, vector<256x1xf32>
    tpu.vector_store %arg7[%swap3A_139, %swap3A_140], %broadcast_in_dim3A_4 {strides = array<i32>} : memref<10496x1xf32, #tpu.memory_space<vmem>>, vector<256x1xf32>,
    %swap3A_142 = arith.constant 5888 : index
    %swap3A_143 = arith.constant 0 : index
    %swap3A_144 = vector.load %arg6[%swap3A_142, %swap3A_143] : memref<10496x128xf32, #tpu.memory_space<vmem>>, vector<256x128xf32>
    tpu.vector_store %arg6[%swap3A_142, %swap3A_143], %broadcast_in_dim3A_2 {strides = array<i32>} : memref<10496x128xf32, #tpu.memory_space<vmem>>, vector<256x128xf32>,
    %swap3A_145 = arith.constant 5888 : index
    %swap3A_146 = arith.constant 0 : index
    %swap3A_147 = vector.load %arg7[%swap3A_145, %swap3A_146] : memref<10496x1xf32, #tpu.memory_space<vmem>>, vector<256x1xf32>
    tpu.vector_store %arg7[%swap3A_145, %swap3A_146], %broadcast_in_dim3A_4 {strides = array<i32>} : memref<10496x1xf32, #tpu.memory_space<vmem>>, vector<256x1xf32>,
    %swap3A_148 = arith.constant 6144 : index
    %swap3A_149 = arith.constant 0 : index
    %swap3A_150 = vector.load %arg6[%swap3A_148, %swap3A_149] : memref<10496x128xf32, #tpu.memory_space<vmem>>, vector<256x128xf32>
    tpu.vector_store %arg6[%swap3A_148, %swap3A_149], %broadcast_in_dim3A_2 {strides = array<i32>} : memref<10496x128xf32, #tpu.memory_space<vmem>>, vector<256x128xf32>,
    %swap3A_151 = arith.constant 6144 : index
    %swap3A_152 = arith.constant 0 : index
    %swap3A_153 = vector.load %arg7[%swap3A_151, %swap3A_152] : memref<10496x1xf32, #tpu.memory_space<vmem>>, vector<256x1xf32>
    tpu.vector_store %arg7[%swap3A_151, %swap3A_152], %broadcast_in_dim3A_4 {strides = array<i32>} : memref<10496x1xf32, #tpu.memory_space<vmem>>, vector<256x1xf32>,
    %swap3A_154 = arith.constant 6400 : index
    %swap3A_155 = arith.constant 0 : index
    %swap3A_156 = vector.load %arg6[%swap3A_154, %swap3A_155] : memref<10496x128xf32, #tpu.memory_space<vmem>>, vector<256x128xf32>
    tpu.vector_store %arg6[%swap3A_154, %swap3A_155], %broadcast_in_dim3A_2 {strides = array<i32>} : memref<10496x128xf32, #tpu.memory_space<vmem>>, vector<256x128xf32>,
    %swap3A_157 = arith.constant 6400 : index
    %swap3A_158 = arith.constant 0 : index
    %swap3A_159 = vector.load %arg7[%swap3A_157, %swap3A_158] : memref<10496x1xf32, #tpu.memory_space<vmem>>, vector<256x1xf32>
    tpu.vector_store %arg7[%swap3A_157, %swap3A_158], %broadcast_in_dim3A_4 {strides = array<i32>} : memref<10496x1xf32, #tpu.memory_space<vmem>>, vector<256x1xf32>,
    %swap3A_160 = arith.constant 6656 : index
    %swap3A_161 = arith.constant 0 : index
    %swap3A_162 = vector.load %arg6[%swap3A_160, %swap3A_161] : memref<10496x128xf32, #tpu.memory_space<vmem>>, vector<256x128xf32>
    tpu.vector_store %arg6[%swap3A_160, %swap3A_161], %broadcast_in_dim3A_2 {strides = array<i32>} : memref<10496x128xf32, #tpu.memory_space<vmem>>, vector<256x128xf32>,
    %swap3A_163 = arith.constant 6656 : index
    %swap3A_164 = arith.constant 0 : index
    %swap3A_165 = vector.load %arg7[%swap3A_163, %swap3A_164] : memref<10496x1xf32, #tpu.memory_space<vmem>>, vector<256x1xf32>
    tpu.vector_store %arg7[%swap3A_163, %swap3A_164], %broadcast_in_dim3A_4 {strides = array<i32>} : memref<10496x1xf32, #tpu.memory_space<vmem>>, vector<256x1xf32>,
    %swap3A_166 = arith.constant 6912 : index
    %swap3A_167 = arith.constant 0 : index
    %swap3A_168 = vector.load %arg6[%swap3A_166, %swap3A_167] : memref<10496x128xf32, #tpu.memory_space<vmem>>, vector<256x128xf32>
    tpu.vector_store %arg6[%swap3A_166, %swap3A_167], %broadcast_in_dim3A_2 {strides = array<i32>} : memref<10496x128xf32, #tpu.memory_space<vmem>>, vector<256x128xf32>,
    %swap3A_169 = arith.constant 6912 : index
    %swap3A_170 = arith.constant 0 : index
    %swap3A_171 = vector.load %arg7[%swap3A_169, %swap3A_170] : memref<10496x1xf32, #tpu.memory_space<vmem>>, vector<256x1xf32>
    tpu.vector_store %arg7[%swap3A_169, %swap3A_170], %broadcast_in_dim3A_4 {strides = array<i32>} : memref<10496x1xf32, #tpu.memory_space<vmem>>, vector<256x1xf32>,
    %swap3A_172 = arith.constant 7168 : index
    %swap3A_173 = arith.constant 0 : index
    %swap3A_174 = vector.load %arg6[%swap3A_172, %swap3A_173] : memref<10496x128xf32, #tpu.memory_space<vmem>>, vector<256x128xf32>
    tpu.vector_store %arg6[%swap3A_172, %swap3A_173], %broadcast_in_dim3A_2 {strides = array<i32>} : memref<10496x128xf32, #tpu.memory_space<vmem>>, vector<256x128xf32>,
    %swap3A_175 = arith.constant 7168 : index
    %swap3A_176 = arith.constant 0 : index
    %swap3A_177 = vector.load %arg7[%swap3A_175, %swap3A_176] : memref<10496x1xf32, #tpu.memory_space<vmem>>, vector<256x1xf32>
    tpu.vector_store %arg7[%swap3A_175, %swap3A_176], %broadcast_in_dim3A_4 {strides = array<i32>} : memref<10496x1xf32, #tpu.memory_space<vmem>>, vector<256x1xf32>,
    %swap3A_178 = arith.constant 7424 : index
    %swap3A_179 = arith.constant 0 : index
    %swap3A_180 = vector.load %arg6[%swap3A_178, %swap3A_179] : memref<10496x128xf32, #tpu.memory_space<vmem>>, vector<256x128xf32>
    tpu.vector_store %arg6[%swap3A_178, %swap3A_179], %broadcast_in_dim3A_2 {strides = array<i32>} : memref<10496x128xf32, #tpu.memory_space<vmem>>, vector<256x128xf32>,
    %swap3A_181 = arith.constant 7424 : index
    %swap3A_182 = arith.constant 0 : index
    %swap3A_183 = vector.load %arg7[%swap3A_181, %swap3A_182] : memref<10496x1xf32, #tpu.memory_space<vmem>>, vector<256x1xf32>
    tpu.vector_store %arg7[%swap3A_181, %swap3A_182], %broadcast_in_dim3A_4 {strides = array<i32>} : memref<10496x1xf32, #tpu.memory_space<vmem>>, vector<256x1xf32>,
    %swap3A_184 = arith.constant 7680 : index
    %swap3A_185 = arith.constant 0 : index
    %swap3A_186 = vector.load %arg6[%swap3A_184, %swap3A_185] : memref<10496x128xf32, #tpu.memory_space<vmem>>, vector<256x128xf32>
    tpu.vector_store %arg6[%swap3A_184, %swap3A_185], %broadcast_in_dim3A_2 {strides = array<i32>} : memref<10496x128xf32, #tpu.memory_space<vmem>>, vector<256x128xf32>,
    %swap3A_187 = arith.constant 7680 : index
    %swap3A_188 = arith.constant 0 : index
    %swap3A_189 = vector.load %arg7[%swap3A_187, %swap3A_188] : memref<10496x1xf32, #tpu.memory_space<vmem>>, vector<256x1xf32>
    tpu.vector_store %arg7[%swap3A_187, %swap3A_188], %broadcast_in_dim3A_4 {strides = array<i32>} : memref<10496x1xf32, #tpu.memory_space<vmem>>, vector<256x1xf32>,
    %swap3A_190 = arith.constant 7936 : index
    %swap3A_191 = arith.constant 0 : index
    %swap3A_192 = vector.load %arg6[%swap3A_190, %swap3A_191] : memref<10496x128xf32, #tpu.memory_space<vmem>>, vector<256x128xf32>
    tpu.vector_store %arg6[%swap3A_190, %swap3A_191], %broadcast_in_dim3A_2 {strides = array<i32>} : memref<10496x128xf32, #tpu.memory_space<vmem>>, vector<256x128xf32>,
    %swap3A_193 = arith.constant 7936 : index
    %swap3A_194 = arith.constant 0 : index
    %swap3A_195 = vector.load %arg7[%swap3A_193, %swap3A_194] : memref<10496x1xf32, #tpu.memory_space<vmem>>, vector<256x1xf32>
    tpu.vector_store %arg7[%swap3A_193, %swap3A_194], %broadcast_in_dim3A_4 {strides = array<i32>} : memref<10496x1xf32, #tpu.memory_space<vmem>>, vector<256x1xf32>,
    %swap3A_196 = arith.constant 8192 : index
    %swap3A_197 = arith.constant 0 : index
    %swap3A_198 = vector.load %arg6[%swap3A_196, %swap3A_197] : memref<10496x128xf32, #tpu.memory_space<vmem>>, vector<256x128xf32>
    tpu.vector_store %arg6[%swap3A_196, %swap3A_197], %broadcast_in_dim3A_2 {strides = array<i32>} : memref<10496x128xf32, #tpu.memory_space<vmem>>, vector<256x128xf32>,
    %swap3A_199 = arith.constant 8192 : index
    %swap3A_200 = arith.constant 0 : index
    %swap3A_201 = vector.load %arg7[%swap3A_199, %swap3A_200] : memref<10496x1xf32, #tpu.memory_space<vmem>>, vector<256x1xf32>
    tpu.vector_store %arg7[%swap3A_199, %swap3A_200], %broadcast_in_dim3A_4 {strides = array<i32>} : memref<10496x1xf32, #tpu.memory_space<vmem>>, vector<256x1xf32>,
    %swap3A_202 = arith.constant 8448 : index
    %swap3A_203 = arith.constant 0 : index
    %swap3A_204 = vector.load %arg6[%swap3A_202, %swap3A_203] : memref<10496x128xf32, #tpu.memory_space<vmem>>, vector<256x128xf32>
    tpu.vector_store %arg6[%swap3A_202, %swap3A_203], %broadcast_in_dim3A_2 {strides = array<i32>} : memref<10496x128xf32, #tpu.memory_space<vmem>>, vector<256x128xf32>,
    %swap3A_205 = arith.constant 8448 : index
    %swap3A_206 = arith.constant 0 : index
    %swap3A_207 = vector.load %arg7[%swap3A_205, %swap3A_206] : memref<10496x1xf32, #tpu.memory_space<vmem>>, vector<256x1xf32>
    tpu.vector_store %arg7[%swap3A_205, %swap3A_206], %broadcast_in_dim3A_4 {strides = array<i32>} : memref<10496x1xf32, #tpu.memory_space<vmem>>, vector<256x1xf32>,
    %swap3A_208 = arith.constant 8704 : index
    %swap3A_209 = arith.constant 0 : index
    %swap3A_210 = vector.load %arg6[%swap3A_208, %swap3A_209] : memref<10496x128xf32, #tpu.memory_space<vmem>>, vector<256x128xf32>
    tpu.vector_store %arg6[%swap3A_208, %swap3A_209], %broadcast_in_dim3A_2 {strides = array<i32>} : memref<10496x128xf32, #tpu.memory_space<vmem>>, vector<256x128xf32>,
    %swap3A_211 = arith.constant 8704 : index
    %swap3A_212 = arith.constant 0 : index
    %swap3A_213 = vector.load %arg7[%swap3A_211, %swap3A_212] : memref<10496x1xf32, #tpu.memory_space<vmem>>, vector<256x1xf32>
    tpu.vector_store %arg7[%swap3A_211, %swap3A_212], %broadcast_in_dim3A_4 {strides = array<i32>} : memref<10496x1xf32, #tpu.memory_space<vmem>>, vector<256x1xf32>,
    %swap3A_214 = arith.constant 8960 : index
    %swap3A_215 = arith.constant 0 : index
    %swap3A_216 = vector.load %arg6[%swap3A_214, %swap3A_215] : memref<10496x128xf32, #tpu.memory_space<vmem>>, vector<256x128xf32>
    tpu.vector_store %arg6[%swap3A_214, %swap3A_215], %broadcast_in_dim3A_2 {strides = array<i32>} : memref<10496x128xf32, #tpu.memory_space<vmem>>, vector<256x128xf32>,
    %swap3A_217 = arith.constant 8960 : index
    %swap3A_218 = arith.constant 0 : index
    %swap3A_219 = vector.load %arg7[%swap3A_217, %swap3A_218] : memref<10496x1xf32, #tpu.memory_space<vmem>>, vector<256x1xf32>
    tpu.vector_store %arg7[%swap3A_217, %swap3A_218], %broadcast_in_dim3A_4 {strides = array<i32>} : memref<10496x1xf32, #tpu.memory_space<vmem>>, vector<256x1xf32>,
    %swap3A_220 = arith.constant 9216 : index
    %swap3A_221 = arith.constant 0 : index
    %swap3A_222 = vector.load %arg6[%swap3A_220, %swap3A_221] : memref<10496x128xf32, #tpu.memory_space<vmem>>, vector<256x128xf32>
    tpu.vector_store %arg6[%swap3A_220, %swap3A_221], %broadcast_in_dim3A_2 {strides = array<i32>} : memref<10496x128xf32, #tpu.memory_space<vmem>>, vector<256x128xf32>,
    %swap3A_223 = arith.constant 9216 : index
    %swap3A_224 = arith.constant 0 : index
    %swap3A_225 = vector.load %arg7[%swap3A_223, %swap3A_224] : memref<10496x1xf32, #tpu.memory_space<vmem>>, vector<256x1xf32>
    tpu.vector_store %arg7[%swap3A_223, %swap3A_224], %broadcast_in_dim3A_4 {strides = array<i32>} : memref<10496x1xf32, #tpu.memory_space<vmem>>, vector<256x1xf32>,
    %swap3A_226 = arith.constant 9472 : index
    %swap3A_227 = arith.constant 0 : index
    %swap3A_228 = vector.load %arg6[%swap3A_226, %swap3A_227] : memref<10496x128xf32, #tpu.memory_space<vmem>>, vector<256x128xf32>
    tpu.vector_store %arg6[%swap3A_226, %swap3A_227], %broadcast_in_dim3A_2 {strides = array<i32>} : memref<10496x128xf32, #tpu.memory_space<vmem>>, vector<256x128xf32>,
    %swap3A_229 = arith.constant 9472 : index
    %swap3A_230 = arith.constant 0 : index
    %swap3A_231 = vector.load %arg7[%swap3A_229, %swap3A_230] : memref<10496x1xf32, #tpu.memory_space<vmem>>, vector<256x1xf32>
    tpu.vector_store %arg7[%swap3A_229, %swap3A_230], %broadcast_in_dim3A_4 {strides = array<i32>} : memref<10496x1xf32, #tpu.memory_space<vmem>>, vector<256x1xf32>,
    %swap3A_232 = arith.constant 9728 : index
    %swap3A_233 = arith.constant 0 : index
    %swap3A_234 = vector.load %arg6[%swap3A_232, %swap3A_233] : memref<10496x128xf32, #tpu.memory_space<vmem>>, vector<256x128xf32>
    tpu.vector_store %arg6[%swap3A_232, %swap3A_233], %broadcast_in_dim3A_2 {strides = array<i32>} : memref<10496x128xf32, #tpu.memory_space<vmem>>, vector<256x128xf32>,
    %swap3A_235 = arith.constant 9728 : index
    %swap3A_236 = arith.constant 0 : index
    %swap3A_237 = vector.load %arg7[%swap3A_235, %swap3A_236] : memref<10496x1xf32, #tpu.memory_space<vmem>>, vector<256x1xf32>
    tpu.vector_store %arg7[%swap3A_235, %swap3A_236], %broadcast_in_dim3A_4 {strides = array<i32>} : memref<10496x1xf32, #tpu.memory_space<vmem>>, vector<256x1xf32>,
    %swap3A_238 = arith.constant 9984 : index
    %swap3A_239 = arith.constant 0 : index
    %swap3A_240 = vector.load %arg6[%swap3A_238, %swap3A_239] : memref<10496x128xf32, #tpu.memory_space<vmem>>, vector<256x128xf32>
    tpu.vector_store %arg6[%swap3A_238, %swap3A_239], %broadcast_in_dim3A_2 {strides = array<i32>} : memref<10496x128xf32, #tpu.memory_space<vmem>>, vector<256x128xf32>,
    %swap3A_241 = arith.constant 9984 : index
    %swap3A_242 = arith.constant 0 : index
    %swap3A_243 = vector.load %arg7[%swap3A_241, %swap3A_242] : memref<10496x1xf32, #tpu.memory_space<vmem>>, vector<256x1xf32>
    tpu.vector_store %arg7[%swap3A_241, %swap3A_242], %broadcast_in_dim3A_4 {strides = array<i32>} : memref<10496x1xf32, #tpu.memory_space<vmem>>, vector<256x1xf32>,
    %swap3A_244 = arith.constant 10240 : index
    %swap3A_245 = arith.constant 0 : index
    %swap3A_246 = vector.load %arg6[%swap3A_244, %swap3A_245] : memref<10496x128xf32, #tpu.memory_space<vmem>>, vector<256x128xf32>
    tpu.vector_store %arg6[%swap3A_244, %swap3A_245], %broadcast_in_dim3A_2 {strides = array<i32>} : memref<10496x128xf32, #tpu.memory_space<vmem>>, vector<256x128xf32>,
    %swap3A_247 = arith.constant 10240 : index
    %swap3A_248 = arith.constant 0 : index
    %swap3A_249 = vector.load %arg7[%swap3A_247, %swap3A_248] : memref<10496x1xf32, #tpu.memory_space<vmem>>, vector<256x1xf32>
    tpu.vector_store %arg7[%swap3A_247, %swap3A_248], %broadcast_in_dim3A_4 {strides = array<i32>} : memref<10496x1xf32, #tpu.memory_space<vmem>>, vector<256x1xf32>,
    %scan3A = arith.constant 0 : i32
    %scan3A_250 = arith.constant 64 : i32
    %scan3A_251 = arith.addi %scan3A, %scan3A_250 : i32
    %scan3A_252 = arith.constant 1 : i32
    scf.for %scan3A_254 = %scan3A to %scan3A_251 step %scan3A_252  : i32 {
      %get3A = arith.index_cast %scan3A_254 : i32 to index
      %get3A_255 = memref.load %arg0[%get3A] : memref<64xi32, #tpu.memory_space<smem>>
      %get3A_256 = arith.index_cast %scan3A_254 : i32 to index
      %get3A_257 = memref.load %arg1[%get3A_256] : memref<64xi32, #tpu.memory_space<smem>>
      %jit3A = arith.constant 8 : i32
      %div3A = arith.divsi %get3A_255, %jit3A : i32
      %sign3A = arith.constant 0 : i32
      %sign3A_258 = arith.cmpi sgt, %get3A_255, %sign3A : i32
      %sign3A_259 = arith.extui %sign3A_258 : i1 to i32
      %sign3A_260 = arith.constant 0 : i32
      %sign3A_261 = arith.cmpi slt, %get3A_255, %sign3A_260 : i32
      %sign3A_262 = arith.extui %sign3A_261 : i1 to i32
      %sign3A_263 = arith.subi %sign3A_259, %sign3A_262 : i32
      %sign3A_264 = arith.constant 0 : i32
      %sign3A_265 = arith.cmpi sgt, %jit3A, %sign3A_264 : i32
      %sign3A_266 = arith.extui %sign3A_265 : i1 to i32
      %sign3A_267 = arith.constant 0 : i32
      %sign3A_268 = arith.cmpi slt, %jit3A, %sign3A_267 : i32
      %sign3A_269 = arith.extui %sign3A_268 : i1 to i32
      %sign3A_270 = arith.subi %sign3A_266, %sign3A_269 : i32
      %ne3A = arith.cmpi ne, %sign3A_263, %sign3A_270 : i32
      %rem3A = arith.remsi %get3A_255, %jit3A : i32
      %ne3A_271 = arith.constant 0 : i32
      %ne3A_272 = arith.cmpi ne, %rem3A, %ne3A_271 : i32
      %and3A = arith.andi %ne3A, %ne3A_272 : i1
      %sub3A = arith.constant 1 : i32
      %sub3A_273 = arith.subi %div3A, %sub3A : i32
      %select_n3A = arith.select %and3A, %sub3A_273, %div3A : i32
      %mul3A = arith.constant 8 : i32
      %mul3A_274 = arith.muli %select_n3A, %mul3A : i32
      %sub3A_275 = arith.subi %get3A_255, %mul3A_274 : i32
      %add3A = arith.addi %sub3A_275, %get3A_257 : i32
      %add3A_276 = arith.constant 256 : i32
      %add3A_277 = arith.addi %add3A, %add3A_276 : i32
      %sub3A_278 = arith.constant 1 : i32
      %sub3A_279 = arith.subi %add3A_277, %sub3A_278 : i32
      %jit3A_280 = arith.constant 256 : i32
      %div3A_281 = arith.divsi %sub3A_279, %jit3A_280 : i32
      %sign3A_282 = arith.constant 0 : i32
      %sign3A_283 = arith.cmpi sgt, %sub3A_279, %sign3A_282 : i32
      %sign3A_284 = arith.extui %sign3A_283 : i1 to i32
      %sign3A_285 = arith.constant 0 : i32
      %sign3A_286 = arith.cmpi slt, %sub3A_279, %sign3A_285 : i32
      %sign3A_287 = arith.extui %sign3A_286 : i1 to i32
      %sign3A_288 = arith.subi %sign3A_284, %sign3A_287 : i32
      %sign3A_289 = arith.constant 0 : i32
      %sign3A_290 = arith.cmpi sgt, %jit3A_280, %sign3A_289 : i32
      %sign3A_291 = arith.extui %sign3A_290 : i1 to i32
      %sign3A_292 = arith.constant 0 : i32
      %sign3A_293 = arith.cmpi slt, %jit3A_280, %sign3A_292 : i32
      %sign3A_294 = arith.extui %sign3A_293 : i1 to i32
      %sign3A_295 = arith.subi %sign3A_291, %sign3A_294 : i32
      %ne3A_296 = arith.cmpi ne, %sign3A_288, %sign3A_295 : i32
      %rem3A_297 = arith.remsi %sub3A_279, %jit3A_280 : i32
      %ne3A_298 = arith.constant 0 : i32
      %ne3A_299 = arith.cmpi ne, %rem3A_297, %ne3A_298 : i32
      %and3A_300 = arith.andi %ne3A_296, %ne3A_299 : i1
      %sub3A_301 = arith.constant 1 : i32
      %sub3A_302 = arith.subi %div3A_281, %sub3A_301 : i32
      %select_n3A_303 = arith.select %and3A_300, %sub3A_302, %div3A_281 : i32
      %add3A_304 = arith.addi %get3A_255, %get3A_257 : i32
      %broadcast_in_dim3A_305 = arith.constant 0xFF800000 : f32
      %broadcast_in_dim3A_306 = vector.broadcast %broadcast_in_dim3A_305 : f32 to vector<1x128xf32>
      %broadcast_in_dim3A_307 = arith.constant 0.000000e+00 : f32
      %broadcast_in_dim3A_308 = vector.broadcast %broadcast_in_dim3A_307 : f32 to vector<1x128xf32>
      %broadcast_in_dim3A_309 = arith.constant 0.000000e+00 : f32
      %broadcast_in_dim3A_310 = vector.broadcast %broadcast_in_dim3A_309 : f32 to vector<1x1xf32>
      %while3A = arith.constant 0 : i32
      %while3A_311 = arith.subi %select_n3A_303, %while3A : i32
      %while3A_312 = arith.addi %while3A, %while3A_311 : i32
      %while3A_313 = arith.constant 1 : i32
      %while3A_314 = arith.divsi %while3A_311, %while3A_313 : i32
      %while3A_315 = arith.muli %while3A_314, %while3A_313 : i32
      %while3A_316 = arith.addi %while3A, %while3A_315 : i32
      %while3A_317 = arith.constant 1 : i32
      %while3A_318:3 = scf.for %while3A_360 = %while3A to %while3A_316 step %while3A_317 iter_args(%while3A_361 = %broadcast_in_dim3A_306, %while3A_362 = %broadcast_in_dim3A_308, %while3A_363 = %broadcast_in_dim3A_310) -> (vector<1x128xf32>, vector<1x128xf32>, vector<1x1xf32>)  : i32 {
        %mul3A_364 = arith.constant 256 : i32
        %mul3A_365 = arith.muli %while3A_360, %mul3A_364 : i32
        %add3A_366 = arith.addi %mul3A_274, %mul3A_365 : i32
        %multiple_of3A = tpu.assume_multiple %add3A_366, 8 : i32
        %get3A_367 = arith.index_cast %multiple_of3A : i32 to index
        %get3A_368 = arith.constant 0 : index
        %get3A_369 = vector.load %arg3[%get3A_367, %get3A_368] : memref<10496x128xf32, #tpu.memory_space<vmem>>, vector<256x128xf32>
        %get3A_370 = arith.index_cast %multiple_of3A : i32 to index
        %get3A_371 = arith.constant 0 : index
        %get3A_372 = vector.load %arg5[%get3A_370, %get3A_371] : memref<10496x1xf32, #tpu.memory_space<vmem>>, vector<256x1xf32>
        %iota3A_373 = tpu.iota {dimensions = array<i32: 0>} : vector<256x1xi32>
        %add3A_374 = vector.broadcast %multiple_of3A : i32 to vector<256x1xi32>
        %add3A_375 = arith.addi %iota3A_373, %add3A_374 : vector<256x1xi32>
        %ge3A = vector.broadcast %get3A_255 : i32 to vector<256x1xi32>
        %ge3A_376 = arith.cmpi sge, %add3A_375, %ge3A : vector<256x1xi32>
        %lt3A = vector.broadcast %add3A_304 : i32 to vector<256x1xi32>
        %lt3A_377 = arith.cmpi slt, %add3A_375, %lt3A : vector<256x1xi32>
        %and3A_378 = arith.andi %ge3A_376, %lt3A_377 : vector<256x1xi1>
        %gt3A = arith.constant 0.000000e+00 : f32
        %gt3A_379 = vector.broadcast %gt3A : f32 to vector<256x1xf32>
        %gt3A_380 = arith.cmpf ogt, %get3A_372, %gt3A_379 : vector<256x1xf32>
        %and3A_381 = arith.andi %and3A_378, %gt3A_380 : vector<256x1xi1>
        %jit3A_382 = arith.constant 0xFF800000 : f32
        %broadcast_in_dim3A_383 = vector.shape_cast %and3A_381 : vector<256x1xi1> to vector<256x1xi1>
        %broadcast_in_dim3A_384 = vector.broadcast %broadcast_in_dim3A_383 : vector<256x1xi1> to vector<256x128xi1>
        %broadcast_in_dim3A_385 = vector.broadcast %jit3A_382 : f32 to vector<256x128xf32>
        %select_n3A_386 = arith.select %broadcast_in_dim3A_384, %get3A_369, %broadcast_in_dim3A_385 : vector<256x128xi1>, vector<256x128xf32>
        %reduce_max3A = arith.constant dense<0xFF800000> : vector<128xf32>
        %reduce_max3A_387 = vector.multi_reduction <maximumf>, %select_n3A_386, %reduce_max3A [0] : vector<256x128xf32> to vector<128xf32>
        %broadcast_in_dim3A_388 = vector.shape_cast %reduce_max3A_387 : vector<128xf32> to vector<1x128xf32>
        %max3A_389 = arith.maximumf %while3A_361, %broadcast_in_dim3A_388 : vector<1x128xf32>
        %jit3A_390 = arith.constant 0.000000e+00 : f32
        %broadcast_in_dim3A_391 = vector.shape_cast %and3A_381 : vector<256x1xi1> to vector<256x1xi1>
        %broadcast_in_dim3A_392 = vector.broadcast %broadcast_in_dim3A_391 : vector<256x1xi1> to vector<256x128xi1>
        %broadcast_in_dim3A_393 = vector.broadcast %jit3A_390 : f32 to vector<256x128xf32>
        %select_n3A_394 = arith.select %broadcast_in_dim3A_392, %get3A_369, %broadcast_in_dim3A_393 : vector<256x128xi1>, vector<256x128xf32>
        %reduce_sum3A = arith.constant dense<0.000000e+00> : vector<128xf32>
        %reduce_sum3A_395 = vector.multi_reduction <add>, %select_n3A_394, %reduce_sum3A [0] : vector<256x128xf32> to vector<128xf32>
        %broadcast_in_dim3A_396 = vector.shape_cast %reduce_sum3A_395 : vector<128xf32> to vector<1x128xf32>
        %add3A_397 = arith.addf %while3A_362, %broadcast_in_dim3A_396 : vector<1x128xf32>
        %convert_element_type3A_398 = arith.extui %and3A_381 : vector<256x1xi1> to vector<256x1xi32>
        %convert_element_type3A_399 = arith.sitofp %convert_element_type3A_398 : vector<256x1xi32> to vector<256x1xf32>
        %reduce_sum3A_400 = arith.constant dense<0.000000e+00> : vector<1xf32>
        %reduce_sum3A_401 = vector.multi_reduction <add>, %convert_element_type3A_399, %reduce_sum3A_400 [0] : vector<256x1xf32> to vector<1xf32>
        %broadcast_in_dim3A_402 = vector.shape_cast %reduce_sum3A_401 : vector<1xf32> to vector<1x1xf32>
        %reduce_sum3A_403 = arith.constant dense<0.000000e+00> : vector<1xf32>
        %reduce_sum3A_404 = vector.multi_reduction <add>, %broadcast_in_dim3A_402, %reduce_sum3A_403 [1] : vector<1x1xf32> to vector<1xf32>
        %broadcast_in_dim3A_405 = vector.shape_cast %reduce_sum3A_404 : vector<1xf32> to vector<1x1xf32>
        %add3A_406 = arith.addf %while3A_363, %broadcast_in_dim3A_405 : vector<1x1xf32>
        scf.yield %max3A_389, %add3A_397, %add3A_406 : vector<1x128xf32>, vector<1x128xf32>, vector<1x1xf32>
      }
      %while3A_319 = arith.constant 1 : i32
      %while3A_320:3 = scf.for %while3A_360 = %while3A_316 to %while3A_312 step %while3A_319 iter_args(%while3A_361 = %while3A_318#0, %while3A_362 = %while3A_318#1, %while3A_363 = %while3A_318#2) -> (vector<1x128xf32>, vector<1x128xf32>, vector<1x1xf32>)  : i32 {
        %mul3A_364 = arith.constant 256 : i32
        %mul3A_365 = arith.muli %while3A_360, %mul3A_364 : i32
        %add3A_366 = arith.addi %mul3A_274, %mul3A_365 : i32
        %multiple_of3A = tpu.assume_multiple %add3A_366, 8 : i32
        %get3A_367 = arith.index_cast %multiple_of3A : i32 to index
        %get3A_368 = arith.constant 0 : index
        %get3A_369 = vector.load %arg3[%get3A_367, %get3A_368] : memref<10496x128xf32, #tpu.memory_space<vmem>>, vector<256x128xf32>
        %get3A_370 = arith.index_cast %multiple_of3A : i32 to index
        %get3A_371 = arith.constant 0 : index
        %get3A_372 = vector.load %arg5[%get3A_370, %get3A_371] : memref<10496x1xf32, #tpu.memory_space<vmem>>, vector<256x1xf32>
        %iota3A_373 = tpu.iota {dimensions = array<i32: 0>} : vector<256x1xi32>
        %add3A_374 = vector.broadcast %multiple_of3A : i32 to vector<256x1xi32>
        %add3A_375 = arith.addi %iota3A_373, %add3A_374 : vector<256x1xi32>
        %ge3A = vector.broadcast %get3A_255 : i32 to vector<256x1xi32>
        %ge3A_376 = arith.cmpi sge, %add3A_375, %ge3A : vector<256x1xi32>
        %lt3A = vector.broadcast %add3A_304 : i32 to vector<256x1xi32>
        %lt3A_377 = arith.cmpi slt, %add3A_375, %lt3A : vector<256x1xi32>
        %and3A_378 = arith.andi %ge3A_376, %lt3A_377 : vector<256x1xi1>
        %gt3A = arith.constant 0.000000e+00 : f32
        %gt3A_379 = vector.broadcast %gt3A : f32 to vector<256x1xf32>
        %gt3A_380 = arith.cmpf ogt, %get3A_372, %gt3A_379 : vector<256x1xf32>
        %and3A_381 = arith.andi %and3A_378, %gt3A_380 : vector<256x1xi1>
        %jit3A_382 = arith.constant 0xFF800000 : f32
        %broadcast_in_dim3A_383 = vector.shape_cast %and3A_381 : vector<256x1xi1> to vector<256x1xi1>
        %broadcast_in_dim3A_384 = vector.broadcast %broadcast_in_dim3A_383 : vector<256x1xi1> to vector<256x128xi1>
        %broadcast_in_dim3A_385 = vector.broadcast %jit3A_382 : f32 to vector<256x128xf32>
        %select_n3A_386 = arith.select %broadcast_in_dim3A_384, %get3A_369, %broadcast_in_dim3A_385 : vector<256x128xi1>, vector<256x128xf32>
        %reduce_max3A = arith.constant dense<0xFF800000> : vector<128xf32>
        %reduce_max3A_387 = vector.multi_reduction <maximumf>, %select_n3A_386, %reduce_max3A [0] : vector<256x128xf32> to vector<128xf32>
        %broadcast_in_dim3A_388 = vector.shape_cast %reduce_max3A_387 : vector<128xf32> to vector<1x128xf32>
        %max3A_389 = arith.maximumf %while3A_361, %broadcast_in_dim3A_388 : vector<1x128xf32>
        %jit3A_390 = arith.constant 0.000000e+00 : f32
        %broadcast_in_dim3A_391 = vector.shape_cast %and3A_381 : vector<256x1xi1> to vector<256x1xi1>
        %broadcast_in_dim3A_392 = vector.broadcast %broadcast_in_dim3A_391 : vector<256x1xi1> to vector<256x128xi1>
        %broadcast_in_dim3A_393 = vector.broadcast %jit3A_390 : f32 to vector<256x128xf32>
        %select_n3A_394 = arith.select %broadcast_in_dim3A_392, %get3A_369, %broadcast_in_dim3A_393 : vector<256x128xi1>, vector<256x128xf32>
        %reduce_sum3A = arith.constant dense<0.000000e+00> : vector<128xf32>
        %reduce_sum3A_395 = vector.multi_reduction <add>, %select_n3A_394, %reduce_sum3A [0] : vector<256x128xf32> to vector<128xf32>
        %broadcast_in_dim3A_396 = vector.shape_cast %reduce_sum3A_395 : vector<128xf32> to vector<1x128xf32>
        %add3A_397 = arith.addf %while3A_362, %broadcast_in_dim3A_396 : vector<1x128xf32>
        %convert_element_type3A_398 = arith.extui %and3A_381 : vector<256x1xi1> to vector<256x1xi32>
        %convert_element_type3A_399 = arith.sitofp %convert_element_type3A_398 : vector<256x1xi32> to vector<256x1xf32>
        %reduce_sum3A_400 = arith.constant dense<0.000000e+00> : vector<1xf32>
        %reduce_sum3A_401 = vector.multi_reduction <add>, %convert_element_type3A_399, %reduce_sum3A_400 [0] : vector<256x1xf32> to vector<1xf32>
        %broadcast_in_dim3A_402 = vector.shape_cast %reduce_sum3A_401 : vector<1xf32> to vector<1x1xf32>
        %reduce_sum3A_403 = arith.constant dense<0.000000e+00> : vector<1xf32>
        %reduce_sum3A_404 = vector.multi_reduction <add>, %broadcast_in_dim3A_402, %reduce_sum3A_403 [1] : vector<1x1xf32> to vector<1xf32>
        %broadcast_in_dim3A_405 = vector.shape_cast %reduce_sum3A_404 : vector<1xf32> to vector<1x1xf32>
        %add3A_406 = arith.addf %while3A_363, %broadcast_in_dim3A_405 : vector<1x1xf32>
        scf.yield %max3A_389, %add3A_397, %add3A_406 : vector<1x128xf32>, vector<1x128xf32>, vector<1x1xf32>
      }
      %max3A = arith.constant 1.000000e+00 : f32
      %max3A_321 = vector.broadcast %max3A : f32 to vector<1x1xf32>
      %max3A_322 = arith.maximumf %while3A_320#2, %max3A_321 : vector<1x1xf32>
      %div3A_323 = vector.broadcast %max3A_322 : vector<1x1xf32> to vector<1x128xf32>
      %div3A_324 = arith.divf %while3A_320#1, %div3A_323 : vector<1x128xf32>
      %concatenate3A = tpu.concatenate %while3A_320#0, %div3A_324 in 1 : vector<1x128xf32>, vector<1x128xf32> -> vector<1x256xf32>
      %reshape3A = vector.shape_cast %concatenate3A : vector<1x256xf32> to vector<1x1x256xf32>
      %swap3A_325 = arith.index_cast %scan3A_254 : i32 to index
      %swap3A_326 = arith.constant 0 : index
      %swap3A_327 = arith.constant 0 : index
      %swap3A_328 = vector.load %arg9[%swap3A_325, %swap3A_326, %swap3A_327] : memref<64x1x256xf32, #tpu.memory_space<vmem>>, vector<1x1x256xf32>
      tpu.vector_store %arg9[%swap3A_325, %swap3A_326, %swap3A_327], %reshape3A {strides = array<i32>} : memref<64x1x256xf32, #tpu.memory_space<vmem>>, vector<1x1x256xf32>,
      %mul3A_329 = arith.constant 5.000000e-01 : f32
      %mul3A_330 = vector.broadcast %mul3A_329 : f32 to vector<1x1xf32>
      %mul3A_331 = arith.mulf %mul3A_330, %while3A_320#2 : vector<1x1xf32>
      %ceil3A = math.ceil %mul3A_331 : vector<1x1xf32>
      %broadcast_in_dim3A_332 = arith.constant 0xFF800000 : f32
      %broadcast_in_dim3A_333 = vector.broadcast %broadcast_in_dim3A_332 : f32 to vector<1x128xf32>
      %broadcast_in_dim3A_334 = arith.constant 0.000000e+00 : f32
      %broadcast_in_dim3A_335 = vector.broadcast %broadcast_in_dim3A_334 : f32 to vector<1x128xf32>
      %broadcast_in_dim3A_336 = arith.constant 0.000000e+00 : f32
      %broadcast_in_dim3A_337 = vector.broadcast %broadcast_in_dim3A_336 : f32 to vector<1x1xf32>
      %while3A_338 = arith.constant 0 : i32
      %while3A_339 = arith.subi %select_n3A_303, %while3A_338 : i32
      %while3A_340 = arith.addi %while3A_338, %while3A_339 : i32
      %while3A_341 = arith.constant 1 : i32
      %while3A_342 = arith.divsi %while3A_339, %while3A_341 : i32
      %while3A_343 = arith.muli %while3A_342, %while3A_341 : i32
      %while3A_344 = arith.addi %while3A_338, %while3A_343 : i32
      %while3A_345 = arith.constant 1 : i32
      %while3A_346:3 = scf.for %while3A_360 = %while3A_338 to %while3A_344 step %while3A_345 iter_args(%while3A_361 = %broadcast_in_dim3A_333, %while3A_362 = %broadcast_in_dim3A_335, %while3A_363 = %broadcast_in_dim3A_337) -> (vector<1x128xf32>, vector<1x128xf32>, vector<1x1xf32>)  : i32 {
        %mul3A_364 = arith.constant 256 : i32
        %mul3A_365 = arith.muli %while3A_360, %mul3A_364 : i32
        %add3A_366 = arith.addi %mul3A_274, %mul3A_365 : i32
        %multiple_of3A = tpu.assume_multiple %add3A_366, 8 : i32
        %get3A_367 = arith.index_cast %multiple_of3A : i32 to index
        %get3A_368 = arith.constant 0 : index
        %get3A_369 = vector.load %arg4[%get3A_367, %get3A_368] : memref<10496x1xf32, #tpu.memory_space<vmem>>, vector<256x1xf32>
        %iota3A_370 = tpu.iota {dimensions = array<i32: 0>} : vector<256x1xi32>
        %add3A_371 = vector.broadcast %multiple_of3A : i32 to vector<256x1xi32>
        %add3A_372 = arith.addi %iota3A_370, %add3A_371 : vector<256x1xi32>
        %ge3A = vector.broadcast %get3A_255 : i32 to vector<256x1xi32>
        %ge3A_373 = arith.cmpi sge, %add3A_372, %ge3A : vector<256x1xi32>
        %lt3A = vector.broadcast %add3A_304 : i32 to vector<256x1xi32>
        %lt3A_374 = arith.cmpi slt, %add3A_372, %lt3A : vector<256x1xi32>
        %and3A_375 = arith.andi %ge3A_373, %lt3A_374 : vector<256x1xi1>
        %get3A_376 = arith.index_cast %multiple_of3A : i32 to index
        %get3A_377 = arith.constant 0 : index
        %get3A_378 = vector.load %arg5[%get3A_376, %get3A_377] : memref<10496x1xf32, #tpu.memory_space<vmem>>, vector<256x1xf32>
        %gt3A = arith.constant 0.000000e+00 : f32
        %gt3A_379 = vector.broadcast %gt3A : f32 to vector<256x1xf32>
        %gt3A_380 = arith.cmpf ogt, %get3A_378, %gt3A_379 : vector<256x1xf32>
        %broadcast_in_dim3A_381 = arith.constant 0.000000e+00 : f32
        %broadcast_in_dim3A_382 = vector.broadcast %broadcast_in_dim3A_381 : f32 to vector<256x1xf32>
        %while3A_383 = arith.constant 0 : i32
        %while3A_384 = arith.subi %select_n3A_303, %while3A_383 : i32
        %while3A_385 = arith.addi %while3A_383, %while3A_384 : i32
        %while3A_386 = arith.constant 1 : i32
        %while3A_387 = arith.divsi %while3A_384, %while3A_386 : i32
        %while3A_388 = arith.muli %while3A_387, %while3A_386 : i32
        %while3A_389 = arith.addi %while3A_383, %while3A_388 : i32
        %while3A_390 = arith.constant 1 : i32
        %while3A_391 = scf.for %while3A_446 = %while3A_383 to %while3A_389 step %while3A_390 iter_args(%while3A_447 = %broadcast_in_dim3A_382) -> (vector<256x1xf32>)  : i32 {
          %mul3A_448 = arith.constant 256 : i32
          %mul3A_449 = arith.muli %while3A_446, %mul3A_448 : i32
          %add3A_450 = arith.addi %mul3A_274, %mul3A_449 : i32
          %multiple_of3A_451 = tpu.assume_multiple %add3A_450, 8 : i32
          %get3A_452 = arith.index_cast %multiple_of3A_451 : i32 to index
          %get3A_453 = arith.constant 0 : index
          %get3A_454 = vector.load %arg4[%get3A_452, %get3A_453] : memref<10496x1xf32, #tpu.memory_space<vmem>>, vector<256x1xf32>
          %get3A_455 = arith.index_cast %multiple_of3A_451 : i32 to index
          %get3A_456 = arith.constant 0 : index
          %get3A_457 = vector.load %arg5[%get3A_455, %get3A_456] : memref<10496x1xf32, #tpu.memory_space<vmem>>, vector<256x1xf32>
          %gt3A_458 = arith.constant 0.000000e+00 : f32
          %gt3A_459 = vector.broadcast %gt3A_458 : f32 to vector<256x1xf32>
          %gt3A_460 = arith.cmpf ogt, %get3A_457, %gt3A_459 : vector<256x1xf32>
          %jit3A_461 = arith.constant 0.000000e+00 : f32
          %broadcast_in_dim3A_462 = vector.broadcast %jit3A_461 : f32 to vector<256x1xf32>
          %select_n3A_463 = arith.select %gt3A_460, %get3A_454, %broadcast_in_dim3A_462 : vector<256x1xi1>, vector<256x1xf32>
          %dot_general3A = arith.constant dense<0.000000e+00> : vector<1x256xf32>
          %dot_general3A_464 = tpu.matmul %select_n3A_463, %convert_element_type3A_1, %dot_general3A {dimension_numbers = #tpu.dot_dimension_numbers<[0], [0], [1], [1], [0, 1, 1, 1], [], []>, precision = #tpu.contract_precision<fp32>, transpose_lhs_hint = false} : vector<256x1xf32>, vector<256x256xf32>, vector<1x256xf32> -> vector<1x256xf32>
          %convert_element_type3A_465 = arith.extui %gt3A_460 : vector<256x1xi1> to vector<256x1xi32>
          %convert_element_type3A_466 = arith.sitofp %convert_element_type3A_465 : vector<256x1xi32> to vector<256x1xf32>
          %dot_general3A_467 = arith.constant dense<0.000000e+00> : vector<1x256xf32>
          %dot_general3A_468 = tpu.matmul %convert_element_type3A_466, %convert_element_type3A_1, %dot_general3A_467 {dimension_numbers = #tpu.dot_dimension_numbers<[0], [0], [1], [1], [0, 1, 1, 1], [], []>, precision = #tpu.contract_precision<fp32>, transpose_lhs_hint = false} : vector<256x1xf32>, vector<256x256xf32>, vector<1x256xf32> -> vector<1x256xf32>
          %iota3A_469 = tpu.iota {dimensions = array<i32: 1>} : vector<256x256xi32>
          %add3A_470 = vector.broadcast %multiple_of3A_451 : i32 to vector<256x256xi32>
          %add3A_471 = arith.addi %iota3A_469, %add3A_470 : vector<256x256xi32>
          %iota3A_472 = tpu.iota {dimensions = array<i32: 0>} : vector<256x256xi32>
          %add3A_473 = vector.broadcast %multiple_of3A : i32 to vector<256x256xi32>
          %add3A_474 = arith.addi %iota3A_472, %add3A_473 : vector<256x256xi32>
          %gt3A_475 = vector.broadcast %dot_general3A_464 : vector<1x256xf32> to vector<256x256xf32>
          %gt3A_476 = vector.broadcast %get3A_369 : vector<256x1xf32> to vector<256x256xf32>
          %gt3A_477 = arith.cmpf ogt, %gt3A_475, %gt3A_476 : vector<256x256xf32>
          %eq3A_478 = vector.broadcast %dot_general3A_464 : vector<1x256xf32> to vector<256x256xf32>
          %eq3A_479 = vector.broadcast %get3A_369 : vector<256x1xf32> to vector<256x256xf32>
          %eq3A_480 = arith.cmpf oeq, %eq3A_478, %eq3A_479 : vector<256x256xf32>
          %lt3A_481 = arith.cmpi slt, %add3A_471, %add3A_474 : vector<256x256xi32>
          %and3A_482 = arith.andi %eq3A_480, %lt3A_481 : vector<256x256xi1>
          %or3A = arith.ori %gt3A_477, %and3A_482 : vector<256x256xi1>
          %gt3A_483 = arith.constant 0.000000e+00 : f32
          %gt3A_484 = vector.broadcast %gt3A_483 : f32 to vector<1x256xf32>
          %gt3A_485 = arith.cmpf ogt, %dot_general3A_468, %gt3A_484 : vector<1x256xf32>
          %and3A_486 = vector.broadcast %gt3A_485 : vector<1x256xi1> to vector<256x256xi1>
          %and3A_487 = arith.andi %or3A, %and3A_486 : vector<256x256xi1>
          %ge3A_488 = vector.broadcast %get3A_255 : i32 to vector<256x256xi32>
          %ge3A_489 = arith.cmpi sge, %add3A_471, %ge3A_488 : vector<256x256xi32>
          %and3A_490 = arith.andi %and3A_487, %ge3A_489 : vector<256x256xi1>
          %lt3A_491 = vector.broadcast %add3A_304 : i32 to vector<256x256xi32>
          %lt3A_492 = arith.cmpi slt, %add3A_471, %lt3A_491 : vector<256x256xi32>
          %and3A_493 = arith.andi %and3A_490, %lt3A_492 : vector<256x256xi1>
          %convert_element_type3A_494 = arith.extui %and3A_493 : vector<256x256xi1> to vector<256x256xi32>
          %convert_element_type3A_495 = arith.sitofp %convert_element_type3A_494 : vector<256x256xi32> to vector<256x256xf32>
          %reduce_sum3A_496 = arith.constant dense<0.000000e+00> : vector<256xf32>
          %reduce_sum3A_497 = vector.multi_reduction <add>, %convert_element_type3A_495, %reduce_sum3A_496 [1] : vector<256x256xf32> to vector<256xf32>
          %broadcast_in_dim3A_498 = vector.shape_cast %reduce_sum3A_497 : vector<256xf32> to vector<256x1xf32>
          %add3A_499 = arith.addf %while3A_447, %broadcast_in_dim3A_498 : vector<256x1xf32>
          scf.yield %add3A_499 : vector<256x1xf32>
        }
        %while3A_392 = arith.constant 1 : i32
        %while3A_393 = scf.for %while3A_446 = %while3A_389 to %while3A_385 step %while3A_392 iter_args(%while3A_447 = %while3A_391) -> (vector<256x1xf32>)  : i32 {
          %mul3A_448 = arith.constant 256 : i32
          %mul3A_449 = arith.muli %while3A_446, %mul3A_448 : i32
          %add3A_450 = arith.addi %mul3A_274, %mul3A_449 : i32
          %multiple_of3A_451 = tpu.assume_multiple %add3A_450, 8 : i32
          %get3A_452 = arith.index_cast %multiple_of3A_451 : i32 to index
          %get3A_453 = arith.constant 0 : index
          %get3A_454 = vector.load %arg4[%get3A_452, %get3A_453] : memref<10496x1xf32, #tpu.memory_space<vmem>>, vector<256x1xf32>
          %get3A_455 = arith.index_cast %multiple_of3A_451 : i32 to index
          %get3A_456 = arith.constant 0 : index
          %get3A_457 = vector.load %arg5[%get3A_455, %get3A_456] : memref<10496x1xf32, #tpu.memory_space<vmem>>, vector<256x1xf32>
          %gt3A_458 = arith.constant 0.000000e+00 : f32
          %gt3A_459 = vector.broadcast %gt3A_458 : f32 to vector<256x1xf32>
          %gt3A_460 = arith.cmpf ogt, %get3A_457, %gt3A_459 : vector<256x1xf32>
          %jit3A_461 = arith.constant 0.000000e+00 : f32
          %broadcast_in_dim3A_462 = vector.broadcast %jit3A_461 : f32 to vector<256x1xf32>
          %select_n3A_463 = arith.select %gt3A_460, %get3A_454, %broadcast_in_dim3A_462 : vector<256x1xi1>, vector<256x1xf32>
          %dot_general3A = arith.constant dense<0.000000e+00> : vector<1x256xf32>
          %dot_general3A_464 = tpu.matmul %select_n3A_463, %convert_element_type3A_1, %dot_general3A {dimension_numbers = #tpu.dot_dimension_numbers<[0], [0], [1], [1], [0, 1, 1, 1], [], []>, precision = #tpu.contract_precision<fp32>, transpose_lhs_hint = false} : vector<256x1xf32>, vector<256x256xf32>, vector<1x256xf32> -> vector<1x256xf32>
          %convert_element_type3A_465 = arith.extui %gt3A_460 : vector<256x1xi1> to vector<256x1xi32>
          %convert_element_type3A_466 = arith.sitofp %convert_element_type3A_465 : vector<256x1xi32> to vector<256x1xf32>
          %dot_general3A_467 = arith.constant dense<0.000000e+00> : vector<1x256xf32>
          %dot_general3A_468 = tpu.matmul %convert_element_type3A_466, %convert_element_type3A_1, %dot_general3A_467 {dimension_numbers = #tpu.dot_dimension_numbers<[0], [0], [1], [1], [0, 1, 1, 1], [], []>, precision = #tpu.contract_precision<fp32>, transpose_lhs_hint = false} : vector<256x1xf32>, vector<256x256xf32>, vector<1x256xf32> -> vector<1x256xf32>
          %iota3A_469 = tpu.iota {dimensions = array<i32: 1>} : vector<256x256xi32>
          %add3A_470 = vector.broadcast %multiple_of3A_451 : i32 to vector<256x256xi32>
          %add3A_471 = arith.addi %iota3A_469, %add3A_470 : vector<256x256xi32>
          %iota3A_472 = tpu.iota {dimensions = array<i32: 0>} : vector<256x256xi32>
          %add3A_473 = vector.broadcast %multiple_of3A : i32 to vector<256x256xi32>
          %add3A_474 = arith.addi %iota3A_472, %add3A_473 : vector<256x256xi32>
          %gt3A_475 = vector.broadcast %dot_general3A_464 : vector<1x256xf32> to vector<256x256xf32>
          %gt3A_476 = vector.broadcast %get3A_369 : vector<256x1xf32> to vector<256x256xf32>
          %gt3A_477 = arith.cmpf ogt, %gt3A_475, %gt3A_476 : vector<256x256xf32>
          %eq3A_478 = vector.broadcast %dot_general3A_464 : vector<1x256xf32> to vector<256x256xf32>
          %eq3A_479 = vector.broadcast %get3A_369 : vector<256x1xf32> to vector<256x256xf32>
          %eq3A_480 = arith.cmpf oeq, %eq3A_478, %eq3A_479 : vector<256x256xf32>
          %lt3A_481 = arith.cmpi slt, %add3A_471, %add3A_474 : vector<256x256xi32>
          %and3A_482 = arith.andi %eq3A_480, %lt3A_481 : vector<256x256xi1>
          %or3A = arith.ori %gt3A_477, %and3A_482 : vector<256x256xi1>
          %gt3A_483 = arith.constant 0.000000e+00 : f32
          %gt3A_484 = vector.broadcast %gt3A_483 : f32 to vector<1x256xf32>
          %gt3A_485 = arith.cmpf ogt, %dot_general3A_468, %gt3A_484 : vector<1x256xf32>
          %and3A_486 = vector.broadcast %gt3A_485 : vector<1x256xi1> to vector<256x256xi1>
          %and3A_487 = arith.andi %or3A, %and3A_486 : vector<256x256xi1>
          %ge3A_488 = vector.broadcast %get3A_255 : i32 to vector<256x256xi32>
          %ge3A_489 = arith.cmpi sge, %add3A_471, %ge3A_488 : vector<256x256xi32>
          %and3A_490 = arith.andi %and3A_487, %ge3A_489 : vector<256x256xi1>
          %lt3A_491 = vector.broadcast %add3A_304 : i32 to vector<256x256xi32>
          %lt3A_492 = arith.cmpi slt, %add3A_471, %lt3A_491 : vector<256x256xi32>
          %and3A_493 = arith.andi %and3A_490, %lt3A_492 : vector<256x256xi1>
          %convert_element_type3A_494 = arith.extui %and3A_493 : vector<256x256xi1> to vector<256x256xi32>
          %convert_element_type3A_495 = arith.sitofp %convert_element_type3A_494 : vector<256x256xi32> to vector<256x256xf32>
          %reduce_sum3A_496 = arith.constant dense<0.000000e+00> : vector<256xf32>
          %reduce_sum3A_497 = vector.multi_reduction <add>, %convert_element_type3A_495, %reduce_sum3A_496 [1] : vector<256x256xf32> to vector<256xf32>
          %broadcast_in_dim3A_498 = vector.shape_cast %reduce_sum3A_497 : vector<256xf32> to vector<256x1xf32>
          %add3A_499 = arith.addf %while3A_447, %broadcast_in_dim3A_498 : vector<256x1xf32>
          scf.yield %add3A_499 : vector<256x1xf32>
        }
        %lt3A_394 = vector.broadcast %ceil3A : vector<1x1xf32> to vector<256x1xf32>
        %lt3A_395 = arith.cmpf olt, %while3A_393, %lt3A_394 : vector<256x1xf32>
        %and3A_396 = arith.andi %lt3A_395, %gt3A_380 : vector<256x1xi1>
        %and3A_397 = arith.andi %and3A_396, %and3A_375 : vector<256x1xi1>
        %get3A_398 = arith.index_cast %multiple_of3A : i32 to index
        %get3A_399 = arith.constant 0 : index
        %get3A_400 = vector.load %arg2[%get3A_398, %get3A_399] : memref<10496x128xf32, #tpu.memory_space<vmem>>, vector<256x128xf32>
        %tanh3A = math.tanh %get3A_369 : vector<256x1xf32>
        %mul3A_401 = vector.broadcast %tanh3A : vector<256x1xf32> to vector<256x128xf32>
        %mul3A_402 = arith.mulf %get3A_400, %mul3A_401 : vector<256x128xf32>
        %jit3A_403 = arith.constant 0.000000e+00 : f32
        %broadcast_in_dim3A_404 = vector.shape_cast %and3A_397 : vector<256x1xi1> to vector<256x1xi1>
        %broadcast_in_dim3A_405 = vector.broadcast %broadcast_in_dim3A_404 : vector<256x1xi1> to vector<256x128xi1>
        %broadcast_in_dim3A_406 = vector.broadcast %jit3A_403 : f32 to vector<256x128xf32>
        %select_n3A_407 = arith.select %broadcast_in_dim3A_405, %mul3A_402, %broadcast_in_dim3A_406 : vector<256x128xi1>, vector<256x128xf32>
        %get3A_408 = arith.index_cast %multiple_of3A : i32 to index
        %get3A_409 = arith.constant 0 : index
        %get3A_410 = vector.load %arg6[%get3A_408, %get3A_409] : memref<10496x128xf32, #tpu.memory_space<vmem>>, vector<256x128xf32>
        %broadcast_in_dim3A_411 = vector.shape_cast %and3A_375 : vector<256x1xi1> to vector<256x1xi1>
        %broadcast_in_dim3A_412 = vector.broadcast %broadcast_in_dim3A_411 : vector<256x1xi1> to vector<256x128xi1>
        %select_n3A_413 = arith.select %broadcast_in_dim3A_412, %select_n3A_407, %get3A_410 : vector<256x128xi1>, vector<256x128xf32>
        %swap3A_414 = arith.index_cast %multiple_of3A : i32 to index
        %swap3A_415 = arith.constant 0 : index
        %swap3A_416 = vector.load %arg6[%swap3A_414, %swap3A_415] : memref<10496x128xf32, #tpu.memory_space<vmem>>, vector<256x128xf32>
        tpu.vector_store %arg6[%swap3A_414, %swap3A_415], %select_n3A_413 {strides = array<i32>} : memref<10496x128xf32, #tpu.memory_space<vmem>>, vector<256x128xf32>,
        %get3A_417 = arith.index_cast %multiple_of3A : i32 to index
        %get3A_418 = arith.constant 0 : index
        %get3A_419 = vector.load %arg7[%get3A_417, %get3A_418] : memref<10496x1xf32, #tpu.memory_space<vmem>>, vector<256x1xf32>
        %convert_element_type3A_420 = arith.extui %and3A_397 : vector<256x1xi1> to vector<256x1xi32>
        %convert_element_type3A_421 = arith.sitofp %convert_element_type3A_420 : vector<256x1xi32> to vector<256x1xf32>
        %select_n3A_422 = arith.select %and3A_375, %convert_element_type3A_421, %get3A_419 : vector<256x1xi1>, vector<256x1xf32>
        %swap3A_423 = arith.index_cast %multiple_of3A : i32 to index
        %swap3A_424 = arith.constant 0 : index
        %swap3A_425 = vector.load %arg7[%swap3A_423, %swap3A_424] : memref<10496x1xf32, #tpu.memory_space<vmem>>, vector<256x1xf32>
        tpu.vector_store %arg7[%swap3A_423, %swap3A_424], %select_n3A_422 {strides = array<i32>} : memref<10496x1xf32, #tpu.memory_space<vmem>>, vector<256x1xf32>,
        %jit3A_426 = arith.constant 0xFF800000 : f32
        %broadcast_in_dim3A_427 = vector.shape_cast %and3A_397 : vector<256x1xi1> to vector<256x1xi1>
        %broadcast_in_dim3A_428 = vector.broadcast %broadcast_in_dim3A_427 : vector<256x1xi1> to vector<256x128xi1>
        %broadcast_in_dim3A_429 = vector.broadcast %jit3A_426 : f32 to vector<256x128xf32>
        %select_n3A_430 = arith.select %broadcast_in_dim3A_428, %select_n3A_407, %broadcast_in_dim3A_429 : vector<256x128xi1>, vector<256x128xf32>
        %reduce_max3A = arith.constant dense<0xFF800000> : vector<128xf32>
        %reduce_max3A_431 = vector.multi_reduction <maximumf>, %select_n3A_430, %reduce_max3A [0] : vector<256x128xf32> to vector<128xf32>
        %broadcast_in_dim3A_432 = vector.shape_cast %reduce_max3A_431 : vector<128xf32> to vector<1x128xf32>
        %max3A_433 = arith.maximumf %while3A_361, %broadcast_in_dim3A_432 : vector<1x128xf32>
        %reduce_sum3A = arith.constant dense<0.000000e+00> : vector<128xf32>
        %reduce_sum3A_434 = vector.multi_reduction <add>, %select_n3A_407, %reduce_sum3A [0] : vector<256x128xf32> to vector<128xf32>
        %broadcast_in_dim3A_435 = vector.shape_cast %reduce_sum3A_434 : vector<128xf32> to vector<1x128xf32>
        %add3A_436 = arith.addf %while3A_362, %broadcast_in_dim3A_435 : vector<1x128xf32>
        %convert_element_type3A_437 = arith.extui %and3A_397 : vector<256x1xi1> to vector<256x1xi32>
        %convert_element_type3A_438 = arith.sitofp %convert_element_type3A_437 : vector<256x1xi32> to vector<256x1xf32>
        %reduce_sum3A_439 = arith.constant dense<0.000000e+00> : vector<1xf32>
        %reduce_sum3A_440 = vector.multi_reduction <add>, %convert_element_type3A_438, %reduce_sum3A_439 [0] : vector<256x1xf32> to vector<1xf32>
        %broadcast_in_dim3A_441 = vector.shape_cast %reduce_sum3A_440 : vector<1xf32> to vector<1x1xf32>
        %reduce_sum3A_442 = arith.constant dense<0.000000e+00> : vector<1xf32>
        %reduce_sum3A_443 = vector.multi_reduction <add>, %broadcast_in_dim3A_441, %reduce_sum3A_442 [1] : vector<1x1xf32> to vector<1xf32>
        %broadcast_in_dim3A_444 = vector.shape_cast %reduce_sum3A_443 : vector<1xf32> to vector<1x1xf32>
        %add3A_445 = arith.addf %while3A_363, %broadcast_in_dim3A_444 : vector<1x1xf32>
        scf.yield %max3A_433, %add3A_436, %add3A_445 : vector<1x128xf32>, vector<1x128xf32>, vector<1x1xf32>
      }
      %while3A_347 = arith.constant 1 : i32
      %while3A_348:3 = scf.for %while3A_360 = %while3A_344 to %while3A_340 step %while3A_347 iter_args(%while3A_361 = %while3A_346#0, %while3A_362 = %while3A_346#1, %while3A_363 = %while3A_346#2) -> (vector<1x128xf32>, vector<1x128xf32>, vector<1x1xf32>)  : i32 {
        %mul3A_364 = arith.constant 256 : i32
        %mul3A_365 = arith.muli %while3A_360, %mul3A_364 : i32
        %add3A_366 = arith.addi %mul3A_274, %mul3A_365 : i32
        %multiple_of3A = tpu.assume_multiple %add3A_366, 8 : i32
        %get3A_367 = arith.index_cast %multiple_of3A : i32 to index
        %get3A_368 = arith.constant 0 : index
        %get3A_369 = vector.load %arg4[%get3A_367, %get3A_368] : memref<10496x1xf32, #tpu.memory_space<vmem>>, vector<256x1xf32>
        %iota3A_370 = tpu.iota {dimensions = array<i32: 0>} : vector<256x1xi32>
        %add3A_371 = vector.broadcast %multiple_of3A : i32 to vector<256x1xi32>
        %add3A_372 = arith.addi %iota3A_370, %add3A_371 : vector<256x1xi32>
        %ge3A = vector.broadcast %get3A_255 : i32 to vector<256x1xi32>
        %ge3A_373 = arith.cmpi sge, %add3A_372, %ge3A : vector<256x1xi32>
        %lt3A = vector.broadcast %add3A_304 : i32 to vector<256x1xi32>
        %lt3A_374 = arith.cmpi slt, %add3A_372, %lt3A : vector<256x1xi32>
        %and3A_375 = arith.andi %ge3A_373, %lt3A_374 : vector<256x1xi1>
        %get3A_376 = arith.index_cast %multiple_of3A : i32 to index
        %get3A_377 = arith.constant 0 : index
        %get3A_378 = vector.load %arg5[%get3A_376, %get3A_377] : memref<10496x1xf32, #tpu.memory_space<vmem>>, vector<256x1xf32>
        %gt3A = arith.constant 0.000000e+00 : f32
        %gt3A_379 = vector.broadcast %gt3A : f32 to vector<256x1xf32>
        %gt3A_380 = arith.cmpf ogt, %get3A_378, %gt3A_379 : vector<256x1xf32>
        %broadcast_in_dim3A_381 = arith.constant 0.000000e+00 : f32
        %broadcast_in_dim3A_382 = vector.broadcast %broadcast_in_dim3A_381 : f32 to vector<256x1xf32>
        %while3A_383 = arith.constant 0 : i32
        %while3A_384 = arith.subi %select_n3A_303, %while3A_383 : i32
        %while3A_385 = arith.addi %while3A_383, %while3A_384 : i32
        %while3A_386 = arith.constant 1 : i32
        %while3A_387 = arith.divsi %while3A_384, %while3A_386 : i32
        %while3A_388 = arith.muli %while3A_387, %while3A_386 : i32
        %while3A_389 = arith.addi %while3A_383, %while3A_388 : i32
        %while3A_390 = arith.constant 1 : i32
        %while3A_391 = scf.for %while3A_446 = %while3A_383 to %while3A_389 step %while3A_390 iter_args(%while3A_447 = %broadcast_in_dim3A_382) -> (vector<256x1xf32>)  : i32 {
          %mul3A_448 = arith.constant 256 : i32
          %mul3A_449 = arith.muli %while3A_446, %mul3A_448 : i32
          %add3A_450 = arith.addi %mul3A_274, %mul3A_449 : i32
          %multiple_of3A_451 = tpu.assume_multiple %add3A_450, 8 : i32
          %get3A_452 = arith.index_cast %multiple_of3A_451 : i32 to index
          %get3A_453 = arith.constant 0 : index
          %get3A_454 = vector.load %arg4[%get3A_452, %get3A_453] : memref<10496x1xf32, #tpu.memory_space<vmem>>, vector<256x1xf32>
          %get3A_455 = arith.index_cast %multiple_of3A_451 : i32 to index
          %get3A_456 = arith.constant 0 : index
          %get3A_457 = vector.load %arg5[%get3A_455, %get3A_456] : memref<10496x1xf32, #tpu.memory_space<vmem>>, vector<256x1xf32>
          %gt3A_458 = arith.constant 0.000000e+00 : f32
          %gt3A_459 = vector.broadcast %gt3A_458 : f32 to vector<256x1xf32>
          %gt3A_460 = arith.cmpf ogt, %get3A_457, %gt3A_459 : vector<256x1xf32>
          %jit3A_461 = arith.constant 0.000000e+00 : f32
          %broadcast_in_dim3A_462 = vector.broadcast %jit3A_461 : f32 to vector<256x1xf32>
          %select_n3A_463 = arith.select %gt3A_460, %get3A_454, %broadcast_in_dim3A_462 : vector<256x1xi1>, vector<256x1xf32>
          %dot_general3A = arith.constant dense<0.000000e+00> : vector<1x256xf32>
          %dot_general3A_464 = tpu.matmul %select_n3A_463, %convert_element_type3A_1, %dot_general3A {dimension_numbers = #tpu.dot_dimension_numbers<[0], [0], [1], [1], [0, 1, 1, 1], [], []>, precision = #tpu.contract_precision<fp32>, transpose_lhs_hint = false} : vector<256x1xf32>, vector<256x256xf32>, vector<1x256xf32> -> vector<1x256xf32>
          %convert_element_type3A_465 = arith.extui %gt3A_460 : vector<256x1xi1> to vector<256x1xi32>
          %convert_element_type3A_466 = arith.sitofp %convert_element_type3A_465 : vector<256x1xi32> to vector<256x1xf32>
          %dot_general3A_467 = arith.constant dense<0.000000e+00> : vector<1x256xf32>
          %dot_general3A_468 = tpu.matmul %convert_element_type3A_466, %convert_element_type3A_1, %dot_general3A_467 {dimension_numbers = #tpu.dot_dimension_numbers<[0], [0], [1], [1], [0, 1, 1, 1], [], []>, precision = #tpu.contract_precision<fp32>, transpose_lhs_hint = false} : vector<256x1xf32>, vector<256x256xf32>, vector<1x256xf32> -> vector<1x256xf32>
          %iota3A_469 = tpu.iota {dimensions = array<i32: 1>} : vector<256x256xi32>
          %add3A_470 = vector.broadcast %multiple_of3A_451 : i32 to vector<256x256xi32>
          %add3A_471 = arith.addi %iota3A_469, %add3A_470 : vector<256x256xi32>
          %iota3A_472 = tpu.iota {dimensions = array<i32: 0>} : vector<256x256xi32>
          %add3A_473 = vector.broadcast %multiple_of3A : i32 to vector<256x256xi32>
          %add3A_474 = arith.addi %iota3A_472, %add3A_473 : vector<256x256xi32>
          %gt3A_475 = vector.broadcast %dot_general3A_464 : vector<1x256xf32> to vector<256x256xf32>
          %gt3A_476 = vector.broadcast %get3A_369 : vector<256x1xf32> to vector<256x256xf32>
          %gt3A_477 = arith.cmpf ogt, %gt3A_475, %gt3A_476 : vector<256x256xf32>
          %eq3A_478 = vector.broadcast %dot_general3A_464 : vector<1x256xf32> to vector<256x256xf32>
          %eq3A_479 = vector.broadcast %get3A_369 : vector<256x1xf32> to vector<256x256xf32>
          %eq3A_480 = arith.cmpf oeq, %eq3A_478, %eq3A_479 : vector<256x256xf32>
          %lt3A_481 = arith.cmpi slt, %add3A_471, %add3A_474 : vector<256x256xi32>
          %and3A_482 = arith.andi %eq3A_480, %lt3A_481 : vector<256x256xi1>
          %or3A = arith.ori %gt3A_477, %and3A_482 : vector<256x256xi1>
          %gt3A_483 = arith.constant 0.000000e+00 : f32
          %gt3A_484 = vector.broadcast %gt3A_483 : f32 to vector<1x256xf32>
          %gt3A_485 = arith.cmpf ogt, %dot_general3A_468, %gt3A_484 : vector<1x256xf32>
          %and3A_486 = vector.broadcast %gt3A_485 : vector<1x256xi1> to vector<256x256xi1>
          %and3A_487 = arith.andi %or3A, %and3A_486 : vector<256x256xi1>
          %ge3A_488 = vector.broadcast %get3A_255 : i32 to vector<256x256xi32>
          %ge3A_489 = arith.cmpi sge, %add3A_471, %ge3A_488 : vector<256x256xi32>
          %and3A_490 = arith.andi %and3A_487, %ge3A_489 : vector<256x256xi1>
          %lt3A_491 = vector.broadcast %add3A_304 : i32 to vector<256x256xi32>
          %lt3A_492 = arith.cmpi slt, %add3A_471, %lt3A_491 : vector<256x256xi32>
          %and3A_493 = arith.andi %and3A_490, %lt3A_492 : vector<256x256xi1>
          %convert_element_type3A_494 = arith.extui %and3A_493 : vector<256x256xi1> to vector<256x256xi32>
          %convert_element_type3A_495 = arith.sitofp %convert_element_type3A_494 : vector<256x256xi32> to vector<256x256xf32>
          %reduce_sum3A_496 = arith.constant dense<0.000000e+00> : vector<256xf32>
          %reduce_sum3A_497 = vector.multi_reduction <add>, %convert_element_type3A_495, %reduce_sum3A_496 [1] : vector<256x256xf32> to vector<256xf32>
          %broadcast_in_dim3A_498 = vector.shape_cast %reduce_sum3A_497 : vector<256xf32> to vector<256x1xf32>
          %add3A_499 = arith.addf %while3A_447, %broadcast_in_dim3A_498 : vector<256x1xf32>
          scf.yield %add3A_499 : vector<256x1xf32>
        }
        %while3A_392 = arith.constant 1 : i32
        %while3A_393 = scf.for %while3A_446 = %while3A_389 to %while3A_385 step %while3A_392 iter_args(%while3A_447 = %while3A_391) -> (vector<256x1xf32>)  : i32 {
          %mul3A_448 = arith.constant 256 : i32
          %mul3A_449 = arith.muli %while3A_446, %mul3A_448 : i32
          %add3A_450 = arith.addi %mul3A_274, %mul3A_449 : i32
          %multiple_of3A_451 = tpu.assume_multiple %add3A_450, 8 : i32
          %get3A_452 = arith.index_cast %multiple_of3A_451 : i32 to index
          %get3A_453 = arith.constant 0 : index
          %get3A_454 = vector.load %arg4[%get3A_452, %get3A_453] : memref<10496x1xf32, #tpu.memory_space<vmem>>, vector<256x1xf32>
          %get3A_455 = arith.index_cast %multiple_of3A_451 : i32 to index
          %get3A_456 = arith.constant 0 : index
          %get3A_457 = vector.load %arg5[%get3A_455, %get3A_456] : memref<10496x1xf32, #tpu.memory_space<vmem>>, vector<256x1xf32>
          %gt3A_458 = arith.constant 0.000000e+00 : f32
          %gt3A_459 = vector.broadcast %gt3A_458 : f32 to vector<256x1xf32>
          %gt3A_460 = arith.cmpf ogt, %get3A_457, %gt3A_459 : vector<256x1xf32>
          %jit3A_461 = arith.constant 0.000000e+00 : f32
          %broadcast_in_dim3A_462 = vector.broadcast %jit3A_461 : f32 to vector<256x1xf32>
          %select_n3A_463 = arith.select %gt3A_460, %get3A_454, %broadcast_in_dim3A_462 : vector<256x1xi1>, vector<256x1xf32>
          %dot_general3A = arith.constant dense<0.000000e+00> : vector<1x256xf32>
          %dot_general3A_464 = tpu.matmul %select_n3A_463, %convert_element_type3A_1, %dot_general3A {dimension_numbers = #tpu.dot_dimension_numbers<[0], [0], [1], [1], [0, 1, 1, 1], [], []>, precision = #tpu.contract_precision<fp32>, transpose_lhs_hint = false} : vector<256x1xf32>, vector<256x256xf32>, vector<1x256xf32> -> vector<1x256xf32>
          %convert_element_type3A_465 = arith.extui %gt3A_460 : vector<256x1xi1> to vector<256x1xi32>
          %convert_element_type3A_466 = arith.sitofp %convert_element_type3A_465 : vector<256x1xi32> to vector<256x1xf32>
          %dot_general3A_467 = arith.constant dense<0.000000e+00> : vector<1x256xf32>
          %dot_general3A_468 = tpu.matmul %convert_element_type3A_466, %convert_element_type3A_1, %dot_general3A_467 {dimension_numbers = #tpu.dot_dimension_numbers<[0], [0], [1], [1], [0, 1, 1, 1], [], []>, precision = #tpu.contract_precision<fp32>, transpose_lhs_hint = false} : vector<256x1xf32>, vector<256x256xf32>, vector<1x256xf32> -> vector<1x256xf32>
          %iota3A_469 = tpu.iota {dimensions = array<i32: 1>} : vector<256x256xi32>
          %add3A_470 = vector.broadcast %multiple_of3A_451 : i32 to vector<256x256xi32>
          %add3A_471 = arith.addi %iota3A_469, %add3A_470 : vector<256x256xi32>
          %iota3A_472 = tpu.iota {dimensions = array<i32: 0>} : vector<256x256xi32>
          %add3A_473 = vector.broadcast %multiple_of3A : i32 to vector<256x256xi32>
          %add3A_474 = arith.addi %iota3A_472, %add3A_473 : vector<256x256xi32>
          %gt3A_475 = vector.broadcast %dot_general3A_464 : vector<1x256xf32> to vector<256x256xf32>
          %gt3A_476 = vector.broadcast %get3A_369 : vector<256x1xf32> to vector<256x256xf32>
          %gt3A_477 = arith.cmpf ogt, %gt3A_475, %gt3A_476 : vector<256x256xf32>
          %eq3A_478 = vector.broadcast %dot_general3A_464 : vector<1x256xf32> to vector<256x256xf32>
          %eq3A_479 = vector.broadcast %get3A_369 : vector<256x1xf32> to vector<256x256xf32>
          %eq3A_480 = arith.cmpf oeq, %eq3A_478, %eq3A_479 : vector<256x256xf32>
          %lt3A_481 = arith.cmpi slt, %add3A_471, %add3A_474 : vector<256x256xi32>
          %and3A_482 = arith.andi %eq3A_480, %lt3A_481 : vector<256x256xi1>
          %or3A = arith.ori %gt3A_477, %and3A_482 : vector<256x256xi1>
          %gt3A_483 = arith.constant 0.000000e+00 : f32
          %gt3A_484 = vector.broadcast %gt3A_483 : f32 to vector<1x256xf32>
          %gt3A_485 = arith.cmpf ogt, %dot_general3A_468, %gt3A_484 : vector<1x256xf32>
          %and3A_486 = vector.broadcast %gt3A_485 : vector<1x256xi1> to vector<256x256xi1>
          %and3A_487 = arith.andi %or3A, %and3A_486 : vector<256x256xi1>
          %ge3A_488 = vector.broadcast %get3A_255 : i32 to vector<256x256xi32>
          %ge3A_489 = arith.cmpi sge, %add3A_471, %ge3A_488 : vector<256x256xi32>
          %and3A_490 = arith.andi %and3A_487, %ge3A_489 : vector<256x256xi1>
          %lt3A_491 = vector.broadcast %add3A_304 : i32 to vector<256x256xi32>
          %lt3A_492 = arith.cmpi slt, %add3A_471, %lt3A_491 : vector<256x256xi32>
          %and3A_493 = arith.andi %and3A_490, %lt3A_492 : vector<256x256xi1>
          %convert_element_type3A_494 = arith.extui %and3A_493 : vector<256x256xi1> to vector<256x256xi32>
          %convert_element_type3A_495 = arith.sitofp %convert_element_type3A_494 : vector<256x256xi32> to vector<256x256xf32>
          %reduce_sum3A_496 = arith.constant dense<0.000000e+00> : vector<256xf32>
          %reduce_sum3A_497 = vector.multi_reduction <add>, %convert_element_type3A_495, %reduce_sum3A_496 [1] : vector<256x256xf32> to vector<256xf32>
          %broadcast_in_dim3A_498 = vector.shape_cast %reduce_sum3A_497 : vector<256xf32> to vector<256x1xf32>
          %add3A_499 = arith.addf %while3A_447, %broadcast_in_dim3A_498 : vector<256x1xf32>
          scf.yield %add3A_499 : vector<256x1xf32>
        }
        %lt3A_394 = vector.broadcast %ceil3A : vector<1x1xf32> to vector<256x1xf32>
        %lt3A_395 = arith.cmpf olt, %while3A_393, %lt3A_394 : vector<256x1xf32>
        %and3A_396 = arith.andi %lt3A_395, %gt3A_380 : vector<256x1xi1>
        %and3A_397 = arith.andi %and3A_396, %and3A_375 : vector<256x1xi1>
        %get3A_398 = arith.index_cast %multiple_of3A : i32 to index
        %get3A_399 = arith.constant 0 : index
        %get3A_400 = vector.load %arg2[%get3A_398, %get3A_399] : memref<10496x128xf32, #tpu.memory_space<vmem>>, vector<256x128xf32>
        %tanh3A = math.tanh %get3A_369 : vector<256x1xf32>
        %mul3A_401 = vector.broadcast %tanh3A : vector<256x1xf32> to vector<256x128xf32>
        %mul3A_402 = arith.mulf %get3A_400, %mul3A_401 : vector<256x128xf32>
        %jit3A_403 = arith.constant 0.000000e+00 : f32
        %broadcast_in_dim3A_404 = vector.shape_cast %and3A_397 : vector<256x1xi1> to vector<256x1xi1>
        %broadcast_in_dim3A_405 = vector.broadcast %broadcast_in_dim3A_404 : vector<256x1xi1> to vector<256x128xi1>
        %broadcast_in_dim3A_406 = vector.broadcast %jit3A_403 : f32 to vector<256x128xf32>
        %select_n3A_407 = arith.select %broadcast_in_dim3A_405, %mul3A_402, %broadcast_in_dim3A_406 : vector<256x128xi1>, vector<256x128xf32>
        %get3A_408 = arith.index_cast %multiple_of3A : i32 to index
        %get3A_409 = arith.constant 0 : index
        %get3A_410 = vector.load %arg6[%get3A_408, %get3A_409] : memref<10496x128xf32, #tpu.memory_space<vmem>>, vector<256x128xf32>
        %broadcast_in_dim3A_411 = vector.shape_cast %and3A_375 : vector<256x1xi1> to vector<256x1xi1>
        %broadcast_in_dim3A_412 = vector.broadcast %broadcast_in_dim3A_411 : vector<256x1xi1> to vector<256x128xi1>
        %select_n3A_413 = arith.select %broadcast_in_dim3A_412, %select_n3A_407, %get3A_410 : vector<256x128xi1>, vector<256x128xf32>
        %swap3A_414 = arith.index_cast %multiple_of3A : i32 to index
        %swap3A_415 = arith.constant 0 : index
        %swap3A_416 = vector.load %arg6[%swap3A_414, %swap3A_415] : memref<10496x128xf32, #tpu.memory_space<vmem>>, vector<256x128xf32>
        tpu.vector_store %arg6[%swap3A_414, %swap3A_415], %select_n3A_413 {strides = array<i32>} : memref<10496x128xf32, #tpu.memory_space<vmem>>, vector<256x128xf32>,
        %get3A_417 = arith.index_cast %multiple_of3A : i32 to index
        %get3A_418 = arith.constant 0 : index
        %get3A_419 = vector.load %arg7[%get3A_417, %get3A_418] : memref<10496x1xf32, #tpu.memory_space<vmem>>, vector<256x1xf32>
        %convert_element_type3A_420 = arith.extui %and3A_397 : vector<256x1xi1> to vector<256x1xi32>
        %convert_element_type3A_421 = arith.sitofp %convert_element_type3A_420 : vector<256x1xi32> to vector<256x1xf32>
        %select_n3A_422 = arith.select %and3A_375, %convert_element_type3A_421, %get3A_419 : vector<256x1xi1>, vector<256x1xf32>
        %swap3A_423 = arith.index_cast %multiple_of3A : i32 to index
        %swap3A_424 = arith.constant 0 : index
        %swap3A_425 = vector.load %arg7[%swap3A_423, %swap3A_424] : memref<10496x1xf32, #tpu.memory_space<vmem>>, vector<256x1xf32>
        tpu.vector_store %arg7[%swap3A_423, %swap3A_424], %select_n3A_422 {strides = array<i32>} : memref<10496x1xf32, #tpu.memory_space<vmem>>, vector<256x1xf32>,
        %jit3A_426 = arith.constant 0xFF800000 : f32
        %broadcast_in_dim3A_427 = vector.shape_cast %and3A_397 : vector<256x1xi1> to vector<256x1xi1>
        %broadcast_in_dim3A_428 = vector.broadcast %broadcast_in_dim3A_427 : vector<256x1xi1> to vector<256x128xi1>
        %broadcast_in_dim3A_429 = vector.broadcast %jit3A_426 : f32 to vector<256x128xf32>
        %select_n3A_430 = arith.select %broadcast_in_dim3A_428, %select_n3A_407, %broadcast_in_dim3A_429 : vector<256x128xi1>, vector<256x128xf32>
        %reduce_max3A = arith.constant dense<0xFF800000> : vector<128xf32>
        %reduce_max3A_431 = vector.multi_reduction <maximumf>, %select_n3A_430, %reduce_max3A [0] : vector<256x128xf32> to vector<128xf32>
        %broadcast_in_dim3A_432 = vector.shape_cast %reduce_max3A_431 : vector<128xf32> to vector<1x128xf32>
        %max3A_433 = arith.maximumf %while3A_361, %broadcast_in_dim3A_432 : vector<1x128xf32>
        %reduce_sum3A = arith.constant dense<0.000000e+00> : vector<128xf32>
        %reduce_sum3A_434 = vector.multi_reduction <add>, %select_n3A_407, %reduce_sum3A [0] : vector<256x128xf32> to vector<128xf32>
        %broadcast_in_dim3A_435 = vector.shape_cast %reduce_sum3A_434 : vector<128xf32> to vector<1x128xf32>
        %add3A_436 = arith.addf %while3A_362, %broadcast_in_dim3A_435 : vector<1x128xf32>
        %convert_element_type3A_437 = arith.extui %and3A_397 : vector<256x1xi1> to vector<256x1xi32>
        %convert_element_type3A_438 = arith.sitofp %convert_element_type3A_437 : vector<256x1xi32> to vector<256x1xf32>
        %reduce_sum3A_439 = arith.constant dense<0.000000e+00> : vector<1xf32>
        %reduce_sum3A_440 = vector.multi_reduction <add>, %convert_element_type3A_438, %reduce_sum3A_439 [0] : vector<256x1xf32> to vector<1xf32>
        %broadcast_in_dim3A_441 = vector.shape_cast %reduce_sum3A_440 : vector<1xf32> to vector<1x1xf32>
        %reduce_sum3A_442 = arith.constant dense<0.000000e+00> : vector<1xf32>
        %reduce_sum3A_443 = vector.multi_reduction <add>, %broadcast_in_dim3A_441, %reduce_sum3A_442 [1] : vector<1x1xf32> to vector<1xf32>
        %broadcast_in_dim3A_444 = vector.shape_cast %reduce_sum3A_443 : vector<1xf32> to vector<1x1xf32>
        %add3A_445 = arith.addf %while3A_363, %broadcast_in_dim3A_444 : vector<1x1xf32>
        scf.yield %max3A_433, %add3A_436, %add3A_445 : vector<1x128xf32>, vector<1x128xf32>, vector<1x1xf32>
      }
      %max3A_349 = arith.constant 1.000000e+00 : f32
      %max3A_350 = vector.broadcast %max3A_349 : f32 to vector<1x1xf32>
      %max3A_351 = arith.maximumf %while3A_348#2, %max3A_350 : vector<1x1xf32>
      %div3A_352 = vector.broadcast %max3A_351 : vector<1x1xf32> to vector<1x128xf32>
      %div3A_353 = arith.divf %while3A_348#1, %div3A_352 : vector<1x128xf32>
      %concatenate3A_354 = tpu.concatenate %while3A_348#0, %div3A_353 in 1 : vector<1x128xf32>, vector<1x128xf32> -> vector<1x256xf32>
      %reshape3A_355 = vector.shape_cast %concatenate3A_354 : vector<1x256xf32> to vector<1x1x256xf32>
      %swap3A_356 = arith.index_cast %scan3A_254 : i32 to index
      %swap3A_357 = arith.constant 0 : index
      %swap3A_358 = arith.constant 0 : index
      %swap3A_359 = vector.load %arg8[%swap3A_356, %swap3A_357, %swap3A_358] : memref<64x1x256xf32, #tpu.memory_space<vmem>>, vector<1x1x256xf32>
      tpu.vector_store %arg8[%swap3A_356, %swap3A_357, %swap3A_358], %reshape3A_355 {strides = array<i32>} : memref<64x1x256xf32, #tpu.memory_space<vmem>>, vector<1x1x256xf32>,
    }
    %scan3A_253 = arith.constant 64 : i32
    return
  }
}

</mosaic_0001>

<sc_bundles>
// kernel: kernel.12.cloned.1.call-start
scs
__scs_entry_jumppad:
0x0: {  	(pc) =	sbr.rel $0x88, $3  }
0x1: {  	(tag) =	ssettag $0x0;
	lr =	simm.s32 $0x1  }
0x2: {  	[smem:$0x3F83] =	sst lr;
	_ =	strace $0xD0000000  }
0x3: {  	_ = 	snop  }
0x4: {  	_ = 	snop  }
0x5: {  	_ = 	snop  }
0x6: {  	_ = 	snop  }
0x7: {  	_ = 	snop  }
__scs_overlays_trampoline_lowered:
0x8: {  	[smem:$0x3F92] =	sst s0  }
0x9: {  	[smem:$0x3F93] =	sst s1  }
0xa: {  	[smem:$0x3F94] =	sst s2  }
0xb: {  	[smem:$0x3F95] =	sst s3  }
0xc: {  	[smem:$0x3F96] =	sst s4  }
0xd: {  	[smem:$0x3F97] =	sst s5  }
0xe: {  	[smem:$0x3F98] =	sst s6  }
0xf: {  	[smem:$0x3F99] =	sst s7  }
0x10: {  	[smem:$0x3F9A] =	sst s8  }
0x11: {  	[smem:$0x3F9B] =	sst s9;
	s0 =	simm.s32 @!p0 $0x0  }
0x12: {  	s1 =	sld [smem:$0x3F81];
	s0 =	simm.s32 @p0 $0x1  }
0x13: {  	[smem:$0x3F9C] =	sst s0;
	s0 =	simm.s32 @!p1 $0x0  }
0x14: {  	s2 =	sld [smem:$0x3F80];
	s0 =	simm.s32 @p1 $0x1  }
0x15: {  	[smem:$0x3F9D] =	sst s0;
	s0 =	simm.s32 @!p2 $0x0  }
0x16: {  	s3 =	sld [smem:$0x3FDB];
	s0 =	simm.s32 @p2 $0x1  }
0x17: {  	s4 =	simm.s32 $0x1BF5;
	[smem:$0x3F9F] =	sst s0  }
0x18: {  	s0 =	sld [smem:$0x3F82];
	_ =	swait.ge [sflag:s4], $0x0  }
0x19: {  	s7 =	sld [smem:$0x3F83]  }
0x1a: {  	s8 =	sadd.s32 $0xFFFFE003, lr  }
0x1b: {  	s9 =	sadd.s32 $0xFFFFFEF7, lr;
	s5 =	simm.s32 $0xFFFFFFFF;
	p2 =	slt.u32 s8, $0xFFFFF086  }
0x1c: {  	p1 =	slt.u32 s9, $0xF7A;
	s5 =	simm.s32 @!p2 $0x0  }
0x1d: {  	s5 =	simm.s32 @p1 $0x1;
	p0 =	seq.s32 s7, s2  }
0x1e: {  	s7 =	smul.u32 @!p0 $0xF7A, s2;
	p2 =	seq.s32 @!p0 s5, $0x0  }
0x1f: {  	s9 =	smul.u32 $0xF7A, s1;
	s8 =	simm.s32 @!p0 $0x1BF5;
	p2 =	por !p2, p0  }
0x20: {  	[sflag:s8] =	ssyncset.s32 @!p0 $0xFFFFF086;
	s6 =	sadd.s32 @!p0 s3, s7;
	s7 =	simm.s32 @!p0 $0x108  }
0x21: {  	s3 =	sadd.s32 s3, s9;
	s6 =	sadd.s32 @!p0 $0x88, s6;
	s7 =	simm.s32 @p2 $0x1082  }
0x22: {  	[simem:s7], [sflag:s8] =	dma.local @!p0 [hbm:s6], $0xF7A  }
0x23: {  	s9 =	sor.u32 $0xD0000000, s2;
	s6 =	simm.s32 $0x108;
	_ =	swait.ge @!p0 [sflag:s8], $0x0  }
0x24: {  	s3 =	sadd.s32 $0x88, s3;
	s6 =	simm.s32 @!p1 $0x1082;
	[sflag:s4] =	ssyncset.s32 $0xFFFFF086  }
0x25: {  	[simem:s6], [sflag:s4] =	dma.local [hbm:s3], $0xF7A  }
0x26: {  	[smem:$0x3F83] =	sst s1;
	(tag) =	ssettag s2;
	_ =	strace s9  }
0x27: {  	s1 =	sld [smem:$0x3F93]  }
0x28: {  	s2 =	sld [smem:$0x3F94]  }
0x29: {  	s4 =	sld [smem:$0x3F96]  }
0x2a: {  	p0 =	seq.s32 s5, $0x0;
	s5 =	sld [smem:$0x3F97]  }
0x2b: {  	s6 =	sld [smem:$0x3F98]  }
0x2c: {  	s7 =	sld [smem:$0x3F99]  }
0x2d: {  	s3 =	simm.s32 $0x108;
	s8 =	sld [smem:$0x3F9A]  }
0x2e: {  	s3 =	simm.s32 @!p0 $0x1082;
	s9 =	sld [smem:$0x3F9B]  }
0x2f: {  	lr =	sadd.s32 s0, s3;
	s0 =	sld [smem:$0x3F92]  }
0x30: {  	s3 =	sld [smem:$0x3F95]  }
0x31: {  	[smem:$0x3F9E] =	sst s10  }
0x32: {  	s10 =	sld [smem:$0x3F9C];
	_ =	sdelay $0x3  }
0x33: {  	p0 =	seq.s32 s10, $0x1;
	s10 =	sld [smem:$0x3F9E];
	_ =	sdelay $0x3  }
0x34: {  	[smem:$0x3F9E] =	sst s10  }
0x35: {  	s10 =	sld [smem:$0x3F9D];
	_ =	sdelay $0x3  }
0x36: {  	p1 =	seq.s32 s10, $0x1;
	s10 =	sld [smem:$0x3F9E];
	_ =	sdelay $0x3  }
0x37: {  	[smem:$0x3F9E] =	sst s10  }
0x38: {  	s10 =	sld [smem:$0x3F9F]  }
0x39: {  	_ = 	snop;
	(pc) =	sbr.ind lr, $3  }
0x3a: {  	_ = 	snop  }
0x3b: {  	_ = 	snop  }
0x3c: {  	p2 =	seq.s32 s10, $0x1;
	s10 =	sld [smem:$0x3F9E]  }
0x3d: {  	_ =	shalt  }
0x3e: {  	_ =	shalt  }
0x3f: {  	_ =	shalt  }
0x40: {  	_ =	shalt  }
0x41: {  	_ =	shalt  }
0x42: {  	_ =	shalt  }
0x43: {  	_ =	shalt  }
0x44: {  	_ =	shalt  }
0x45: {  	_ =	shalt  }
0x46: {  	_ =	shalt  }
0x47: {  	_ =	shalt  }
0x48: {  	_ =	shalt  }
0x49: {  	_ =	shalt  }
0x4a: {  	_ =	shalt  }
0x4b: {  	_ =	shalt  }
0x4c: {  	_ =	shalt  }
0x4d: {  	_ =	shalt  }
0x4e: {  	_ =	shalt  }
0x4f: {  	_ =	shalt  }
0x50: {  	_ =	shalt  }
0x51: {  	_ =	shalt  }
0x52: {  	_ =	shalt  }
0x53: {  	_ =	shalt  }
0x54: {  	_ =	shalt  }
0x55: {  	_ =	shalt  }
0x56: {  	_ =	shalt  }
0x57: {  	_ =	shalt  }
0x58: {  	_ =	shalt  }
0x59: {  	_ =	shalt  }
0x5a: {  	_ =	shalt  }
0x5b: {  	_ =	shalt  }
0x5c: {  	_ =	shalt  }
0x5d: {  	_ =	shalt  }
0x5e: {  	_ =	shalt  }
0x5f: {  	_ =	shalt  }
0x60: {  	_ =	shalt  }
0x61: {  	_ =	shalt  }
0x62: {  	_ =	shalt  }
0x63: {  	_ =	shalt  }
0x64: {  	_ =	shalt  }
0x65: {  	_ =	shalt  }
0x66: {  	_ =	shalt  }
0x67: {  	_ =	shalt  }
0x68: {  	_ =	shalt  }
0x69: {  	_ =	shalt  }
0x6a: {  	_ =	shalt  }
0x6b: {  	_ =	shalt  }
0x6c: {  	_ =	shalt  }
0x6d: {  	_ =	shalt  }
0x6e: {  	_ =	shalt  }
0x6f: {  	_ =	shalt  }
0x70: {  	_ =	shalt  }
0x71: {  	_ =	shalt  }
0x72: {  	_ =	shalt  }
0x73: {  	_ =	shalt  }
0x74: {  	_ =	shalt  }
0x75: {  	_ =	shalt  }
0x76: {  	_ =	shalt  }
0x77: {  	_ =	shalt  }
0x78: {  	_ =	shalt  }
0x79: {  	_ =	shalt  }
0x7a: {  	_ =	shalt  }
0x7b: {  	_ =	shalt  }
0x7c: {  	_ =	shalt  }
0x7d: {  	_ =	shalt  }
0x7e: {  	_ =	shalt  }
0x7f: {  	_ =	shalt  }
0x80: {  	_ =	shalt  }
0x81: {  	_ =	shalt  }
0x82: {  	_ =	shalt  }
0x83: {  	_ =	shalt  }
0x84: {  	_ =	shalt  }
0x85: {  	_ =	shalt  }
0x86: {  	_ =	shalt  }
0x87: {  	_ =	shalt  }
.Lfunc_end0:
.L_simem_size_0:
called_computation_lowered:
.L_overlay_start_0:
0x88: {  	s2 =	sld [smem:$0x3FD9]  }
0x89: {  	s3 =	sld [smem:$0x3FFE];
	_ =	sdelay $0x1  }
0x8a: {  	s1 =	srdreg.scid  }
0x8b: {  	s0 =	sand.u32 $0x1, s1  }
0x8c: {  	s14 =	sshll.u32 s0, $0xA;
	s2 =	sadd.s32 s3, s2  }
0x8d: {  	s2 =	sadd.s32 s2, s14  }
0x8e: {  	[smem:$0x3FAA] =	sst s2  }
0x8f: {  	_ = 	snop  }
0x90: {  	s2 =	sld [smem:$0x3FD0];
	_ =	sdelay $0x2  }
0x91: {  	s15 =	simm.s32 $0xA;
	s4 =	simm.s32 $0x10  }
0x92: {  	[smem:s4], [sflag:s15] =	dma.local [hbm:s2], $0x1  }
0x93: {  	_ =	swait.eq [sflag:s15], $0x1  }
0x94: {  	[sflag:s15] =	ssyncset.done $0x0  }
0x95: {  	[sflag:s15] =	ssyncadd.s32 $0xFFFFFFFF  }
0x96: {  	s16 =	sld [smem:$0x13];
	(tm) =	ssettm $0x1  }
0x97: {  	s17 =	sld [smem:$0x3FFB];
	_ =	sdelay $0x3  }
0x98: {  	_ =	strace s17  }
0x99: {  	s3 =	sld [smem:$0x3FFC];
	_ =	sdelay $0x3  }
0x9a: {  	_ =	strace s3  }
0x9b: {  	s3 =	sld [smem:$0x3FFD];
	_ =	sdelay $0x3  }
0x9c: {  	_ =	strace s3  }
0x9d: {  	_ =	strace $0x8FFFFFFF  }
0x9e: {  	s18 =	sld [smem:$0x3FDB];
	_ =	sdelay $0x1  }
0x9f: {  	s19 =	simm.s32 $_scs_section_size  }
0xa0: {  	s5 =	simm.s32 $_size__tile_overlayer_lowered;
	s6 =	simm.s32 $_tile_overlayer_lowered  }
0xa1: {  	s22 =	simm.s32 $0x1BFF;
	s21 =	sshll.u32 s6, $0x1;
	s3 =	sadd.s32 s19, s18  }
0xa2: {  	s7 =	simm.s32 $0x0;
	s20 =	sshll.u32 s5, $0x1;
	s5 =	sadd.s32 s21, s3  }
0xa3: {  	[timem:s7], [sflag:s22] =	dma.local [hbm:s5], s20  }
0xa4: {  	_ =	swait.ge [sflag:s22], s20  }
0xa5: {  	s4 =	ssub.s32 $0x0, s20;
	[sflag:s22] =	ssyncset.done $0x0  }
0xa6: {  	[sflag:s22] =	ssyncadd.s32 s4;
	_ =	sdelay $0x1  }
0xa7: {  	s23 =	simm.s32 $0x1B8B  }
0xa8: {  	_ =	swait.ge [sflag:s23], $0x1  }
0xa9: {  	[sflag:s23] =	ssyncset.done $0x0  }
0xaa: {  	s25 =	simm.s32 $0x1B8E;
	s24 =	sld [smem:$0x3FFE];
	[sflag:s23] =	ssyncadd.s32 $0xFFFFFFFF  }
0xab: {  	s26 =	simm.s32 $execute0_lowered;
	[smem:$0x3FD2] =	sst s25  }
0xac: {  	s5 =	sshll.u32 s26, $0x1;
	_ =	strace $0x80000046;
	[dreg:$0x1] =	wrdreg $0xFFFFFFFF  }
0xad: {  	s28 =	simm.s32 $_size_execute0_lowered;
	s3 =	sadd.s32 s3, s5;
	[dreg:$0x0] =	wrdreg $0x0  }
0xae: {  	s5 =	sshll.u32 s28, $0x1;
	[dreg:$0x2] =	wrdreg s3  }
0xaf: {  	[dreg:$0x3] =	wrdreg s5  }
0xb0: {  	[dreg:$0x4] =	wrdreg $0xC0  }
0xb1: {  	_ =	task [dreg:s7], $0x5FFFF  }
0xb2: {  	[dreg:$0x1] =	wrdreg $0xFFFFFFFF  }
0xb3: {  	[dreg:$0x0] =	wrdreg $0x60  }
0xb4: {  	[dreg:$0x2] =	wrdreg s24  }
0xb5: {  	[dreg:$0x3] =	wrdreg s16  }
0xb6: {  	[dreg:$0x4] =	wrdreg $0x8A000  }
0xb7: {  	[dreg:$0x5] =	wrdreg $0x9  }
0xb8: {  	_ =	task.clear_ibuf [dreg:s7], $0x6FFFF;
	_ =	strace $0x90000046  }
0xb9: {  	s29 =	simm.s32 $0x9;
	_ =	strace $0x80000048  }
0xba: {  	_ =	swait.ge [sflag:s29], $0x1  }
0xbb: {  	[sflag:s29] =	ssyncadd.s32 $0xFFFFFFFF  }
0xbc: {  	_ =	strace $0x90000048  }
0xbd: {  	_ =	sfence  }
0xbe: {  	s30 =	sld [smem:$0x0];
	_ =	sdelay $0x2  }
0xbf: {  	s31 =	sshll.u32 s1, $0xD;
	s1 =	sshrl.u32 s1, $0x2  }
0xc0: {  	s3 =	sand.u32 $0x4000, s31;
	s1 =	sadd.s32 s1, s30  }
0xc1: {  	s0 =	sor.u32 s3, s0;
	s1 =	sshll.u32 s1, $0x11  }
0xc2: {  	s0 =	sor.u32 s1, s0  }
0xc3: {  	s0 =	sadd.s32 $0x8F2B, s0  }
0xc4: {  	[sflag:s0] =	ssyncadd.remote.s32 $0x1  }
0xc5: {  	_ =	sfence.sel $0xFFFF  }
0xc6: {  	[dreg:$0x0] =	wrdreg $0xFFFFFFFF;
	(pc) =	sbr.abs _section_cstart, $3  }
0xc7: {  	[dreg:$0x1] =	wrdreg $0xFFFFFFFF  }
0xc8: {  	_ =	task.clear_ibuf [dreg:s7], $0x2FFFF;
	_ =	strace $0x9FFFFFFF  }
0xc9: {  	(tm) =	ssettm $0x7FFFFFFF  }
tec
execute0_lowered:
.L_overlay_start_1:
0x0: {  	(tag) =	ssettag $0x1  }
0x1: {  	s0 =	rddreg [dreg:$0x0];
	s1 =	srdreg.scid  }
0x2: {  	s13 =	stileid.u32;
	s3 =	rddreg [dreg:$0x2]  }
0x3: {  	s4 =	simm.s32 $0x0;
	s28 =	simm.s32 $0x1;
	s29 =	simm.s32 $0x4100  }
0x4: {  	s30 =	simm.s32 $0x4180;
	s31 =	simm.s32 $0x10;
	s2 =	smul.u32 $0x290, s13  }
0x5: {  	s1 =	sand.u32 $0x1, s1;
	[smem:$0x7FF] =	sst s4;
	s20 =	smul.u32 $0x52000, s13  }
0x6: {  	s5 =	sadd.s32 $0x1AE00, s0;
	s12 =	sadd.s32 $0x11000, s0;
	s23 =	smul.u32 $0x2710, s13  }
0x7: {  	s21 =	sadd.s32 $0x7200, s0;
	s6 =	smul.u32 $0x2900, s1;
	_ =	strace $0x80000047  }
0x8: {  	s22 =	sshll.u32 s1, $0x4;
	s7 =	ssub.s32 $0x2, s1;
	s1 =	smul.u32 $0x27100, s1  }
0x9: {  	s8 =	sshrl.u32 s7, $0x1;
	s2 =	sadd.s32 s2, s6;
	s6 =	sshrl.u32 s20, $0x2  }
0xa: {  	s20 =	ssub.s32 s7, s8;
	s1 =	sadd.s32 s23, s1;
	s23 =	simm.s32 $0x4A00  }
0xb: {  	s2 =	sshll.u32 s2, $0x4;
	s6 =	sadd.s32 s6, s3;
	s20 =	smax.u32 s20, $0x1  }
0xc: {  	s26 =	sshrl.u32 s1, $0x3;
	s1 =	simm.s32 $0x4200;
	s0 =	sadd.s32 s2, s0  }
0xd: {  	s2 =	sor.u32 s13, s22;
	s7 =	sadd.s32 $0x4000, s6;
	s8 =	sadd.s32 $0x8000, s6  }
0xe: {  	s9 =	sadd.s32 $0xC000, s6;
	s10 =	sadd.s32 $0x10000, s6;
	s11 =	sadd.s32 $0x14000, s6  }
0xf: {  	s22 =	sadd.s32 s26, s12;
	s2 =	smul.u32 $0x2710, s2;
	s24 =	sadd.s32 $0x43E00, s0  }
0x10: {  	s25 =	sadd.s32 $0x44600, s0;
	s16 =	sadd.s32 $0x44E00, s0;
	s17 =	sadd.s32 $0x45600, s0  }
0x11: {  	s18 =	sadd.s32 $0x45E00, s0;
	s19 =	sadd.s32 $0x46600, s0;
	s2 =	sshrl.u32 s2, $0x3  }
0x12: {  	s0 =	simm.s32 $0x0;
	[dreg:$0x6] =	wrdreg s24;
	s2 =	sadd.s32 $0x4E0, s2  }
0x13: {  	[dreg:$0x7] =	wrdreg s25;
	s24 =	simm.s32 $0x2;
	s14 =	sadd.s32 s12, s2  }
0x14: {  	s25 =	simm.s32 $0x80;
	s2 =	sadd.s32 s21, s2;
	[dreg:$0x4] =	wrdreg s14  }
0x15: {  	s21 =	sadd.s32 s26, s21;
	s26 =	simm.s32 $0x100;
	[dreg:$0x5] =	wrdreg s2  }
.LBB2_1:
0x16: {  	s2 =	rddreg [dreg:$0x1]  }
0x17: {  	[tilespmem:s23], [sflag:$0x2] =	stream.linear.gather [hbm4b:s2+s4], $0x4000, $0x38;
	[tilespmem:$0x1D200] =	vst v63  }
0x18: {  	_ =	swait.ge [sflag:s24], $0x4000  }
0x19: {  	[sflag:s24] =	ssyncset.done $0x0  }
0x1a: {  	[sflag:s24] =	ssyncadd.s32 $0xFFFFC000  }
0x1b: {  	[spmem:s6] =	stream.linear.scatter [tilespmem:s23], [sflag:$0x2], $0x4000, $0x38;
	[tilespmem:$0x1D200] =	vst v63  }
0x1c: {  	_ =	swait.ge [sflag:s24], $0x4000  }
0x1d: {  	[sflag:s24] =	ssyncset.done $0x0  }
0x1e: {  	[sflag:s24] =	ssyncadd.s32 $0xFFFFC000  }
0x1f: {  	[spmem:s7] =	stream.linear.scatter [tilespmem:s23], [sflag:$0x2], $0x4000, $0x38;
	[tilespmem:$0x1D200] =	vst v63  }
0x20: {  	_ =	swait.ge [sflag:s24], $0x4000  }
0x21: {  	[sflag:s24] =	ssyncset.done $0x0  }
0x22: {  	[sflag:s24] =	ssyncadd.s32 $0xFFFFC000  }
0x23: {  	[spmem:s8] =	stream.linear.scatter [tilespmem:s23], [sflag:$0x2], $0x4000, $0x38;
	[tilespmem:$0x1D200] =	vst v63  }
0x24: {  	_ =	swait.ge [sflag:s24], $0x4000  }
0x25: {  	[sflag:s24] =	ssyncset.done $0x0  }
0x26: {  	[sflag:s24] =	ssyncadd.s32 $0xFFFFC000  }
0x27: {  	[spmem:s9] =	stream.linear.scatter [tilespmem:s23], [sflag:$0x2], $0x4000, $0x38;
	[tilespmem:$0x1D200] =	vst v63  }
0x28: {  	_ =	swait.ge [sflag:s24], $0x4000  }
0x29: {  	[sflag:s24] =	ssyncset.done $0x0  }
0x2a: {  	[sflag:s24] =	ssyncadd.s32 $0xFFFFC000  }
0x2b: {  	[spmem:s10] =	stream.linear.scatter [tilespmem:s23], [sflag:$0x2], $0x4000, $0x38;
	[tilespmem:$0x1D200] =	vst v63  }
0x2c: {  	_ =	swait.ge [sflag:s24], $0x4000  }
0x2d: {  	[sflag:s24] =	ssyncset.done $0x0  }
0x2e: {  	[sflag:s24] =	ssyncadd.s32 $0xFFFFC000  }
0x2f: {  	[spmem:s11] =	stream.linear.scatter [tilespmem:s23], [sflag:$0x2], $0x800, $0x38;
	[tilespmem:$0x1D200] =	vst v63  }
0x30: {  	_ =	swait.ge [sflag:s24], $0x800  }
0x31: {  	[sflag:s24] =	ssyncset.done $0x0  }
0x32: {  	[sflag:s24] =	ssyncadd.s32 $0xFFFFF800  }
0x33: {  	s14 =	sadd.s32 $0x0, s22;
	[bflag:$0x0] =	sbarrier.arrive $0xFFFF  }
0x34: {  	[tilespmem:s4], [sflag:$0x2] =	stream.linear.gather [hbm4b:s14+s4], $0x80, $0x38;
	[tilespmem:$0x1D200] =	vst v63  }
0x35: {  	_ =	swait.ge [sflag:s24], $0x80  }
0x36: {  	[sflag:s24] =	ssyncset.done $0x0  }
0x37: {  	s15 =	sadd.s32 $0x0, s21;
	[sflag:s24] =	ssyncadd.s32 $0xFFFFFF80  }
0x38: {  	[tilespmem:s25], [sflag:$0x2] =	stream.linear.gather [hbm4b:s15+s4], $0x80, $0x38;
	[tilespmem:$0x1D200] =	vst v63  }
0x39: {  	_ =	swait.ge [sflag:s24], $0x80  }
0x3a: {  	[sflag:s24] =	ssyncset.done $0x0  }
0x3b: {  	[sflag:s24] =	ssyncadd.s32 $0xFFFFFF80  }
0x3c: {  	[tilespmem:s26], [sflag:$0x1] =	stream.indirect.gather [hbm4b:s5+s25], $0x80, s4, s25, $0xb8;
	[tilespmem:$0x1D200] =	vst v63  }
0x3d: {  	_ =	swait.ge [sflag:s28], $0x4000  }
0x3e: {  	[sflag:s28] =	ssyncset.done $0x0  }
0x3f: {  	[sflag:s28] =	ssyncadd.s32 $0xFFFFC000  }
0x40: {  	[spmem:s3] =	stream.indirect.scatter.add.f32 [tilespmem:s26], [sflag:$0x2], $0x80, s25, s25, $0xb8;
	[tilespmem:$0x1D200] =	vst v63  }
0x41: {  	_ =	swait.ge [sflag:s24], $0x4000  }
0x42: {  	s12 =	simm.s32 $0x20;
	s2 =	simm.s32 $0x10;
	[sflag:s24] =	ssyncset.done $0x0  }
.LBB2_2:
0x43: {  	s13 =	sadd.s32 s2, s22  }
0x44: {  	[sflag:s24] =	ssyncadd.s32 $0xFFFFC000;
	s14 =	smov.u32 s12;
	s15 =	sadd.s32 $0x10, s12  }
0x45: {  	[tilespmem:s4], [sflag:$0x2] =	stream.linear.gather [hbm4b:s13+s4], $0x80, $0x38;
	[tilespmem:$0x1D200] =	vst v63  }
0x46: {  	p0 =	sne.s32 s12, $0x4D0;
	_ =	swait.ge [sflag:s24], $0x80  }
0x47: {  	[sflag:s24] =	ssyncset.done $0x0  }
0x48: {  	s12 =	sadd.s32 s2, s21;
	s2 =	smov.u32 s14;
	[sflag:s24] =	ssyncadd.s32 $0xFFFFFF80  }
0x49: {  	[tilespmem:s25], [sflag:$0x2] =	stream.linear.gather [hbm4b:s12+s4], $0x80, $0x38;
	[tilespmem:$0x1D200] =	vst v63  }
0x4a: {  	_ =	swait.ge [sflag:s24], $0x80  }
0x4b: {  	[sflag:s24] =	ssyncset.done $0x0  }
0x4c: {  	[sflag:s24] =	ssyncadd.s32 $0xFFFFFF80  }
0x4d: {  	[tilespmem:s26], [sflag:$0x1] =	stream.indirect.gather [hbm4b:s5+s25], $0x80, s4, s25, $0xb8;
	[tilespmem:$0x1D200] =	vst v63  }
0x4e: {  	_ =	swait.ge [sflag:s28], $0x4000  }
.Ltmp0:
0x4f: {  	[sflag:s28] =	ssyncset.done $0x0;
	(pc) =	sbr.rel @p0 .LBB2_2-.Ltmp0, $4  }
0x50: {  	[sflag:s28] =	ssyncadd.s32 $0xFFFFC000  }
0x51: {  	[spmem:s3] =	stream.indirect.scatter.add.f32 [tilespmem:s26], [sflag:$0x2], $0x80, s25, s25, $0xb8;
	[tilespmem:$0x1D200] =	vst v63  }
0x52: {  	_ =	swait.ge [sflag:s24], $0x4000  }
0x53: {  	s12 =	smov.u32 s15;
	[sflag:s24] =	ssyncset.done $0x0  }
0x54: {  	s12 =	sadd.s32 s2, s22;
	[sflag:s24] =	ssyncadd.s32 $0xFFFFC000  }
0x55: {  	[tilespmem:s4], [sflag:$0x2] =	stream.linear.gather [hbm4b:s12+s4], $0x80, $0x38;
	[tilespmem:$0x1D200] =	vst v63  }
0x56: {  	_ =	swait.ge [sflag:s24], $0x80  }
0x57: {  	[sflag:s24] =	ssyncset.done $0x0  }
0x58: {  	s15 =	sadd.s32 s2, s21;
	[sflag:s24] =	ssyncadd.s32 $0xFFFFFF80  }
0x59: {  	[tilespmem:s25], [sflag:$0x2] =	stream.linear.gather [hbm4b:s15+s4], $0x80, $0x38;
	[tilespmem:$0x1D200] =	vst v63  }
0x5a: {  	_ =	swait.ge [sflag:s24], $0x80  }
0x5b: {  	[sflag:s24] =	ssyncset.done $0x0  }
0x5c: {  	[sflag:s24] =	ssyncadd.s32 $0xFFFFFF80  }
0x5d: {  	[tilespmem:s26], [sflag:$0x1] =	stream.indirect.gather [hbm4b:s5+s25], $0x80, s4, s25, $0xb8;
	[tilespmem:$0x1D200] =	vst v63  }
0x5e: {  	_ =	swait.ge [sflag:s28], $0x4000  }
0x5f: {  	[sflag:s28] =	ssyncset.done $0x0  }
0x60: {  	[sflag:s28] =	ssyncadd.s32 $0xFFFFC000  }
0x61: {  	[spmem:s3] =	stream.indirect.scatter.add.f32 [tilespmem:s26], [sflag:$0x2], $0x80, s25, s25, $0xb8;
	[tilespmem:$0x1D200] =	vst v63  }
0x62: {  	_ =	swait.ge [sflag:s24], $0x4000  }
0x63: {  	[sflag:s24] =	ssyncset.done $0x0  }
0x64: {  	s12 =	rddreg [dreg:$0x4];
	[sflag:s24] =	ssyncadd.s32 $0xFFFFC000  }
0x65: {  	[tilespmem:s29], [sflag:$0x2] =	stream.linear.gather [hbm4b:s12+s4], $0x10, $0x38;
	[tilespmem:$0x1D200] =	vst v63  }
0x66: {  	_ =	swait.ge [sflag:s24], $0x10  }
0x67: {  	[sflag:s24] =	ssyncset.done $0x0  }
0x68: {  	s13 =	rddreg [dreg:$0x5];
	[sflag:s24] =	ssyncadd.s32 $0xFFFFFFF0  }
0x69: {  	[tilespmem:s30], [sflag:$0x2] =	stream.linear.gather [hbm4b:s13+s4], $0x10, $0x38;
	[tilespmem:$0x1D200] =	vst v63  }
0x6a: {  	_ =	swait.ge [sflag:s24], $0x10  }
0x6b: {  	[sflag:s24] =	ssyncset.done $0x0  }
0x6c: {  	[sflag:s24] =	ssyncadd.s32 $0xFFFFFFF0  }
0x6d: {  	[tilespmem:s1], [sflag:$0x1] =	stream.indirect.gather [hbm4b:s5+s31], $0x80, s29, s31, $0xb8;
	[tilespmem:$0x1D200] =	vst v63  }
0x6e: {  	_ =	swait.ge [sflag:s28], $0x800  }
0x6f: {  	[sflag:s28] =	ssyncset.done $0x0  }
0x70: {  	[sflag:s28] =	ssyncadd.s32 $0xFFFFF800  }
0x71: {  	[spmem:s3] =	stream.indirect.scatter.add.f32 [tilespmem:s1], [sflag:$0x2], $0x80, s30, s31, $0xb8;
	[tilespmem:$0x1D200] =	vst v63  }
0x72: {  	_ =	swait.ge [sflag:s24], $0x800  }
0x73: {  	[sflag:s24] =	ssyncset.done $0x0  }
0x74: {  	[sflag:s24] =	ssyncadd.s32 $0xFFFFF800  }
0x75: {  	[bflag:$0x0] =	sbarrier.arrive $0xFFFF  }
0x76: {  	[tilespmem:s23], [sflag:$0x2] =	stream.linear.gather [spmem:s6], $0x4000, $0x38;
	[tilespmem:$0x1D200] =	vst v63  }
0x77: {  	_ =	swait.ge [sflag:s24], $0x4000  }
0x78: {  	[sflag:s24] =	ssyncset.done $0x0  }
0x79: {  	s14 =	rddreg [dreg:$0x6];
	[sflag:s24] =	ssyncadd.s32 $0xFFFFC000  }
0x7a: {  	[hbm4b:s14+s4] =	stream.linear.scatter [tilespmem:s23], [sflag:$0x2], $0x4000, $0x38;
	[tilespmem:$0x1D200] =	vst v63  }
0x7b: {  	_ =	swait.ge [sflag:s24], $0x4000  }
0x7c: {  	[sflag:s24] =	ssyncset.done $0x0  }
0x7d: {  	[sflag:s24] =	ssyncadd.s32 $0xFFFFC000  }
0x7e: {  	[tilespmem:s23], [sflag:$0x2] =	stream.linear.gather [spmem:s7], $0x4000, $0x38;
	[tilespmem:$0x1D200] =	vst v63  }
0x7f: {  	_ =	swait.ge [sflag:s24], $0x4000  }
0x80: {  	[sflag:s24] =	ssyncset.done $0x0  }
0x81: {  	s15 =	rddreg [dreg:$0x7];
	[sflag:s24] =	ssyncadd.s32 $0xFFFFC000  }
0x82: {  	[hbm4b:s15+s4] =	stream.linear.scatter [tilespmem:s23], [sflag:$0x2], $0x4000, $0x38;
	[tilespmem:$0x1D200] =	vst v63  }
0x83: {  	_ =	swait.ge [sflag:s24], $0x4000  }
0x84: {  	[sflag:s24] =	ssyncset.done $0x0  }
0x85: {  	[sflag:s24] =	ssyncadd.s32 $0xFFFFC000  }
0x86: {  	[tilespmem:s23], [sflag:$0x2] =	stream.linear.gather [spmem:s8], $0x4000, $0x38;
	[tilespmem:$0x1D200] =	vst v63  }
0x87: {  	_ =	swait.ge [sflag:s24], $0x4000  }
0x88: {  	[sflag:s24] =	ssyncset.done $0x0  }
0x89: {  	[sflag:s24] =	ssyncadd.s32 $0xFFFFC000  }
0x8a: {  	[hbm4b:s16+s4] =	stream.linear.scatter [tilespmem:s23], [sflag:$0x2], $0x4000, $0x38;
	[tilespmem:$0x1D200] =	vst v63  }
0x8b: {  	_ =	swait.ge [sflag:s24], $0x4000  }
0x8c: {  	[sflag:s24] =	ssyncset.done $0x0  }
0x8d: {  	[sflag:s24] =	ssyncadd.s32 $0xFFFFC000  }
0x8e: {  	[tilespmem:s23], [sflag:$0x2] =	stream.linear.gather [spmem:s9], $0x4000, $0x38;
	[tilespmem:$0x1D200] =	vst v63  }
0x8f: {  	_ =	swait.ge [sflag:s24], $0x4000  }
0x90: {  	[sflag:s24] =	ssyncset.done $0x0  }
0x91: {  	[sflag:s24] =	ssyncadd.s32 $0xFFFFC000  }
0x92: {  	[hbm4b:s17+s4] =	stream.linear.scatter [tilespmem:s23], [sflag:$0x2], $0x4000, $0x38;
	[tilespmem:$0x1D200] =	vst v63  }
0x93: {  	_ =	swait.ge [sflag:s24], $0x4000  }
0x94: {  	[sflag:s24] =	ssyncset.done $0x0  }
0x95: {  	[sflag:s24] =	ssyncadd.s32 $0xFFFFC000  }
0x96: {  	[tilespmem:s23], [sflag:$0x2] =	stream.linear.gather [spmem:s10], $0x4000, $0x38;
	[tilespmem:$0x1D200] =	vst v63  }
0x97: {  	_ =	swait.ge [sflag:s24], $0x4000  }
0x98: {  	[sflag:s24] =	ssyncset.done $0x0  }
0x99: {  	[sflag:s24] =	ssyncadd.s32 $0xFFFFC000  }
0x9a: {  	[hbm4b:s18+s4] =	stream.linear.scatter [tilespmem:s23], [sflag:$0x2], $0x4000, $0x38;
	[tilespmem:$0x1D200] =	vst v63  }
0x9b: {  	_ =	swait.ge [sflag:s24], $0x4000  }
0x9c: {  	[sflag:s24] =	ssyncset.done $0x0  }
0x9d: {  	[sflag:s24] =	ssyncadd.s32 $0xFFFFC000  }
0x9e: {  	[tilespmem:s23], [sflag:$0x2] =	stream.linear.gather [spmem:s11], $0x800, $0x38;
	[tilespmem:$0x1D200] =	vst v63  }
0x9f: {  	s0 =	sadd.s32 $0x1, s0;
	_ =	swait.ge [sflag:s24], $0x800  }
0xa0: {  	p0 =	sne.s32 s0, s20;
	[sflag:s24] =	ssyncset.done $0x0  }
.Ltmp1:
0xa1: {  	[sflag:s24] =	ssyncadd.s32 $0xFFFFF800;
	(pc) =	sbr.rel @p0 .LBB2_1-.Ltmp1, $4  }
0xa2: {  	[hbm4b:s19+s4] =	stream.linear.scatter [tilespmem:s23], [sflag:$0x2], $0x800, $0x38;
	[tilespmem:$0x1D200] =	vst v63  }
0xa3: {  	_ =	swait.ge [sflag:s24], $0x800  }
0xa4: {  	[sflag:s24] =	ssyncset.done $0x0  }
0xa5: {  	[sflag:s24] =	ssyncadd.s32 $0xFFFFF800  }
0xa6: {  	_ =	sfence.sel $0x180000  }
0xa7: {  	[bflag:$0x0] =	sbarrier.arrive $0xFFFF  }
0xa8: {  	_ =	strace $0x90000047  }
0xa9: {  	s0 =	stileid.u32;
	[bflag:$0x2] =	sbarrier.arrive $0xFFFF  }
0xaa: {  	p0 =	sne.s32 s0, $0x0;
	s0 =	rddreg [dreg:$0x3]  }
0xab: {  	s0 =	sadd.s32 @!p0 $0x100000, s0  }
0xac: {  	[sflag:s0] =	ssyncadd.tile.s32 @!p0 $0x1;
	_ =	shalt  }
.Lfunc_end2:
_tile_overlayer_lowered:
.L_overlay_start_2:
0xad: {  	(tag) =	ssettag $0x2  }
0xae: {  	s0 =	rddreg [dreg:$0x0];
	s2 =	stileid.u32  }
0xaf: {  	s1 =	rddreg [dreg:$0x1];
	p0 =	sne.s32 s2, $0x0  }
0xb0: {  	s3 =	rddreg [dreg:$0x2];
	[bflag:$0x3] =	sbarrier.arrive $0xFFFF;
	s2 =	simm.s32 @!p0 $0x1C02  }
0xb1: {  	[timem:s3], [sflag:s2] =	dma.local @!p0 [hbm:s0], s1  }
0xb2: {  	s0 =	simm.s32 @!p0 $0x2  }
0xb3: {  	_ =	swait.ge @!p0 [sflag:s0], s1  }
0xb4: {  	s1 =	ssub.s32 @!p0 $0x0, s1;
	[sflag:s0] =	ssyncset.done @!p0 $0x0  }
0xb5: {  	[sflag:s0] =	ssyncadd.s32 @!p0 s1  }
0xb6: {  	[bflag:$0x3] =	sbarrier.arrive $0xFFFF  }
0xb7: {  	_ =	shalt  }

// kernel: kernel.15.cloned.1.call-start
scs
__scs_entry_jumppad:
0x0: {  	(pc) =	sbr.rel $0x88, $3  }
0x1: {  	(tag) =	ssettag $0x0;
	lr =	simm.s32 $0x1  }
0x2: {  	[smem:$0x3F83] =	sst lr;
	_ =	strace $0xD0000000  }
0x3: {  	_ = 	snop  }
0x4: {  	_ = 	snop  }
0x5: {  	_ = 	snop  }
0x6: {  	_ = 	snop  }
0x7: {  	_ = 	snop  }
__scs_overlays_trampoline_lowered:
0x8: {  	[smem:$0x3F92] =	sst s0  }
0x9: {  	[smem:$0x3F93] =	sst s1  }
0xa: {  	[smem:$0x3F94] =	sst s2  }
0xb: {  	[smem:$0x3F95] =	sst s3  }
0xc: {  	[smem:$0x3F96] =	sst s4  }
0xd: {  	[smem:$0x3F97] =	sst s5  }
0xe: {  	[smem:$0x3F98] =	sst s6  }
0xf: {  	[smem:$0x3F99] =	sst s7  }
0x10: {  	[smem:$0x3F9A] =	sst s8  }
0x11: {  	[smem:$0x3F9B] =	sst s9;
	s0 =	simm.s32 @!p0 $0x0  }
0x12: {  	s1 =	sld [smem:$0x3F81];
	s0 =	simm.s32 @p0 $0x1  }
0x13: {  	[smem:$0x3F9C] =	sst s0;
	s0 =	simm.s32 @!p1 $0x0  }
0x14: {  	s2 =	sld [smem:$0x3F80];
	s0 =	simm.s32 @p1 $0x1  }
0x15: {  	[smem:$0x3F9D] =	sst s0;
	s0 =	simm.s32 @!p2 $0x0  }
0x16: {  	s3 =	sld [smem:$0x3FDB];
	s0 =	simm.s32 @p2 $0x1  }
0x17: {  	s4 =	simm.s32 $0x1BF5;
	[smem:$0x3F9F] =	sst s0  }
0x18: {  	s0 =	sld [smem:$0x3F82];
	_ =	swait.ge [sflag:s4], $0x0  }
0x19: {  	s7 =	sld [smem:$0x3F83]  }
0x1a: {  	s8 =	sadd.s32 $0xFFFFE003, lr  }
0x1b: {  	s9 =	sadd.s32 $0xFFFFFEF7, lr;
	s5 =	simm.s32 $0xFFFFFFFF;
	p2 =	slt.u32 s8, $0xFFFFF086  }
0x1c: {  	p1 =	slt.u32 s9, $0xF7A;
	s5 =	simm.s32 @!p2 $0x0  }
0x1d: {  	s5 =	simm.s32 @p1 $0x1;
	p0 =	seq.s32 s7, s2  }
0x1e: {  	s7 =	smul.u32 @!p0 $0xF7A, s2;
	p2 =	seq.s32 @!p0 s5, $0x0  }
0x1f: {  	s9 =	smul.u32 $0xF7A, s1;
	s8 =	simm.s32 @!p0 $0x1BF5;
	p2 =	por !p2, p0  }
0x20: {  	[sflag:s8] =	ssyncset.s32 @!p0 $0xFFFFF086;
	s6 =	sadd.s32 @!p0 s3, s7;
	s7 =	simm.s32 @!p0 $0x108  }
0x21: {  	s3 =	sadd.s32 s3, s9;
	s6 =	sadd.s32 @!p0 $0x88, s6;
	s7 =	simm.s32 @p2 $0x1082  }
0x22: {  	[simem:s7], [sflag:s8] =	dma.local @!p0 [hbm:s6], $0xF7A  }
0x23: {  	s9 =	sor.u32 $0xD0000000, s2;
	s6 =	simm.s32 $0x108;
	_ =	swait.ge @!p0 [sflag:s8], $0x0  }
0x24: {  	s3 =	sadd.s32 $0x88, s3;
	s6 =	simm.s32 @!p1 $0x1082;
	[sflag:s4] =	ssyncset.s32 $0xFFFFF086  }
0x25: {  	[simem:s6], [sflag:s4] =	dma.local [hbm:s3], $0xF7A  }
0x26: {  	[smem:$0x3F83] =	sst s1;
	(tag) =	ssettag s2;
	_ =	strace s9  }
0x27: {  	s1 =	sld [smem:$0x3F93]  }
0x28: {  	s2 =	sld [smem:$0x3F94]  }
0x29: {  	s4 =	sld [smem:$0x3F96]  }
0x2a: {  	p0 =	seq.s32 s5, $0x0;
	s5 =	sld [smem:$0x3F97]  }
0x2b: {  	s6 =	sld [smem:$0x3F98]  }
0x2c: {  	s7 =	sld [smem:$0x3F99]  }
0x2d: {  	s3 =	simm.s32 $0x108;
	s8 =	sld [smem:$0x3F9A]  }
0x2e: {  	s3 =	simm.s32 @!p0 $0x1082;
	s9 =	sld [smem:$0x3F9B]  }
0x2f: {  	lr =	sadd.s32 s0, s3;
	s0 =	sld [smem:$0x3F92]  }
0x30: {  	s3 =	sld [smem:$0x3F95]  }
0x31: {  	[smem:$0x3F9E] =	sst s10  }
0x32: {  	s10 =	sld [smem:$0x3F9C];
	_ =	sdelay $0x3  }
0x33: {  	p0 =	seq.s32 s10, $0x1;
	s10 =	sld [smem:$0x3F9E];
	_ =	sdelay $0x3  }
0x34: {  	[smem:$0x3F9E] =	sst s10  }
0x35: {  	s10 =	sld [smem:$0x3F9D];
	_ =	sdelay $0x3  }
0x36: {  	p1 =	seq.s32 s10, $0x1;
	s10 =	sld [smem:$0x3F9E];
	_ =	sdelay $0x3  }
0x37: {  	[smem:$0x3F9E] =	sst s10  }
0x38: {  	s10 =	sld [smem:$0x3F9F]  }
0x39: {  	_ = 	snop;
	(pc) =	sbr.ind lr, $3  }
0x3a: {  	_ = 	snop  }
0x3b: {  	_ = 	snop  }
0x3c: {  	p2 =	seq.s32 s10, $0x1;
	s10 =	sld [smem:$0x3F9E]  }
0x3d: {  	_ =	shalt  }
0x3e: {  	_ =	shalt  }
0x3f: {  	_ =	shalt  }
0x40: {  	_ =	shalt  }
0x41: {  	_ =	shalt  }
0x42: {  	_ =	shalt  }
0x43: {  	_ =	shalt  }
0x44: {  	_ =	shalt  }
0x45: {  	_ =	shalt  }
0x46: {  	_ =	shalt  }
0x47: {  	_ =	shalt  }
0x48: {  	_ =	shalt  }
0x49: {  	_ =	shalt  }
0x4a: {  	_ =	shalt  }
0x4b: {  	_ =	shalt  }
0x4c: {  	_ =	shalt  }
0x4d: {  	_ =	shalt  }
0x4e: {  	_ =	shalt  }
0x4f: {  	_ =	shalt  }
0x50: {  	_ =	shalt  }
0x51: {  	_ =	shalt  }
0x52: {  	_ =	shalt  }
0x53: {  	_ =	shalt  }
0x54: {  	_ =	shalt  }
0x55: {  	_ =	shalt  }
0x56: {  	_ =	shalt  }
0x57: {  	_ =	shalt  }
0x58: {  	_ =	shalt  }
0x59: {  	_ =	shalt  }
0x5a: {  	_ =	shalt  }
0x5b: {  	_ =	shalt  }
0x5c: {  	_ =	shalt  }
0x5d: {  	_ =	shalt  }
0x5e: {  	_ =	shalt  }
0x5f: {  	_ =	shalt  }
0x60: {  	_ =	shalt  }
0x61: {  	_ =	shalt  }
0x62: {  	_ =	shalt  }
0x63: {  	_ =	shalt  }
0x64: {  	_ =	shalt  }
0x65: {  	_ =	shalt  }
0x66: {  	_ =	shalt  }
0x67: {  	_ =	shalt  }
0x68: {  	_ =	shalt  }
0x69: {  	_ =	shalt  }
0x6a: {  	_ =	shalt  }
0x6b: {  	_ =	shalt  }
0x6c: {  	_ =	shalt  }
0x6d: {  	_ =	shalt  }
0x6e: {  	_ =	shalt  }
0x6f: {  	_ =	shalt  }
0x70: {  	_ =	shalt  }
0x71: {  	_ =	shalt  }
0x72: {  	_ =	shalt  }
0x73: {  	_ =	shalt  }
0x74: {  	_ =	shalt  }
0x75: {  	_ =	shalt  }
0x76: {  	_ =	shalt  }
0x77: {  	_ =	shalt  }
0x78: {  	_ =	shalt  }
0x79: {  	_ =	shalt  }
0x7a: {  	_ =	shalt  }
0x7b: {  	_ =	shalt  }
0x7c: {  	_ =	shalt  }
0x7d: {  	_ =	shalt  }
0x7e: {  	_ =	shalt  }
0x7f: {  	_ =	shalt  }
0x80: {  	_ =	shalt  }
0x81: {  	_ =	shalt  }
0x82: {  	_ =	shalt  }
0x83: {  	_ =	shalt  }
0x84: {  	_ =	shalt  }
0x85: {  	_ =	shalt  }
0x86: {  	_ =	shalt  }
0x87: {  	_ =	shalt  }
.Lfunc_end0:
.L_simem_size_0:
called_computation.1_lowered:
.L_overlay_start_0:
0x88: {  	s2 =	sld [smem:$0x3FD9]  }
0x89: {  	s3 =	sld [smem:$0x3FFE];
	_ =	sdelay $0x1  }
0x8a: {  	s1 =	srdreg.scid  }
0x8b: {  	s0 =	sand.u32 $0x1, s1  }
0x8c: {  	s14 =	sshll.u32 s0, $0xA;
	s2 =	sadd.s32 s3, s2  }
0x8d: {  	s2 =	sadd.s32 s2, s14  }
0x8e: {  	[smem:$0x3FAA] =	sst s2  }
0x8f: {  	_ = 	snop  }
0x90: {  	s2 =	sld [smem:$0x3FD0];
	_ =	sdelay $0x2  }
0x91: {  	s15 =	simm.s32 $0xA;
	s4 =	simm.s32 $0x10  }
0x92: {  	[smem:s4], [sflag:s15] =	dma.local [hbm:s2], $0x1  }
0x93: {  	_ =	swait.eq [sflag:s15], $0x1  }
0x94: {  	[sflag:s15] =	ssyncset.done $0x0  }
0x95: {  	[sflag:s15] =	ssyncadd.s32 $0xFFFFFFFF  }
0x96: {  	s16 =	sld [smem:$0x13];
	(tm) =	ssettm $0x1  }
0x97: {  	s17 =	sld [smem:$0x3FFB];
	_ =	sdelay $0x3  }
0x98: {  	_ =	strace s17  }
0x99: {  	s3 =	sld [smem:$0x3FFC];
	_ =	sdelay $0x3  }
0x9a: {  	_ =	strace s3  }
0x9b: {  	s3 =	sld [smem:$0x3FFD];
	_ =	sdelay $0x3  }
0x9c: {  	_ =	strace s3  }
0x9d: {  	_ =	strace $0x8FFFFFFF  }
0x9e: {  	s18 =	sld [smem:$0x3FDB];
	_ =	sdelay $0x1  }
0x9f: {  	s19 =	simm.s32 $_scs_section_size  }
0xa0: {  	s5 =	simm.s32 $_size__tile_overlayer_lowered;
	s6 =	simm.s32 $_tile_overlayer_lowered  }
0xa1: {  	s22 =	simm.s32 $0x1BFF;
	s21 =	sshll.u32 s6, $0x1;
	s3 =	sadd.s32 s19, s18  }
0xa2: {  	s7 =	simm.s32 $0x0;
	s20 =	sshll.u32 s5, $0x1;
	s5 =	sadd.s32 s21, s3  }
0xa3: {  	[timem:s7], [sflag:s22] =	dma.local [hbm:s5], s20  }
0xa4: {  	_ =	swait.ge [sflag:s22], s20  }
0xa5: {  	s4 =	ssub.s32 $0x0, s20;
	[sflag:s22] =	ssyncset.done $0x0  }
0xa6: {  	[sflag:s22] =	ssyncadd.s32 s4;
	_ =	sdelay $0x1  }
0xa7: {  	s23 =	simm.s32 $0x1B8B  }
0xa8: {  	_ =	swait.ge [sflag:s23], $0x1  }
0xa9: {  	[sflag:s23] =	ssyncset.done $0x0  }
0xaa: {  	s25 =	simm.s32 $0x1B8E;
	s24 =	sld [smem:$0x3FFE];
	[sflag:s23] =	ssyncadd.s32 $0xFFFFFFFF  }
0xab: {  	s26 =	simm.s32 $execute0_lowered;
	[smem:$0x3FD2] =	sst s25  }
0xac: {  	s5 =	sshll.u32 s26, $0x1;
	_ =	strace $0x80000049;
	[dreg:$0x1] =	wrdreg $0xFFFFFFFF  }
0xad: {  	s28 =	simm.s32 $_size_execute0_lowered;
	s3 =	sadd.s32 s3, s5;
	[dreg:$0x0] =	wrdreg $0x0  }
0xae: {  	s5 =	sshll.u32 s28, $0x1;
	[dreg:$0x2] =	wrdreg s3  }
0xaf: {  	[dreg:$0x3] =	wrdreg s5  }
0xb0: {  	[dreg:$0x4] =	wrdreg $0xC0  }
0xb1: {  	_ =	task [dreg:s7], $0x5FFFF  }
0xb2: {  	[dreg:$0x1] =	wrdreg $0xFFFFFFFF  }
0xb3: {  	[dreg:$0x0] =	wrdreg $0x60  }
0xb4: {  	[dreg:$0x2] =	wrdreg s24  }
0xb5: {  	[dreg:$0x3] =	wrdreg s16  }
0xb6: {  	[dreg:$0x4] =	wrdreg $0x8A000  }
0xb7: {  	[dreg:$0x5] =	wrdreg $0x9  }
0xb8: {  	_ =	task.clear_ibuf [dreg:s7], $0x6FFFF;
	_ =	strace $0x90000049  }
0xb9: {  	s29 =	simm.s32 $0x9;
	_ =	strace $0x8000004B  }
0xba: {  	_ =	swait.ge [sflag:s29], $0x1  }
0xbb: {  	[sflag:s29] =	ssyncadd.s32 $0xFFFFFFFF  }
0xbc: {  	_ =	strace $0x9000004B  }
0xbd: {  	_ =	sfence  }
0xbe: {  	s30 =	sld [smem:$0x0];
	_ =	sdelay $0x2  }
0xbf: {  	s31 =	sshll.u32 s1, $0xD;
	s1 =	sshrl.u32 s1, $0x2  }
0xc0: {  	s3 =	sand.u32 $0x4000, s31;
	s1 =	sadd.s32 s1, s30  }
0xc1: {  	s0 =	sor.u32 s3, s0;
	s1 =	sshll.u32 s1, $0x11  }
0xc2: {  	s0 =	sor.u32 s1, s0  }
0xc3: {  	s0 =	sadd.s32 $0x8F2B, s0  }
0xc4: {  	[sflag:s0] =	ssyncadd.remote.s32 $0x1  }
0xc5: {  	_ =	sfence.sel $0xFFFF  }
0xc6: {  	[dreg:$0x0] =	wrdreg $0xFFFFFFFF;
	(pc) =	sbr.abs _section_cstart, $3  }
0xc7: {  	[dreg:$0x1] =	wrdreg $0xFFFFFFFF  }
0xc8: {  	_ =	task.clear_ibuf [dreg:s7], $0x2FFFF;
	_ =	strace $0x9FFFFFFF  }
0xc9: {  	(tm) =	ssettm $0x7FFFFFFF  }
tec
execute0_lowered:
.L_overlay_start_1:
0x0: {  	(tag) =	ssettag $0x1  }
0x1: {  	s0 =	rddreg [dreg:$0x0];
	s1 =	srdreg.scid  }
0x2: {  	s13 =	stileid.u32;
	s3 =	rddreg [dreg:$0x2]  }
0x3: {  	s4 =	simm.s32 $0x0;
	s28 =	simm.s32 $0x1;
	s29 =	simm.s32 $0x4100  }
0x4: {  	s30 =	simm.s32 $0x4180;
	s31 =	simm.s32 $0x10;
	s2 =	smul.u32 $0x290, s13  }
0x5: {  	s1 =	sand.u32 $0x1, s1;
	[smem:$0x7FF] =	sst s4;
	s20 =	smul.u32 $0x52000, s13  }
0x6: {  	s5 =	sadd.s32 $0x1AE00, s0;
	s12 =	sadd.s32 $0x11000, s0;
	s23 =	smul.u32 $0x2710, s13  }
0x7: {  	s21 =	sadd.s32 $0x7200, s0;
	s6 =	smul.u32 $0x2900, s1;
	_ =	strace $0x8000004A  }
0x8: {  	s22 =	sshll.u32 s1, $0x4;
	s7 =	ssub.s32 $0x2, s1;
	s1 =	smul.u32 $0x27100, s1  }
0x9: {  	s8 =	sshrl.u32 s7, $0x1;
	s2 =	sadd.s32 s2, s6;
	s6 =	sshrl.u32 s20, $0x2  }
0xa: {  	s20 =	ssub.s32 s7, s8;
	s1 =	sadd.s32 s23, s1;
	s23 =	simm.s32 $0x4A00  }
0xb: {  	s2 =	sshll.u32 s2, $0x4;
	s6 =	sadd.s32 s6, s3;
	s20 =	smax.u32 s20, $0x1  }
0xc: {  	s26 =	sshrl.u32 s1, $0x3;
	s1 =	simm.s32 $0x4200;
	s0 =	sadd.s32 s2, s0  }
0xd: {  	s2 =	sor.u32 s13, s22;
	s7 =	sadd.s32 $0x4000, s6;
	s8 =	sadd.s32 $0x8000, s6  }
0xe: {  	s9 =	sadd.s32 $0xC000, s6;
	s10 =	sadd.s32 $0x10000, s6;
	s11 =	sadd.s32 $0x14000, s6  }
0xf: {  	s22 =	sadd.s32 s26, s12;
	s2 =	smul.u32 $0x2710, s2;
	s24 =	sadd.s32 $0x6CE00, s0  }
0x10: {  	s25 =	sadd.s32 $0x6D600, s0;
	s16 =	sadd.s32 $0x6DE00, s0;
	s17 =	sadd.s32 $0x6E600, s0  }
0x11: {  	s18 =	sadd.s32 $0x6EE00, s0;
	s19 =	sadd.s32 $0x6F600, s0;
	s2 =	sshrl.u32 s2, $0x3  }
0x12: {  	s0 =	simm.s32 $0x0;
	[dreg:$0x6] =	wrdreg s24;
	s2 =	sadd.s32 $0x4E0, s2  }
0x13: {  	[dreg:$0x7] =	wrdreg s25;
	s24 =	simm.s32 $0x2;
	s14 =	sadd.s32 s12, s2  }
0x14: {  	s25 =	simm.s32 $0x80;
	s2 =	sadd.s32 s21, s2;
	[dreg:$0x4] =	wrdreg s14  }
0x15: {  	s21 =	sadd.s32 s26, s21;
	s26 =	simm.s32 $0x100;
	[dreg:$0x5] =	wrdreg s2  }
.LBB2_1:
0x16: {  	s2 =	rddreg [dreg:$0x1]  }
0x17: {  	[tilespmem:s23], [sflag:$0x2] =	stream.linear.gather [hbm4b:s2+s4], $0x4000, $0x38;
	[tilespmem:$0x1D200] =	vst v63  }
0x18: {  	_ =	swait.ge [sflag:s24], $0x4000  }
0x19: {  	[sflag:s24] =	ssyncset.done $0x0  }
0x1a: {  	[sflag:s24] =	ssyncadd.s32 $0xFFFFC000  }
0x1b: {  	[spmem:s6] =	stream.linear.scatter [tilespmem:s23], [sflag:$0x2], $0x4000, $0x38;
	[tilespmem:$0x1D200] =	vst v63  }
0x1c: {  	_ =	swait.ge [sflag:s24], $0x4000  }
0x1d: {  	[sflag:s24] =	ssyncset.done $0x0  }
0x1e: {  	[sflag:s24] =	ssyncadd.s32 $0xFFFFC000  }
0x1f: {  	[spmem:s7] =	stream.linear.scatter [tilespmem:s23], [sflag:$0x2], $0x4000, $0x38;
	[tilespmem:$0x1D200] =	vst v63  }
0x20: {  	_ =	swait.ge [sflag:s24], $0x4000  }
0x21: {  	[sflag:s24] =	ssyncset.done $0x0  }
0x22: {  	[sflag:s24] =	ssyncadd.s32 $0xFFFFC000  }
0x23: {  	[spmem:s8] =	stream.linear.scatter [tilespmem:s23], [sflag:$0x2], $0x4000, $0x38;
	[tilespmem:$0x1D200] =	vst v63  }
0x24: {  	_ =	swait.ge [sflag:s24], $0x4000  }
0x25: {  	[sflag:s24] =	ssyncset.done $0x0  }
0x26: {  	[sflag:s24] =	ssyncadd.s32 $0xFFFFC000  }
0x27: {  	[spmem:s9] =	stream.linear.scatter [tilespmem:s23], [sflag:$0x2], $0x4000, $0x38;
	[tilespmem:$0x1D200] =	vst v63  }
0x28: {  	_ =	swait.ge [sflag:s24], $0x4000  }
0x29: {  	[sflag:s24] =	ssyncset.done $0x0  }
0x2a: {  	[sflag:s24] =	ssyncadd.s32 $0xFFFFC000  }
0x2b: {  	[spmem:s10] =	stream.linear.scatter [tilespmem:s23], [sflag:$0x2], $0x4000, $0x38;
	[tilespmem:$0x1D200] =	vst v63  }
0x2c: {  	_ =	swait.ge [sflag:s24], $0x4000  }
0x2d: {  	[sflag:s24] =	ssyncset.done $0x0  }
0x2e: {  	[sflag:s24] =	ssyncadd.s32 $0xFFFFC000  }
0x2f: {  	[spmem:s11] =	stream.linear.scatter [tilespmem:s23], [sflag:$0x2], $0x800, $0x38;
	[tilespmem:$0x1D200] =	vst v63  }
0x30: {  	_ =	swait.ge [sflag:s24], $0x800  }
0x31: {  	[sflag:s24] =	ssyncset.done $0x0  }
0x32: {  	[sflag:s24] =	ssyncadd.s32 $0xFFFFF800  }
0x33: {  	s14 =	sadd.s32 $0x0, s22;
	[bflag:$0x0] =	sbarrier.arrive $0xFFFF  }
0x34: {  	[tilespmem:s4], [sflag:$0x2] =	stream.linear.gather [hbm4b:s14+s4], $0x80, $0x38;
	[tilespmem:$0x1D200] =	vst v63  }
0x35: {  	_ =	swait.ge [sflag:s24], $0x80  }
0x36: {  	[sflag:s24] =	ssyncset.done $0x0  }
0x37: {  	s15 =	sadd.s32 $0x0, s21;
	[sflag:s24] =	ssyncadd.s32 $0xFFFFFF80  }
0x38: {  	[tilespmem:s25], [sflag:$0x2] =	stream.linear.gather [hbm4b:s15+s4], $0x80, $0x38;
	[tilespmem:$0x1D200] =	vst v63  }
0x39: {  	_ =	swait.ge [sflag:s24], $0x80  }
0x3a: {  	[sflag:s24] =	ssyncset.done $0x0  }
0x3b: {  	[sflag:s24] =	ssyncadd.s32 $0xFFFFFF80  }
0x3c: {  	[tilespmem:s26], [sflag:$0x1] =	stream.indirect.gather [hbm4b:s5+s25], $0x80, s4, s25, $0xb8;
	[tilespmem:$0x1D200] =	vst v63  }
0x3d: {  	_ =	swait.ge [sflag:s28], $0x4000  }
0x3e: {  	[sflag:s28] =	ssyncset.done $0x0  }
0x3f: {  	[sflag:s28] =	ssyncadd.s32 $0xFFFFC000  }
0x40: {  	[spmem:s3] =	stream.indirect.scatter.add.f32 [tilespmem:s26], [sflag:$0x2], $0x80, s25, s25, $0xb8;
	[tilespmem:$0x1D200] =	vst v63  }
0x41: {  	_ =	swait.ge [sflag:s24], $0x4000  }
0x42: {  	s12 =	simm.s32 $0x20;
	s2 =	simm.s32 $0x10;
	[sflag:s24] =	ssyncset.done $0x0  }
.LBB2_2:
0x43: {  	s13 =	sadd.s32 s2, s22  }
0x44: {  	[sflag:s24] =	ssyncadd.s32 $0xFFFFC000;
	s14 =	smov.u32 s12;
	s15 =	sadd.s32 $0x10, s12  }
0x45: {  	[tilespmem:s4], [sflag:$0x2] =	stream.linear.gather [hbm4b:s13+s4], $0x80, $0x38;
	[tilespmem:$0x1D200] =	vst v63  }
0x46: {  	p0 =	sne.s32 s12, $0x4D0;
	_ =	swait.ge [sflag:s24], $0x80  }
0x47: {  	[sflag:s24] =	ssyncset.done $0x0  }
0x48: {  	s12 =	sadd.s32 s2, s21;
	s2 =	smov.u32 s14;
	[sflag:s24] =	ssyncadd.s32 $0xFFFFFF80  }
0x49: {  	[tilespmem:s25], [sflag:$0x2] =	stream.linear.gather [hbm4b:s12+s4], $0x80, $0x38;
	[tilespmem:$0x1D200] =	vst v63  }
0x4a: {  	_ =	swait.ge [sflag:s24], $0x80  }
0x4b: {  	[sflag:s24] =	ssyncset.done $0x0  }
0x4c: {  	[sflag:s24] =	ssyncadd.s32 $0xFFFFFF80  }
0x4d: {  	[tilespmem:s26], [sflag:$0x1] =	stream.indirect.gather [hbm4b:s5+s25], $0x80, s4, s25, $0xb8;
	[tilespmem:$0x1D200] =	vst v63  }
0x4e: {  	_ =	swait.ge [sflag:s28], $0x4000  }
.Ltmp0:
0x4f: {  	[sflag:s28] =	ssyncset.done $0x0;
	(pc) =	sbr.rel @p0 .LBB2_2-.Ltmp0, $4  }
0x50: {  	[sflag:s28] =	ssyncadd.s32 $0xFFFFC000  }
0x51: {  	[spmem:s3] =	stream.indirect.scatter.add.f32 [tilespmem:s26], [sflag:$0x2], $0x80, s25, s25, $0xb8;
	[tilespmem:$0x1D200] =	vst v63  }
0x52: {  	_ =	swait.ge [sflag:s24], $0x4000  }
0x53: {  	s12 =	smov.u32 s15;
	[sflag:s24] =	ssyncset.done $0x0  }
0x54: {  	s12 =	sadd.s32 s2, s22;
	[sflag:s24] =	ssyncadd.s32 $0xFFFFC000  }
0x55: {  	[tilespmem:s4], [sflag:$0x2] =	stream.linear.gather [hbm4b:s12+s4], $0x80, $0x38;
	[tilespmem:$0x1D200] =	vst v63  }
0x56: {  	_ =	swait.ge [sflag:s24], $0x80  }
0x57: {  	[sflag:s24] =	ssyncset.done $0x0  }
0x58: {  	s15 =	sadd.s32 s2, s21;
	[sflag:s24] =	ssyncadd.s32 $0xFFFFFF80  }
0x59: {  	[tilespmem:s25], [sflag:$0x2] =	stream.linear.gather [hbm4b:s15+s4], $0x80, $0x38;
	[tilespmem:$0x1D200] =	vst v63  }
0x5a: {  	_ =	swait.ge [sflag:s24], $0x80  }
0x5b: {  	[sflag:s24] =	ssyncset.done $0x0  }
0x5c: {  	[sflag:s24] =	ssyncadd.s32 $0xFFFFFF80  }
0x5d: {  	[tilespmem:s26], [sflag:$0x1] =	stream.indirect.gather [hbm4b:s5+s25], $0x80, s4, s25, $0xb8;
	[tilespmem:$0x1D200] =	vst v63  }
0x5e: {  	_ =	swait.ge [sflag:s28], $0x4000  }
0x5f: {  	[sflag:s28] =	ssyncset.done $0x0  }
0x60: {  	[sflag:s28] =	ssyncadd.s32 $0xFFFFC000  }
0x61: {  	[spmem:s3] =	stream.indirect.scatter.add.f32 [tilespmem:s26], [sflag:$0x2], $0x80, s25, s25, $0xb8;
	[tilespmem:$0x1D200] =	vst v63  }
0x62: {  	_ =	swait.ge [sflag:s24], $0x4000  }
0x63: {  	[sflag:s24] =	ssyncset.done $0x0  }
0x64: {  	s12 =	rddreg [dreg:$0x4];
	[sflag:s24] =	ssyncadd.s32 $0xFFFFC000  }
0x65: {  	[tilespmem:s29], [sflag:$0x2] =	stream.linear.gather [hbm4b:s12+s4], $0x10, $0x38;
	[tilespmem:$0x1D200] =	vst v63  }
0x66: {  	_ =	swait.ge [sflag:s24], $0x10  }
0x67: {  	[sflag:s24] =	ssyncset.done $0x0  }
0x68: {  	s13 =	rddreg [dreg:$0x5];
	[sflag:s24] =	ssyncadd.s32 $0xFFFFFFF0  }
0x69: {  	[tilespmem:s30], [sflag:$0x2] =	stream.linear.gather [hbm4b:s13+s4], $0x10, $0x38;
	[tilespmem:$0x1D200] =	vst v63  }
0x6a: {  	_ =	swait.ge [sflag:s24], $0x10  }
0x6b: {  	[sflag:s24] =	ssyncset.done $0x0  }
0x6c: {  	[sflag:s24] =	ssyncadd.s32 $0xFFFFFFF0  }
0x6d: {  	[tilespmem:s1], [sflag:$0x1] =	stream.indirect.gather [hbm4b:s5+s31], $0x80, s29, s31, $0xb8;
	[tilespmem:$0x1D200] =	vst v63  }
0x6e: {  	_ =	swait.ge [sflag:s28], $0x800  }
0x6f: {  	[sflag:s28] =	ssyncset.done $0x0  }
0x70: {  	[sflag:s28] =	ssyncadd.s32 $0xFFFFF800  }
0x71: {  	[spmem:s3] =	stream.indirect.scatter.add.f32 [tilespmem:s1], [sflag:$0x2], $0x80, s30, s31, $0xb8;
	[tilespmem:$0x1D200] =	vst v63  }
0x72: {  	_ =	swait.ge [sflag:s24], $0x800  }
0x73: {  	[sflag:s24] =	ssyncset.done $0x0  }
0x74: {  	[sflag:s24] =	ssyncadd.s32 $0xFFFFF800  }
0x75: {  	[bflag:$0x0] =	sbarrier.arrive $0xFFFF  }
0x76: {  	[tilespmem:s23], [sflag:$0x2] =	stream.linear.gather [spmem:s6], $0x4000, $0x38;
	[tilespmem:$0x1D200] =	vst v63  }
0x77: {  	_ =	swait.ge [sflag:s24], $0x4000  }
0x78: {  	[sflag:s24] =	ssyncset.done $0x0  }
0x79: {  	s14 =	rddreg [dreg:$0x6];
	[sflag:s24] =	ssyncadd.s32 $0xFFFFC000  }
0x7a: {  	[hbm4b:s14+s4] =	stream.linear.scatter [tilespmem:s23], [sflag:$0x2], $0x4000, $0x38;
	[tilespmem:$0x1D200] =	vst v63  }
0x7b: {  	_ =	swait.ge [sflag:s24], $0x4000  }
0x7c: {  	[sflag:s24] =	ssyncset.done $0x0  }
0x7d: {  	[sflag:s24] =	ssyncadd.s32 $0xFFFFC000  }
0x7e: {  	[tilespmem:s23], [sflag:$0x2] =	stream.linear.gather [spmem:s7], $0x4000, $0x38;
	[tilespmem:$0x1D200] =	vst v63  }
0x7f: {  	_ =	swait.ge [sflag:s24], $0x4000  }
0x80: {  	[sflag:s24] =	ssyncset.done $0x0  }
0x81: {  	s15 =	rddreg [dreg:$0x7];
	[sflag:s24] =	ssyncadd.s32 $0xFFFFC000  }
0x82: {  	[hbm4b:s15+s4] =	stream.linear.scatter [tilespmem:s23], [sflag:$0x2], $0x4000, $0x38;
	[tilespmem:$0x1D200] =	vst v63  }
0x83: {  	_ =	swait.ge [sflag:s24], $0x4000  }
0x84: {  	[sflag:s24] =	ssyncset.done $0x0  }
0x85: {  	[sflag:s24] =	ssyncadd.s32 $0xFFFFC000  }
0x86: {  	[tilespmem:s23], [sflag:$0x2] =	stream.linear.gather [spmem:s8], $0x4000, $0x38;
	[tilespmem:$0x1D200] =	vst v63  }
0x87: {  	_ =	swait.ge [sflag:s24], $0x4000  }
0x88: {  	[sflag:s24] =	ssyncset.done $0x0  }
0x89: {  	[sflag:s24] =	ssyncadd.s32 $0xFFFFC000  }
0x8a: {  	[hbm4b:s16+s4] =	stream.linear.scatter [tilespmem:s23], [sflag:$0x2], $0x4000, $0x38;
	[tilespmem:$0x1D200] =	vst v63  }
0x8b: {  	_ =	swait.ge [sflag:s24], $0x4000  }
0x8c: {  	[sflag:s24] =	ssyncset.done $0x0  }
0x8d: {  	[sflag:s24] =	ssyncadd.s32 $0xFFFFC000  }
0x8e: {  	[tilespmem:s23], [sflag:$0x2] =	stream.linear.gather [spmem:s9], $0x4000, $0x38;
	[tilespmem:$0x1D200] =	vst v63  }
0x8f: {  	_ =	swait.ge [sflag:s24], $0x4000  }
0x90: {  	[sflag:s24] =	ssyncset.done $0x0  }
0x91: {  	[sflag:s24] =	ssyncadd.s32 $0xFFFFC000  }
0x92: {  	[hbm4b:s17+s4] =	stream.linear.scatter [tilespmem:s23], [sflag:$0x2], $0x4000, $0x38;
	[tilespmem:$0x1D200] =	vst v63  }
0x93: {  	_ =	swait.ge [sflag:s24], $0x4000  }
0x94: {  	[sflag:s24] =	ssyncset.done $0x0  }
0x95: {  	[sflag:s24] =	ssyncadd.s32 $0xFFFFC000  }
0x96: {  	[tilespmem:s23], [sflag:$0x2] =	stream.linear.gather [spmem:s10], $0x4000, $0x38;
	[tilespmem:$0x1D200] =	vst v63  }
0x97: {  	_ =	swait.ge [sflag:s24], $0x4000  }
0x98: {  	[sflag:s24] =	ssyncset.done $0x0  }
0x99: {  	[sflag:s24] =	ssyncadd.s32 $0xFFFFC000  }
0x9a: {  	[hbm4b:s18+s4] =	stream.linear.scatter [tilespmem:s23], [sflag:$0x2], $0x4000, $0x38;
	[tilespmem:$0x1D200] =	vst v63  }
0x9b: {  	_ =	swait.ge [sflag:s24], $0x4000  }
0x9c: {  	[sflag:s24] =	ssyncset.done $0x0  }
0x9d: {  	[sflag:s24] =	ssyncadd.s32 $0xFFFFC000  }
0x9e: {  	[tilespmem:s23], [sflag:$0x2] =	stream.linear.gather [spmem:s11], $0x800, $0x38;
	[tilespmem:$0x1D200] =	vst v63  }
0x9f: {  	s0 =	sadd.s32 $0x1, s0;
	_ =	swait.ge [sflag:s24], $0x800  }
0xa0: {  	p0 =	sne.s32 s0, s20;
	[sflag:s24] =	ssyncset.done $0x0  }
.Ltmp1:
0xa1: {  	[sflag:s24] =	ssyncadd.s32 $0xFFFFF800;
	(pc) =	sbr.rel @p0 .LBB2_1-.Ltmp1, $4  }
0xa2: {  	[hbm4b:s19+s4] =	stream.linear.scatter [tilespmem:s23], [sflag:$0x2], $0x800, $0x38;
	[tilespmem:$0x1D200] =	vst v63  }
0xa3: {  	_ =	swait.ge [sflag:s24], $0x800  }
0xa4: {  	[sflag:s24] =	ssyncset.done $0x0  }
0xa5: {  	[sflag:s24] =	ssyncadd.s32 $0xFFFFF800  }
0xa6: {  	_ =	sfence.sel $0x180000  }
0xa7: {  	[bflag:$0x0] =	sbarrier.arrive $0xFFFF  }
0xa8: {  	_ =	strace $0x9000004A  }
0xa9: {  	s0 =	stileid.u32;
	[bflag:$0x2] =	sbarrier.arrive $0xFFFF  }
0xaa: {  	p0 =	sne.s32 s0, $0x0;
	s0 =	rddreg [dreg:$0x3]  }
0xab: {  	s0 =	sadd.s32 @!p0 $0x100000, s0  }
0xac: {  	[sflag:s0] =	ssyncadd.tile.s32 @!p0 $0x1;
	_ =	shalt  }
.Lfunc_end2:
_tile_overlayer_lowered:
.L_overlay_start_2:
0xad: {  	(tag) =	ssettag $0x2  }
0xae: {  	s0 =	rddreg [dreg:$0x0];
	s2 =	stileid.u32  }
0xaf: {  	s1 =	rddreg [dreg:$0x1];
	p0 =	sne.s32 s2, $0x0  }
0xb0: {  	s3 =	rddreg [dreg:$0x2];
	[bflag:$0x3] =	sbarrier.arrive $0xFFFF;
	s2 =	simm.s32 @!p0 $0x1C02  }
0xb1: {  	[timem:s3], [sflag:s2] =	dma.local @!p0 [hbm:s0], s1  }
0xb2: {  	s0 =	simm.s32 @!p0 $0x2  }
0xb3: {  	_ =	swait.ge @!p0 [sflag:s0], s1  }
0xb4: {  	s1 =	ssub.s32 @!p0 $0x0, s1;
	[sflag:s0] =	ssyncset.done @!p0 $0x0  }
0xb5: {  	[sflag:s0] =	ssyncadd.s32 @!p0 s1  }
0xb6: {  	[bflag:$0x3] =	sbarrier.arrive $0xFFFF  }
0xb7: {  	_ =	shalt  }

// kernel: kernel.18.cloned.1.call-start
scs
__scs_entry_jumppad:
0x0: {  	(pc) =	sbr.rel $0x88, $3  }
0x1: {  	(tag) =	ssettag $0x0;
	lr =	simm.s32 $0x1  }
0x2: {  	[smem:$0x3F83] =	sst lr;
	_ =	strace $0xD0000000  }
0x3: {  	_ = 	snop  }
0x4: {  	_ = 	snop  }
0x5: {  	_ = 	snop  }
0x6: {  	_ = 	snop  }
0x7: {  	_ = 	snop  }
__scs_overlays_trampoline_lowered:
0x8: {  	[smem:$0x3F92] =	sst s0  }
0x9: {  	[smem:$0x3F93] =	sst s1  }
0xa: {  	[smem:$0x3F94] =	sst s2  }
0xb: {  	[smem:$0x3F95] =	sst s3  }
0xc: {  	[smem:$0x3F96] =	sst s4  }
0xd: {  	[smem:$0x3F97] =	sst s5  }
0xe: {  	[smem:$0x3F98] =	sst s6  }
0xf: {  	[smem:$0x3F99] =	sst s7  }
0x10: {  	[smem:$0x3F9A] =	sst s8  }
0x11: {  	[smem:$0x3F9B] =	sst s9;
	s0 =	simm.s32 @!p0 $0x0  }
0x12: {  	s1 =	sld [smem:$0x3F81];
	s0 =	simm.s32 @p0 $0x1  }
0x13: {  	[smem:$0x3F9C] =	sst s0;
	s0 =	simm.s32 @!p1 $0x0  }
0x14: {  	s2 =	sld [smem:$0x3F80];
	s0 =	simm.s32 @p1 $0x1  }
0x15: {  	[smem:$0x3F9D] =	sst s0;
	s0 =	simm.s32 @!p2 $0x0  }
0x16: {  	s3 =	sld [smem:$0x3FDB];
	s0 =	simm.s32 @p2 $0x1  }
0x17: {  	s4 =	simm.s32 $0x1BF5;
	[smem:$0x3F9F] =	sst s0  }
0x18: {  	s0 =	sld [smem:$0x3F82];
	_ =	swait.ge [sflag:s4], $0x0  }
0x19: {  	s7 =	sld [smem:$0x3F83]  }
0x1a: {  	s8 =	sadd.s32 $0xFFFFE003, lr  }
0x1b: {  	s9 =	sadd.s32 $0xFFFFFEF7, lr;
	s5 =	simm.s32 $0xFFFFFFFF;
	p2 =	slt.u32 s8, $0xFFFFF086  }
0x1c: {  	p1 =	slt.u32 s9, $0xF7A;
	s5 =	simm.s32 @!p2 $0x0  }
0x1d: {  	s5 =	simm.s32 @p1 $0x1;
	p0 =	seq.s32 s7, s2  }
0x1e: {  	s7 =	smul.u32 @!p0 $0xF7A, s2;
	p2 =	seq.s32 @!p0 s5, $0x0  }
0x1f: {  	s9 =	smul.u32 $0xF7A, s1;
	s8 =	simm.s32 @!p0 $0x1BF5;
	p2 =	por !p2, p0  }
0x20: {  	[sflag:s8] =	ssyncset.s32 @!p0 $0xFFFFF086;
	s6 =	sadd.s32 @!p0 s3, s7;
	s7 =	simm.s32 @!p0 $0x108  }
0x21: {  	s3 =	sadd.s32 s3, s9;
	s6 =	sadd.s32 @!p0 $0x88, s6;
	s7 =	simm.s32 @p2 $0x1082  }
0x22: {  	[simem:s7], [sflag:s8] =	dma.local @!p0 [hbm:s6], $0xF7A  }
0x23: {  	s9 =	sor.u32 $0xD0000000, s2;
	s6 =	simm.s32 $0x108;
	_ =	swait.ge @!p0 [sflag:s8], $0x0  }
0x24: {  	s3 =	sadd.s32 $0x88, s3;
	s6 =	simm.s32 @!p1 $0x1082;
	[sflag:s4] =	ssyncset.s32 $0xFFFFF086  }
0x25: {  	[simem:s6], [sflag:s4] =	dma.local [hbm:s3], $0xF7A  }
0x26: {  	[smem:$0x3F83] =	sst s1;
	(tag) =	ssettag s2;
	_ =	strace s9  }
0x27: {  	s1 =	sld [smem:$0x3F93]  }
0x28: {  	s2 =	sld [smem:$0x3F94]  }
0x29: {  	s4 =	sld [smem:$0x3F96]  }
0x2a: {  	p0 =	seq.s32 s5, $0x0;
	s5 =	sld [smem:$0x3F97]  }
0x2b: {  	s6 =	sld [smem:$0x3F98]  }
0x2c: {  	s7 =	sld [smem:$0x3F99]  }
0x2d: {  	s3 =	simm.s32 $0x108;
	s8 =	sld [smem:$0x3F9A]  }
0x2e: {  	s3 =	simm.s32 @!p0 $0x1082;
	s9 =	sld [smem:$0x3F9B]  }
0x2f: {  	lr =	sadd.s32 s0, s3;
	s0 =	sld [smem:$0x3F92]  }
0x30: {  	s3 =	sld [smem:$0x3F95]  }
0x31: {  	[smem:$0x3F9E] =	sst s10  }
0x32: {  	s10 =	sld [smem:$0x3F9C];
	_ =	sdelay $0x3  }
0x33: {  	p0 =	seq.s32 s10, $0x1;
	s10 =	sld [smem:$0x3F9E];
	_ =	sdelay $0x3  }
0x34: {  	[smem:$0x3F9E] =	sst s10  }
0x35: {  	s10 =	sld [smem:$0x3F9D];
	_ =	sdelay $0x3  }
0x36: {  	p1 =	seq.s32 s10, $0x1;
	s10 =	sld [smem:$0x3F9E];
	_ =	sdelay $0x3  }
0x37: {  	[smem:$0x3F9E] =	sst s10  }
0x38: {  	s10 =	sld [smem:$0x3F9F]  }
0x39: {  	_ = 	snop;
	(pc) =	sbr.ind lr, $3  }
0x3a: {  	_ = 	snop  }
0x3b: {  	_ = 	snop  }
0x3c: {  	p2 =	seq.s32 s10, $0x1;
	s10 =	sld [smem:$0x3F9E]  }
0x3d: {  	_ =	shalt  }
0x3e: {  	_ =	shalt  }
0x3f: {  	_ =	shalt  }
0x40: {  	_ =	shalt  }
0x41: {  	_ =	shalt  }
0x42: {  	_ =	shalt  }
0x43: {  	_ =	shalt  }
0x44: {  	_ =	shalt  }
0x45: {  	_ =	shalt  }
0x46: {  	_ =	shalt  }
0x47: {  	_ =	shalt  }
0x48: {  	_ =	shalt  }
0x49: {  	_ =	shalt  }
0x4a: {  	_ =	shalt  }
0x4b: {  	_ =	shalt  }
0x4c: {  	_ =	shalt  }
0x4d: {  	_ =	shalt  }
0x4e: {  	_ =	shalt  }
0x4f: {  	_ =	shalt  }
0x50: {  	_ =	shalt  }
0x51: {  	_ =	shalt  }
0x52: {  	_ =	shalt  }
0x53: {  	_ =	shalt  }
0x54: {  	_ =	shalt  }
0x55: {  	_ =	shalt  }
0x56: {  	_ =	shalt  }
0x57: {  	_ =	shalt  }
0x58: {  	_ =	shalt  }
0x59: {  	_ =	shalt  }
0x5a: {  	_ =	shalt  }
0x5b: {  	_ =	shalt  }
0x5c: {  	_ =	shalt  }
0x5d: {  	_ =	shalt  }
0x5e: {  	_ =	shalt  }
0x5f: {  	_ =	shalt  }
0x60: {  	_ =	shalt  }
0x61: {  	_ =	shalt  }
0x62: {  	_ =	shalt  }
0x63: {  	_ =	shalt  }
0x64: {  	_ =	shalt  }
0x65: {  	_ =	shalt  }
0x66: {  	_ =	shalt  }
0x67: {  	_ =	shalt  }
0x68: {  	_ =	shalt  }
0x69: {  	_ =	shalt  }
0x6a: {  	_ =	shalt  }
0x6b: {  	_ =	shalt  }
0x6c: {  	_ =	shalt  }
0x6d: {  	_ =	shalt  }
0x6e: {  	_ =	shalt  }
0x6f: {  	_ =	shalt  }
0x70: {  	_ =	shalt  }
0x71: {  	_ =	shalt  }
0x72: {  	_ =	shalt  }
0x73: {  	_ =	shalt  }
0x74: {  	_ =	shalt  }
0x75: {  	_ =	shalt  }
0x76: {  	_ =	shalt  }
0x77: {  	_ =	shalt  }
0x78: {  	_ =	shalt  }
0x79: {  	_ =	shalt  }
0x7a: {  	_ =	shalt  }
0x7b: {  	_ =	shalt  }
0x7c: {  	_ =	shalt  }
0x7d: {  	_ =	shalt  }
0x7e: {  	_ =	shalt  }
0x7f: {  	_ =	shalt  }
0x80: {  	_ =	shalt  }
0x81: {  	_ =	shalt  }
0x82: {  	_ =	shalt  }
0x83: {  	_ =	shalt  }
0x84: {  	_ =	shalt  }
0x85: {  	_ =	shalt  }
0x86: {  	_ =	shalt  }
0x87: {  	_ =	shalt  }
.Lfunc_end0:
.L_simem_size_0:
called_computation.2_lowered:
.L_overlay_start_0:
0x88: {  	s2 =	sld [smem:$0x3FD9]  }
0x89: {  	s3 =	sld [smem:$0x3FFE];
	_ =	sdelay $0x1  }
0x8a: {  	s1 =	srdreg.scid  }
0x8b: {  	s0 =	sand.u32 $0x1, s1  }
0x8c: {  	s14 =	sshll.u32 s0, $0xA;
	s2 =	sadd.s32 s3, s2  }
0x8d: {  	s2 =	sadd.s32 s2, s14  }
0x8e: {  	[smem:$0x3FAA] =	sst s2  }
0x8f: {  	_ = 	snop  }
0x90: {  	s2 =	sld [smem:$0x3FD0];
	_ =	sdelay $0x2  }
0x91: {  	s15 =	simm.s32 $0xA;
	s4 =	simm.s32 $0x10  }
0x92: {  	[smem:s4], [sflag:s15] =	dma.local [hbm:s2], $0x1  }
0x93: {  	_ =	swait.eq [sflag:s15], $0x1  }
0x94: {  	[sflag:s15] =	ssyncset.done $0x0  }
0x95: {  	[sflag:s15] =	ssyncadd.s32 $0xFFFFFFFF  }
0x96: {  	s16 =	sld [smem:$0x13];
	(tm) =	ssettm $0x1  }
0x97: {  	s17 =	sld [smem:$0x3FFB];
	_ =	sdelay $0x3  }
0x98: {  	_ =	strace s17  }
0x99: {  	s3 =	sld [smem:$0x3FFC];
	_ =	sdelay $0x3  }
0x9a: {  	_ =	strace s3  }
0x9b: {  	s3 =	sld [smem:$0x3FFD];
	_ =	sdelay $0x3  }
0x9c: {  	_ =	strace s3  }
0x9d: {  	_ =	strace $0x8FFFFFFF  }
0x9e: {  	s18 =	sld [smem:$0x3FDB];
	_ =	sdelay $0x1  }
0x9f: {  	s19 =	simm.s32 $_scs_section_size  }
0xa0: {  	s5 =	simm.s32 $_size__tile_overlayer_lowered;
	s6 =	simm.s32 $_tile_overlayer_lowered  }
0xa1: {  	s22 =	simm.s32 $0x1BFF;
	s21 =	sshll.u32 s6, $0x1;
	s3 =	sadd.s32 s19, s18  }
0xa2: {  	s7 =	simm.s32 $0x0;
	s20 =	sshll.u32 s5, $0x1;
	s5 =	sadd.s32 s21, s3  }
0xa3: {  	[timem:s7], [sflag:s22] =	dma.local [hbm:s5], s20  }
0xa4: {  	_ =	swait.ge [sflag:s22], s20  }
0xa5: {  	s4 =	ssub.s32 $0x0, s20;
	[sflag:s22] =	ssyncset.done $0x0  }
0xa6: {  	[sflag:s22] =	ssyncadd.s32 s4;
	_ =	sdelay $0x1  }
0xa7: {  	s23 =	simm.s32 $0x1B8B  }
0xa8: {  	_ =	swait.ge [sflag:s23], $0x1  }
0xa9: {  	[sflag:s23] =	ssyncset.done $0x0  }
0xaa: {  	s25 =	simm.s32 $0x1B8E;
	s24 =	sld [smem:$0x3FFE];
	[sflag:s23] =	ssyncadd.s32 $0xFFFFFFFF  }
0xab: {  	s26 =	simm.s32 $execute0_lowered;
	[smem:$0x3FD2] =	sst s25  }
0xac: {  	s5 =	sshll.u32 s26, $0x1;
	_ =	strace $0x8000004C;
	[dreg:$0x1] =	wrdreg $0xFFFFFFFF  }
0xad: {  	s28 =	simm.s32 $_size_execute0_lowered;
	s3 =	sadd.s32 s3, s5;
	[dreg:$0x0] =	wrdreg $0x0  }
0xae: {  	s5 =	sshll.u32 s28, $0x1;
	[dreg:$0x2] =	wrdreg s3  }
0xaf: {  	[dreg:$0x3] =	wrdreg s5  }
0xb0: {  	[dreg:$0x4] =	wrdreg $0xC0  }
0xb1: {  	_ =	task [dreg:s7], $0x5FFFF  }
0xb2: {  	[dreg:$0x1] =	wrdreg $0xFFFFFFFF  }
0xb3: {  	[dreg:$0x0] =	wrdreg $0x60  }
0xb4: {  	[dreg:$0x2] =	wrdreg s24  }
0xb5: {  	[dreg:$0x3] =	wrdreg s16  }
0xb6: {  	[dreg:$0x4] =	wrdreg $0x8A000  }
0xb7: {  	[dreg:$0x5] =	wrdreg $0x9  }
0xb8: {  	_ =	task.clear_ibuf [dreg:s7], $0x6FFFF;
	_ =	strace $0x9000004C  }
0xb9: {  	s29 =	simm.s32 $0x9;
	_ =	strace $0x8000004E  }
0xba: {  	_ =	swait.ge [sflag:s29], $0x1  }
0xbb: {  	[sflag:s29] =	ssyncadd.s32 $0xFFFFFFFF  }
0xbc: {  	_ =	strace $0x9000004E  }
0xbd: {  	_ =	sfence  }
0xbe: {  	s30 =	sld [smem:$0x0];
	_ =	sdelay $0x2  }
0xbf: {  	s31 =	sshll.u32 s1, $0xD;
	s1 =	sshrl.u32 s1, $0x2  }
0xc0: {  	s3 =	sand.u32 $0x4000, s31;
	s1 =	sadd.s32 s1, s30  }
0xc1: {  	s0 =	sor.u32 s3, s0;
	s1 =	sshll.u32 s1, $0x11  }
0xc2: {  	s0 =	sor.u32 s1, s0  }
0xc3: {  	s0 =	sadd.s32 $0x8F2B, s0  }
0xc4: {  	[sflag:s0] =	ssyncadd.remote.s32 $0x1  }
0xc5: {  	_ =	sfence.sel $0xFFFF  }
0xc6: {  	[dreg:$0x0] =	wrdreg $0xFFFFFFFF;
	(pc) =	sbr.abs _section_cstart, $3  }
0xc7: {  	[dreg:$0x1] =	wrdreg $0xFFFFFFFF  }
0xc8: {  	_ =	task.clear_ibuf [dreg:s7], $0x2FFFF;
	_ =	strace $0x9FFFFFFF  }
0xc9: {  	(tm) =	ssettm $0x7FFFFFFF  }
tec
execute0_lowered:
.L_overlay_start_1:
0x0: {  	(tag) =	ssettag $0x1  }
0x1: {  	s0 =	rddreg [dreg:$0x0];
	s1 =	srdreg.scid  }
0x2: {  	s13 =	stileid.u32;
	s3 =	rddreg [dreg:$0x2]  }
0x3: {  	s4 =	simm.s32 $0x0;
	s28 =	simm.s32 $0x1;
	s29 =	simm.s32 $0x4100  }
0x4: {  	s30 =	simm.s32 $0x4180;
	s31 =	simm.s32 $0x10;
	s2 =	smul.u32 $0x290, s13  }
0x5: {  	s1 =	sand.u32 $0x1, s1;
	[smem:$0x7FF] =	sst s4;
	s20 =	smul.u32 $0x52000, s13  }
0x6: {  	s5 =	sadd.s32 $0x1AE00, s0;
	s12 =	sadd.s32 $0x11000, s0;
	s23 =	smul.u32 $0x2710, s13  }
0x7: {  	s21 =	sadd.s32 $0x7200, s0;
	s6 =	smul.u32 $0x2900, s1;
	_ =	strace $0x8000004D  }
0x8: {  	s22 =	sshll.u32 s1, $0x4;
	s7 =	ssub.s32 $0x2, s1;
	s1 =	smul.u32 $0x27100, s1  }
0x9: {  	s8 =	sshrl.u32 s7, $0x1;
	s2 =	sadd.s32 s2, s6;
	s6 =	sshrl.u32 s20, $0x2  }
0xa: {  	s20 =	ssub.s32 s7, s8;
	s1 =	sadd.s32 s23, s1;
	s23 =	simm.s32 $0x4A00  }
0xb: {  	s2 =	sshll.u32 s2, $0x4;
	s6 =	sadd.s32 s6, s3;
	s20 =	smax.u32 s20, $0x1  }
0xc: {  	s26 =	sshrl.u32 s1, $0x3;
	s1 =	simm.s32 $0x4200;
	s0 =	sadd.s32 s2, s0  }
0xd: {  	s2 =	sor.u32 s13, s22;
	s7 =	sadd.s32 $0x4000, s6;
	s8 =	sadd.s32 $0x8000, s6  }
0xe: {  	s9 =	sadd.s32 $0xC000, s6;
	s10 =	sadd.s32 $0x10000, s6;
	s11 =	sadd.s32 $0x14000, s6  }
0xf: {  	s22 =	sadd.s32 s26, s12;
	s2 =	smul.u32 $0x2710, s2;
	s24 =	sadd.s32 $0x6CE00, s0  }
0x10: {  	s25 =	sadd.s32 $0x6D600, s0;
	s16 =	sadd.s32 $0x6DE00, s0;
	s17 =	sadd.s32 $0x6E600, s0  }
0x11: {  	s18 =	sadd.s32 $0x6EE00, s0;
	s19 =	sadd.s32 $0x6F600, s0;
	s2 =	sshrl.u32 s2, $0x3  }
0x12: {  	s0 =	simm.s32 $0x0;
	[dreg:$0x6] =	wrdreg s24;
	s2 =	sadd.s32 $0x4E0, s2  }
0x13: {  	[dreg:$0x7] =	wrdreg s25;
	s24 =	simm.s32 $0x2;
	s14 =	sadd.s32 s12, s2  }
0x14: {  	s25 =	simm.s32 $0x80;
	s2 =	sadd.s32 s21, s2;
	[dreg:$0x4] =	wrdreg s14  }
0x15: {  	s21 =	sadd.s32 s26, s21;
	s26 =	simm.s32 $0x100;
	[dreg:$0x5] =	wrdreg s2  }
.LBB2_1:
0x16: {  	s2 =	rddreg [dreg:$0x1]  }
0x17: {  	[tilespmem:s23], [sflag:$0x2] =	stream.linear.gather [hbm4b:s2+s4], $0x4000, $0x38;
	[tilespmem:$0x1D200] =	vst v63  }
0x18: {  	_ =	swait.ge [sflag:s24], $0x4000  }
0x19: {  	[sflag:s24] =	ssyncset.done $0x0  }
0x1a: {  	[sflag:s24] =	ssyncadd.s32 $0xFFFFC000  }
0x1b: {  	[spmem:s6] =	stream.linear.scatter [tilespmem:s23], [sflag:$0x2], $0x4000, $0x38;
	[tilespmem:$0x1D200] =	vst v63  }
0x1c: {  	_ =	swait.ge [sflag:s24], $0x4000  }
0x1d: {  	[sflag:s24] =	ssyncset.done $0x0  }
0x1e: {  	[sflag:s24] =	ssyncadd.s32 $0xFFFFC000  }
0x1f: {  	[spmem:s7] =	stream.linear.scatter [tilespmem:s23], [sflag:$0x2], $0x4000, $0x38;
	[tilespmem:$0x1D200] =	vst v63  }
0x20: {  	_ =	swait.ge [sflag:s24], $0x4000  }
0x21: {  	[sflag:s24] =	ssyncset.done $0x0  }
0x22: {  	[sflag:s24] =	ssyncadd.s32 $0xFFFFC000  }
0x23: {  	[spmem:s8] =	stream.linear.scatter [tilespmem:s23], [sflag:$0x2], $0x4000, $0x38;
	[tilespmem:$0x1D200] =	vst v63  }
0x24: {  	_ =	swait.ge [sflag:s24], $0x4000  }
0x25: {  	[sflag:s24] =	ssyncset.done $0x0  }
0x26: {  	[sflag:s24] =	ssyncadd.s32 $0xFFFFC000  }
0x27: {  	[spmem:s9] =	stream.linear.scatter [tilespmem:s23], [sflag:$0x2], $0x4000, $0x38;
	[tilespmem:$0x1D200] =	vst v63  }
0x28: {  	_ =	swait.ge [sflag:s24], $0x4000  }
0x29: {  	[sflag:s24] =	ssyncset.done $0x0  }
0x2a: {  	[sflag:s24] =	ssyncadd.s32 $0xFFFFC000  }
0x2b: {  	[spmem:s10] =	stream.linear.scatter [tilespmem:s23], [sflag:$0x2], $0x4000, $0x38;
	[tilespmem:$0x1D200] =	vst v63  }
0x2c: {  	_ =	swait.ge [sflag:s24], $0x4000  }
0x2d: {  	[sflag:s24] =	ssyncset.done $0x0  }
0x2e: {  	[sflag:s24] =	ssyncadd.s32 $0xFFFFC000  }
0x2f: {  	[spmem:s11] =	stream.linear.scatter [tilespmem:s23], [sflag:$0x2], $0x800, $0x38;
	[tilespmem:$0x1D200] =	vst v63  }
0x30: {  	_ =	swait.ge [sflag:s24], $0x800  }
0x31: {  	[sflag:s24] =	ssyncset.done $0x0  }
0x32: {  	[sflag:s24] =	ssyncadd.s32 $0xFFFFF800  }
0x33: {  	s14 =	sadd.s32 $0x0, s22;
	[bflag:$0x0] =	sbarrier.arrive $0xFFFF  }
0x34: {  	[tilespmem:s4], [sflag:$0x2] =	stream.linear.gather [hbm4b:s14+s4], $0x80, $0x38;
	[tilespmem:$0x1D200] =	vst v63  }
0x35: {  	_ =	swait.ge [sflag:s24], $0x80  }
0x36: {  	[sflag:s24] =	ssyncset.done $0x0  }
0x37: {  	s15 =	sadd.s32 $0x0, s21;
	[sflag:s24] =	ssyncadd.s32 $0xFFFFFF80  }
0x38: {  	[tilespmem:s25], [sflag:$0x2] =	stream.linear.gather [hbm4b:s15+s4], $0x80, $0x38;
	[tilespmem:$0x1D200] =	vst v63  }
0x39: {  	_ =	swait.ge [sflag:s24], $0x80  }
0x3a: {  	[sflag:s24] =	ssyncset.done $0x0  }
0x3b: {  	[sflag:s24] =	ssyncadd.s32 $0xFFFFFF80  }
0x3c: {  	[tilespmem:s26], [sflag:$0x1] =	stream.indirect.gather [hbm4b:s5+s25], $0x80, s4, s25, $0xb8;
	[tilespmem:$0x1D200] =	vst v63  }
0x3d: {  	_ =	swait.ge [sflag:s28], $0x4000  }
0x3e: {  	[sflag:s28] =	ssyncset.done $0x0  }
0x3f: {  	[sflag:s28] =	ssyncadd.s32 $0xFFFFC000  }
0x40: {  	[spmem:s3] =	stream.indirect.scatter.add.f32 [tilespmem:s26], [sflag:$0x2], $0x80, s25, s25, $0xb8;
	[tilespmem:$0x1D200] =	vst v63  }
0x41: {  	_ =	swait.ge [sflag:s24], $0x4000  }
0x42: {  	s12 =	simm.s32 $0x20;
	s2 =	simm.s32 $0x10;
	[sflag:s24] =	ssyncset.done $0x0  }
.LBB2_2:
0x43: {  	s13 =	sadd.s32 s2, s22  }
0x44: {  	[sflag:s24] =	ssyncadd.s32 $0xFFFFC000;
	s14 =	smov.u32 s12;
	s15 =	sadd.s32 $0x10, s12  }
0x45: {  	[tilespmem:s4], [sflag:$0x2] =	stream.linear.gather [hbm4b:s13+s4], $0x80, $0x38;
	[tilespmem:$0x1D200] =	vst v63  }
0x46: {  	p0 =	sne.s32 s12, $0x4D0;
	_ =	swait.ge [sflag:s24], $0x80  }
0x47: {  	[sflag:s24] =	ssyncset.done $0x0  }
0x48: {  	s12 =	sadd.s32 s2, s21;
	s2 =	smov.u32 s14;
	[sflag:s24] =	ssyncadd.s32 $0xFFFFFF80  }
0x49: {  	[tilespmem:s25], [sflag:$0x2] =	stream.linear.gather [hbm4b:s12+s4], $0x80, $0x38;
	[tilespmem:$0x1D200] =	vst v63  }
0x4a: {  	_ =	swait.ge [sflag:s24], $0x80  }
0x4b: {  	[sflag:s24] =	ssyncset.done $0x0  }
0x4c: {  	[sflag:s24] =	ssyncadd.s32 $0xFFFFFF80  }
0x4d: {  	[tilespmem:s26], [sflag:$0x1] =	stream.indirect.gather [hbm4b:s5+s25], $0x80, s4, s25, $0xb8;
	[tilespmem:$0x1D200] =	vst v63  }
0x4e: {  	_ =	swait.ge [sflag:s28], $0x4000  }
.Ltmp0:
0x4f: {  	[sflag:s28] =	ssyncset.done $0x0;
	(pc) =	sbr.rel @p0 .LBB2_2-.Ltmp0, $4  }
0x50: {  	[sflag:s28] =	ssyncadd.s32 $0xFFFFC000  }
0x51: {  	[spmem:s3] =	stream.indirect.scatter.add.f32 [tilespmem:s26], [sflag:$0x2], $0x80, s25, s25, $0xb8;
	[tilespmem:$0x1D200] =	vst v63  }
0x52: {  	_ =	swait.ge [sflag:s24], $0x4000  }
0x53: {  	s12 =	smov.u32 s15;
	[sflag:s24] =	ssyncset.done $0x0  }
0x54: {  	s12 =	sadd.s32 s2, s22;
	[sflag:s24] =	ssyncadd.s32 $0xFFFFC000  }
0x55: {  	[tilespmem:s4], [sflag:$0x2] =	stream.linear.gather [hbm4b:s12+s4], $0x80, $0x38;
	[tilespmem:$0x1D200] =	vst v63  }
0x56: {  	_ =	swait.ge [sflag:s24], $0x80  }
0x57: {  	[sflag:s24] =	ssyncset.done $0x0  }
0x58: {  	s15 =	sadd.s32 s2, s21;
	[sflag:s24] =	ssyncadd.s32 $0xFFFFFF80  }
0x59: {  	[tilespmem:s25], [sflag:$0x2] =	stream.linear.gather [hbm4b:s15+s4], $0x80, $0x38;
	[tilespmem:$0x1D200] =	vst v63  }
0x5a: {  	_ =	swait.ge [sflag:s24], $0x80  }
0x5b: {  	[sflag:s24] =	ssyncset.done $0x0  }
0x5c: {  	[sflag:s24] =	ssyncadd.s32 $0xFFFFFF80  }
0x5d: {  	[tilespmem:s26], [sflag:$0x1] =	stream.indirect.gather [hbm4b:s5+s25], $0x80, s4, s25, $0xb8;
	[tilespmem:$0x1D200] =	vst v63  }
0x5e: {  	_ =	swait.ge [sflag:s28], $0x4000  }
0x5f: {  	[sflag:s28] =	ssyncset.done $0x0  }
0x60: {  	[sflag:s28] =	ssyncadd.s32 $0xFFFFC000  }
0x61: {  	[spmem:s3] =	stream.indirect.scatter.add.f32 [tilespmem:s26], [sflag:$0x2], $0x80, s25, s25, $0xb8;
	[tilespmem:$0x1D200] =	vst v63  }
0x62: {  	_ =	swait.ge [sflag:s24], $0x4000  }
0x63: {  	[sflag:s24] =	ssyncset.done $0x0  }
0x64: {  	s12 =	rddreg [dreg:$0x4];
	[sflag:s24] =	ssyncadd.s32 $0xFFFFC000  }
0x65: {  	[tilespmem:s29], [sflag:$0x2] =	stream.linear.gather [hbm4b:s12+s4], $0x10, $0x38;
	[tilespmem:$0x1D200] =	vst v63  }
0x66: {  	_ =	swait.ge [sflag:s24], $0x10  }
0x67: {  	[sflag:s24] =	ssyncset.done $0x0  }
0x68: {  	s13 =	rddreg [dreg:$0x5];
	[sflag:s24] =	ssyncadd.s32 $0xFFFFFFF0  }
0x69: {  	[tilespmem:s30], [sflag:$0x2] =	stream.linear.gather [hbm4b:s13+s4], $0x10, $0x38;
	[tilespmem:$0x1D200] =	vst v63  }
0x6a: {  	_ =	swait.ge [sflag:s24], $0x10  }
0x6b: {  	[sflag:s24] =	ssyncset.done $0x0  }
0x6c: {  	[sflag:s24] =	ssyncadd.s32 $0xFFFFFFF0  }
0x6d: {  	[tilespmem:s1], [sflag:$0x1] =	stream.indirect.gather [hbm4b:s5+s31], $0x80, s29, s31, $0xb8;
	[tilespmem:$0x1D200] =	vst v63  }
0x6e: {  	_ =	swait.ge [sflag:s28], $0x800  }
0x6f: {  	[sflag:s28] =	ssyncset.done $0x0  }
0x70: {  	[sflag:s28] =	ssyncadd.s32 $0xFFFFF800  }
0x71: {  	[spmem:s3] =	stream.indirect.scatter.add.f32 [tilespmem:s1], [sflag:$0x2], $0x80, s30, s31, $0xb8;
	[tilespmem:$0x1D200] =	vst v63  }
0x72: {  	_ =	swait.ge [sflag:s24], $0x800  }
0x73: {  	[sflag:s24] =	ssyncset.done $0x0  }
0x74: {  	[sflag:s24] =	ssyncadd.s32 $0xFFFFF800  }
0x75: {  	[bflag:$0x0] =	sbarrier.arrive $0xFFFF  }
0x76: {  	[tilespmem:s23], [sflag:$0x2] =	stream.linear.gather [spmem:s6], $0x4000, $0x38;
	[tilespmem:$0x1D200] =	vst v63  }
0x77: {  	_ =	swait.ge [sflag:s24], $0x4000  }
0x78: {  	[sflag:s24] =	ssyncset.done $0x0  }
0x79: {  	s14 =	rddreg [dreg:$0x6];
	[sflag:s24] =	ssyncadd.s32 $0xFFFFC000  }
0x7a: {  	[hbm4b:s14+s4] =	stream.linear.scatter [tilespmem:s23], [sflag:$0x2], $0x4000, $0x38;
	[tilespmem:$0x1D200] =	vst v63  }
0x7b: {  	_ =	swait.ge [sflag:s24], $0x4000  }
0x7c: {  	[sflag:s24] =	ssyncset.done $0x0  }
0x7d: {  	[sflag:s24] =	ssyncadd.s32 $0xFFFFC000  }
0x7e: {  	[tilespmem:s23], [sflag:$0x2] =	stream.linear.gather [spmem:s7], $0x4000, $0x38;
	[tilespmem:$0x1D200] =	vst v63  }
0x7f: {  	_ =	swait.ge [sflag:s24], $0x4000  }
0x80: {  	[sflag:s24] =	ssyncset.done $0x0  }
0x81: {  	s15 =	rddreg [dreg:$0x7];
	[sflag:s24] =	ssyncadd.s32 $0xFFFFC000  }
0x82: {  	[hbm4b:s15+s4] =	stream.linear.scatter [tilespmem:s23], [sflag:$0x2], $0x4000, $0x38;
	[tilespmem:$0x1D200] =	vst v63  }
0x83: {  	_ =	swait.ge [sflag:s24], $0x4000  }
0x84: {  	[sflag:s24] =	ssyncset.done $0x0  }
0x85: {  	[sflag:s24] =	ssyncadd.s32 $0xFFFFC000  }
0x86: {  	[tilespmem:s23], [sflag:$0x2] =	stream.linear.gather [spmem:s8], $0x4000, $0x38;
	[tilespmem:$0x1D200] =	vst v63  }
0x87: {  	_ =	swait.ge [sflag:s24], $0x4000  }
0x88: {  	[sflag:s24] =	ssyncset.done $0x0  }
0x89: {  	[sflag:s24] =	ssyncadd.s32 $0xFFFFC000  }
0x8a: {  	[hbm4b:s16+s4] =	stream.linear.scatter [tilespmem:s23], [sflag:$0x2], $0x4000, $0x38;
	[tilespmem:$0x1D200] =	vst v63  }
0x8b: {  	_ =	swait.ge [sflag:s24], $0x4000  }
0x8c: {  	[sflag:s24] =	ssyncset.done $0x0  }
0x8d: {  	[sflag:s24] =	ssyncadd.s32 $0xFFFFC000  }
0x8e: {  	[tilespmem:s23], [sflag:$0x2] =	stream.linear.gather [spmem:s9], $0x4000, $0x38;
	[tilespmem:$0x1D200] =	vst v63  }
0x8f: {  	_ =	swait.ge [sflag:s24], $0x4000  }
0x90: {  	[sflag:s24] =	ssyncset.done $0x0  }
0x91: {  	[sflag:s24] =	ssyncadd.s32 $0xFFFFC000  }
0x92: {  	[hbm4b:s17+s4] =	stream.linear.scatter [tilespmem:s23], [sflag:$0x2], $0x4000, $0x38;
	[tilespmem:$0x1D200] =	vst v63  }
0x93: {  	_ =	swait.ge [sflag:s24], $0x4000  }
0x94: {  	[sflag:s24] =	ssyncset.done $0x0  }
0x95: {  	[sflag:s24] =	ssyncadd.s32 $0xFFFFC000  }
0x96: {  	[tilespmem:s23], [sflag:$0x2] =	stream.linear.gather [spmem:s10], $0x4000, $0x38;
	[tilespmem:$0x1D200] =	vst v63  }
0x97: {  	_ =	swait.ge [sflag:s24], $0x4000  }
0x98: {  	[sflag:s24] =	ssyncset.done $0x0  }
0x99: {  	[sflag:s24] =	ssyncadd.s32 $0xFFFFC000  }
0x9a: {  	[hbm4b:s18+s4] =	stream.linear.scatter [tilespmem:s23], [sflag:$0x2], $0x4000, $0x38;
	[tilespmem:$0x1D200] =	vst v63  }
0x9b: {  	_ =	swait.ge [sflag:s24], $0x4000  }
0x9c: {  	[sflag:s24] =	ssyncset.done $0x0  }
0x9d: {  	[sflag:s24] =	ssyncadd.s32 $0xFFFFC000  }
0x9e: {  	[tilespmem:s23], [sflag:$0x2] =	stream.linear.gather [spmem:s11], $0x800, $0x38;
	[tilespmem:$0x1D200] =	vst v63  }
0x9f: {  	s0 =	sadd.s32 $0x1, s0;
	_ =	swait.ge [sflag:s24], $0x800  }
0xa0: {  	p0 =	sne.s32 s0, s20;
	[sflag:s24] =	ssyncset.done $0x0  }
.Ltmp1:
0xa1: {  	[sflag:s24] =	ssyncadd.s32 $0xFFFFF800;
	(pc) =	sbr.rel @p0 .LBB2_1-.Ltmp1, $4  }
0xa2: {  	[hbm4b:s19+s4] =	stream.linear.scatter [tilespmem:s23], [sflag:$0x2], $0x800, $0x38;
	[tilespmem:$0x1D200] =	vst v63  }
0xa3: {  	_ =	swait.ge [sflag:s24], $0x800  }
0xa4: {  	[sflag:s24] =	ssyncset.done $0x0  }
0xa5: {  	[sflag:s24] =	ssyncadd.s32 $0xFFFFF800  }
0xa6: {  	_ =	sfence.sel $0x180000  }
0xa7: {  	[bflag:$0x0] =	sbarrier.arrive $0xFFFF  }
0xa8: {  	_ =	strace $0x9000004D  }
0xa9: {  	s0 =	stileid.u32;
	[bflag:$0x2] =	sbarrier.arrive $0xFFFF  }
0xaa: {  	p0 =	sne.s32 s0, $0x0;
	s0 =	rddreg [dreg:$0x3]  }
0xab: {  	s0 =	sadd.s32 @!p0 $0x100000, s0  }
0xac: {  	[sflag:s0] =	ssyncadd.tile.s32 @!p0 $0x1;
	_ =	shalt  }
.Lfunc_end2:
_tile_overlayer_lowered:
.L_overlay_start_2:
0xad: {  	(tag) =	ssettag $0x2  }
0xae: {  	s0 =	rddreg [dreg:$0x0];
	s2 =	stileid.u32  }
0xaf: {  	s1 =	rddreg [dreg:$0x1];
	p0 =	sne.s32 s2, $0x0  }
0xb0: {  	s3 =	rddreg [dreg:$0x2];
	[bflag:$0x3] =	sbarrier.arrive $0xFFFF;
	s2 =	simm.s32 @!p0 $0x1C02  }
0xb1: {  	[timem:s3], [sflag:s2] =	dma.local @!p0 [hbm:s0], s1  }
0xb2: {  	s0 =	simm.s32 @!p0 $0x2  }
0xb3: {  	_ =	swait.ge @!p0 [sflag:s0], s1  }
0xb4: {  	s1 =	ssub.s32 @!p0 $0x0, s1;
	[sflag:s0] =	ssyncset.done @!p0 $0x0  }
0xb5: {  	[sflag:s0] =	ssyncadd.s32 @!p0 s1  }
0xb6: {  	[bflag:$0x3] =	sbarrier.arrive $0xFFFF  }
0xb7: {  	_ =	shalt  }

</sc_bundles>
